<compile_context>
chip_gen: v7x
topology: tpu7x:2x2x1
jax: 0.10.2.dev20260603
libtpu: 0.0.44.dev20260713+nightly
codegen_flags: <defaults>
</compile_context>

<pallas_src>
import functools

import jax
import jax.numpy as jnp
from jax import lax
from jax.experimental import pallas as pl
from jax.experimental.pallas import tpu as pltpu
from jax.experimental.pallas import tpu_sc as plsc

LANES = 16
NSLOT = 3


def _build_sc_embed(n, emb, chunk, n_chunks, rows_per_w, nc):
    mesh = plsc.VectorSubcoreMesh(core_axis_name="c", subcore_axis_name="s")

    scratch = []
    for _ in range(NSLOT):
        scratch += [
            pltpu.VMEM((chunk,), jnp.int32),
            pltpu.VMEM((chunk,), jnp.int32),
            pltpu.VMEM((chunk, emb), jnp.float32),
            pltpu.VMEM((chunk, emb), jnp.float32),
        ]
    scratch += [pltpu.SemaphoreType.DMA] * (6 * NSLOT)

    @functools.partial(
        pl.kernel,
        out_type=(
            jax.ShapeDtypeStruct((n, emb), jnp.float32),
            jax.ShapeDtypeStruct((n, emb), jnp.float32),
        ),
        mesh=mesh,
        scratch_types=scratch,
    )
    def body(tok_hbm, pos_hbm, emb_hbm, cache_hbm, x_hbm, pe_hbm, *s):
        bufs = [s[4 * j:4 * j + 4] for j in range(NSLOT)]
        sems = [s[4 * NSLOT + 6 * j:4 * NSLOT + 6 * j + 6]
                for j in range(NSLOT)]

        wid = lax.axis_index("s") * nc + lax.axis_index("c")
        wbase = wid * rows_per_w

        def copy_idx(c, j):
            ti, pi, _, _ = bufs[j]
            base = wbase + c * chunk
            pltpu.async_copy(tok_hbm.at[pl.ds(base, chunk)], ti, sems[j][0])
            pltpu.async_copy(pos_hbm.at[pl.ds(base, chunk)], pi, sems[j][1])

        def issue_gather(j):
            ti, pi, tb, pb = bufs[j]
            pltpu.make_async_copy(
                tok_hbm.at[pl.ds(0, chunk)], ti, sems[j][0]).wait()
            pltpu.make_async_copy(
                pos_hbm.at[pl.ds(0, chunk)], pi, sems[j][1]).wait()
            pltpu.async_copy(emb_hbm.at[ti], tb, sems[j][2])
            pltpu.async_copy(cache_hbm.at[pi], pb, sems[j][3])

        def wait_writes(j):
            _, _, tb, pb = bufs[j]
            pltpu.make_async_copy(tb, x_hbm.at[pl.ds(0, chunk)],
                                  sems[j][4]).wait()
            pltpu.make_async_copy(pb, pe_hbm.at[pl.ds(0, chunk)],
                                  sems[j][5]).wait()

        def add_rows(tb, pb):
            def row_body(r, carry):
                for i in range(emb // LANES):
                    sl = pl.ds(i * LANES, LANES)
                    plsc.addupdate(tb.at[r, sl], pb[r, sl])
                return carry
            lax.fori_loop(0, chunk, row_body, 0)

        def process(c, j):
            ti, pi, tb, pb = bufs[j]
            base = wbase + c * chunk
            pltpu.make_async_copy(
                cache_hbm.at[pi], pb, sems[j][3]).wait()
            pltpu.async_copy(pb, pe_hbm.at[pl.ds(base, chunk)], sems[j][5])
            pltpu.make_async_copy(
                emb_hbm.at[ti], tb, sems[j][2]).wait()
            add_rows(tb, pb)
            pltpu.async_copy(tb, x_hbm.at[pl.ds(base, chunk)], sems[j][4])

        for c in range(NSLOT):
            copy_idx(c, c)
        for c in range(2):
            issue_gather(c)

        n_loop = n_chunks - 2

        def group_body(g, carry):
            for j in range(NSLOT):
                c = g * NSLOT + j
                process(c, j)

                @pl.when(c + NSLOT < n_chunks)
                def _idx_prefetch():
                    copy_idx(c + NSLOT, j)

                k = (j + 2) % NSLOT

                @pl.when(c >= 1)
                def _wait_prev_writes():
                    wait_writes(k)

                issue_gather(k)
            return carry

        lax.fori_loop(0, n_loop // NSLOT, group_body, 0)

        for c in range(n_chunks - 2, n_chunks):
            process(c, c % NSLOT)

        for j in range(NSLOT):
            wait_writes(j)

    return body


def kernel(tokens, mask, pos_ids, embedding, pos_emb_cache):
    bs, seq = tokens.shape
    _, emb = embedding.shape
    n = bs * seq

    info = plsc.get_sparse_core_info()
    nc, ns = info.num_cores, info.num_subcores
    nw = nc * ns
    rows_per_w = n // nw
    chunk = 16
    n_chunks = rows_per_w // chunk

    tok_flat = tokens.reshape(n).astype(jnp.int32)
    pos_flat = pos_ids.reshape(n).astype(jnp.int32)

    body = _build_sc_embed(n, emb, chunk, n_chunks, rows_per_w, nc)
    x_flat, pe_flat = body(tok_flat, pos_flat, embedding, pos_emb_cache)
    x = x_flat.reshape(bs, seq, emb)
    pe = pe_flat.reshape(bs, seq, emb)
    return (x, mask, pe)

# --- scband reference (transcript-rebuilt; emitter-appended) ---
"""Pipeline reference for scband-input-text-embedder-28604482191561 (READ-ONLY COPY).

The authoritative reference and input builder live on the scoring server;
editing this copy changes nothing except your own understanding.
"""

import jax, jax.numpy as jnp
import numpy as np

VOCAB = 100000
EMB = 1024
BS = 4
SEQ = 4096
MAXLEN = 4096


def setup_inputs(seed: int = 0) -> dict:
    key = jax.random.key(seed)
    k1, k2, k3, k4 = jax.random.split(key, 4)
    tokens = jax.random.randint(k1, (BS, SEQ), 0, VOCAB, dtype=jnp.int32)
    mask = jnp.ones((BS, SEQ), dtype=jnp.int32)
    pos_ids = jnp.sort(jax.random.randint(k2, (BS, SEQ), 0, MAXLEN, dtype=jnp.int32), axis=-1)
    # learned parameters
    embedding = jax.random.normal(k3, (VOCAB, EMB), dtype=jnp.float32) * 0.02  # shared_embedding table
    pos_emb_cache = jax.random.normal(k4, (MAXLEN, EMB), dtype=jnp.float32) * 0.02  # 1d position embedding cache
    return {"tokens": tokens, "mask": mask, "pos_ids": pos_ids, "embedding": embedding, "pos_emb_cache": pos_emb_cache}


def reference(tokens, mask, pos_ids, embedding, pos_emb_cache):
    # InputTextEmbedder.__call__ with text_pos_emb='absolute' (no 'rope', no 'llama_rope')
    bs, seq_len = tokens.shape
    if mask is None:
        mask = (tokens > 0).astype(jnp.int32)
    if pos_ids is None:
        pos_ids = jnp.tile(jnp.arange(seq_len, dtype=jnp.int32)[None, :], (bs, 1))
    # token embedding gather
    x = jnp.take(embedding, tokens.astype(jnp.int32), axis=0)
    # positional embedding gather: pos_emb_cache[None,:,:][arange(bs)[:,None], pos_ids]
    pos_emb = pos_emb_cache[None, :, :][jnp.arange(bs)[:, None], pos_ids]
    # 'rope' not in 'absolute' -> add positional embedding
    x = x + pos_emb
    # 'llama_rope' not in 'absolute' -> no modality embedding
    # InputSequence(embed=x, mask=mask, position_embed=pos_emb) returned as tuple
    return (x, mask, pos_emb)

if __name__ == "__main__":
    import jax
    _d = setup_inputs()
    print(jax.jit(kernel)(*tuple(_d.values())))

</pallas_src>

<mosaic_0001>
#map = affine_map<(d0, d1) -> (0)>
#map1 = affine_map<(d0, d1) -> (0, 0)>
module attributes {stable_mosaic.version = 14 : i64} {
  func.func @body(%arg0: i32, %arg1: i32, %arg2: memref<16384xi32, #tpu.memory_space<hbm>>, %arg3: memref<16384xi32, #tpu.memory_space<hbm>>, %arg4: memref<100000x1024xf32, #tpu.memory_space<hbm>>, %arg5: memref<4096x1024xf32, #tpu.memory_space<hbm>>, %arg6: memref<16384x1024xf32, #tpu.memory_space<hbm>>, %arg7: memref<16384x1024xf32, #tpu.memory_space<hbm>>, %arg8: memref<16xi32, #tpu.memory_space<vmem>>, %arg9: memref<16xi32, #tpu.memory_space<vmem>>, %arg10: memref<16x1024xf32, #tpu.memory_space<vmem>>, %arg11: memref<16x1024xf32, #tpu.memory_space<vmem>>, %arg12: memref<16xi32, #tpu.memory_space<vmem>>, %arg13: memref<16xi32, #tpu.memory_space<vmem>>, %arg14: memref<16x1024xf32, #tpu.memory_space<vmem>>, %arg15: memref<16x1024xf32, #tpu.memory_space<vmem>>, %arg16: memref<16xi32, #tpu.memory_space<vmem>>, %arg17: memref<16xi32, #tpu.memory_space<vmem>>, %arg18: memref<16x1024xf32, #tpu.memory_space<vmem>>, %arg19: memref<16x1024xf32, #tpu.memory_space<vmem>>, %arg20: memref<!tpu.dma_semaphore, #tpu.memory_space<semaphore_mem>>, %arg21: memref<!tpu.dma_semaphore, #tpu.memory_space<semaphore_mem>>, %arg22: memref<!tpu.dma_semaphore, #tpu.memory_space<semaphore_mem>>, %arg23: memref<!tpu.dma_semaphore, #tpu.memory_space<semaphore_mem>>, %arg24: memref<!tpu.dma_semaphore, #tpu.memory_space<semaphore_mem>>, %arg25: memref<!tpu.dma_semaphore, #tpu.memory_space<semaphore_mem>>, %arg26: memref<!tpu.dma_semaphore, #tpu.memory_space<semaphore_mem>>, %arg27: memref<!tpu.dma_semaphore, #tpu.memory_space<semaphore_mem>>, %arg28: memref<!tpu.dma_semaphore, #tpu.memory_space<semaphore_mem>>, %arg29: memref<!tpu.dma_semaphore, #tpu.memory_space<semaphore_mem>>, %arg30: memref<!tpu.dma_semaphore, #tpu.memory_space<semaphore_mem>>, %arg31: memref<!tpu.dma_semaphore, #tpu.memory_space<semaphore_mem>>, %arg32: memref<!tpu.dma_semaphore, #tpu.memory_space<semaphore_mem>>, %arg33: memref<!tpu.dma_semaphore, #tpu.memory_space<semaphore_mem>>, %arg34: memref<!tpu.dma_semaphore, #tpu.memory_space<semaphore_mem>>, %arg35: memref<!tpu.dma_semaphore, #tpu.memory_space<semaphore_mem>>, %arg36: memref<!tpu.dma_semaphore, #tpu.memory_space<semaphore_mem>>, %arg37: memref<!tpu.dma_semaphore, #tpu.memory_space<semaphore_mem>>) attributes {dimension_semantics = [#tpu.dimension_semantics<core_parallel>, #tpu.dimension_semantics<subcore_parallel>], iteration_bounds = array<i64: 2, 16>, scalar_prefetch = 0 : i64, scratch_operands = 30 : i64, tpu.core_type = #tpu.core_type<sc_vector_subcore>, window_params = [{transform_indices = #map}, {transform_indices = #map}, {transform_indices = #map1}, {transform_indices = #map1}, {transform_indices = #map1}, {transform_indices = #map1}]} {
    %mul3A = arith.constant 2 : i32
    %mul3A_0 = arith.muli %arg1, %mul3A : i32
    %add3A = arith.addi %mul3A_0, %arg0 : i32
    %mul3A_1 = arith.constant 512 : i32
    %mul3A_2 = arith.muli %add3A, %mul3A_1 : i32
    %add3A_3 = arith.constant 0 : i32
    %add3A_4 = arith.addi %mul3A_2, %add3A_3 : i32
    %dma_start3A = tpu.memref_slice %arg2[%add3A_4] : memref<16384xi32, #tpu.memory_space<hbm>> -> memref<16xi32, #tpu.memory_space<hbm>>
    %dma_start3A_5 = tpu.memref_slice %arg2[%add3A_4] : memref<16384xi32, #tpu.memory_space<hbm>> -> memref<16xi32, #tpu.memory_space<hbm>>
    tpu.enqueue_dma source(%dma_start3A_5 : memref<16xi32, #tpu.memory_space<hbm>>) target(%arg8 : memref<16xi32, #tpu.memory_space<vmem>>) target_semaphore(%arg20 : memref<!tpu.dma_semaphore, #tpu.memory_space<semaphore_mem>>)
    %dma_start3A_6 = tpu.memref_slice %arg3[%add3A_4] : memref<16384xi32, #tpu.memory_space<hbm>> -> memref<16xi32, #tpu.memory_space<hbm>>
    %dma_start3A_7 = tpu.memref_slice %arg3[%add3A_4] : memref<16384xi32, #tpu.memory_space<hbm>> -> memref<16xi32, #tpu.memory_space<hbm>>
    tpu.enqueue_dma source(%dma_start3A_7 : memref<16xi32, #tpu.memory_space<hbm>>) target(%arg9 : memref<16xi32, #tpu.memory_space<vmem>>) target_semaphore(%arg21 : memref<!tpu.dma_semaphore, #tpu.memory_space<semaphore_mem>>)
    %add3A_8 = arith.constant 16 : i32
    %add3A_9 = arith.addi %mul3A_2, %add3A_8 : i32
    %dma_start3A_10 = tpu.memref_slice %arg2[%add3A_9] : memref<16384xi32, #tpu.memory_space<hbm>> -> memref<16xi32, #tpu.memory_space<hbm>>
    %dma_start3A_11 = tpu.memref_slice %arg2[%add3A_9] : memref<16384xi32, #tpu.memory_space<hbm>> -> memref<16xi32, #tpu.memory_space<hbm>>
    tpu.enqueue_dma source(%dma_start3A_11 : memref<16xi32, #tpu.memory_space<hbm>>) target(%arg12 : memref<16xi32, #tpu.memory_space<vmem>>) target_semaphore(%arg26 : memref<!tpu.dma_semaphore, #tpu.memory_space<semaphore_mem>>)
    %dma_start3A_12 = tpu.memref_slice %arg3[%add3A_9] : memref<16384xi32, #tpu.memory_space<hbm>> -> memref<16xi32, #tpu.memory_space<hbm>>
    %dma_start3A_13 = tpu.memref_slice %arg3[%add3A_9] : memref<16384xi32, #tpu.memory_space<hbm>> -> memref<16xi32, #tpu.memory_space<hbm>>
    tpu.enqueue_dma source(%dma_start3A_13 : memref<16xi32, #tpu.memory_space<hbm>>) target(%arg13 : memref<16xi32, #tpu.memory_space<vmem>>) target_semaphore(%arg27 : memref<!tpu.dma_semaphore, #tpu.memory_space<semaphore_mem>>)
    %add3A_14 = arith.constant 32 : i32
    %add3A_15 = arith.addi %mul3A_2, %add3A_14 : i32
    %dma_start3A_16 = tpu.memref_slice %arg2[%add3A_15] : memref<16384xi32, #tpu.memory_space<hbm>> -> memref<16xi32, #tpu.memory_space<hbm>>
    %dma_start3A_17 = tpu.memref_slice %arg2[%add3A_15] : memref<16384xi32, #tpu.memory_space<hbm>> -> memref<16xi32, #tpu.memory_space<hbm>>
    tpu.enqueue_dma source(%dma_start3A_17 : memref<16xi32, #tpu.memory_space<hbm>>) target(%arg16 : memref<16xi32, #tpu.memory_space<vmem>>) target_semaphore(%arg32 : memref<!tpu.dma_semaphore, #tpu.memory_space<semaphore_mem>>)
    %dma_start3A_18 = tpu.memref_slice %arg3[%add3A_15] : memref<16384xi32, #tpu.memory_space<hbm>> -> memref<16xi32, #tpu.memory_space<hbm>>
    %dma_start3A_19 = tpu.memref_slice %arg3[%add3A_15] : memref<16384xi32, #tpu.memory_space<hbm>> -> memref<16xi32, #tpu.memory_space<hbm>>
    tpu.enqueue_dma source(%dma_start3A_19 : memref<16xi32, #tpu.memory_space<hbm>>) target(%arg17 : memref<16xi32, #tpu.memory_space<vmem>>) target_semaphore(%arg33 : memref<!tpu.dma_semaphore, #tpu.memory_space<semaphore_mem>>)
    %dma_wait3A = arith.constant 0 : i32
    %dma_wait3A_20 = tpu.memref_slice %arg2[%dma_wait3A] : memref<16384xi32, #tpu.memory_space<hbm>> -> memref<16xi32, #tpu.memory_space<hbm>>
    %dma_wait3A_21 = arith.constant 0 : i32
    %dma_wait3A_22 = tpu.memref_slice %arg2[%dma_wait3A_21] : memref<16384xi32, #tpu.memory_space<hbm>> -> memref<16xi32, #tpu.memory_space<hbm>>
    tpu.wait_dma2 semaphore(%arg20 : memref<!tpu.dma_semaphore, #tpu.memory_space<semaphore_mem>>) src(%dma_wait3A_22 : memref<16xi32, #tpu.memory_space<hbm>>) dst(%arg8 : memref<16xi32, #tpu.memory_space<vmem>>)
    %dma_wait3A_23 = arith.constant 0 : i32
    %dma_wait3A_24 = tpu.memref_slice %arg3[%dma_wait3A_23] : memref<16384xi32, #tpu.memory_space<hbm>> -> memref<16xi32, #tpu.memory_space<hbm>>
    %dma_wait3A_25 = arith.constant 0 : i32
    %dma_wait3A_26 = tpu.memref_slice %arg3[%dma_wait3A_25] : memref<16384xi32, #tpu.memory_space<hbm>> -> memref<16xi32, #tpu.memory_space<hbm>>
    tpu.wait_dma2 semaphore(%arg21 : memref<!tpu.dma_semaphore, #tpu.memory_space<semaphore_mem>>) src(%dma_wait3A_26 : memref<16xi32, #tpu.memory_space<hbm>>) dst(%arg9 : memref<16xi32, #tpu.memory_space<vmem>>)
    %dma_start3A_27 = arith.constant 0 : i32
    %dma_start3A_28 = arith.constant 0 : i32
    %dma_start3A_29 = tpu.memref_slice %arg4[%dma_start3A_27, %dma_start3A_28] : memref<100000x1024xf32, #tpu.memory_space<hbm>> -> memref<100000x1024xf32, #tpu.memory_space<hbm>>
    tpu.enqueue_indirect_dma source(%dma_start3A_29 : memref<100000x1024xf32, #tpu.memory_space<hbm>>) target(%arg10 : memref<16x1024xf32, #tpu.memory_space<vmem>>) offsets(%arg8 : memref<16xi32, #tpu.memory_space<vmem>>) semaphore(%arg22 : memref<!tpu.dma_semaphore, #tpu.memory_space<semaphore_mem>>)
    %dma_start3A_30 = arith.constant 0 : i32
    %dma_start3A_31 = arith.constant 0 : i32
    %dma_start3A_32 = tpu.memref_slice %arg5[%dma_start3A_30, %dma_start3A_31] : memref<4096x1024xf32, #tpu.memory_space<hbm>> -> memref<4096x1024xf32, #tpu.memory_space<hbm>>
    tpu.enqueue_indirect_dma source(%dma_start3A_32 : memref<4096x1024xf32, #tpu.memory_space<hbm>>) target(%arg11 : memref<16x1024xf32, #tpu.memory_space<vmem>>) offsets(%arg9 : memref<16xi32, #tpu.memory_space<vmem>>) semaphore(%arg23 : memref<!tpu.dma_semaphore, #tpu.memory_space<semaphore_mem>>)
    %dma_wait3A_33 = arith.constant 0 : i32
    %dma_wait3A_34 = tpu.memref_slice %arg2[%dma_wait3A_33] : memref<16384xi32, #tpu.memory_space<hbm>> -> memref<16xi32, #tpu.memory_space<hbm>>
    %dma_wait3A_35 = arith.constant 0 : i32
    %dma_wait3A_36 = tpu.memref_slice %arg2[%dma_wait3A_35] : memref<16384xi32, #tpu.memory_space<hbm>> -> memref<16xi32, #tpu.memory_space<hbm>>
    tpu.wait_dma2 semaphore(%arg26 : memref<!tpu.dma_semaphore, #tpu.memory_space<semaphore_mem>>) src(%dma_wait3A_36 : memref<16xi32, #tpu.memory_space<hbm>>) dst(%arg12 : memref<16xi32, #tpu.memory_space<vmem>>)
    %dma_wait3A_37 = arith.constant 0 : i32
    %dma_wait3A_38 = tpu.memref_slice %arg3[%dma_wait3A_37] : memref<16384xi32, #tpu.memory_space<hbm>> -> memref<16xi32, #tpu.memory_space<hbm>>
    %dma_wait3A_39 = arith.constant 0 : i32
    %dma_wait3A_40 = tpu.memref_slice %arg3[%dma_wait3A_39] : memref<16384xi32, #tpu.memory_space<hbm>> -> memref<16xi32, #tpu.memory_space<hbm>>
    tpu.wait_dma2 semaphore(%arg27 : memref<!tpu.dma_semaphore, #tpu.memory_space<semaphore_mem>>) src(%dma_wait3A_40 : memref<16xi32, #tpu.memory_space<hbm>>) dst(%arg13 : memref<16xi32, #tpu.memory_space<vmem>>)
    %dma_start3A_41 = arith.constant 0 : i32
    %dma_start3A_42 = arith.constant 0 : i32
    %dma_start3A_43 = tpu.memref_slice %arg4[%dma_start3A_41, %dma_start3A_42] : memref<100000x1024xf32, #tpu.memory_space<hbm>> -> memref<100000x1024xf32, #tpu.memory_space<hbm>>
    tpu.enqueue_indirect_dma source(%dma_start3A_43 : memref<100000x1024xf32, #tpu.memory_space<hbm>>) target(%arg14 : memref<16x1024xf32, #tpu.memory_space<vmem>>) offsets(%arg12 : memref<16xi32, #tpu.memory_space<vmem>>) semaphore(%arg28 : memref<!tpu.dma_semaphore, #tpu.memory_space<semaphore_mem>>)
    %dma_start3A_44 = arith.constant 0 : i32
    %dma_start3A_45 = arith.constant 0 : i32
    %dma_start3A_46 = tpu.memref_slice %arg5[%dma_start3A_44, %dma_start3A_45] : memref<4096x1024xf32, #tpu.memory_space<hbm>> -> memref<4096x1024xf32, #tpu.memory_space<hbm>>
    tpu.enqueue_indirect_dma source(%dma_start3A_46 : memref<4096x1024xf32, #tpu.memory_space<hbm>>) target(%arg15 : memref<16x1024xf32, #tpu.memory_space<vmem>>) offsets(%arg13 : memref<16xi32, #tpu.memory_space<vmem>>) semaphore(%arg29 : memref<!tpu.dma_semaphore, #tpu.memory_space<semaphore_mem>>)
    %scan3A = arith.constant 0 : i32
    %scan3A_47 = arith.constant 0 : i32
    %scan3A_48 = arith.constant 10 : i32
    %scan3A_49 = arith.addi %scan3A_47, %scan3A_48 : i32
    %scan3A_50 = arith.constant 1 : i32
    scf.for %scan3A_132 = %scan3A_47 to %scan3A_49 step %scan3A_50  : i32 {
      %mul3A_133 = arith.constant 3 : i32
      %mul3A_134 = arith.muli %scan3A_132, %mul3A_133 : i32
      %add3A_135 = arith.constant 0 : i32
      %add3A_136 = arith.addi %mul3A_134, %add3A_135 : i32
      %mul3A_137 = arith.constant 16 : i32
      %mul3A_138 = arith.muli %add3A_136, %mul3A_137 : i32
      %add3A_139 = arith.addi %mul3A_2, %mul3A_138 : i32
      %dma_wait3A_140 = arith.constant 0 : i32
      %dma_wait3A_141 = arith.constant 0 : i32
      %dma_wait3A_142 = tpu.memref_slice %arg5[%dma_wait3A_140, %dma_wait3A_141] : memref<4096x1024xf32, #tpu.memory_space<hbm>> -> memref<4096x1024xf32, #tpu.memory_space<hbm>>
      tpu.wait_indirect_dma semaphore(%arg23 : memref<!tpu.dma_semaphore, #tpu.memory_space<semaphore_mem>>) src(%dma_wait3A_142 : memref<4096x1024xf32, #tpu.memory_space<hbm>>) dst(%arg11 : memref<16x1024xf32, #tpu.memory_space<vmem>>)
      %dma_start3A_143 = arith.constant 0 : i32
      %dma_start3A_144 = tpu.memref_slice %arg7[%add3A_139, %dma_start3A_143] : memref<16384x1024xf32, #tpu.memory_space<hbm>> -> memref<16x1024xf32, #tpu.memory_space<hbm>>
      %dma_start3A_145 = arith.constant 0 : i32
      %dma_start3A_146 = tpu.memref_slice %arg7[%add3A_139, %dma_start3A_145] : memref<16384x1024xf32, #tpu.memory_space<hbm>> -> memref<16x1024xf32, #tpu.memory_space<hbm>>
      tpu.enqueue_dma source(%arg11 : memref<16x1024xf32, #tpu.memory_space<vmem>>) target(%dma_start3A_146 : memref<16x1024xf32, #tpu.memory_space<hbm>>) target_semaphore(%arg25 : memref<!tpu.dma_semaphore, #tpu.memory_space<semaphore_mem>>)
      %dma_wait3A_147 = arith.constant 0 : i32
      %dma_wait3A_148 = arith.constant 0 : i32
      %dma_wait3A_149 = tpu.memref_slice %arg4[%dma_wait3A_147, %dma_wait3A_148] : memref<100000x1024xf32, #tpu.memory_space<hbm>> -> memref<100000x1024xf32, #tpu.memory_space<hbm>>
      tpu.wait_indirect_dma semaphore(%arg22 : memref<!tpu.dma_semaphore, #tpu.memory_space<semaphore_mem>>) src(%dma_wait3A_149 : memref<100000x1024xf32, #tpu.memory_space<hbm>>) dst(%arg10 : memref<16x1024xf32, #tpu.memory_space<vmem>>)
      %scan3A_150 = arith.constant 0 : i32
      %scan3A_151 = arith.constant 0 : i32
      %scan3A_152 = arith.constant 16 : i32
      %scan3A_153 = arith.addi %scan3A_151, %scan3A_152 : i32
      %scan3A_154 = arith.constant 1 : i32
      scf.for %scan3A_288 = %scan3A_151 to %scan3A_153 step %scan3A_154  : i32 {
        %get3A = arith.index_cast %scan3A_288 : i32 to index
        %get3A_289 = arith.constant 0 : index
        %get3A_290 = tpu.vector_load %arg11[%get3A, %get3A_289] {strides = array<i32>} : memref<16x1024xf32, #tpu.memory_space<vmem>>, vector<1x16xf32>,
        %get3A_291 = vector.shape_cast %get3A_290 : vector<1x16xf32> to vector<16xf32>
        %swap3A = arith.index_cast %scan3A_288 : i32 to index
        %swap3A_292 = arith.constant 0 : index
        %swap3A_293 = tpu.vector_load %arg10[%swap3A, %swap3A_292] {strides = array<i32>} : memref<16x1024xf32, #tpu.memory_space<vmem>>, vector<1x16xf32>,
        %swap3A_294 = vector.shape_cast %swap3A_293 : vector<1x16xf32> to vector<16xf32>
        %swap3A_295 = vector.shape_cast %get3A_291 : vector<16xf32> to vector<1x16xf32>
        tpu.vector_store %arg10[%swap3A, %swap3A_292], %swap3A_295 {add = true, strides = array<i32>} : memref<16x1024xf32, #tpu.memory_space<vmem>>, vector<1x16xf32>,
        %get3A_296 = arith.index_cast %scan3A_288 : i32 to index
        %get3A_297 = arith.constant 16 : index
        %get3A_298 = tpu.vector_load %arg11[%get3A_296, %get3A_297] {strides = array<i32>} : memref<16x1024xf32, #tpu.memory_space<vmem>>, vector<1x16xf32>,
        %get3A_299 = vector.shape_cast %get3A_298 : vector<1x16xf32> to vector<16xf32>
        %swap3A_300 = arith.index_cast %scan3A_288 : i32 to index
        %swap3A_301 = arith.constant 16 : index
        %swap3A_302 = tpu.vector_load %arg10[%swap3A_300, %swap3A_301] {strides = array<i32>} : memref<16x1024xf32, #tpu.memory_space<vmem>>, vector<1x16xf32>,
        %swap3A_303 = vector.shape_cast %swap3A_302 : vector<1x16xf32> to vector<16xf32>
        %swap3A_304 = vector.shape_cast %get3A_299 : vector<16xf32> to vector<1x16xf32>
        tpu.vector_store %arg10[%swap3A_300, %swap3A_301], %swap3A_304 {add = true, strides = array<i32>} : memref<16x1024xf32, #tpu.memory_space<vmem>>, vector<1x16xf32>,
        %get3A_305 = arith.index_cast %scan3A_288 : i32 to index
        %get3A_306 = arith.constant 32 : index
        %get3A_307 = tpu.vector_load %arg11[%get3A_305, %get3A_306] {strides = array<i32>} : memref<16x1024xf32, #tpu.memory_space<vmem>>, vector<1x16xf32>,
        %get3A_308 = vector.shape_cast %get3A_307 : vector<1x16xf32> to vector<16xf32>
        %swap3A_309 = arith.index_cast %scan3A_288 : i32 to index
        %swap3A_310 = arith.constant 32 : index
        %swap3A_311 = tpu.vector_load %arg10[%swap3A_309, %swap3A_310] {strides = array<i32>} : memref<16x1024xf32, #tpu.memory_space<vmem>>, vector<1x16xf32>,
        %swap3A_312 = vector.shape_cast %swap3A_311 : vector<1x16xf32> to vector<16xf32>
        %swap3A_313 = vector.shape_cast %get3A_308 : vector<16xf32> to vector<1x16xf32>
        tpu.vector_store %arg10[%swap3A_309, %swap3A_310], %swap3A_313 {add = true, strides = array<i32>} : memref<16x1024xf32, #tpu.memory_space<vmem>>, vector<1x16xf32>,
        %get3A_314 = arith.index_cast %scan3A_288 : i32 to index
        %get3A_315 = arith.constant 48 : index
        %get3A_316 = tpu.vector_load %arg11[%get3A_314, %get3A_315] {strides = array<i32>} : memref<16x1024xf32, #tpu.memory_space<vmem>>, vector<1x16xf32>,
        %get3A_317 = vector.shape_cast %get3A_316 : vector<1x16xf32> to vector<16xf32>
        %swap3A_318 = arith.index_cast %scan3A_288 : i32 to index
        %swap3A_319 = arith.constant 48 : index
        %swap3A_320 = tpu.vector_load %arg10[%swap3A_318, %swap3A_319] {strides = array<i32>} : memref<16x1024xf32, #tpu.memory_space<vmem>>, vector<1x16xf32>,
        %swap3A_321 = vector.shape_cast %swap3A_320 : vector<1x16xf32> to vector<16xf32>
        %swap3A_322 = vector.shape_cast %get3A_317 : vector<16xf32> to vector<1x16xf32>
        tpu.vector_store %arg10[%swap3A_318, %swap3A_319], %swap3A_322 {add = true, strides = array<i32>} : memref<16x1024xf32, #tpu.memory_space<vmem>>, vector<1x16xf32>,
        %get3A_323 = arith.index_cast %scan3A_288 : i32 to index
        %get3A_324 = arith.constant 64 : index
        %get3A_325 = tpu.vector_load %arg11[%get3A_323, %get3A_324] {strides = array<i32>} : memref<16x1024xf32, #tpu.memory_space<vmem>>, vector<1x16xf32>,
        %get3A_326 = vector.shape_cast %get3A_325 : vector<1x16xf32> to vector<16xf32>
        %swap3A_327 = arith.index_cast %scan3A_288 : i32 to index
        %swap3A_328 = arith.constant 64 : index
        %swap3A_329 = tpu.vector_load %arg10[%swap3A_327, %swap3A_328] {strides = array<i32>} : memref<16x1024xf32, #tpu.memory_space<vmem>>, vector<1x16xf32>,
        %swap3A_330 = vector.shape_cast %swap3A_329 : vector<1x16xf32> to vector<16xf32>
        %swap3A_331 = vector.shape_cast %get3A_326 : vector<16xf32> to vector<1x16xf32>
        tpu.vector_store %arg10[%swap3A_327, %swap3A_328], %swap3A_331 {add = true, strides = array<i32>} : memref<16x1024xf32, #tpu.memory_space<vmem>>, vector<1x16xf32>,
        %get3A_332 = arith.index_cast %scan3A_288 : i32 to index
        %get3A_333 = arith.constant 80 : index
        %get3A_334 = tpu.vector_load %arg11[%get3A_332, %get3A_333] {strides = array<i32>} : memref<16x1024xf32, #tpu.memory_space<vmem>>, vector<1x16xf32>,
        %get3A_335 = vector.shape_cast %get3A_334 : vector<1x16xf32> to vector<16xf32>
        %swap3A_336 = arith.index_cast %scan3A_288 : i32 to index
        %swap3A_337 = arith.constant 80 : index
        %swap3A_338 = tpu.vector_load %arg10[%swap3A_336, %swap3A_337] {strides = array<i32>} : memref<16x1024xf32, #tpu.memory_space<vmem>>, vector<1x16xf32>,
        %swap3A_339 = vector.shape_cast %swap3A_338 : vector<1x16xf32> to vector<16xf32>
        %swap3A_340 = vector.shape_cast %get3A_335 : vector<16xf32> to vector<1x16xf32>
        tpu.vector_store %arg10[%swap3A_336, %swap3A_337], %swap3A_340 {add = true, strides = array<i32>} : memref<16x1024xf32, #tpu.memory_space<vmem>>, vector<1x16xf32>,
        %get3A_341 = arith.index_cast %scan3A_288 : i32 to index
        %get3A_342 = arith.constant 96 : index
        %get3A_343 = tpu.vector_load %arg11[%get3A_341, %get3A_342] {strides = array<i32>} : memref<16x1024xf32, #tpu.memory_space<vmem>>, vector<1x16xf32>,
        %get3A_344 = vector.shape_cast %get3A_343 : vector<1x16xf32> to vector<16xf32>
        %swap3A_345 = arith.index_cast %scan3A_288 : i32 to index
        %swap3A_346 = arith.constant 96 : index
        %swap3A_347 = tpu.vector_load %arg10[%swap3A_345, %swap3A_346] {strides = array<i32>} : memref<16x1024xf32, #tpu.memory_space<vmem>>, vector<1x16xf32>,
        %swap3A_348 = vector.shape_cast %swap3A_347 : vector<1x16xf32> to vector<16xf32>
        %swap3A_349 = vector.shape_cast %get3A_344 : vector<16xf32> to vector<1x16xf32>
        tpu.vector_store %arg10[%swap3A_345, %swap3A_346], %swap3A_349 {add = true, strides = array<i32>} : memref<16x1024xf32, #tpu.memory_space<vmem>>, vector<1x16xf32>,
        %get3A_350 = arith.index_cast %scan3A_288 : i32 to index
        %get3A_351 = arith.constant 112 : index
        %get3A_352 = tpu.vector_load %arg11[%get3A_350, %get3A_351] {strides = array<i32>} : memref<16x1024xf32, #tpu.memory_space<vmem>>, vector<1x16xf32>,
        %get3A_353 = vector.shape_cast %get3A_352 : vector<1x16xf32> to vector<16xf32>
        %swap3A_354 = arith.index_cast %scan3A_288 : i32 to index
        %swap3A_355 = arith.constant 112 : index
        %swap3A_356 = tpu.vector_load %arg10[%swap3A_354, %swap3A_355] {strides = array<i32>} : memref<16x1024xf32, #tpu.memory_space<vmem>>, vector<1x16xf32>,
        %swap3A_357 = vector.shape_cast %swap3A_356 : vector<1x16xf32> to vector<16xf32>
        %swap3A_358 = vector.shape_cast %get3A_353 : vector<16xf32> to vector<1x16xf32>
        tpu.vector_store %arg10[%swap3A_354, %swap3A_355], %swap3A_358 {add = true, strides = array<i32>} : memref<16x1024xf32, #tpu.memory_space<vmem>>, vector<1x16xf32>,
        %get3A_359 = arith.index_cast %scan3A_288 : i32 to index
        %get3A_360 = arith.constant 128 : index
        %get3A_361 = tpu.vector_load %arg11[%get3A_359, %get3A_360] {strides = array<i32>} : memref<16x1024xf32, #tpu.memory_space<vmem>>, vector<1x16xf32>,
        %get3A_362 = vector.shape_cast %get3A_361 : vector<1x16xf32> to vector<16xf32>
        %swap3A_363 = arith.index_cast %scan3A_288 : i32 to index
        %swap3A_364 = arith.constant 128 : index
        %swap3A_365 = tpu.vector_load %arg10[%swap3A_363, %swap3A_364] {strides = array<i32>} : memref<16x1024xf32, #tpu.memory_space<vmem>>, vector<1x16xf32>,
        %swap3A_366 = vector.shape_cast %swap3A_365 : vector<1x16xf32> to vector<16xf32>
        %swap3A_367 = vector.shape_cast %get3A_362 : vector<16xf32> to vector<1x16xf32>
        tpu.vector_store %arg10[%swap3A_363, %swap3A_364], %swap3A_367 {add = true, strides = array<i32>} : memref<16x1024xf32, #tpu.memory_space<vmem>>, vector<1x16xf32>,
        %get3A_368 = arith.index_cast %scan3A_288 : i32 to index
        %get3A_369 = arith.constant 144 : index
        %get3A_370 = tpu.vector_load %arg11[%get3A_368, %get3A_369] {strides = array<i32>} : memref<16x1024xf32, #tpu.memory_space<vmem>>, vector<1x16xf32>,
        %get3A_371 = vector.shape_cast %get3A_370 : vector<1x16xf32> to vector<16xf32>
        %swap3A_372 = arith.index_cast %scan3A_288 : i32 to index
        %swap3A_373 = arith.constant 144 : index
        %swap3A_374 = tpu.vector_load %arg10[%swap3A_372, %swap3A_373] {strides = array<i32>} : memref<16x1024xf32, #tpu.memory_space<vmem>>, vector<1x16xf32>,
        %swap3A_375 = vector.shape_cast %swap3A_374 : vector<1x16xf32> to vector<16xf32>
        %swap3A_376 = vector.shape_cast %get3A_371 : vector<16xf32> to vector<1x16xf32>
        tpu.vector_store %arg10[%swap3A_372, %swap3A_373], %swap3A_376 {add = true, strides = array<i32>} : memref<16x1024xf32, #tpu.memory_space<vmem>>, vector<1x16xf32>,
        %get3A_377 = arith.index_cast %scan3A_288 : i32 to index
        %get3A_378 = arith.constant 160 : index
        %get3A_379 = tpu.vector_load %arg11[%get3A_377, %get3A_378] {strides = array<i32>} : memref<16x1024xf32, #tpu.memory_space<vmem>>, vector<1x16xf32>,
        %get3A_380 = vector.shape_cast %get3A_379 : vector<1x16xf32> to vector<16xf32>
        %swap3A_381 = arith.index_cast %scan3A_288 : i32 to index
        %swap3A_382 = arith.constant 160 : index
        %swap3A_383 = tpu.vector_load %arg10[%swap3A_381, %swap3A_382] {strides = array<i32>} : memref<16x1024xf32, #tpu.memory_space<vmem>>, vector<1x16xf32>,
        %swap3A_384 = vector.shape_cast %swap3A_383 : vector<1x16xf32> to vector<16xf32>
        %swap3A_385 = vector.shape_cast %get3A_380 : vector<16xf32> to vector<1x16xf32>
        tpu.vector_store %arg10[%swap3A_381, %swap3A_382], %swap3A_385 {add = true, strides = array<i32>} : memref<16x1024xf32, #tpu.memory_space<vmem>>, vector<1x16xf32>,
        %get3A_386 = arith.index_cast %scan3A_288 : i32 to index
        %get3A_387 = arith.constant 176 : index
        %get3A_388 = tpu.vector_load %arg11[%get3A_386, %get3A_387] {strides = array<i32>} : memref<16x1024xf32, #tpu.memory_space<vmem>>, vector<1x16xf32>,
        %get3A_389 = vector.shape_cast %get3A_388 : vector<1x16xf32> to vector<16xf32>
        %swap3A_390 = arith.index_cast %scan3A_288 : i32 to index
        %swap3A_391 = arith.constant 176 : index
        %swap3A_392 = tpu.vector_load %arg10[%swap3A_390, %swap3A_391] {strides = array<i32>} : memref<16x1024xf32, #tpu.memory_space<vmem>>, vector<1x16xf32>,
        %swap3A_393 = vector.shape_cast %swap3A_392 : vector<1x16xf32> to vector<16xf32>
        %swap3A_394 = vector.shape_cast %get3A_389 : vector<16xf32> to vector<1x16xf32>
        tpu.vector_store %arg10[%swap3A_390, %swap3A_391], %swap3A_394 {add = true, strides = array<i32>} : memref<16x1024xf32, #tpu.memory_space<vmem>>, vector<1x16xf32>,
        %get3A_395 = arith.index_cast %scan3A_288 : i32 to index
        %get3A_396 = arith.constant 192 : index
        %get3A_397 = tpu.vector_load %arg11[%get3A_395, %get3A_396] {strides = array<i32>} : memref<16x1024xf32, #tpu.memory_space<vmem>>, vector<1x16xf32>,
        %get3A_398 = vector.shape_cast %get3A_397 : vector<1x16xf32> to vector<16xf32>
        %swap3A_399 = arith.index_cast %scan3A_288 : i32 to index
        %swap3A_400 = arith.constant 192 : index
        %swap3A_401 = tpu.vector_load %arg10[%swap3A_399, %swap3A_400] {strides = array<i32>} : memref<16x1024xf32, #tpu.memory_space<vmem>>, vector<1x16xf32>,
        %swap3A_402 = vector.shape_cast %swap3A_401 : vector<1x16xf32> to vector<16xf32>
        %swap3A_403 = vector.shape_cast %get3A_398 : vector<16xf32> to vector<1x16xf32>
        tpu.vector_store %arg10[%swap3A_399, %swap3A_400], %swap3A_403 {add = true, strides = array<i32>} : memref<16x1024xf32, #tpu.memory_space<vmem>>, vector<1x16xf32>,
        %get3A_404 = arith.index_cast %scan3A_288 : i32 to index
        %get3A_405 = arith.constant 208 : index
        %get3A_406 = tpu.vector_load %arg11[%get3A_404, %get3A_405] {strides = array<i32>} : memref<16x1024xf32, #tpu.memory_space<vmem>>, vector<1x16xf32>,
        %get3A_407 = vector.shape_cast %get3A_406 : vector<1x16xf32> to vector<16xf32>
        %swap3A_408 = arith.index_cast %scan3A_288 : i32 to index
        %swap3A_409 = arith.constant 208 : index
        %swap3A_410 = tpu.vector_load %arg10[%swap3A_408, %swap3A_409] {strides = array<i32>} : memref<16x1024xf32, #tpu.memory_space<vmem>>, vector<1x16xf32>,
        %swap3A_411 = vector.shape_cast %swap3A_410 : vector<1x16xf32> to vector<16xf32>
        %swap3A_412 = vector.shape_cast %get3A_407 : vector<16xf32> to vector<1x16xf32>
        tpu.vector_store %arg10[%swap3A_408, %swap3A_409], %swap3A_412 {add = true, strides = array<i32>} : memref<16x1024xf32, #tpu.memory_space<vmem>>, vector<1x16xf32>,
        %get3A_413 = arith.index_cast %scan3A_288 : i32 to index
        %get3A_414 = arith.constant 224 : index
        %get3A_415 = tpu.vector_load %arg11[%get3A_413, %get3A_414] {strides = array<i32>} : memref<16x1024xf32, #tpu.memory_space<vmem>>, vector<1x16xf32>,
        %get3A_416 = vector.shape_cast %get3A_415 : vector<1x16xf32> to vector<16xf32>
        %swap3A_417 = arith.index_cast %scan3A_288 : i32 to index
        %swap3A_418 = arith.constant 224 : index
        %swap3A_419 = tpu.vector_load %arg10[%swap3A_417, %swap3A_418] {strides = array<i32>} : memref<16x1024xf32, #tpu.memory_space<vmem>>, vector<1x16xf32>,
        %swap3A_420 = vector.shape_cast %swap3A_419 : vector<1x16xf32> to vector<16xf32>
        %swap3A_421 = vector.shape_cast %get3A_416 : vector<16xf32> to vector<1x16xf32>
        tpu.vector_store %arg10[%swap3A_417, %swap3A_418], %swap3A_421 {add = true, strides = array<i32>} : memref<16x1024xf32, #tpu.memory_space<vmem>>, vector<1x16xf32>,
        %get3A_422 = arith.index_cast %scan3A_288 : i32 to index
        %get3A_423 = arith.constant 240 : index
        %get3A_424 = tpu.vector_load %arg11[%get3A_422, %get3A_423] {strides = array<i32>} : memref<16x1024xf32, #tpu.memory_space<vmem>>, vector<1x16xf32>,
        %get3A_425 = vector.shape_cast %get3A_424 : vector<1x16xf32> to vector<16xf32>
        %swap3A_426 = arith.index_cast %scan3A_288 : i32 to index
        %swap3A_427 = arith.constant 240 : index
        %swap3A_428 = tpu.vector_load %arg10[%swap3A_426, %swap3A_427] {strides = array<i32>} : memref<16x1024xf32, #tpu.memory_space<vmem>>, vector<1x16xf32>,
        %swap3A_429 = vector.shape_cast %swap3A_428 : vector<1x16xf32> to vector<16xf32>
        %swap3A_430 = vector.shape_cast %get3A_425 : vector<16xf32> to vector<1x16xf32>
        tpu.vector_store %arg10[%swap3A_426, %swap3A_427], %swap3A_430 {add = true, strides = array<i32>} : memref<16x1024xf32, #tpu.memory_space<vmem>>, vector<1x16xf32>,
        %get3A_431 = arith.index_cast %scan3A_288 : i32 to index
        %get3A_432 = arith.constant 256 : index
        %get3A_433 = tpu.vector_load %arg11[%get3A_431, %get3A_432] {strides = array<i32>} : memref<16x1024xf32, #tpu.memory_space<vmem>>, vector<1x16xf32>,
        %get3A_434 = vector.shape_cast %get3A_433 : vector<1x16xf32> to vector<16xf32>
        %swap3A_435 = arith.index_cast %scan3A_288 : i32 to index
        %swap3A_436 = arith.constant 256 : index
        %swap3A_437 = tpu.vector_load %arg10[%swap3A_435, %swap3A_436] {strides = array<i32>} : memref<16x1024xf32, #tpu.memory_space<vmem>>, vector<1x16xf32>,
        %swap3A_438 = vector.shape_cast %swap3A_437 : vector<1x16xf32> to vector<16xf32>
        %swap3A_439 = vector.shape_cast %get3A_434 : vector<16xf32> to vector<1x16xf32>
        tpu.vector_store %arg10[%swap3A_435, %swap3A_436], %swap3A_439 {add = true, strides = array<i32>} : memref<16x1024xf32, #tpu.memory_space<vmem>>, vector<1x16xf32>,
        %get3A_440 = arith.index_cast %scan3A_288 : i32 to index
        %get3A_441 = arith.constant 272 : index
        %get3A_442 = tpu.vector_load %arg11[%get3A_440, %get3A_441] {strides = array<i32>} : memref<16x1024xf32, #tpu.memory_space<vmem>>, vector<1x16xf32>,
        %get3A_443 = vector.shape_cast %get3A_442 : vector<1x16xf32> to vector<16xf32>
        %swap3A_444 = arith.index_cast %scan3A_288 : i32 to index
        %swap3A_445 = arith.constant 272 : index
        %swap3A_446 = tpu.vector_load %arg10[%swap3A_444, %swap3A_445] {strides = array<i32>} : memref<16x1024xf32, #tpu.memory_space<vmem>>, vector<1x16xf32>,
        %swap3A_447 = vector.shape_cast %swap3A_446 : vector<1x16xf32> to vector<16xf32>
        %swap3A_448 = vector.shape_cast %get3A_443 : vector<16xf32> to vector<1x16xf32>
        tpu.vector_store %arg10[%swap3A_444, %swap3A_445], %swap3A_448 {add = true, strides = array<i32>} : memref<16x1024xf32, #tpu.memory_space<vmem>>, vector<1x16xf32>,
        %get3A_449 = arith.index_cast %scan3A_288 : i32 to index
        %get3A_450 = arith.constant 288 : index
        %get3A_451 = tpu.vector_load %arg11[%get3A_449, %get3A_450] {strides = array<i32>} : memref<16x1024xf32, #tpu.memory_space<vmem>>, vector<1x16xf32>,
        %get3A_452 = vector.shape_cast %get3A_451 : vector<1x16xf32> to vector<16xf32>
        %swap3A_453 = arith.index_cast %scan3A_288 : i32 to index
        %swap3A_454 = arith.constant 288 : index
        %swap3A_455 = tpu.vector_load %arg10[%swap3A_453, %swap3A_454] {strides = array<i32>} : memref<16x1024xf32, #tpu.memory_space<vmem>>, vector<1x16xf32>,
        %swap3A_456 = vector.shape_cast %swap3A_455 : vector<1x16xf32> to vector<16xf32>
        %swap3A_457 = vector.shape_cast %get3A_452 : vector<16xf32> to vector<1x16xf32>
        tpu.vector_store %arg10[%swap3A_453, %swap3A_454], %swap3A_457 {add = true, strides = array<i32>} : memref<16x1024xf32, #tpu.memory_space<vmem>>, vector<1x16xf32>,
        %get3A_458 = arith.index_cast %scan3A_288 : i32 to index
        %get3A_459 = arith.constant 304 : index
        %get3A_460 = tpu.vector_load %arg11[%get3A_458, %get3A_459] {strides = array<i32>} : memref<16x1024xf32, #tpu.memory_space<vmem>>, vector<1x16xf32>,
        %get3A_461 = vector.shape_cast %get3A_460 : vector<1x16xf32> to vector<16xf32>
        %swap3A_462 = arith.index_cast %scan3A_288 : i32 to index
        %swap3A_463 = arith.constant 304 : index
        %swap3A_464 = tpu.vector_load %arg10[%swap3A_462, %swap3A_463] {strides = array<i32>} : memref<16x1024xf32, #tpu.memory_space<vmem>>, vector<1x16xf32>,
        %swap3A_465 = vector.shape_cast %swap3A_464 : vector<1x16xf32> to vector<16xf32>
        %swap3A_466 = vector.shape_cast %get3A_461 : vector<16xf32> to vector<1x16xf32>
        tpu.vector_store %arg10[%swap3A_462, %swap3A_463], %swap3A_466 {add = true, strides = array<i32>} : memref<16x1024xf32, #tpu.memory_space<vmem>>, vector<1x16xf32>,
        %get3A_467 = arith.index_cast %scan3A_288 : i32 to index
        %get3A_468 = arith.constant 320 : index
        %get3A_469 = tpu.vector_load %arg11[%get3A_467, %get3A_468] {strides = array<i32>} : memref<16x1024xf32, #tpu.memory_space<vmem>>, vector<1x16xf32>,
        %get3A_470 = vector.shape_cast %get3A_469 : vector<1x16xf32> to vector<16xf32>
        %swap3A_471 = arith.index_cast %scan3A_288 : i32 to index
        %swap3A_472 = arith.constant 320 : index
        %swap3A_473 = tpu.vector_load %arg10[%swap3A_471, %swap3A_472] {strides = array<i32>} : memref<16x1024xf32, #tpu.memory_space<vmem>>, vector<1x16xf32>,
        %swap3A_474 = vector.shape_cast %swap3A_473 : vector<1x16xf32> to vector<16xf32>
        %swap3A_475 = vector.shape_cast %get3A_470 : vector<16xf32> to vector<1x16xf32>
        tpu.vector_store %arg10[%swap3A_471, %swap3A_472], %swap3A_475 {add = true, strides = array<i32>} : memref<16x1024xf32, #tpu.memory_space<vmem>>, vector<1x16xf32>,
        %get3A_476 = arith.index_cast %scan3A_288 : i32 to index
        %get3A_477 = arith.constant 336 : index
        %get3A_478 = tpu.vector_load %arg11[%get3A_476, %get3A_477] {strides = array<i32>} : memref<16x1024xf32, #tpu.memory_space<vmem>>, vector<1x16xf32>,
        %get3A_479 = vector.shape_cast %get3A_478 : vector<1x16xf32> to vector<16xf32>
        %swap3A_480 = arith.index_cast %scan3A_288 : i32 to index
        %swap3A_481 = arith.constant 336 : index
        %swap3A_482 = tpu.vector_load %arg10[%swap3A_480, %swap3A_481] {strides = array<i32>} : memref<16x1024xf32, #tpu.memory_space<vmem>>, vector<1x16xf32>,
        %swap3A_483 = vector.shape_cast %swap3A_482 : vector<1x16xf32> to vector<16xf32>
        %swap3A_484 = vector.shape_cast %get3A_479 : vector<16xf32> to vector<1x16xf32>
        tpu.vector_store %arg10[%swap3A_480, %swap3A_481], %swap3A_484 {add = true, strides = array<i32>} : memref<16x1024xf32, #tpu.memory_space<vmem>>, vector<1x16xf32>,
        %get3A_485 = arith.index_cast %scan3A_288 : i32 to index
        %get3A_486 = arith.constant 352 : index
        %get3A_487 = tpu.vector_load %arg11[%get3A_485, %get3A_486] {strides = array<i32>} : memref<16x1024xf32, #tpu.memory_space<vmem>>, vector<1x16xf32>,
        %get3A_488 = vector.shape_cast %get3A_487 : vector<1x16xf32> to vector<16xf32>
        %swap3A_489 = arith.index_cast %scan3A_288 : i32 to index
        %swap3A_490 = arith.constant 352 : index
        %swap3A_491 = tpu.vector_load %arg10[%swap3A_489, %swap3A_490] {strides = array<i32>} : memref<16x1024xf32, #tpu.memory_space<vmem>>, vector<1x16xf32>,
        %swap3A_492 = vector.shape_cast %swap3A_491 : vector<1x16xf32> to vector<16xf32>
        %swap3A_493 = vector.shape_cast %get3A_488 : vector<16xf32> to vector<1x16xf32>
        tpu.vector_store %arg10[%swap3A_489, %swap3A_490], %swap3A_493 {add = true, strides = array<i32>} : memref<16x1024xf32, #tpu.memory_space<vmem>>, vector<1x16xf32>,
        %get3A_494 = arith.index_cast %scan3A_288 : i32 to index
        %get3A_495 = arith.constant 368 : index
        %get3A_496 = tpu.vector_load %arg11[%get3A_494, %get3A_495] {strides = array<i32>} : memref<16x1024xf32, #tpu.memory_space<vmem>>, vector<1x16xf32>,
        %get3A_497 = vector.shape_cast %get3A_496 : vector<1x16xf32> to vector<16xf32>
        %swap3A_498 = arith.index_cast %scan3A_288 : i32 to index
        %swap3A_499 = arith.constant 368 : index
        %swap3A_500 = tpu.vector_load %arg10[%swap3A_498, %swap3A_499] {strides = array<i32>} : memref<16x1024xf32, #tpu.memory_space<vmem>>, vector<1x16xf32>,
        %swap3A_501 = vector.shape_cast %swap3A_500 : vector<1x16xf32> to vector<16xf32>
        %swap3A_502 = vector.shape_cast %get3A_497 : vector<16xf32> to vector<1x16xf32>
        tpu.vector_store %arg10[%swap3A_498, %swap3A_499], %swap3A_502 {add = true, strides = array<i32>} : memref<16x1024xf32, #tpu.memory_space<vmem>>, vector<1x16xf32>,
        %get3A_503 = arith.index_cast %scan3A_288 : i32 to index
        %get3A_504 = arith.constant 384 : index
        %get3A_505 = tpu.vector_load %arg11[%get3A_503, %get3A_504] {strides = array<i32>} : memref<16x1024xf32, #tpu.memory_space<vmem>>, vector<1x16xf32>,
        %get3A_506 = vector.shape_cast %get3A_505 : vector<1x16xf32> to vector<16xf32>
        %swap3A_507 = arith.index_cast %scan3A_288 : i32 to index
        %swap3A_508 = arith.constant 384 : index
        %swap3A_509 = tpu.vector_load %arg10[%swap3A_507, %swap3A_508] {strides = array<i32>} : memref<16x1024xf32, #tpu.memory_space<vmem>>, vector<1x16xf32>,
        %swap3A_510 = vector.shape_cast %swap3A_509 : vector<1x16xf32> to vector<16xf32>
        %swap3A_511 = vector.shape_cast %get3A_506 : vector<16xf32> to vector<1x16xf32>
        tpu.vector_store %arg10[%swap3A_507, %swap3A_508], %swap3A_511 {add = true, strides = array<i32>} : memref<16x1024xf32, #tpu.memory_space<vmem>>, vector<1x16xf32>,
        %get3A_512 = arith.index_cast %scan3A_288 : i32 to index
        %get3A_513 = arith.constant 400 : index
        %get3A_514 = tpu.vector_load %arg11[%get3A_512, %get3A_513] {strides = array<i32>} : memref<16x1024xf32, #tpu.memory_space<vmem>>, vector<1x16xf32>,
        %get3A_515 = vector.shape_cast %get3A_514 : vector<1x16xf32> to vector<16xf32>
        %swap3A_516 = arith.index_cast %scan3A_288 : i32 to index
        %swap3A_517 = arith.constant 400 : index
        %swap3A_518 = tpu.vector_load %arg10[%swap3A_516, %swap3A_517] {strides = array<i32>} : memref<16x1024xf32, #tpu.memory_space<vmem>>, vector<1x16xf32>,
        %swap3A_519 = vector.shape_cast %swap3A_518 : vector<1x16xf32> to vector<16xf32>
        %swap3A_520 = vector.shape_cast %get3A_515 : vector<16xf32> to vector<1x16xf32>
        tpu.vector_store %arg10[%swap3A_516, %swap3A_517], %swap3A_520 {add = true, strides = array<i32>} : memref<16x1024xf32, #tpu.memory_space<vmem>>, vector<1x16xf32>,
        %get3A_521 = arith.index_cast %scan3A_288 : i32 to index
        %get3A_522 = arith.constant 416 : index
        %get3A_523 = tpu.vector_load %arg11[%get3A_521, %get3A_522] {strides = array<i32>} : memref<16x1024xf32, #tpu.memory_space<vmem>>, vector<1x16xf32>,
        %get3A_524 = vector.shape_cast %get3A_523 : vector<1x16xf32> to vector<16xf32>
        %swap3A_525 = arith.index_cast %scan3A_288 : i32 to index
        %swap3A_526 = arith.constant 416 : index
        %swap3A_527 = tpu.vector_load %arg10[%swap3A_525, %swap3A_526] {strides = array<i32>} : memref<16x1024xf32, #tpu.memory_space<vmem>>, vector<1x16xf32>,
        %swap3A_528 = vector.shape_cast %swap3A_527 : vector<1x16xf32> to vector<16xf32>
        %swap3A_529 = vector.shape_cast %get3A_524 : vector<16xf32> to vector<1x16xf32>
        tpu.vector_store %arg10[%swap3A_525, %swap3A_526], %swap3A_529 {add = true, strides = array<i32>} : memref<16x1024xf32, #tpu.memory_space<vmem>>, vector<1x16xf32>,
        %get3A_530 = arith.index_cast %scan3A_288 : i32 to index
        %get3A_531 = arith.constant 432 : index
        %get3A_532 = tpu.vector_load %arg11[%get3A_530, %get3A_531] {strides = array<i32>} : memref<16x1024xf32, #tpu.memory_space<vmem>>, vector<1x16xf32>,
        %get3A_533 = vector.shape_cast %get3A_532 : vector<1x16xf32> to vector<16xf32>
        %swap3A_534 = arith.index_cast %scan3A_288 : i32 to index
        %swap3A_535 = arith.constant 432 : index
        %swap3A_536 = tpu.vector_load %arg10[%swap3A_534, %swap3A_535] {strides = array<i32>} : memref<16x1024xf32, #tpu.memory_space<vmem>>, vector<1x16xf32>,
        %swap3A_537 = vector.shape_cast %swap3A_536 : vector<1x16xf32> to vector<16xf32>
        %swap3A_538 = vector.shape_cast %get3A_533 : vector<16xf32> to vector<1x16xf32>
        tpu.vector_store %arg10[%swap3A_534, %swap3A_535], %swap3A_538 {add = true, strides = array<i32>} : memref<16x1024xf32, #tpu.memory_space<vmem>>, vector<1x16xf32>,
        %get3A_539 = arith.index_cast %scan3A_288 : i32 to index
        %get3A_540 = arith.constant 448 : index
        %get3A_541 = tpu.vector_load %arg11[%get3A_539, %get3A_540] {strides = array<i32>} : memref<16x1024xf32, #tpu.memory_space<vmem>>, vector<1x16xf32>,
        %get3A_542 = vector.shape_cast %get3A_541 : vector<1x16xf32> to vector<16xf32>
        %swap3A_543 = arith.index_cast %scan3A_288 : i32 to index
        %swap3A_544 = arith.constant 448 : index
        %swap3A_545 = tpu.vector_load %arg10[%swap3A_543, %swap3A_544] {strides = array<i32>} : memref<16x1024xf32, #tpu.memory_space<vmem>>, vector<1x16xf32>,
        %swap3A_546 = vector.shape_cast %swap3A_545 : vector<1x16xf32> to vector<16xf32>
        %swap3A_547 = vector.shape_cast %get3A_542 : vector<16xf32> to vector<1x16xf32>
        tpu.vector_store %arg10[%swap3A_543, %swap3A_544], %swap3A_547 {add = true, strides = array<i32>} : memref<16x1024xf32, #tpu.memory_space<vmem>>, vector<1x16xf32>,
        %get3A_548 = arith.index_cast %scan3A_288 : i32 to index
        %get3A_549 = arith.constant 464 : index
        %get3A_550 = tpu.vector_load %arg11[%get3A_548, %get3A_549] {strides = array<i32>} : memref<16x1024xf32, #tpu.memory_space<vmem>>, vector<1x16xf32>,
        %get3A_551 = vector.shape_cast %get3A_550 : vector<1x16xf32> to vector<16xf32>
        %swap3A_552 = arith.index_cast %scan3A_288 : i32 to index
        %swap3A_553 = arith.constant 464 : index
        %swap3A_554 = tpu.vector_load %arg10[%swap3A_552, %swap3A_553] {strides = array<i32>} : memref<16x1024xf32, #tpu.memory_space<vmem>>, vector<1x16xf32>,
        %swap3A_555 = vector.shape_cast %swap3A_554 : vector<1x16xf32> to vector<16xf32>
        %swap3A_556 = vector.shape_cast %get3A_551 : vector<16xf32> to vector<1x16xf32>
        tpu.vector_store %arg10[%swap3A_552, %swap3A_553], %swap3A_556 {add = true, strides = array<i32>} : memref<16x1024xf32, #tpu.memory_space<vmem>>, vector<1x16xf32>,
        %get3A_557 = arith.index_cast %scan3A_288 : i32 to index
        %get3A_558 = arith.constant 480 : index
        %get3A_559 = tpu.vector_load %arg11[%get3A_557, %get3A_558] {strides = array<i32>} : memref<16x1024xf32, #tpu.memory_space<vmem>>, vector<1x16xf32>,
        %get3A_560 = vector.shape_cast %get3A_559 : vector<1x16xf32> to vector<16xf32>
        %swap3A_561 = arith.index_cast %scan3A_288 : i32 to index
        %swap3A_562 = arith.constant 480 : index
        %swap3A_563 = tpu.vector_load %arg10[%swap3A_561, %swap3A_562] {strides = array<i32>} : memref<16x1024xf32, #tpu.memory_space<vmem>>, vector<1x16xf32>,
        %swap3A_564 = vector.shape_cast %swap3A_563 : vector<1x16xf32> to vector<16xf32>
        %swap3A_565 = vector.shape_cast %get3A_560 : vector<16xf32> to vector<1x16xf32>
        tpu.vector_store %arg10[%swap3A_561, %swap3A_562], %swap3A_565 {add = true, strides = array<i32>} : memref<16x1024xf32, #tpu.memory_space<vmem>>, vector<1x16xf32>,
        %get3A_566 = arith.index_cast %scan3A_288 : i32 to index
        %get3A_567 = arith.constant 496 : index
        %get3A_568 = tpu.vector_load %arg11[%get3A_566, %get3A_567] {strides = array<i32>} : memref<16x1024xf32, #tpu.memory_space<vmem>>, vector<1x16xf32>,
        %get3A_569 = vector.shape_cast %get3A_568 : vector<1x16xf32> to vector<16xf32>
        %swap3A_570 = arith.index_cast %scan3A_288 : i32 to index
        %swap3A_571 = arith.constant 496 : index
        %swap3A_572 = tpu.vector_load %arg10[%swap3A_570, %swap3A_571] {strides = array<i32>} : memref<16x1024xf32, #tpu.memory_space<vmem>>, vector<1x16xf32>,
        %swap3A_573 = vector.shape_cast %swap3A_572 : vector<1x16xf32> to vector<16xf32>
        %swap3A_574 = vector.shape_cast %get3A_569 : vector<16xf32> to vector<1x16xf32>
        tpu.vector_store %arg10[%swap3A_570, %swap3A_571], %swap3A_574 {add = true, strides = array<i32>} : memref<16x1024xf32, #tpu.memory_space<vmem>>, vector<1x16xf32>,
        %get3A_575 = arith.index_cast %scan3A_288 : i32 to index
        %get3A_576 = arith.constant 512 : index
        %get3A_577 = tpu.vector_load %arg11[%get3A_575, %get3A_576] {strides = array<i32>} : memref<16x1024xf32, #tpu.memory_space<vmem>>, vector<1x16xf32>,
        %get3A_578 = vector.shape_cast %get3A_577 : vector<1x16xf32> to vector<16xf32>
        %swap3A_579 = arith.index_cast %scan3A_288 : i32 to index
        %swap3A_580 = arith.constant 512 : index
        %swap3A_581 = tpu.vector_load %arg10[%swap3A_579, %swap3A_580] {strides = array<i32>} : memref<16x1024xf32, #tpu.memory_space<vmem>>, vector<1x16xf32>,
        %swap3A_582 = vector.shape_cast %swap3A_581 : vector<1x16xf32> to vector<16xf32>
        %swap3A_583 = vector.shape_cast %get3A_578 : vector<16xf32> to vector<1x16xf32>
        tpu.vector_store %arg10[%swap3A_579, %swap3A_580], %swap3A_583 {add = true, strides = array<i32>} : memref<16x1024xf32, #tpu.memory_space<vmem>>, vector<1x16xf32>,
        %get3A_584 = arith.index_cast %scan3A_288 : i32 to index
        %get3A_585 = arith.constant 528 : index
        %get3A_586 = tpu.vector_load %arg11[%get3A_584, %get3A_585] {strides = array<i32>} : memref<16x1024xf32, #tpu.memory_space<vmem>>, vector<1x16xf32>,
        %get3A_587 = vector.shape_cast %get3A_586 : vector<1x16xf32> to vector<16xf32>
        %swap3A_588 = arith.index_cast %scan3A_288 : i32 to index
        %swap3A_589 = arith.constant 528 : index
        %swap3A_590 = tpu.vector_load %arg10[%swap3A_588, %swap3A_589] {strides = array<i32>} : memref<16x1024xf32, #tpu.memory_space<vmem>>, vector<1x16xf32>,
        %swap3A_591 = vector.shape_cast %swap3A_590 : vector<1x16xf32> to vector<16xf32>
        %swap3A_592 = vector.shape_cast %get3A_587 : vector<16xf32> to vector<1x16xf32>
        tpu.vector_store %arg10[%swap3A_588, %swap3A_589], %swap3A_592 {add = true, strides = array<i32>} : memref<16x1024xf32, #tpu.memory_space<vmem>>, vector<1x16xf32>,
        %get3A_593 = arith.index_cast %scan3A_288 : i32 to index
        %get3A_594 = arith.constant 544 : index
        %get3A_595 = tpu.vector_load %arg11[%get3A_593, %get3A_594] {strides = array<i32>} : memref<16x1024xf32, #tpu.memory_space<vmem>>, vector<1x16xf32>,
        %get3A_596 = vector.shape_cast %get3A_595 : vector<1x16xf32> to vector<16xf32>
        %swap3A_597 = arith.index_cast %scan3A_288 : i32 to index
        %swap3A_598 = arith.constant 544 : index
        %swap3A_599 = tpu.vector_load %arg10[%swap3A_597, %swap3A_598] {strides = array<i32>} : memref<16x1024xf32, #tpu.memory_space<vmem>>, vector<1x16xf32>,
        %swap3A_600 = vector.shape_cast %swap3A_599 : vector<1x16xf32> to vector<16xf32>
        %swap3A_601 = vector.shape_cast %get3A_596 : vector<16xf32> to vector<1x16xf32>
        tpu.vector_store %arg10[%swap3A_597, %swap3A_598], %swap3A_601 {add = true, strides = array<i32>} : memref<16x1024xf32, #tpu.memory_space<vmem>>, vector<1x16xf32>,
        %get3A_602 = arith.index_cast %scan3A_288 : i32 to index
        %get3A_603 = arith.constant 560 : index
        %get3A_604 = tpu.vector_load %arg11[%get3A_602, %get3A_603] {strides = array<i32>} : memref<16x1024xf32, #tpu.memory_space<vmem>>, vector<1x16xf32>,
        %get3A_605 = vector.shape_cast %get3A_604 : vector<1x16xf32> to vector<16xf32>
        %swap3A_606 = arith.index_cast %scan3A_288 : i32 to index
        %swap3A_607 = arith.constant 560 : index
        %swap3A_608 = tpu.vector_load %arg10[%swap3A_606, %swap3A_607] {strides = array<i32>} : memref<16x1024xf32, #tpu.memory_space<vmem>>, vector<1x16xf32>,
        %swap3A_609 = vector.shape_cast %swap3A_608 : vector<1x16xf32> to vector<16xf32>
        %swap3A_610 = vector.shape_cast %get3A_605 : vector<16xf32> to vector<1x16xf32>
        tpu.vector_store %arg10[%swap3A_606, %swap3A_607], %swap3A_610 {add = true, strides = array<i32>} : memref<16x1024xf32, #tpu.memory_space<vmem>>, vector<1x16xf32>,
        %get3A_611 = arith.index_cast %scan3A_288 : i32 to index
        %get3A_612 = arith.constant 576 : index
        %get3A_613 = tpu.vector_load %arg11[%get3A_611, %get3A_612] {strides = array<i32>} : memref<16x1024xf32, #tpu.memory_space<vmem>>, vector<1x16xf32>,
        %get3A_614 = vector.shape_cast %get3A_613 : vector<1x16xf32> to vector<16xf32>
        %swap3A_615 = arith.index_cast %scan3A_288 : i32 to index
        %swap3A_616 = arith.constant 576 : index
        %swap3A_617 = tpu.vector_load %arg10[%swap3A_615, %swap3A_616] {strides = array<i32>} : memref<16x1024xf32, #tpu.memory_space<vmem>>, vector<1x16xf32>,
        %swap3A_618 = vector.shape_cast %swap3A_617 : vector<1x16xf32> to vector<16xf32>
        %swap3A_619 = vector.shape_cast %get3A_614 : vector<16xf32> to vector<1x16xf32>
        tpu.vector_store %arg10[%swap3A_615, %swap3A_616], %swap3A_619 {add = true, strides = array<i32>} : memref<16x1024xf32, #tpu.memory_space<vmem>>, vector<1x16xf32>,
        %get3A_620 = arith.index_cast %scan3A_288 : i32 to index
        %get3A_621 = arith.constant 592 : index
        %get3A_622 = tpu.vector_load %arg11[%get3A_620, %get3A_621] {strides = array<i32>} : memref<16x1024xf32, #tpu.memory_space<vmem>>, vector<1x16xf32>,
        %get3A_623 = vector.shape_cast %get3A_622 : vector<1x16xf32> to vector<16xf32>
        %swap3A_624 = arith.index_cast %scan3A_288 : i32 to index
        %swap3A_625 = arith.constant 592 : index
        %swap3A_626 = tpu.vector_load %arg10[%swap3A_624, %swap3A_625] {strides = array<i32>} : memref<16x1024xf32, #tpu.memory_space<vmem>>, vector<1x16xf32>,
        %swap3A_627 = vector.shape_cast %swap3A_626 : vector<1x16xf32> to vector<16xf32>
        %swap3A_628 = vector.shape_cast %get3A_623 : vector<16xf32> to vector<1x16xf32>
        tpu.vector_store %arg10[%swap3A_624, %swap3A_625], %swap3A_628 {add = true, strides = array<i32>} : memref<16x1024xf32, #tpu.memory_space<vmem>>, vector<1x16xf32>,
        %get3A_629 = arith.index_cast %scan3A_288 : i32 to index
        %get3A_630 = arith.constant 608 : index
        %get3A_631 = tpu.vector_load %arg11[%get3A_629, %get3A_630] {strides = array<i32>} : memref<16x1024xf32, #tpu.memory_space<vmem>>, vector<1x16xf32>,
        %get3A_632 = vector.shape_cast %get3A_631 : vector<1x16xf32> to vector<16xf32>
        %swap3A_633 = arith.index_cast %scan3A_288 : i32 to index
        %swap3A_634 = arith.constant 608 : index
        %swap3A_635 = tpu.vector_load %arg10[%swap3A_633, %swap3A_634] {strides = array<i32>} : memref<16x1024xf32, #tpu.memory_space<vmem>>, vector<1x16xf32>,
        %swap3A_636 = vector.shape_cast %swap3A_635 : vector<1x16xf32> to vector<16xf32>
        %swap3A_637 = vector.shape_cast %get3A_632 : vector<16xf32> to vector<1x16xf32>
        tpu.vector_store %arg10[%swap3A_633, %swap3A_634], %swap3A_637 {add = true, strides = array<i32>} : memref<16x1024xf32, #tpu.memory_space<vmem>>, vector<1x16xf32>,
        %get3A_638 = arith.index_cast %scan3A_288 : i32 to index
        %get3A_639 = arith.constant 624 : index
        %get3A_640 = tpu.vector_load %arg11[%get3A_638, %get3A_639] {strides = array<i32>} : memref<16x1024xf32, #tpu.memory_space<vmem>>, vector<1x16xf32>,
        %get3A_641 = vector.shape_cast %get3A_640 : vector<1x16xf32> to vector<16xf32>
        %swap3A_642 = arith.index_cast %scan3A_288 : i32 to index
        %swap3A_643 = arith.constant 624 : index
        %swap3A_644 = tpu.vector_load %arg10[%swap3A_642, %swap3A_643] {strides = array<i32>} : memref<16x1024xf32, #tpu.memory_space<vmem>>, vector<1x16xf32>,
        %swap3A_645 = vector.shape_cast %swap3A_644 : vector<1x16xf32> to vector<16xf32>
        %swap3A_646 = vector.shape_cast %get3A_641 : vector<16xf32> to vector<1x16xf32>
        tpu.vector_store %arg10[%swap3A_642, %swap3A_643], %swap3A_646 {add = true, strides = array<i32>} : memref<16x1024xf32, #tpu.memory_space<vmem>>, vector<1x16xf32>,
        %get3A_647 = arith.index_cast %scan3A_288 : i32 to index
        %get3A_648 = arith.constant 640 : index
        %get3A_649 = tpu.vector_load %arg11[%get3A_647, %get3A_648] {strides = array<i32>} : memref<16x1024xf32, #tpu.memory_space<vmem>>, vector<1x16xf32>,
        %get3A_650 = vector.shape_cast %get3A_649 : vector<1x16xf32> to vector<16xf32>
        %swap3A_651 = arith.index_cast %scan3A_288 : i32 to index
        %swap3A_652 = arith.constant 640 : index
        %swap3A_653 = tpu.vector_load %arg10[%swap3A_651, %swap3A_652] {strides = array<i32>} : memref<16x1024xf32, #tpu.memory_space<vmem>>, vector<1x16xf32>,
        %swap3A_654 = vector.shape_cast %swap3A_653 : vector<1x16xf32> to vector<16xf32>
        %swap3A_655 = vector.shape_cast %get3A_650 : vector<16xf32> to vector<1x16xf32>
        tpu.vector_store %arg10[%swap3A_651, %swap3A_652], %swap3A_655 {add = true, strides = array<i32>} : memref<16x1024xf32, #tpu.memory_space<vmem>>, vector<1x16xf32>,
        %get3A_656 = arith.index_cast %scan3A_288 : i32 to index
        %get3A_657 = arith.constant 656 : index
        %get3A_658 = tpu.vector_load %arg11[%get3A_656, %get3A_657] {strides = array<i32>} : memref<16x1024xf32, #tpu.memory_space<vmem>>, vector<1x16xf32>,
        %get3A_659 = vector.shape_cast %get3A_658 : vector<1x16xf32> to vector<16xf32>
        %swap3A_660 = arith.index_cast %scan3A_288 : i32 to index
        %swap3A_661 = arith.constant 656 : index
        %swap3A_662 = tpu.vector_load %arg10[%swap3A_660, %swap3A_661] {strides = array<i32>} : memref<16x1024xf32, #tpu.memory_space<vmem>>, vector<1x16xf32>,
        %swap3A_663 = vector.shape_cast %swap3A_662 : vector<1x16xf32> to vector<16xf32>
        %swap3A_664 = vector.shape_cast %get3A_659 : vector<16xf32> to vector<1x16xf32>
        tpu.vector_store %arg10[%swap3A_660, %swap3A_661], %swap3A_664 {add = true, strides = array<i32>} : memref<16x1024xf32, #tpu.memory_space<vmem>>, vector<1x16xf32>,
        %get3A_665 = arith.index_cast %scan3A_288 : i32 to index
        %get3A_666 = arith.constant 672 : index
        %get3A_667 = tpu.vector_load %arg11[%get3A_665, %get3A_666] {strides = array<i32>} : memref<16x1024xf32, #tpu.memory_space<vmem>>, vector<1x16xf32>,
        %get3A_668 = vector.shape_cast %get3A_667 : vector<1x16xf32> to vector<16xf32>
        %swap3A_669 = arith.index_cast %scan3A_288 : i32 to index
        %swap3A_670 = arith.constant 672 : index
        %swap3A_671 = tpu.vector_load %arg10[%swap3A_669, %swap3A_670] {strides = array<i32>} : memref<16x1024xf32, #tpu.memory_space<vmem>>, vector<1x16xf32>,
        %swap3A_672 = vector.shape_cast %swap3A_671 : vector<1x16xf32> to vector<16xf32>
        %swap3A_673 = vector.shape_cast %get3A_668 : vector<16xf32> to vector<1x16xf32>
        tpu.vector_store %arg10[%swap3A_669, %swap3A_670], %swap3A_673 {add = true, strides = array<i32>} : memref<16x1024xf32, #tpu.memory_space<vmem>>, vector<1x16xf32>,
        %get3A_674 = arith.index_cast %scan3A_288 : i32 to index
        %get3A_675 = arith.constant 688 : index
        %get3A_676 = tpu.vector_load %arg11[%get3A_674, %get3A_675] {strides = array<i32>} : memref<16x1024xf32, #tpu.memory_space<vmem>>, vector<1x16xf32>,
        %get3A_677 = vector.shape_cast %get3A_676 : vector<1x16xf32> to vector<16xf32>
        %swap3A_678 = arith.index_cast %scan3A_288 : i32 to index
        %swap3A_679 = arith.constant 688 : index
        %swap3A_680 = tpu.vector_load %arg10[%swap3A_678, %swap3A_679] {strides = array<i32>} : memref<16x1024xf32, #tpu.memory_space<vmem>>, vector<1x16xf32>,
        %swap3A_681 = vector.shape_cast %swap3A_680 : vector<1x16xf32> to vector<16xf32>
        %swap3A_682 = vector.shape_cast %get3A_677 : vector<16xf32> to vector<1x16xf32>
        tpu.vector_store %arg10[%swap3A_678, %swap3A_679], %swap3A_682 {add = true, strides = array<i32>} : memref<16x1024xf32, #tpu.memory_space<vmem>>, vector<1x16xf32>,
        %get3A_683 = arith.index_cast %scan3A_288 : i32 to index
        %get3A_684 = arith.constant 704 : index
        %get3A_685 = tpu.vector_load %arg11[%get3A_683, %get3A_684] {strides = array<i32>} : memref<16x1024xf32, #tpu.memory_space<vmem>>, vector<1x16xf32>,
        %get3A_686 = vector.shape_cast %get3A_685 : vector<1x16xf32> to vector<16xf32>
        %swap3A_687 = arith.index_cast %scan3A_288 : i32 to index
        %swap3A_688 = arith.constant 704 : index
        %swap3A_689 = tpu.vector_load %arg10[%swap3A_687, %swap3A_688] {strides = array<i32>} : memref<16x1024xf32, #tpu.memory_space<vmem>>, vector<1x16xf32>,
        %swap3A_690 = vector.shape_cast %swap3A_689 : vector<1x16xf32> to vector<16xf32>
        %swap3A_691 = vector.shape_cast %get3A_686 : vector<16xf32> to vector<1x16xf32>
        tpu.vector_store %arg10[%swap3A_687, %swap3A_688], %swap3A_691 {add = true, strides = array<i32>} : memref<16x1024xf32, #tpu.memory_space<vmem>>, vector<1x16xf32>,
        %get3A_692 = arith.index_cast %scan3A_288 : i32 to index
        %get3A_693 = arith.constant 720 : index
        %get3A_694 = tpu.vector_load %arg11[%get3A_692, %get3A_693] {strides = array<i32>} : memref<16x1024xf32, #tpu.memory_space<vmem>>, vector<1x16xf32>,
        %get3A_695 = vector.shape_cast %get3A_694 : vector<1x16xf32> to vector<16xf32>
        %swap3A_696 = arith.index_cast %scan3A_288 : i32 to index
        %swap3A_697 = arith.constant 720 : index
        %swap3A_698 = tpu.vector_load %arg10[%swap3A_696, %swap3A_697] {strides = array<i32>} : memref<16x1024xf32, #tpu.memory_space<vmem>>, vector<1x16xf32>,
        %swap3A_699 = vector.shape_cast %swap3A_698 : vector<1x16xf32> to vector<16xf32>
        %swap3A_700 = vector.shape_cast %get3A_695 : vector<16xf32> to vector<1x16xf32>
        tpu.vector_store %arg10[%swap3A_696, %swap3A_697], %swap3A_700 {add = true, strides = array<i32>} : memref<16x1024xf32, #tpu.memory_space<vmem>>, vector<1x16xf32>,
        %get3A_701 = arith.index_cast %scan3A_288 : i32 to index
        %get3A_702 = arith.constant 736 : index
        %get3A_703 = tpu.vector_load %arg11[%get3A_701, %get3A_702] {strides = array<i32>} : memref<16x1024xf32, #tpu.memory_space<vmem>>, vector<1x16xf32>,
        %get3A_704 = vector.shape_cast %get3A_703 : vector<1x16xf32> to vector<16xf32>
        %swap3A_705 = arith.index_cast %scan3A_288 : i32 to index
        %swap3A_706 = arith.constant 736 : index
        %swap3A_707 = tpu.vector_load %arg10[%swap3A_705, %swap3A_706] {strides = array<i32>} : memref<16x1024xf32, #tpu.memory_space<vmem>>, vector<1x16xf32>,
        %swap3A_708 = vector.shape_cast %swap3A_707 : vector<1x16xf32> to vector<16xf32>
        %swap3A_709 = vector.shape_cast %get3A_704 : vector<16xf32> to vector<1x16xf32>
        tpu.vector_store %arg10[%swap3A_705, %swap3A_706], %swap3A_709 {add = true, strides = array<i32>} : memref<16x1024xf32, #tpu.memory_space<vmem>>, vector<1x16xf32>,
        %get3A_710 = arith.index_cast %scan3A_288 : i32 to index
        %get3A_711 = arith.constant 752 : index
        %get3A_712 = tpu.vector_load %arg11[%get3A_710, %get3A_711] {strides = array<i32>} : memref<16x1024xf32, #tpu.memory_space<vmem>>, vector<1x16xf32>,
        %get3A_713 = vector.shape_cast %get3A_712 : vector<1x16xf32> to vector<16xf32>
        %swap3A_714 = arith.index_cast %scan3A_288 : i32 to index
        %swap3A_715 = arith.constant 752 : index
        %swap3A_716 = tpu.vector_load %arg10[%swap3A_714, %swap3A_715] {strides = array<i32>} : memref<16x1024xf32, #tpu.memory_space<vmem>>, vector<1x16xf32>,
        %swap3A_717 = vector.shape_cast %swap3A_716 : vector<1x16xf32> to vector<16xf32>
        %swap3A_718 = vector.shape_cast %get3A_713 : vector<16xf32> to vector<1x16xf32>
        tpu.vector_store %arg10[%swap3A_714, %swap3A_715], %swap3A_718 {add = true, strides = array<i32>} : memref<16x1024xf32, #tpu.memory_space<vmem>>, vector<1x16xf32>,
        %get3A_719 = arith.index_cast %scan3A_288 : i32 to index
        %get3A_720 = arith.constant 768 : index
        %get3A_721 = tpu.vector_load %arg11[%get3A_719, %get3A_720] {strides = array<i32>} : memref<16x1024xf32, #tpu.memory_space<vmem>>, vector<1x16xf32>,
        %get3A_722 = vector.shape_cast %get3A_721 : vector<1x16xf32> to vector<16xf32>
        %swap3A_723 = arith.index_cast %scan3A_288 : i32 to index
        %swap3A_724 = arith.constant 768 : index
        %swap3A_725 = tpu.vector_load %arg10[%swap3A_723, %swap3A_724] {strides = array<i32>} : memref<16x1024xf32, #tpu.memory_space<vmem>>, vector<1x16xf32>,
        %swap3A_726 = vector.shape_cast %swap3A_725 : vector<1x16xf32> to vector<16xf32>
        %swap3A_727 = vector.shape_cast %get3A_722 : vector<16xf32> to vector<1x16xf32>
        tpu.vector_store %arg10[%swap3A_723, %swap3A_724], %swap3A_727 {add = true, strides = array<i32>} : memref<16x1024xf32, #tpu.memory_space<vmem>>, vector<1x16xf32>,
        %get3A_728 = arith.index_cast %scan3A_288 : i32 to index
        %get3A_729 = arith.constant 784 : index
        %get3A_730 = tpu.vector_load %arg11[%get3A_728, %get3A_729] {strides = array<i32>} : memref<16x1024xf32, #tpu.memory_space<vmem>>, vector<1x16xf32>,
        %get3A_731 = vector.shape_cast %get3A_730 : vector<1x16xf32> to vector<16xf32>
        %swap3A_732 = arith.index_cast %scan3A_288 : i32 to index
        %swap3A_733 = arith.constant 784 : index
        %swap3A_734 = tpu.vector_load %arg10[%swap3A_732, %swap3A_733] {strides = array<i32>} : memref<16x1024xf32, #tpu.memory_space<vmem>>, vector<1x16xf32>,
        %swap3A_735 = vector.shape_cast %swap3A_734 : vector<1x16xf32> to vector<16xf32>
        %swap3A_736 = vector.shape_cast %get3A_731 : vector<16xf32> to vector<1x16xf32>
        tpu.vector_store %arg10[%swap3A_732, %swap3A_733], %swap3A_736 {add = true, strides = array<i32>} : memref<16x1024xf32, #tpu.memory_space<vmem>>, vector<1x16xf32>,
        %get3A_737 = arith.index_cast %scan3A_288 : i32 to index
        %get3A_738 = arith.constant 800 : index
        %get3A_739 = tpu.vector_load %arg11[%get3A_737, %get3A_738] {strides = array<i32>} : memref<16x1024xf32, #tpu.memory_space<vmem>>, vector<1x16xf32>,
        %get3A_740 = vector.shape_cast %get3A_739 : vector<1x16xf32> to vector<16xf32>
        %swap3A_741 = arith.index_cast %scan3A_288 : i32 to index
        %swap3A_742 = arith.constant 800 : index
        %swap3A_743 = tpu.vector_load %arg10[%swap3A_741, %swap3A_742] {strides = array<i32>} : memref<16x1024xf32, #tpu.memory_space<vmem>>, vector<1x16xf32>,
        %swap3A_744 = vector.shape_cast %swap3A_743 : vector<1x16xf32> to vector<16xf32>
        %swap3A_745 = vector.shape_cast %get3A_740 : vector<16xf32> to vector<1x16xf32>
        tpu.vector_store %arg10[%swap3A_741, %swap3A_742], %swap3A_745 {add = true, strides = array<i32>} : memref<16x1024xf32, #tpu.memory_space<vmem>>, vector<1x16xf32>,
        %get3A_746 = arith.index_cast %scan3A_288 : i32 to index
        %get3A_747 = arith.constant 816 : index
        %get3A_748 = tpu.vector_load %arg11[%get3A_746, %get3A_747] {strides = array<i32>} : memref<16x1024xf32, #tpu.memory_space<vmem>>, vector<1x16xf32>,
        %get3A_749 = vector.shape_cast %get3A_748 : vector<1x16xf32> to vector<16xf32>
        %swap3A_750 = arith.index_cast %scan3A_288 : i32 to index
        %swap3A_751 = arith.constant 816 : index
        %swap3A_752 = tpu.vector_load %arg10[%swap3A_750, %swap3A_751] {strides = array<i32>} : memref<16x1024xf32, #tpu.memory_space<vmem>>, vector<1x16xf32>,
        %swap3A_753 = vector.shape_cast %swap3A_752 : vector<1x16xf32> to vector<16xf32>
        %swap3A_754 = vector.shape_cast %get3A_749 : vector<16xf32> to vector<1x16xf32>
        tpu.vector_store %arg10[%swap3A_750, %swap3A_751], %swap3A_754 {add = true, strides = array<i32>} : memref<16x1024xf32, #tpu.memory_space<vmem>>, vector<1x16xf32>,
        %get3A_755 = arith.index_cast %scan3A_288 : i32 to index
        %get3A_756 = arith.constant 832 : index
        %get3A_757 = tpu.vector_load %arg11[%get3A_755, %get3A_756] {strides = array<i32>} : memref<16x1024xf32, #tpu.memory_space<vmem>>, vector<1x16xf32>,
        %get3A_758 = vector.shape_cast %get3A_757 : vector<1x16xf32> to vector<16xf32>
        %swap3A_759 = arith.index_cast %scan3A_288 : i32 to index
        %swap3A_760 = arith.constant 832 : index
        %swap3A_761 = tpu.vector_load %arg10[%swap3A_759, %swap3A_760] {strides = array<i32>} : memref<16x1024xf32, #tpu.memory_space<vmem>>, vector<1x16xf32>,
        %swap3A_762 = vector.shape_cast %swap3A_761 : vector<1x16xf32> to vector<16xf32>
        %swap3A_763 = vector.shape_cast %get3A_758 : vector<16xf32> to vector<1x16xf32>
        tpu.vector_store %arg10[%swap3A_759, %swap3A_760], %swap3A_763 {add = true, strides = array<i32>} : memref<16x1024xf32, #tpu.memory_space<vmem>>, vector<1x16xf32>,
        %get3A_764 = arith.index_cast %scan3A_288 : i32 to index
        %get3A_765 = arith.constant 848 : index
        %get3A_766 = tpu.vector_load %arg11[%get3A_764, %get3A_765] {strides = array<i32>} : memref<16x1024xf32, #tpu.memory_space<vmem>>, vector<1x16xf32>,
        %get3A_767 = vector.shape_cast %get3A_766 : vector<1x16xf32> to vector<16xf32>
        %swap3A_768 = arith.index_cast %scan3A_288 : i32 to index
        %swap3A_769 = arith.constant 848 : index
        %swap3A_770 = tpu.vector_load %arg10[%swap3A_768, %swap3A_769] {strides = array<i32>} : memref<16x1024xf32, #tpu.memory_space<vmem>>, vector<1x16xf32>,
        %swap3A_771 = vector.shape_cast %swap3A_770 : vector<1x16xf32> to vector<16xf32>
        %swap3A_772 = vector.shape_cast %get3A_767 : vector<16xf32> to vector<1x16xf32>
        tpu.vector_store %arg10[%swap3A_768, %swap3A_769], %swap3A_772 {add = true, strides = array<i32>} : memref<16x1024xf32, #tpu.memory_space<vmem>>, vector<1x16xf32>,
        %get3A_773 = arith.index_cast %scan3A_288 : i32 to index
        %get3A_774 = arith.constant 864 : index
        %get3A_775 = tpu.vector_load %arg11[%get3A_773, %get3A_774] {strides = array<i32>} : memref<16x1024xf32, #tpu.memory_space<vmem>>, vector<1x16xf32>,
        %get3A_776 = vector.shape_cast %get3A_775 : vector<1x16xf32> to vector<16xf32>
        %swap3A_777 = arith.index_cast %scan3A_288 : i32 to index
        %swap3A_778 = arith.constant 864 : index
        %swap3A_779 = tpu.vector_load %arg10[%swap3A_777, %swap3A_778] {strides = array<i32>} : memref<16x1024xf32, #tpu.memory_space<vmem>>, vector<1x16xf32>,
        %swap3A_780 = vector.shape_cast %swap3A_779 : vector<1x16xf32> to vector<16xf32>
        %swap3A_781 = vector.shape_cast %get3A_776 : vector<16xf32> to vector<1x16xf32>
        tpu.vector_store %arg10[%swap3A_777, %swap3A_778], %swap3A_781 {add = true, strides = array<i32>} : memref<16x1024xf32, #tpu.memory_space<vmem>>, vector<1x16xf32>,
        %get3A_782 = arith.index_cast %scan3A_288 : i32 to index
        %get3A_783 = arith.constant 880 : index
        %get3A_784 = tpu.vector_load %arg11[%get3A_782, %get3A_783] {strides = array<i32>} : memref<16x1024xf32, #tpu.memory_space<vmem>>, vector<1x16xf32>,
        %get3A_785 = vector.shape_cast %get3A_784 : vector<1x16xf32> to vector<16xf32>
        %swap3A_786 = arith.index_cast %scan3A_288 : i32 to index
        %swap3A_787 = arith.constant 880 : index
        %swap3A_788 = tpu.vector_load %arg10[%swap3A_786, %swap3A_787] {strides = array<i32>} : memref<16x1024xf32, #tpu.memory_space<vmem>>, vector<1x16xf32>,
        %swap3A_789 = vector.shape_cast %swap3A_788 : vector<1x16xf32> to vector<16xf32>
        %swap3A_790 = vector.shape_cast %get3A_785 : vector<16xf32> to vector<1x16xf32>
        tpu.vector_store %arg10[%swap3A_786, %swap3A_787], %swap3A_790 {add = true, strides = array<i32>} : memref<16x1024xf32, #tpu.memory_space<vmem>>, vector<1x16xf32>,
        %get3A_791 = arith.index_cast %scan3A_288 : i32 to index
        %get3A_792 = arith.constant 896 : index
        %get3A_793 = tpu.vector_load %arg11[%get3A_791, %get3A_792] {strides = array<i32>} : memref<16x1024xf32, #tpu.memory_space<vmem>>, vector<1x16xf32>,
        %get3A_794 = vector.shape_cast %get3A_793 : vector<1x16xf32> to vector<16xf32>
        %swap3A_795 = arith.index_cast %scan3A_288 : i32 to index
        %swap3A_796 = arith.constant 896 : index
        %swap3A_797 = tpu.vector_load %arg10[%swap3A_795, %swap3A_796] {strides = array<i32>} : memref<16x1024xf32, #tpu.memory_space<vmem>>, vector<1x16xf32>,
        %swap3A_798 = vector.shape_cast %swap3A_797 : vector<1x16xf32> to vector<16xf32>
        %swap3A_799 = vector.shape_cast %get3A_794 : vector<16xf32> to vector<1x16xf32>
        tpu.vector_store %arg10[%swap3A_795, %swap3A_796], %swap3A_799 {add = true, strides = array<i32>} : memref<16x1024xf32, #tpu.memory_space<vmem>>, vector<1x16xf32>,
        %get3A_800 = arith.index_cast %scan3A_288 : i32 to index
        %get3A_801 = arith.constant 912 : index
        %get3A_802 = tpu.vector_load %arg11[%get3A_800, %get3A_801] {strides = array<i32>} : memref<16x1024xf32, #tpu.memory_space<vmem>>, vector<1x16xf32>,
        %get3A_803 = vector.shape_cast %get3A_802 : vector<1x16xf32> to vector<16xf32>
        %swap3A_804 = arith.index_cast %scan3A_288 : i32 to index
        %swap3A_805 = arith.constant 912 : index
        %swap3A_806 = tpu.vector_load %arg10[%swap3A_804, %swap3A_805] {strides = array<i32>} : memref<16x1024xf32, #tpu.memory_space<vmem>>, vector<1x16xf32>,
        %swap3A_807 = vector.shape_cast %swap3A_806 : vector<1x16xf32> to vector<16xf32>
        %swap3A_808 = vector.shape_cast %get3A_803 : vector<16xf32> to vector<1x16xf32>
        tpu.vector_store %arg10[%swap3A_804, %swap3A_805], %swap3A_808 {add = true, strides = array<i32>} : memref<16x1024xf32, #tpu.memory_space<vmem>>, vector<1x16xf32>,
        %get3A_809 = arith.index_cast %scan3A_288 : i32 to index
        %get3A_810 = arith.constant 928 : index
        %get3A_811 = tpu.vector_load %arg11[%get3A_809, %get3A_810] {strides = array<i32>} : memref<16x1024xf32, #tpu.memory_space<vmem>>, vector<1x16xf32>,
        %get3A_812 = vector.shape_cast %get3A_811 : vector<1x16xf32> to vector<16xf32>
        %swap3A_813 = arith.index_cast %scan3A_288 : i32 to index
        %swap3A_814 = arith.constant 928 : index
        %swap3A_815 = tpu.vector_load %arg10[%swap3A_813, %swap3A_814] {strides = array<i32>} : memref<16x1024xf32, #tpu.memory_space<vmem>>, vector<1x16xf32>,
        %swap3A_816 = vector.shape_cast %swap3A_815 : vector<1x16xf32> to vector<16xf32>
        %swap3A_817 = vector.shape_cast %get3A_812 : vector<16xf32> to vector<1x16xf32>
        tpu.vector_store %arg10[%swap3A_813, %swap3A_814], %swap3A_817 {add = true, strides = array<i32>} : memref<16x1024xf32, #tpu.memory_space<vmem>>, vector<1x16xf32>,
        %get3A_818 = arith.index_cast %scan3A_288 : i32 to index
        %get3A_819 = arith.constant 944 : index
        %get3A_820 = tpu.vector_load %arg11[%get3A_818, %get3A_819] {strides = array<i32>} : memref<16x1024xf32, #tpu.memory_space<vmem>>, vector<1x16xf32>,
        %get3A_821 = vector.shape_cast %get3A_820 : vector<1x16xf32> to vector<16xf32>
        %swap3A_822 = arith.index_cast %scan3A_288 : i32 to index
        %swap3A_823 = arith.constant 944 : index
        %swap3A_824 = tpu.vector_load %arg10[%swap3A_822, %swap3A_823] {strides = array<i32>} : memref<16x1024xf32, #tpu.memory_space<vmem>>, vector<1x16xf32>,
        %swap3A_825 = vector.shape_cast %swap3A_824 : vector<1x16xf32> to vector<16xf32>
        %swap3A_826 = vector.shape_cast %get3A_821 : vector<16xf32> to vector<1x16xf32>
        tpu.vector_store %arg10[%swap3A_822, %swap3A_823], %swap3A_826 {add = true, strides = array<i32>} : memref<16x1024xf32, #tpu.memory_space<vmem>>, vector<1x16xf32>,
        %get3A_827 = arith.index_cast %scan3A_288 : i32 to index
        %get3A_828 = arith.constant 960 : index
        %get3A_829 = tpu.vector_load %arg11[%get3A_827, %get3A_828] {strides = array<i32>} : memref<16x1024xf32, #tpu.memory_space<vmem>>, vector<1x16xf32>,
        %get3A_830 = vector.shape_cast %get3A_829 : vector<1x16xf32> to vector<16xf32>
        %swap3A_831 = arith.index_cast %scan3A_288 : i32 to index
        %swap3A_832 = arith.constant 960 : index
        %swap3A_833 = tpu.vector_load %arg10[%swap3A_831, %swap3A_832] {strides = array<i32>} : memref<16x1024xf32, #tpu.memory_space<vmem>>, vector<1x16xf32>,
        %swap3A_834 = vector.shape_cast %swap3A_833 : vector<1x16xf32> to vector<16xf32>
        %swap3A_835 = vector.shape_cast %get3A_830 : vector<16xf32> to vector<1x16xf32>
        tpu.vector_store %arg10[%swap3A_831, %swap3A_832], %swap3A_835 {add = true, strides = array<i32>} : memref<16x1024xf32, #tpu.memory_space<vmem>>, vector<1x16xf32>,
        %get3A_836 = arith.index_cast %scan3A_288 : i32 to index
        %get3A_837 = arith.constant 976 : index
        %get3A_838 = tpu.vector_load %arg11[%get3A_836, %get3A_837] {strides = array<i32>} : memref<16x1024xf32, #tpu.memory_space<vmem>>, vector<1x16xf32>,
        %get3A_839 = vector.shape_cast %get3A_838 : vector<1x16xf32> to vector<16xf32>
        %swap3A_840 = arith.index_cast %scan3A_288 : i32 to index
        %swap3A_841 = arith.constant 976 : index
        %swap3A_842 = tpu.vector_load %arg10[%swap3A_840, %swap3A_841] {strides = array<i32>} : memref<16x1024xf32, #tpu.memory_space<vmem>>, vector<1x16xf32>,
        %swap3A_843 = vector.shape_cast %swap3A_842 : vector<1x16xf32> to vector<16xf32>
        %swap3A_844 = vector.shape_cast %get3A_839 : vector<16xf32> to vector<1x16xf32>
        tpu.vector_store %arg10[%swap3A_840, %swap3A_841], %swap3A_844 {add = true, strides = array<i32>} : memref<16x1024xf32, #tpu.memory_space<vmem>>, vector<1x16xf32>,
        %get3A_845 = arith.index_cast %scan3A_288 : i32 to index
        %get3A_846 = arith.constant 992 : index
        %get3A_847 = tpu.vector_load %arg11[%get3A_845, %get3A_846] {strides = array<i32>} : memref<16x1024xf32, #tpu.memory_space<vmem>>, vector<1x16xf32>,
        %get3A_848 = vector.shape_cast %get3A_847 : vector<1x16xf32> to vector<16xf32>
        %swap3A_849 = arith.index_cast %scan3A_288 : i32 to index
        %swap3A_850 = arith.constant 992 : index
        %swap3A_851 = tpu.vector_load %arg10[%swap3A_849, %swap3A_850] {strides = array<i32>} : memref<16x1024xf32, #tpu.memory_space<vmem>>, vector<1x16xf32>,
        %swap3A_852 = vector.shape_cast %swap3A_851 : vector<1x16xf32> to vector<16xf32>
        %swap3A_853 = vector.shape_cast %get3A_848 : vector<16xf32> to vector<1x16xf32>
        tpu.vector_store %arg10[%swap3A_849, %swap3A_850], %swap3A_853 {add = true, strides = array<i32>} : memref<16x1024xf32, #tpu.memory_space<vmem>>, vector<1x16xf32>,
        %get3A_854 = arith.index_cast %scan3A_288 : i32 to index
        %get3A_855 = arith.constant 1008 : index
        %get3A_856 = tpu.vector_load %arg11[%get3A_854, %get3A_855] {strides = array<i32>} : memref<16x1024xf32, #tpu.memory_space<vmem>>, vector<1x16xf32>,
        %get3A_857 = vector.shape_cast %get3A_856 : vector<1x16xf32> to vector<16xf32>
        %swap3A_858 = arith.index_cast %scan3A_288 : i32 to index
        %swap3A_859 = arith.constant 1008 : index
        %swap3A_860 = tpu.vector_load %arg10[%swap3A_858, %swap3A_859] {strides = array<i32>} : memref<16x1024xf32, #tpu.memory_space<vmem>>, vector<1x16xf32>,
        %swap3A_861 = vector.shape_cast %swap3A_860 : vector<1x16xf32> to vector<16xf32>
        %swap3A_862 = vector.shape_cast %get3A_857 : vector<16xf32> to vector<1x16xf32>
        tpu.vector_store %arg10[%swap3A_858, %swap3A_859], %swap3A_862 {add = true, strides = array<i32>} : memref<16x1024xf32, #tpu.memory_space<vmem>>, vector<1x16xf32>,
      }
      %scan3A_155 = arith.constant 16 : i32
      %dma_start3A_156 = arith.constant 0 : i32
      %dma_start3A_157 = tpu.memref_slice %arg6[%add3A_139, %dma_start3A_156] : memref<16384x1024xf32, #tpu.memory_space<hbm>> -> memref<16x1024xf32, #tpu.memory_space<hbm>>
      %dma_start3A_158 = arith.constant 0 : i32
      %dma_start3A_159 = tpu.memref_slice %arg6[%add3A_139, %dma_start3A_158] : memref<16384x1024xf32, #tpu.memory_space<hbm>> -> memref<16x1024xf32, #tpu.memory_space<hbm>>
      tpu.enqueue_dma source(%arg10 : memref<16x1024xf32, #tpu.memory_space<vmem>>) target(%dma_start3A_159 : memref<16x1024xf32, #tpu.memory_space<hbm>>) target_semaphore(%arg24 : memref<!tpu.dma_semaphore, #tpu.memory_space<semaphore_mem>>)
      %add3A_160 = arith.constant 3 : i32
      %add3A_161 = arith.addi %add3A_136, %add3A_160 : i32
      %lt3A = arith.constant 32 : i32
      %lt3A_162 = arith.cmpi slt, %add3A_161, %lt3A : i32
      %convert_element_type3A = arith.extui %lt3A_162 : i1 to i32
      %cond3A = arith.constant 0 : i32
      %cond3A_163 = arith.cmpi ne, %convert_element_type3A, %cond3A : i32
      scf.if %cond3A_163 {
        %add3A_288 = arith.constant 3 : i32
        %add3A_289 = arith.addi %add3A_136, %add3A_288 : i32
        %mul3A_290 = arith.constant 16 : i32
        %mul3A_291 = arith.muli %add3A_289, %mul3A_290 : i32
        %add3A_292 = arith.addi %mul3A_2, %mul3A_291 : i32
        %dma_start3A_293 = tpu.memref_slice %arg2[%add3A_292] : memref<16384xi32, #tpu.memory_space<hbm>> -> memref<16xi32, #tpu.memory_space<hbm>>
        %dma_start3A_294 = tpu.memref_slice %arg2[%add3A_292] : memref<16384xi32, #tpu.memory_space<hbm>> -> memref<16xi32, #tpu.memory_space<hbm>>
        tpu.enqueue_dma source(%dma_start3A_294 : memref<16xi32, #tpu.memory_space<hbm>>) target(%arg8 : memref<16xi32, #tpu.memory_space<vmem>>) target_semaphore(%arg20 : memref<!tpu.dma_semaphore, #tpu.memory_space<semaphore_mem>>)
        %dma_start3A_295 = tpu.memref_slice %arg3[%add3A_292] : memref<16384xi32, #tpu.memory_space<hbm>> -> memref<16xi32, #tpu.memory_space<hbm>>
        %dma_start3A_296 = tpu.memref_slice %arg3[%add3A_292] : memref<16384xi32, #tpu.memory_space<hbm>> -> memref<16xi32, #tpu.memory_space<hbm>>
        tpu.enqueue_dma source(%dma_start3A_296 : memref<16xi32, #tpu.memory_space<hbm>>) target(%arg9 : memref<16xi32, #tpu.memory_space<vmem>>) target_semaphore(%arg21 : memref<!tpu.dma_semaphore, #tpu.memory_space<semaphore_mem>>)
      } else {
      }
      %ge3A = arith.constant 1 : i32
      %ge3A_164 = arith.cmpi sge, %add3A_136, %ge3A : i32
      %convert_element_type3A_165 = arith.extui %ge3A_164 : i1 to i32
      %cond3A_166 = arith.constant 0 : i32
      %cond3A_167 = arith.cmpi ne, %convert_element_type3A_165, %cond3A_166 : i32
      scf.if %cond3A_167 {
        %dma_wait3A_288 = arith.constant 0 : i32
        %dma_wait3A_289 = arith.constant 0 : i32
        %dma_wait3A_290 = tpu.memref_slice %arg6[%dma_wait3A_288, %dma_wait3A_289] : memref<16384x1024xf32, #tpu.memory_space<hbm>> -> memref<16x1024xf32, #tpu.memory_space<hbm>>
        %dma_wait3A_291 = arith.constant 0 : i32
        %dma_wait3A_292 = arith.constant 0 : i32
        %dma_wait3A_293 = tpu.memref_slice %arg6[%dma_wait3A_291, %dma_wait3A_292] : memref<16384x1024xf32, #tpu.memory_space<hbm>> -> memref<16x1024xf32, #tpu.memory_space<hbm>>
        tpu.wait_dma2 semaphore(%arg36 : memref<!tpu.dma_semaphore, #tpu.memory_space<semaphore_mem>>) src(%arg18 : memref<16x1024xf32, #tpu.memory_space<vmem>>) dst(%dma_wait3A_293 : memref<16x1024xf32, #tpu.memory_space<hbm>>)
        %dma_wait3A_294 = arith.constant 0 : i32
        %dma_wait3A_295 = arith.constant 0 : i32
        %dma_wait3A_296 = tpu.memref_slice %arg7[%dma_wait3A_294, %dma_wait3A_295] : memref<16384x1024xf32, #tpu.memory_space<hbm>> -> memref<16x1024xf32, #tpu.memory_space<hbm>>
        %dma_wait3A_297 = arith.constant 0 : i32
        %dma_wait3A_298 = arith.constant 0 : i32
        %dma_wait3A_299 = tpu.memref_slice %arg7[%dma_wait3A_297, %dma_wait3A_298] : memref<16384x1024xf32, #tpu.memory_space<hbm>> -> memref<16x1024xf32, #tpu.memory_space<hbm>>
        tpu.wait_dma2 semaphore(%arg37 : memref<!tpu.dma_semaphore, #tpu.memory_space<semaphore_mem>>) src(%arg19 : memref<16x1024xf32, #tpu.memory_space<vmem>>) dst(%dma_wait3A_299 : memref<16x1024xf32, #tpu.memory_space<hbm>>)
      } else {
      }
      %dma_wait3A_168 = arith.constant 0 : i32
      %dma_wait3A_169 = tpu.memref_slice %arg2[%dma_wait3A_168] : memref<16384xi32, #tpu.memory_space<hbm>> -> memref<16xi32, #tpu.memory_space<hbm>>
      %dma_wait3A_170 = arith.constant 0 : i32
      %dma_wait3A_171 = tpu.memref_slice %arg2[%dma_wait3A_170] : memref<16384xi32, #tpu.memory_space<hbm>> -> memref<16xi32, #tpu.memory_space<hbm>>
      tpu.wait_dma2 semaphore(%arg32 : memref<!tpu.dma_semaphore, #tpu.memory_space<semaphore_mem>>) src(%dma_wait3A_171 : memref<16xi32, #tpu.memory_space<hbm>>) dst(%arg16 : memref<16xi32, #tpu.memory_space<vmem>>)
      %dma_wait3A_172 = arith.constant 0 : i32
      %dma_wait3A_173 = tpu.memref_slice %arg3[%dma_wait3A_172] : memref<16384xi32, #tpu.memory_space<hbm>> -> memref<16xi32, #tpu.memory_space<hbm>>
      %dma_wait3A_174 = arith.constant 0 : i32
      %dma_wait3A_175 = tpu.memref_slice %arg3[%dma_wait3A_174] : memref<16384xi32, #tpu.memory_space<hbm>> -> memref<16xi32, #tpu.memory_space<hbm>>
      tpu.wait_dma2 semaphore(%arg33 : memref<!tpu.dma_semaphore, #tpu.memory_space<semaphore_mem>>) src(%dma_wait3A_175 : memref<16xi32, #tpu.memory_space<hbm>>) dst(%arg17 : memref<16xi32, #tpu.memory_space<vmem>>)
      %dma_start3A_176 = arith.constant 0 : i32
      %dma_start3A_177 = arith.constant 0 : i32
      %dma_start3A_178 = tpu.memref_slice %arg4[%dma_start3A_176, %dma_start3A_177] : memref<100000x1024xf32, #tpu.memory_space<hbm>> -> memref<100000x1024xf32, #tpu.memory_space<hbm>>
      tpu.enqueue_indirect_dma source(%dma_start3A_178 : memref<100000x1024xf32, #tpu.memory_space<hbm>>) target(%arg18 : memref<16x1024xf32, #tpu.memory_space<vmem>>) offsets(%arg16 : memref<16xi32, #tpu.memory_space<vmem>>) semaphore(%arg34 : memref<!tpu.dma_semaphore, #tpu.memory_space<semaphore_mem>>)
      %dma_start3A_179 = arith.constant 0 : i32
      %dma_start3A_180 = arith.constant 0 : i32
      %dma_start3A_181 = tpu.memref_slice %arg5[%dma_start3A_179, %dma_start3A_180] : memref<4096x1024xf32, #tpu.memory_space<hbm>> -> memref<4096x1024xf32, #tpu.memory_space<hbm>>
      tpu.enqueue_indirect_dma source(%dma_start3A_181 : memref<4096x1024xf32, #tpu.memory_space<hbm>>) target(%arg19 : memref<16x1024xf32, #tpu.memory_space<vmem>>) offsets(%arg17 : memref<16xi32, #tpu.memory_space<vmem>>) semaphore(%arg35 : memref<!tpu.dma_semaphore, #tpu.memory_space<semaphore_mem>>)
      %mul3A_182 = arith.constant 3 : i32
      %mul3A_183 = arith.muli %scan3A_132, %mul3A_182 : i32
      %add3A_184 = arith.constant 1 : i32
      %add3A_185 = arith.addi %mul3A_183, %add3A_184 : i32
      %mul3A_186 = arith.constant 16 : i32
      %mul3A_187 = arith.muli %add3A_185, %mul3A_186 : i32
      %add3A_188 = arith.addi %mul3A_2, %mul3A_187 : i32
      %dma_wait3A_189 = arith.constant 0 : i32
      %dma_wait3A_190 = arith.constant 0 : i32
      %dma_wait3A_191 = tpu.memref_slice %arg5[%dma_wait3A_189, %dma_wait3A_190] : memref<4096x1024xf32, #tpu.memory_space<hbm>> -> memref<4096x1024xf32, #tpu.memory_space<hbm>>
      tpu.wait_indirect_dma semaphore(%arg29 : memref<!tpu.dma_semaphore, #tpu.memory_space<semaphore_mem>>) src(%dma_wait3A_191 : memref<4096x1024xf32, #tpu.memory_space<hbm>>) dst(%arg15 : memref<16x1024xf32, #tpu.memory_space<vmem>>)
      %dma_start3A_192 = arith.constant 0 : i32
      %dma_start3A_193 = tpu.memref_slice %arg7[%add3A_188, %dma_start3A_192] : memref<16384x1024xf32, #tpu.memory_space<hbm>> -> memref<16x1024xf32, #tpu.memory_space<hbm>>
      %dma_start3A_194 = arith.constant 0 : i32
      %dma_start3A_195 = tpu.memref_slice %arg7[%add3A_188, %dma_start3A_194] : memref<16384x1024xf32, #tpu.memory_space<hbm>> -> memref<16x1024xf32, #tpu.memory_space<hbm>>
      tpu.enqueue_dma source(%arg15 : memref<16x1024xf32, #tpu.memory_space<vmem>>) target(%dma_start3A_195 : memref<16x1024xf32, #tpu.memory_space<hbm>>) target_semaphore(%arg31 : memref<!tpu.dma_semaphore, #tpu.memory_space<semaphore_mem>>)
      %dma_wait3A_196 = arith.constant 0 : i32
      %dma_wait3A_197 = arith.constant 0 : i32
      %dma_wait3A_198 = tpu.memref_slice %arg4[%dma_wait3A_196, %dma_wait3A_197] : memref<100000x1024xf32, #tpu.memory_space<hbm>> -> memref<100000x1024xf32, #tpu.memory_space<hbm>>
      tpu.wait_indirect_dma semaphore(%arg28 : memref<!tpu.dma_semaphore, #tpu.memory_space<semaphore_mem>>) src(%dma_wait3A_198 : memref<100000x1024xf32, #tpu.memory_space<hbm>>) dst(%arg14 : memref<16x1024xf32, #tpu.memory_space<vmem>>)
      %scan3A_199 = arith.constant 0 : i32
      %scan3A_200 = arith.constant 0 : i32
      %scan3A_201 = arith.constant 16 : i32
      %scan3A_202 = arith.addi %scan3A_200, %scan3A_201 : i32
      %scan3A_203 = arith.constant 1 : i32
      scf.for %scan3A_288 = %scan3A_200 to %scan3A_202 step %scan3A_203  : i32 {
        %get3A = arith.index_cast %scan3A_288 : i32 to index
        %get3A_289 = arith.constant 0 : index
        %get3A_290 = tpu.vector_load %arg15[%get3A, %get3A_289] {strides = array<i32>} : memref<16x1024xf32, #tpu.memory_space<vmem>>, vector<1x16xf32>,
        %get3A_291 = vector.shape_cast %get3A_290 : vector<1x16xf32> to vector<16xf32>
        %swap3A = arith.index_cast %scan3A_288 : i32 to index
        %swap3A_292 = arith.constant 0 : index
        %swap3A_293 = tpu.vector_load %arg14[%swap3A, %swap3A_292] {strides = array<i32>} : memref<16x1024xf32, #tpu.memory_space<vmem>>, vector<1x16xf32>,
        %swap3A_294 = vector.shape_cast %swap3A_293 : vector<1x16xf32> to vector<16xf32>
        %swap3A_295 = vector.shape_cast %get3A_291 : vector<16xf32> to vector<1x16xf32>
        tpu.vector_store %arg14[%swap3A, %swap3A_292], %swap3A_295 {add = true, strides = array<i32>} : memref<16x1024xf32, #tpu.memory_space<vmem>>, vector<1x16xf32>,
        %get3A_296 = arith.index_cast %scan3A_288 : i32 to index
        %get3A_297 = arith.constant 16 : index
        %get3A_298 = tpu.vector_load %arg15[%get3A_296, %get3A_297] {strides = array<i32>} : memref<16x1024xf32, #tpu.memory_space<vmem>>, vector<1x16xf32>,
        %get3A_299 = vector.shape_cast %get3A_298 : vector<1x16xf32> to vector<16xf32>
        %swap3A_300 = arith.index_cast %scan3A_288 : i32 to index
        %swap3A_301 = arith.constant 16 : index
        %swap3A_302 = tpu.vector_load %arg14[%swap3A_300, %swap3A_301] {strides = array<i32>} : memref<16x1024xf32, #tpu.memory_space<vmem>>, vector<1x16xf32>,
        %swap3A_303 = vector.shape_cast %swap3A_302 : vector<1x16xf32> to vector<16xf32>
        %swap3A_304 = vector.shape_cast %get3A_299 : vector<16xf32> to vector<1x16xf32>
        tpu.vector_store %arg14[%swap3A_300, %swap3A_301], %swap3A_304 {add = true, strides = array<i32>} : memref<16x1024xf32, #tpu.memory_space<vmem>>, vector<1x16xf32>,
        %get3A_305 = arith.index_cast %scan3A_288 : i32 to index
        %get3A_306 = arith.constant 32 : index
        %get3A_307 = tpu.vector_load %arg15[%get3A_305, %get3A_306] {strides = array<i32>} : memref<16x1024xf32, #tpu.memory_space<vmem>>, vector<1x16xf32>,
        %get3A_308 = vector.shape_cast %get3A_307 : vector<1x16xf32> to vector<16xf32>
        %swap3A_309 = arith.index_cast %scan3A_288 : i32 to index
        %swap3A_310 = arith.constant 32 : index
        %swap3A_311 = tpu.vector_load %arg14[%swap3A_309, %swap3A_310] {strides = array<i32>} : memref<16x1024xf32, #tpu.memory_space<vmem>>, vector<1x16xf32>,
        %swap3A_312 = vector.shape_cast %swap3A_311 : vector<1x16xf32> to vector<16xf32>
        %swap3A_313 = vector.shape_cast %get3A_308 : vector<16xf32> to vector<1x16xf32>
        tpu.vector_store %arg14[%swap3A_309, %swap3A_310], %swap3A_313 {add = true, strides = array<i32>} : memref<16x1024xf32, #tpu.memory_space<vmem>>, vector<1x16xf32>,
        %get3A_314 = arith.index_cast %scan3A_288 : i32 to index
        %get3A_315 = arith.constant 48 : index
        %get3A_316 = tpu.vector_load %arg15[%get3A_314, %get3A_315] {strides = array<i32>} : memref<16x1024xf32, #tpu.memory_space<vmem>>, vector<1x16xf32>,
        %get3A_317 = vector.shape_cast %get3A_316 : vector<1x16xf32> to vector<16xf32>
        %swap3A_318 = arith.index_cast %scan3A_288 : i32 to index
        %swap3A_319 = arith.constant 48 : index
        %swap3A_320 = tpu.vector_load %arg14[%swap3A_318, %swap3A_319] {strides = array<i32>} : memref<16x1024xf32, #tpu.memory_space<vmem>>, vector<1x16xf32>,
        %swap3A_321 = vector.shape_cast %swap3A_320 : vector<1x16xf32> to vector<16xf32>
        %swap3A_322 = vector.shape_cast %get3A_317 : vector<16xf32> to vector<1x16xf32>
        tpu.vector_store %arg14[%swap3A_318, %swap3A_319], %swap3A_322 {add = true, strides = array<i32>} : memref<16x1024xf32, #tpu.memory_space<vmem>>, vector<1x16xf32>,
        %get3A_323 = arith.index_cast %scan3A_288 : i32 to index
        %get3A_324 = arith.constant 64 : index
        %get3A_325 = tpu.vector_load %arg15[%get3A_323, %get3A_324] {strides = array<i32>} : memref<16x1024xf32, #tpu.memory_space<vmem>>, vector<1x16xf32>,
        %get3A_326 = vector.shape_cast %get3A_325 : vector<1x16xf32> to vector<16xf32>
        %swap3A_327 = arith.index_cast %scan3A_288 : i32 to index
        %swap3A_328 = arith.constant 64 : index
        %swap3A_329 = tpu.vector_load %arg14[%swap3A_327, %swap3A_328] {strides = array<i32>} : memref<16x1024xf32, #tpu.memory_space<vmem>>, vector<1x16xf32>,
        %swap3A_330 = vector.shape_cast %swap3A_329 : vector<1x16xf32> to vector<16xf32>
        %swap3A_331 = vector.shape_cast %get3A_326 : vector<16xf32> to vector<1x16xf32>
        tpu.vector_store %arg14[%swap3A_327, %swap3A_328], %swap3A_331 {add = true, strides = array<i32>} : memref<16x1024xf32, #tpu.memory_space<vmem>>, vector<1x16xf32>,
        %get3A_332 = arith.index_cast %scan3A_288 : i32 to index
        %get3A_333 = arith.constant 80 : index
        %get3A_334 = tpu.vector_load %arg15[%get3A_332, %get3A_333] {strides = array<i32>} : memref<16x1024xf32, #tpu.memory_space<vmem>>, vector<1x16xf32>,
        %get3A_335 = vector.shape_cast %get3A_334 : vector<1x16xf32> to vector<16xf32>
        %swap3A_336 = arith.index_cast %scan3A_288 : i32 to index
        %swap3A_337 = arith.constant 80 : index
        %swap3A_338 = tpu.vector_load %arg14[%swap3A_336, %swap3A_337] {strides = array<i32>} : memref<16x1024xf32, #tpu.memory_space<vmem>>, vector<1x16xf32>,
        %swap3A_339 = vector.shape_cast %swap3A_338 : vector<1x16xf32> to vector<16xf32>
        %swap3A_340 = vector.shape_cast %get3A_335 : vector<16xf32> to vector<1x16xf32>
        tpu.vector_store %arg14[%swap3A_336, %swap3A_337], %swap3A_340 {add = true, strides = array<i32>} : memref<16x1024xf32, #tpu.memory_space<vmem>>, vector<1x16xf32>,
        %get3A_341 = arith.index_cast %scan3A_288 : i32 to index
        %get3A_342 = arith.constant 96 : index
        %get3A_343 = tpu.vector_load %arg15[%get3A_341, %get3A_342] {strides = array<i32>} : memref<16x1024xf32, #tpu.memory_space<vmem>>, vector<1x16xf32>,
        %get3A_344 = vector.shape_cast %get3A_343 : vector<1x16xf32> to vector<16xf32>
        %swap3A_345 = arith.index_cast %scan3A_288 : i32 to index
        %swap3A_346 = arith.constant 96 : index
        %swap3A_347 = tpu.vector_load %arg14[%swap3A_345, %swap3A_346] {strides = array<i32>} : memref<16x1024xf32, #tpu.memory_space<vmem>>, vector<1x16xf32>,
        %swap3A_348 = vector.shape_cast %swap3A_347 : vector<1x16xf32> to vector<16xf32>
        %swap3A_349 = vector.shape_cast %get3A_344 : vector<16xf32> to vector<1x16xf32>
        tpu.vector_store %arg14[%swap3A_345, %swap3A_346], %swap3A_349 {add = true, strides = array<i32>} : memref<16x1024xf32, #tpu.memory_space<vmem>>, vector<1x16xf32>,
        %get3A_350 = arith.index_cast %scan3A_288 : i32 to index
        %get3A_351 = arith.constant 112 : index
        %get3A_352 = tpu.vector_load %arg15[%get3A_350, %get3A_351] {strides = array<i32>} : memref<16x1024xf32, #tpu.memory_space<vmem>>, vector<1x16xf32>,
        %get3A_353 = vector.shape_cast %get3A_352 : vector<1x16xf32> to vector<16xf32>
        %swap3A_354 = arith.index_cast %scan3A_288 : i32 to index
        %swap3A_355 = arith.constant 112 : index
        %swap3A_356 = tpu.vector_load %arg14[%swap3A_354, %swap3A_355] {strides = array<i32>} : memref<16x1024xf32, #tpu.memory_space<vmem>>, vector<1x16xf32>,
        %swap3A_357 = vector.shape_cast %swap3A_356 : vector<1x16xf32> to vector<16xf32>
        %swap3A_358 = vector.shape_cast %get3A_353 : vector<16xf32> to vector<1x16xf32>
        tpu.vector_store %arg14[%swap3A_354, %swap3A_355], %swap3A_358 {add = true, strides = array<i32>} : memref<16x1024xf32, #tpu.memory_space<vmem>>, vector<1x16xf32>,
        %get3A_359 = arith.index_cast %scan3A_288 : i32 to index
        %get3A_360 = arith.constant 128 : index
        %get3A_361 = tpu.vector_load %arg15[%get3A_359, %get3A_360] {strides = array<i32>} : memref<16x1024xf32, #tpu.memory_space<vmem>>, vector<1x16xf32>,
        %get3A_362 = vector.shape_cast %get3A_361 : vector<1x16xf32> to vector<16xf32>
        %swap3A_363 = arith.index_cast %scan3A_288 : i32 to index
        %swap3A_364 = arith.constant 128 : index
        %swap3A_365 = tpu.vector_load %arg14[%swap3A_363, %swap3A_364] {strides = array<i32>} : memref<16x1024xf32, #tpu.memory_space<vmem>>, vector<1x16xf32>,
        %swap3A_366 = vector.shape_cast %swap3A_365 : vector<1x16xf32> to vector<16xf32>
        %swap3A_367 = vector.shape_cast %get3A_362 : vector<16xf32> to vector<1x16xf32>
        tpu.vector_store %arg14[%swap3A_363, %swap3A_364], %swap3A_367 {add = true, strides = array<i32>} : memref<16x1024xf32, #tpu.memory_space<vmem>>, vector<1x16xf32>,
        %get3A_368 = arith.index_cast %scan3A_288 : i32 to index
        %get3A_369 = arith.constant 144 : index
        %get3A_370 = tpu.vector_load %arg15[%get3A_368, %get3A_369] {strides = array<i32>} : memref<16x1024xf32, #tpu.memory_space<vmem>>, vector<1x16xf32>,
        %get3A_371 = vector.shape_cast %get3A_370 : vector<1x16xf32> to vector<16xf32>
        %swap3A_372 = arith.index_cast %scan3A_288 : i32 to index
        %swap3A_373 = arith.constant 144 : index
        %swap3A_374 = tpu.vector_load %arg14[%swap3A_372, %swap3A_373] {strides = array<i32>} : memref<16x1024xf32, #tpu.memory_space<vmem>>, vector<1x16xf32>,
        %swap3A_375 = vector.shape_cast %swap3A_374 : vector<1x16xf32> to vector<16xf32>
        %swap3A_376 = vector.shape_cast %get3A_371 : vector<16xf32> to vector<1x16xf32>
        tpu.vector_store %arg14[%swap3A_372, %swap3A_373], %swap3A_376 {add = true, strides = array<i32>} : memref<16x1024xf32, #tpu.memory_space<vmem>>, vector<1x16xf32>,
        %get3A_377 = arith.index_cast %scan3A_288 : i32 to index
        %get3A_378 = arith.constant 160 : index
        %get3A_379 = tpu.vector_load %arg15[%get3A_377, %get3A_378] {strides = array<i32>} : memref<16x1024xf32, #tpu.memory_space<vmem>>, vector<1x16xf32>,
        %get3A_380 = vector.shape_cast %get3A_379 : vector<1x16xf32> to vector<16xf32>
        %swap3A_381 = arith.index_cast %scan3A_288 : i32 to index
        %swap3A_382 = arith.constant 160 : index
        %swap3A_383 = tpu.vector_load %arg14[%swap3A_381, %swap3A_382] {strides = array<i32>} : memref<16x1024xf32, #tpu.memory_space<vmem>>, vector<1x16xf32>,
        %swap3A_384 = vector.shape_cast %swap3A_383 : vector<1x16xf32> to vector<16xf32>
        %swap3A_385 = vector.shape_cast %get3A_380 : vector<16xf32> to vector<1x16xf32>
        tpu.vector_store %arg14[%swap3A_381, %swap3A_382], %swap3A_385 {add = true, strides = array<i32>} : memref<16x1024xf32, #tpu.memory_space<vmem>>, vector<1x16xf32>,
        %get3A_386 = arith.index_cast %scan3A_288 : i32 to index
        %get3A_387 = arith.constant 176 : index
        %get3A_388 = tpu.vector_load %arg15[%get3A_386, %get3A_387] {strides = array<i32>} : memref<16x1024xf32, #tpu.memory_space<vmem>>, vector<1x16xf32>,
        %get3A_389 = vector.shape_cast %get3A_388 : vector<1x16xf32> to vector<16xf32>
        %swap3A_390 = arith.index_cast %scan3A_288 : i32 to index
        %swap3A_391 = arith.constant 176 : index
        %swap3A_392 = tpu.vector_load %arg14[%swap3A_390, %swap3A_391] {strides = array<i32>} : memref<16x1024xf32, #tpu.memory_space<vmem>>, vector<1x16xf32>,
        %swap3A_393 = vector.shape_cast %swap3A_392 : vector<1x16xf32> to vector<16xf32>
        %swap3A_394 = vector.shape_cast %get3A_389 : vector<16xf32> to vector<1x16xf32>
        tpu.vector_store %arg14[%swap3A_390, %swap3A_391], %swap3A_394 {add = true, strides = array<i32>} : memref<16x1024xf32, #tpu.memory_space<vmem>>, vector<1x16xf32>,
        %get3A_395 = arith.index_cast %scan3A_288 : i32 to index
        %get3A_396 = arith.constant 192 : index
        %get3A_397 = tpu.vector_load %arg15[%get3A_395, %get3A_396] {strides = array<i32>} : memref<16x1024xf32, #tpu.memory_space<vmem>>, vector<1x16xf32>,
        %get3A_398 = vector.shape_cast %get3A_397 : vector<1x16xf32> to vector<16xf32>
        %swap3A_399 = arith.index_cast %scan3A_288 : i32 to index
        %swap3A_400 = arith.constant 192 : index
        %swap3A_401 = tpu.vector_load %arg14[%swap3A_399, %swap3A_400] {strides = array<i32>} : memref<16x1024xf32, #tpu.memory_space<vmem>>, vector<1x16xf32>,
        %swap3A_402 = vector.shape_cast %swap3A_401 : vector<1x16xf32> to vector<16xf32>
        %swap3A_403 = vector.shape_cast %get3A_398 : vector<16xf32> to vector<1x16xf32>
        tpu.vector_store %arg14[%swap3A_399, %swap3A_400], %swap3A_403 {add = true, strides = array<i32>} : memref<16x1024xf32, #tpu.memory_space<vmem>>, vector<1x16xf32>,
        %get3A_404 = arith.index_cast %scan3A_288 : i32 to index
        %get3A_405 = arith.constant 208 : index
        %get3A_406 = tpu.vector_load %arg15[%get3A_404, %get3A_405] {strides = array<i32>} : memref<16x1024xf32, #tpu.memory_space<vmem>>, vector<1x16xf32>,
        %get3A_407 = vector.shape_cast %get3A_406 : vector<1x16xf32> to vector<16xf32>
        %swap3A_408 = arith.index_cast %scan3A_288 : i32 to index
        %swap3A_409 = arith.constant 208 : index
        %swap3A_410 = tpu.vector_load %arg14[%swap3A_408, %swap3A_409] {strides = array<i32>} : memref<16x1024xf32, #tpu.memory_space<vmem>>, vector<1x16xf32>,
        %swap3A_411 = vector.shape_cast %swap3A_410 : vector<1x16xf32> to vector<16xf32>
        %swap3A_412 = vector.shape_cast %get3A_407 : vector<16xf32> to vector<1x16xf32>
        tpu.vector_store %arg14[%swap3A_408, %swap3A_409], %swap3A_412 {add = true, strides = array<i32>} : memref<16x1024xf32, #tpu.memory_space<vmem>>, vector<1x16xf32>,
        %get3A_413 = arith.index_cast %scan3A_288 : i32 to index
        %get3A_414 = arith.constant 224 : index
        %get3A_415 = tpu.vector_load %arg15[%get3A_413, %get3A_414] {strides = array<i32>} : memref<16x1024xf32, #tpu.memory_space<vmem>>, vector<1x16xf32>,
        %get3A_416 = vector.shape_cast %get3A_415 : vector<1x16xf32> to vector<16xf32>
        %swap3A_417 = arith.index_cast %scan3A_288 : i32 to index
        %swap3A_418 = arith.constant 224 : index
        %swap3A_419 = tpu.vector_load %arg14[%swap3A_417, %swap3A_418] {strides = array<i32>} : memref<16x1024xf32, #tpu.memory_space<vmem>>, vector<1x16xf32>,
        %swap3A_420 = vector.shape_cast %swap3A_419 : vector<1x16xf32> to vector<16xf32>
        %swap3A_421 = vector.shape_cast %get3A_416 : vector<16xf32> to vector<1x16xf32>
        tpu.vector_store %arg14[%swap3A_417, %swap3A_418], %swap3A_421 {add = true, strides = array<i32>} : memref<16x1024xf32, #tpu.memory_space<vmem>>, vector<1x16xf32>,
        %get3A_422 = arith.index_cast %scan3A_288 : i32 to index
        %get3A_423 = arith.constant 240 : index
        %get3A_424 = tpu.vector_load %arg15[%get3A_422, %get3A_423] {strides = array<i32>} : memref<16x1024xf32, #tpu.memory_space<vmem>>, vector<1x16xf32>,
        %get3A_425 = vector.shape_cast %get3A_424 : vector<1x16xf32> to vector<16xf32>
        %swap3A_426 = arith.index_cast %scan3A_288 : i32 to index
        %swap3A_427 = arith.constant 240 : index
        %swap3A_428 = tpu.vector_load %arg14[%swap3A_426, %swap3A_427] {strides = array<i32>} : memref<16x1024xf32, #tpu.memory_space<vmem>>, vector<1x16xf32>,
        %swap3A_429 = vector.shape_cast %swap3A_428 : vector<1x16xf32> to vector<16xf32>
        %swap3A_430 = vector.shape_cast %get3A_425 : vector<16xf32> to vector<1x16xf32>
        tpu.vector_store %arg14[%swap3A_426, %swap3A_427], %swap3A_430 {add = true, strides = array<i32>} : memref<16x1024xf32, #tpu.memory_space<vmem>>, vector<1x16xf32>,
        %get3A_431 = arith.index_cast %scan3A_288 : i32 to index
        %get3A_432 = arith.constant 256 : index
        %get3A_433 = tpu.vector_load %arg15[%get3A_431, %get3A_432] {strides = array<i32>} : memref<16x1024xf32, #tpu.memory_space<vmem>>, vector<1x16xf32>,
        %get3A_434 = vector.shape_cast %get3A_433 : vector<1x16xf32> to vector<16xf32>
        %swap3A_435 = arith.index_cast %scan3A_288 : i32 to index
        %swap3A_436 = arith.constant 256 : index
        %swap3A_437 = tpu.vector_load %arg14[%swap3A_435, %swap3A_436] {strides = array<i32>} : memref<16x1024xf32, #tpu.memory_space<vmem>>, vector<1x16xf32>,
        %swap3A_438 = vector.shape_cast %swap3A_437 : vector<1x16xf32> to vector<16xf32>
        %swap3A_439 = vector.shape_cast %get3A_434 : vector<16xf32> to vector<1x16xf32>
        tpu.vector_store %arg14[%swap3A_435, %swap3A_436], %swap3A_439 {add = true, strides = array<i32>} : memref<16x1024xf32, #tpu.memory_space<vmem>>, vector<1x16xf32>,
        %get3A_440 = arith.index_cast %scan3A_288 : i32 to index
        %get3A_441 = arith.constant 272 : index
        %get3A_442 = tpu.vector_load %arg15[%get3A_440, %get3A_441] {strides = array<i32>} : memref<16x1024xf32, #tpu.memory_space<vmem>>, vector<1x16xf32>,
        %get3A_443 = vector.shape_cast %get3A_442 : vector<1x16xf32> to vector<16xf32>
        %swap3A_444 = arith.index_cast %scan3A_288 : i32 to index
        %swap3A_445 = arith.constant 272 : index
        %swap3A_446 = tpu.vector_load %arg14[%swap3A_444, %swap3A_445] {strides = array<i32>} : memref<16x1024xf32, #tpu.memory_space<vmem>>, vector<1x16xf32>,
        %swap3A_447 = vector.shape_cast %swap3A_446 : vector<1x16xf32> to vector<16xf32>
        %swap3A_448 = vector.shape_cast %get3A_443 : vector<16xf32> to vector<1x16xf32>
        tpu.vector_store %arg14[%swap3A_444, %swap3A_445], %swap3A_448 {add = true, strides = array<i32>} : memref<16x1024xf32, #tpu.memory_space<vmem>>, vector<1x16xf32>,
        %get3A_449 = arith.index_cast %scan3A_288 : i32 to index
        %get3A_450 = arith.constant 288 : index
        %get3A_451 = tpu.vector_load %arg15[%get3A_449, %get3A_450] {strides = array<i32>} : memref<16x1024xf32, #tpu.memory_space<vmem>>, vector<1x16xf32>,
        %get3A_452 = vector.shape_cast %get3A_451 : vector<1x16xf32> to vector<16xf32>
        %swap3A_453 = arith.index_cast %scan3A_288 : i32 to index
        %swap3A_454 = arith.constant 288 : index
        %swap3A_455 = tpu.vector_load %arg14[%swap3A_453, %swap3A_454] {strides = array<i32>} : memref<16x1024xf32, #tpu.memory_space<vmem>>, vector<1x16xf32>,
        %swap3A_456 = vector.shape_cast %swap3A_455 : vector<1x16xf32> to vector<16xf32>
        %swap3A_457 = vector.shape_cast %get3A_452 : vector<16xf32> to vector<1x16xf32>
        tpu.vector_store %arg14[%swap3A_453, %swap3A_454], %swap3A_457 {add = true, strides = array<i32>} : memref<16x1024xf32, #tpu.memory_space<vmem>>, vector<1x16xf32>,
        %get3A_458 = arith.index_cast %scan3A_288 : i32 to index
        %get3A_459 = arith.constant 304 : index
        %get3A_460 = tpu.vector_load %arg15[%get3A_458, %get3A_459] {strides = array<i32>} : memref<16x1024xf32, #tpu.memory_space<vmem>>, vector<1x16xf32>,
        %get3A_461 = vector.shape_cast %get3A_460 : vector<1x16xf32> to vector<16xf32>
        %swap3A_462 = arith.index_cast %scan3A_288 : i32 to index
        %swap3A_463 = arith.constant 304 : index
        %swap3A_464 = tpu.vector_load %arg14[%swap3A_462, %swap3A_463] {strides = array<i32>} : memref<16x1024xf32, #tpu.memory_space<vmem>>, vector<1x16xf32>,
        %swap3A_465 = vector.shape_cast %swap3A_464 : vector<1x16xf32> to vector<16xf32>
        %swap3A_466 = vector.shape_cast %get3A_461 : vector<16xf32> to vector<1x16xf32>
        tpu.vector_store %arg14[%swap3A_462, %swap3A_463], %swap3A_466 {add = true, strides = array<i32>} : memref<16x1024xf32, #tpu.memory_space<vmem>>, vector<1x16xf32>,
        %get3A_467 = arith.index_cast %scan3A_288 : i32 to index
        %get3A_468 = arith.constant 320 : index
        %get3A_469 = tpu.vector_load %arg15[%get3A_467, %get3A_468] {strides = array<i32>} : memref<16x1024xf32, #tpu.memory_space<vmem>>, vector<1x16xf32>,
        %get3A_470 = vector.shape_cast %get3A_469 : vector<1x16xf32> to vector<16xf32>
        %swap3A_471 = arith.index_cast %scan3A_288 : i32 to index
        %swap3A_472 = arith.constant 320 : index
        %swap3A_473 = tpu.vector_load %arg14[%swap3A_471, %swap3A_472] {strides = array<i32>} : memref<16x1024xf32, #tpu.memory_space<vmem>>, vector<1x16xf32>,
        %swap3A_474 = vector.shape_cast %swap3A_473 : vector<1x16xf32> to vector<16xf32>
        %swap3A_475 = vector.shape_cast %get3A_470 : vector<16xf32> to vector<1x16xf32>
        tpu.vector_store %arg14[%swap3A_471, %swap3A_472], %swap3A_475 {add = true, strides = array<i32>} : memref<16x1024xf32, #tpu.memory_space<vmem>>, vector<1x16xf32>,
        %get3A_476 = arith.index_cast %scan3A_288 : i32 to index
        %get3A_477 = arith.constant 336 : index
        %get3A_478 = tpu.vector_load %arg15[%get3A_476, %get3A_477] {strides = array<i32>} : memref<16x1024xf32, #tpu.memory_space<vmem>>, vector<1x16xf32>,
        %get3A_479 = vector.shape_cast %get3A_478 : vector<1x16xf32> to vector<16xf32>
        %swap3A_480 = arith.index_cast %scan3A_288 : i32 to index
        %swap3A_481 = arith.constant 336 : index
        %swap3A_482 = tpu.vector_load %arg14[%swap3A_480, %swap3A_481] {strides = array<i32>} : memref<16x1024xf32, #tpu.memory_space<vmem>>, vector<1x16xf32>,
        %swap3A_483 = vector.shape_cast %swap3A_482 : vector<1x16xf32> to vector<16xf32>
        %swap3A_484 = vector.shape_cast %get3A_479 : vector<16xf32> to vector<1x16xf32>
        tpu.vector_store %arg14[%swap3A_480, %swap3A_481], %swap3A_484 {add = true, strides = array<i32>} : memref<16x1024xf32, #tpu.memory_space<vmem>>, vector<1x16xf32>,
        %get3A_485 = arith.index_cast %scan3A_288 : i32 to index
        %get3A_486 = arith.constant 352 : index
        %get3A_487 = tpu.vector_load %arg15[%get3A_485, %get3A_486] {strides = array<i32>} : memref<16x1024xf32, #tpu.memory_space<vmem>>, vector<1x16xf32>,
        %get3A_488 = vector.shape_cast %get3A_487 : vector<1x16xf32> to vector<16xf32>
        %swap3A_489 = arith.index_cast %scan3A_288 : i32 to index
        %swap3A_490 = arith.constant 352 : index
        %swap3A_491 = tpu.vector_load %arg14[%swap3A_489, %swap3A_490] {strides = array<i32>} : memref<16x1024xf32, #tpu.memory_space<vmem>>, vector<1x16xf32>,
        %swap3A_492 = vector.shape_cast %swap3A_491 : vector<1x16xf32> to vector<16xf32>
        %swap3A_493 = vector.shape_cast %get3A_488 : vector<16xf32> to vector<1x16xf32>
        tpu.vector_store %arg14[%swap3A_489, %swap3A_490], %swap3A_493 {add = true, strides = array<i32>} : memref<16x1024xf32, #tpu.memory_space<vmem>>, vector<1x16xf32>,
        %get3A_494 = arith.index_cast %scan3A_288 : i32 to index
        %get3A_495 = arith.constant 368 : index
        %get3A_496 = tpu.vector_load %arg15[%get3A_494, %get3A_495] {strides = array<i32>} : memref<16x1024xf32, #tpu.memory_space<vmem>>, vector<1x16xf32>,
        %get3A_497 = vector.shape_cast %get3A_496 : vector<1x16xf32> to vector<16xf32>
        %swap3A_498 = arith.index_cast %scan3A_288 : i32 to index
        %swap3A_499 = arith.constant 368 : index
        %swap3A_500 = tpu.vector_load %arg14[%swap3A_498, %swap3A_499] {strides = array<i32>} : memref<16x1024xf32, #tpu.memory_space<vmem>>, vector<1x16xf32>,
        %swap3A_501 = vector.shape_cast %swap3A_500 : vector<1x16xf32> to vector<16xf32>
        %swap3A_502 = vector.shape_cast %get3A_497 : vector<16xf32> to vector<1x16xf32>
        tpu.vector_store %arg14[%swap3A_498, %swap3A_499], %swap3A_502 {add = true, strides = array<i32>} : memref<16x1024xf32, #tpu.memory_space<vmem>>, vector<1x16xf32>,
        %get3A_503 = arith.index_cast %scan3A_288 : i32 to index
        %get3A_504 = arith.constant 384 : index
        %get3A_505 = tpu.vector_load %arg15[%get3A_503, %get3A_504] {strides = array<i32>} : memref<16x1024xf32, #tpu.memory_space<vmem>>, vector<1x16xf32>,
        %get3A_506 = vector.shape_cast %get3A_505 : vector<1x16xf32> to vector<16xf32>
        %swap3A_507 = arith.index_cast %scan3A_288 : i32 to index
        %swap3A_508 = arith.constant 384 : index
        %swap3A_509 = tpu.vector_load %arg14[%swap3A_507, %swap3A_508] {strides = array<i32>} : memref<16x1024xf32, #tpu.memory_space<vmem>>, vector<1x16xf32>,
        %swap3A_510 = vector.shape_cast %swap3A_509 : vector<1x16xf32> to vector<16xf32>
        %swap3A_511 = vector.shape_cast %get3A_506 : vector<16xf32> to vector<1x16xf32>
        tpu.vector_store %arg14[%swap3A_507, %swap3A_508], %swap3A_511 {add = true, strides = array<i32>} : memref<16x1024xf32, #tpu.memory_space<vmem>>, vector<1x16xf32>,
        %get3A_512 = arith.index_cast %scan3A_288 : i32 to index
        %get3A_513 = arith.constant 400 : index
        %get3A_514 = tpu.vector_load %arg15[%get3A_512, %get3A_513] {strides = array<i32>} : memref<16x1024xf32, #tpu.memory_space<vmem>>, vector<1x16xf32>,
        %get3A_515 = vector.shape_cast %get3A_514 : vector<1x16xf32> to vector<16xf32>
        %swap3A_516 = arith.index_cast %scan3A_288 : i32 to index
        %swap3A_517 = arith.constant 400 : index
        %swap3A_518 = tpu.vector_load %arg14[%swap3A_516, %swap3A_517] {strides = array<i32>} : memref<16x1024xf32, #tpu.memory_space<vmem>>, vector<1x16xf32>,
        %swap3A_519 = vector.shape_cast %swap3A_518 : vector<1x16xf32> to vector<16xf32>
        %swap3A_520 = vector.shape_cast %get3A_515 : vector<16xf32> to vector<1x16xf32>
        tpu.vector_store %arg14[%swap3A_516, %swap3A_517], %swap3A_520 {add = true, strides = array<i32>} : memref<16x1024xf32, #tpu.memory_space<vmem>>, vector<1x16xf32>,
        %get3A_521 = arith.index_cast %scan3A_288 : i32 to index
        %get3A_522 = arith.constant 416 : index
        %get3A_523 = tpu.vector_load %arg15[%get3A_521, %get3A_522] {strides = array<i32>} : memref<16x1024xf32, #tpu.memory_space<vmem>>, vector<1x16xf32>,
        %get3A_524 = vector.shape_cast %get3A_523 : vector<1x16xf32> to vector<16xf32>
        %swap3A_525 = arith.index_cast %scan3A_288 : i32 to index
        %swap3A_526 = arith.constant 416 : index
        %swap3A_527 = tpu.vector_load %arg14[%swap3A_525, %swap3A_526] {strides = array<i32>} : memref<16x1024xf32, #tpu.memory_space<vmem>>, vector<1x16xf32>,
        %swap3A_528 = vector.shape_cast %swap3A_527 : vector<1x16xf32> to vector<16xf32>
        %swap3A_529 = vector.shape_cast %get3A_524 : vector<16xf32> to vector<1x16xf32>
        tpu.vector_store %arg14[%swap3A_525, %swap3A_526], %swap3A_529 {add = true, strides = array<i32>} : memref<16x1024xf32, #tpu.memory_space<vmem>>, vector<1x16xf32>,
        %get3A_530 = arith.index_cast %scan3A_288 : i32 to index
        %get3A_531 = arith.constant 432 : index
        %get3A_532 = tpu.vector_load %arg15[%get3A_530, %get3A_531] {strides = array<i32>} : memref<16x1024xf32, #tpu.memory_space<vmem>>, vector<1x16xf32>,
        %get3A_533 = vector.shape_cast %get3A_532 : vector<1x16xf32> to vector<16xf32>
        %swap3A_534 = arith.index_cast %scan3A_288 : i32 to index
        %swap3A_535 = arith.constant 432 : index
        %swap3A_536 = tpu.vector_load %arg14[%swap3A_534, %swap3A_535] {strides = array<i32>} : memref<16x1024xf32, #tpu.memory_space<vmem>>, vector<1x16xf32>,
        %swap3A_537 = vector.shape_cast %swap3A_536 : vector<1x16xf32> to vector<16xf32>
        %swap3A_538 = vector.shape_cast %get3A_533 : vector<16xf32> to vector<1x16xf32>
        tpu.vector_store %arg14[%swap3A_534, %swap3A_535], %swap3A_538 {add = true, strides = array<i32>} : memref<16x1024xf32, #tpu.memory_space<vmem>>, vector<1x16xf32>,
        %get3A_539 = arith.index_cast %scan3A_288 : i32 to index
        %get3A_540 = arith.constant 448 : index
        %get3A_541 = tpu.vector_load %arg15[%get3A_539, %get3A_540] {strides = array<i32>} : memref<16x1024xf32, #tpu.memory_space<vmem>>, vector<1x16xf32>,
        %get3A_542 = vector.shape_cast %get3A_541 : vector<1x16xf32> to vector<16xf32>
        %swap3A_543 = arith.index_cast %scan3A_288 : i32 to index
        %swap3A_544 = arith.constant 448 : index
        %swap3A_545 = tpu.vector_load %arg14[%swap3A_543, %swap3A_544] {strides = array<i32>} : memref<16x1024xf32, #tpu.memory_space<vmem>>, vector<1x16xf32>,
        %swap3A_546 = vector.shape_cast %swap3A_545 : vector<1x16xf32> to vector<16xf32>
        %swap3A_547 = vector.shape_cast %get3A_542 : vector<16xf32> to vector<1x16xf32>
        tpu.vector_store %arg14[%swap3A_543, %swap3A_544], %swap3A_547 {add = true, strides = array<i32>} : memref<16x1024xf32, #tpu.memory_space<vmem>>, vector<1x16xf32>,
        %get3A_548 = arith.index_cast %scan3A_288 : i32 to index
        %get3A_549 = arith.constant 464 : index
        %get3A_550 = tpu.vector_load %arg15[%get3A_548, %get3A_549] {strides = array<i32>} : memref<16x1024xf32, #tpu.memory_space<vmem>>, vector<1x16xf32>,
        %get3A_551 = vector.shape_cast %get3A_550 : vector<1x16xf32> to vector<16xf32>
        %swap3A_552 = arith.index_cast %scan3A_288 : i32 to index
        %swap3A_553 = arith.constant 464 : index
        %swap3A_554 = tpu.vector_load %arg14[%swap3A_552, %swap3A_553] {strides = array<i32>} : memref<16x1024xf32, #tpu.memory_space<vmem>>, vector<1x16xf32>,
        %swap3A_555 = vector.shape_cast %swap3A_554 : vector<1x16xf32> to vector<16xf32>
        %swap3A_556 = vector.shape_cast %get3A_551 : vector<16xf32> to vector<1x16xf32>
        tpu.vector_store %arg14[%swap3A_552, %swap3A_553], %swap3A_556 {add = true, strides = array<i32>} : memref<16x1024xf32, #tpu.memory_space<vmem>>, vector<1x16xf32>,
        %get3A_557 = arith.index_cast %scan3A_288 : i32 to index
        %get3A_558 = arith.constant 480 : index
        %get3A_559 = tpu.vector_load %arg15[%get3A_557, %get3A_558] {strides = array<i32>} : memref<16x1024xf32, #tpu.memory_space<vmem>>, vector<1x16xf32>,
        %get3A_560 = vector.shape_cast %get3A_559 : vector<1x16xf32> to vector<16xf32>
        %swap3A_561 = arith.index_cast %scan3A_288 : i32 to index
        %swap3A_562 = arith.constant 480 : index
        %swap3A_563 = tpu.vector_load %arg14[%swap3A_561, %swap3A_562] {strides = array<i32>} : memref<16x1024xf32, #tpu.memory_space<vmem>>, vector<1x16xf32>,
        %swap3A_564 = vector.shape_cast %swap3A_563 : vector<1x16xf32> to vector<16xf32>
        %swap3A_565 = vector.shape_cast %get3A_560 : vector<16xf32> to vector<1x16xf32>
        tpu.vector_store %arg14[%swap3A_561, %swap3A_562], %swap3A_565 {add = true, strides = array<i32>} : memref<16x1024xf32, #tpu.memory_space<vmem>>, vector<1x16xf32>,
        %get3A_566 = arith.index_cast %scan3A_288 : i32 to index
        %get3A_567 = arith.constant 496 : index
        %get3A_568 = tpu.vector_load %arg15[%get3A_566, %get3A_567] {strides = array<i32>} : memref<16x1024xf32, #tpu.memory_space<vmem>>, vector<1x16xf32>,
        %get3A_569 = vector.shape_cast %get3A_568 : vector<1x16xf32> to vector<16xf32>
        %swap3A_570 = arith.index_cast %scan3A_288 : i32 to index
        %swap3A_571 = arith.constant 496 : index
        %swap3A_572 = tpu.vector_load %arg14[%swap3A_570, %swap3A_571] {strides = array<i32>} : memref<16x1024xf32, #tpu.memory_space<vmem>>, vector<1x16xf32>,
        %swap3A_573 = vector.shape_cast %swap3A_572 : vector<1x16xf32> to vector<16xf32>
        %swap3A_574 = vector.shape_cast %get3A_569 : vector<16xf32> to vector<1x16xf32>
        tpu.vector_store %arg14[%swap3A_570, %swap3A_571], %swap3A_574 {add = true, strides = array<i32>} : memref<16x1024xf32, #tpu.memory_space<vmem>>, vector<1x16xf32>,
        %get3A_575 = arith.index_cast %scan3A_288 : i32 to index
        %get3A_576 = arith.constant 512 : index
        %get3A_577 = tpu.vector_load %arg15[%get3A_575, %get3A_576] {strides = array<i32>} : memref<16x1024xf32, #tpu.memory_space<vmem>>, vector<1x16xf32>,
        %get3A_578 = vector.shape_cast %get3A_577 : vector<1x16xf32> to vector<16xf32>
        %swap3A_579 = arith.index_cast %scan3A_288 : i32 to index
        %swap3A_580 = arith.constant 512 : index
        %swap3A_581 = tpu.vector_load %arg14[%swap3A_579, %swap3A_580] {strides = array<i32>} : memref<16x1024xf32, #tpu.memory_space<vmem>>, vector<1x16xf32>,
        %swap3A_582 = vector.shape_cast %swap3A_581 : vector<1x16xf32> to vector<16xf32>
        %swap3A_583 = vector.shape_cast %get3A_578 : vector<16xf32> to vector<1x16xf32>
        tpu.vector_store %arg14[%swap3A_579, %swap3A_580], %swap3A_583 {add = true, strides = array<i32>} : memref<16x1024xf32, #tpu.memory_space<vmem>>, vector<1x16xf32>,
        %get3A_584 = arith.index_cast %scan3A_288 : i32 to index
        %get3A_585 = arith.constant 528 : index
        %get3A_586 = tpu.vector_load %arg15[%get3A_584, %get3A_585] {strides = array<i32>} : memref<16x1024xf32, #tpu.memory_space<vmem>>, vector<1x16xf32>,
        %get3A_587 = vector.shape_cast %get3A_586 : vector<1x16xf32> to vector<16xf32>
        %swap3A_588 = arith.index_cast %scan3A_288 : i32 to index
        %swap3A_589 = arith.constant 528 : index
        %swap3A_590 = tpu.vector_load %arg14[%swap3A_588, %swap3A_589] {strides = array<i32>} : memref<16x1024xf32, #tpu.memory_space<vmem>>, vector<1x16xf32>,
        %swap3A_591 = vector.shape_cast %swap3A_590 : vector<1x16xf32> to vector<16xf32>
        %swap3A_592 = vector.shape_cast %get3A_587 : vector<16xf32> to vector<1x16xf32>
        tpu.vector_store %arg14[%swap3A_588, %swap3A_589], %swap3A_592 {add = true, strides = array<i32>} : memref<16x1024xf32, #tpu.memory_space<vmem>>, vector<1x16xf32>,
        %get3A_593 = arith.index_cast %scan3A_288 : i32 to index
        %get3A_594 = arith.constant 544 : index
        %get3A_595 = tpu.vector_load %arg15[%get3A_593, %get3A_594] {strides = array<i32>} : memref<16x1024xf32, #tpu.memory_space<vmem>>, vector<1x16xf32>,
        %get3A_596 = vector.shape_cast %get3A_595 : vector<1x16xf32> to vector<16xf32>
        %swap3A_597 = arith.index_cast %scan3A_288 : i32 to index
        %swap3A_598 = arith.constant 544 : index
        %swap3A_599 = tpu.vector_load %arg14[%swap3A_597, %swap3A_598] {strides = array<i32>} : memref<16x1024xf32, #tpu.memory_space<vmem>>, vector<1x16xf32>,
        %swap3A_600 = vector.shape_cast %swap3A_599 : vector<1x16xf32> to vector<16xf32>
        %swap3A_601 = vector.shape_cast %get3A_596 : vector<16xf32> to vector<1x16xf32>
        tpu.vector_store %arg14[%swap3A_597, %swap3A_598], %swap3A_601 {add = true, strides = array<i32>} : memref<16x1024xf32, #tpu.memory_space<vmem>>, vector<1x16xf32>,
        %get3A_602 = arith.index_cast %scan3A_288 : i32 to index
        %get3A_603 = arith.constant 560 : index
        %get3A_604 = tpu.vector_load %arg15[%get3A_602, %get3A_603] {strides = array<i32>} : memref<16x1024xf32, #tpu.memory_space<vmem>>, vector<1x16xf32>,
        %get3A_605 = vector.shape_cast %get3A_604 : vector<1x16xf32> to vector<16xf32>
        %swap3A_606 = arith.index_cast %scan3A_288 : i32 to index
        %swap3A_607 = arith.constant 560 : index
        %swap3A_608 = tpu.vector_load %arg14[%swap3A_606, %swap3A_607] {strides = array<i32>} : memref<16x1024xf32, #tpu.memory_space<vmem>>, vector<1x16xf32>,
        %swap3A_609 = vector.shape_cast %swap3A_608 : vector<1x16xf32> to vector<16xf32>
        %swap3A_610 = vector.shape_cast %get3A_605 : vector<16xf32> to vector<1x16xf32>
        tpu.vector_store %arg14[%swap3A_606, %swap3A_607], %swap3A_610 {add = true, strides = array<i32>} : memref<16x1024xf32, #tpu.memory_space<vmem>>, vector<1x16xf32>,
        %get3A_611 = arith.index_cast %scan3A_288 : i32 to index
        %get3A_612 = arith.constant 576 : index
        %get3A_613 = tpu.vector_load %arg15[%get3A_611, %get3A_612] {strides = array<i32>} : memref<16x1024xf32, #tpu.memory_space<vmem>>, vector<1x16xf32>,
        %get3A_614 = vector.shape_cast %get3A_613 : vector<1x16xf32> to vector<16xf32>
        %swap3A_615 = arith.index_cast %scan3A_288 : i32 to index
        %swap3A_616 = arith.constant 576 : index
        %swap3A_617 = tpu.vector_load %arg14[%swap3A_615, %swap3A_616] {strides = array<i32>} : memref<16x1024xf32, #tpu.memory_space<vmem>>, vector<1x16xf32>,
        %swap3A_618 = vector.shape_cast %swap3A_617 : vector<1x16xf32> to vector<16xf32>
        %swap3A_619 = vector.shape_cast %get3A_614 : vector<16xf32> to vector<1x16xf32>
        tpu.vector_store %arg14[%swap3A_615, %swap3A_616], %swap3A_619 {add = true, strides = array<i32>} : memref<16x1024xf32, #tpu.memory_space<vmem>>, vector<1x16xf32>,
        %get3A_620 = arith.index_cast %scan3A_288 : i32 to index
        %get3A_621 = arith.constant 592 : index
        %get3A_622 = tpu.vector_load %arg15[%get3A_620, %get3A_621] {strides = array<i32>} : memref<16x1024xf32, #tpu.memory_space<vmem>>, vector<1x16xf32>,
        %get3A_623 = vector.shape_cast %get3A_622 : vector<1x16xf32> to vector<16xf32>
        %swap3A_624 = arith.index_cast %scan3A_288 : i32 to index
        %swap3A_625 = arith.constant 592 : index
        %swap3A_626 = tpu.vector_load %arg14[%swap3A_624, %swap3A_625] {strides = array<i32>} : memref<16x1024xf32, #tpu.memory_space<vmem>>, vector<1x16xf32>,
        %swap3A_627 = vector.shape_cast %swap3A_626 : vector<1x16xf32> to vector<16xf32>
        %swap3A_628 = vector.shape_cast %get3A_623 : vector<16xf32> to vector<1x16xf32>
        tpu.vector_store %arg14[%swap3A_624, %swap3A_625], %swap3A_628 {add = true, strides = array<i32>} : memref<16x1024xf32, #tpu.memory_space<vmem>>, vector<1x16xf32>,
        %get3A_629 = arith.index_cast %scan3A_288 : i32 to index
        %get3A_630 = arith.constant 608 : index
        %get3A_631 = tpu.vector_load %arg15[%get3A_629, %get3A_630] {strides = array<i32>} : memref<16x1024xf32, #tpu.memory_space<vmem>>, vector<1x16xf32>,
        %get3A_632 = vector.shape_cast %get3A_631 : vector<1x16xf32> to vector<16xf32>
        %swap3A_633 = arith.index_cast %scan3A_288 : i32 to index
        %swap3A_634 = arith.constant 608 : index
        %swap3A_635 = tpu.vector_load %arg14[%swap3A_633, %swap3A_634] {strides = array<i32>} : memref<16x1024xf32, #tpu.memory_space<vmem>>, vector<1x16xf32>,
        %swap3A_636 = vector.shape_cast %swap3A_635 : vector<1x16xf32> to vector<16xf32>
        %swap3A_637 = vector.shape_cast %get3A_632 : vector<16xf32> to vector<1x16xf32>
        tpu.vector_store %arg14[%swap3A_633, %swap3A_634], %swap3A_637 {add = true, strides = array<i32>} : memref<16x1024xf32, #tpu.memory_space<vmem>>, vector<1x16xf32>,
        %get3A_638 = arith.index_cast %scan3A_288 : i32 to index
        %get3A_639 = arith.constant 624 : index
        %get3A_640 = tpu.vector_load %arg15[%get3A_638, %get3A_639] {strides = array<i32>} : memref<16x1024xf32, #tpu.memory_space<vmem>>, vector<1x16xf32>,
        %get3A_641 = vector.shape_cast %get3A_640 : vector<1x16xf32> to vector<16xf32>
        %swap3A_642 = arith.index_cast %scan3A_288 : i32 to index
        %swap3A_643 = arith.constant 624 : index
        %swap3A_644 = tpu.vector_load %arg14[%swap3A_642, %swap3A_643] {strides = array<i32>} : memref<16x1024xf32, #tpu.memory_space<vmem>>, vector<1x16xf32>,
        %swap3A_645 = vector.shape_cast %swap3A_644 : vector<1x16xf32> to vector<16xf32>
        %swap3A_646 = vector.shape_cast %get3A_641 : vector<16xf32> to vector<1x16xf32>
        tpu.vector_store %arg14[%swap3A_642, %swap3A_643], %swap3A_646 {add = true, strides = array<i32>} : memref<16x1024xf32, #tpu.memory_space<vmem>>, vector<1x16xf32>,
        %get3A_647 = arith.index_cast %scan3A_288 : i32 to index
        %get3A_648 = arith.constant 640 : index
        %get3A_649 = tpu.vector_load %arg15[%get3A_647, %get3A_648] {strides = array<i32>} : memref<16x1024xf32, #tpu.memory_space<vmem>>, vector<1x16xf32>,
        %get3A_650 = vector.shape_cast %get3A_649 : vector<1x16xf32> to vector<16xf32>
        %swap3A_651 = arith.index_cast %scan3A_288 : i32 to index
        %swap3A_652 = arith.constant 640 : index
        %swap3A_653 = tpu.vector_load %arg14[%swap3A_651, %swap3A_652] {strides = array<i32>} : memref<16x1024xf32, #tpu.memory_space<vmem>>, vector<1x16xf32>,
        %swap3A_654 = vector.shape_cast %swap3A_653 : vector<1x16xf32> to vector<16xf32>
        %swap3A_655 = vector.shape_cast %get3A_650 : vector<16xf32> to vector<1x16xf32>
        tpu.vector_store %arg14[%swap3A_651, %swap3A_652], %swap3A_655 {add = true, strides = array<i32>} : memref<16x1024xf32, #tpu.memory_space<vmem>>, vector<1x16xf32>,
        %get3A_656 = arith.index_cast %scan3A_288 : i32 to index
        %get3A_657 = arith.constant 656 : index
        %get3A_658 = tpu.vector_load %arg15[%get3A_656, %get3A_657] {strides = array<i32>} : memref<16x1024xf32, #tpu.memory_space<vmem>>, vector<1x16xf32>,
        %get3A_659 = vector.shape_cast %get3A_658 : vector<1x16xf32> to vector<16xf32>
        %swap3A_660 = arith.index_cast %scan3A_288 : i32 to index
        %swap3A_661 = arith.constant 656 : index
        %swap3A_662 = tpu.vector_load %arg14[%swap3A_660, %swap3A_661] {strides = array<i32>} : memref<16x1024xf32, #tpu.memory_space<vmem>>, vector<1x16xf32>,
        %swap3A_663 = vector.shape_cast %swap3A_662 : vector<1x16xf32> to vector<16xf32>
        %swap3A_664 = vector.shape_cast %get3A_659 : vector<16xf32> to vector<1x16xf32>
        tpu.vector_store %arg14[%swap3A_660, %swap3A_661], %swap3A_664 {add = true, strides = array<i32>} : memref<16x1024xf32, #tpu.memory_space<vmem>>, vector<1x16xf32>,
        %get3A_665 = arith.index_cast %scan3A_288 : i32 to index
        %get3A_666 = arith.constant 672 : index
        %get3A_667 = tpu.vector_load %arg15[%get3A_665, %get3A_666] {strides = array<i32>} : memref<16x1024xf32, #tpu.memory_space<vmem>>, vector<1x16xf32>,
        %get3A_668 = vector.shape_cast %get3A_667 : vector<1x16xf32> to vector<16xf32>
        %swap3A_669 = arith.index_cast %scan3A_288 : i32 to index
        %swap3A_670 = arith.constant 672 : index
        %swap3A_671 = tpu.vector_load %arg14[%swap3A_669, %swap3A_670] {strides = array<i32>} : memref<16x1024xf32, #tpu.memory_space<vmem>>, vector<1x16xf32>,
        %swap3A_672 = vector.shape_cast %swap3A_671 : vector<1x16xf32> to vector<16xf32>
        %swap3A_673 = vector.shape_cast %get3A_668 : vector<16xf32> to vector<1x16xf32>
        tpu.vector_store %arg14[%swap3A_669, %swap3A_670], %swap3A_673 {add = true, strides = array<i32>} : memref<16x1024xf32, #tpu.memory_space<vmem>>, vector<1x16xf32>,
        %get3A_674 = arith.index_cast %scan3A_288 : i32 to index
        %get3A_675 = arith.constant 688 : index
        %get3A_676 = tpu.vector_load %arg15[%get3A_674, %get3A_675] {strides = array<i32>} : memref<16x1024xf32, #tpu.memory_space<vmem>>, vector<1x16xf32>,
        %get3A_677 = vector.shape_cast %get3A_676 : vector<1x16xf32> to vector<16xf32>
        %swap3A_678 = arith.index_cast %scan3A_288 : i32 to index
        %swap3A_679 = arith.constant 688 : index
        %swap3A_680 = tpu.vector_load %arg14[%swap3A_678, %swap3A_679] {strides = array<i32>} : memref<16x1024xf32, #tpu.memory_space<vmem>>, vector<1x16xf32>,
        %swap3A_681 = vector.shape_cast %swap3A_680 : vector<1x16xf32> to vector<16xf32>
        %swap3A_682 = vector.shape_cast %get3A_677 : vector<16xf32> to vector<1x16xf32>
        tpu.vector_store %arg14[%swap3A_678, %swap3A_679], %swap3A_682 {add = true, strides = array<i32>} : memref<16x1024xf32, #tpu.memory_space<vmem>>, vector<1x16xf32>,
        %get3A_683 = arith.index_cast %scan3A_288 : i32 to index
        %get3A_684 = arith.constant 704 : index
        %get3A_685 = tpu.vector_load %arg15[%get3A_683, %get3A_684] {strides = array<i32>} : memref<16x1024xf32, #tpu.memory_space<vmem>>, vector<1x16xf32>,
        %get3A_686 = vector.shape_cast %get3A_685 : vector<1x16xf32> to vector<16xf32>
        %swap3A_687 = arith.index_cast %scan3A_288 : i32 to index
        %swap3A_688 = arith.constant 704 : index
        %swap3A_689 = tpu.vector_load %arg14[%swap3A_687, %swap3A_688] {strides = array<i32>} : memref<16x1024xf32, #tpu.memory_space<vmem>>, vector<1x16xf32>,
        %swap3A_690 = vector.shape_cast %swap3A_689 : vector<1x16xf32> to vector<16xf32>
        %swap3A_691 = vector.shape_cast %get3A_686 : vector<16xf32> to vector<1x16xf32>
        tpu.vector_store %arg14[%swap3A_687, %swap3A_688], %swap3A_691 {add = true, strides = array<i32>} : memref<16x1024xf32, #tpu.memory_space<vmem>>, vector<1x16xf32>,
        %get3A_692 = arith.index_cast %scan3A_288 : i32 to index
        %get3A_693 = arith.constant 720 : index
        %get3A_694 = tpu.vector_load %arg15[%get3A_692, %get3A_693] {strides = array<i32>} : memref<16x1024xf32, #tpu.memory_space<vmem>>, vector<1x16xf32>,
        %get3A_695 = vector.shape_cast %get3A_694 : vector<1x16xf32> to vector<16xf32>
        %swap3A_696 = arith.index_cast %scan3A_288 : i32 to index
        %swap3A_697 = arith.constant 720 : index
        %swap3A_698 = tpu.vector_load %arg14[%swap3A_696, %swap3A_697] {strides = array<i32>} : memref<16x1024xf32, #tpu.memory_space<vmem>>, vector<1x16xf32>,
        %swap3A_699 = vector.shape_cast %swap3A_698 : vector<1x16xf32> to vector<16xf32>
        %swap3A_700 = vector.shape_cast %get3A_695 : vector<16xf32> to vector<1x16xf32>
        tpu.vector_store %arg14[%swap3A_696, %swap3A_697], %swap3A_700 {add = true, strides = array<i32>} : memref<16x1024xf32, #tpu.memory_space<vmem>>, vector<1x16xf32>,
        %get3A_701 = arith.index_cast %scan3A_288 : i32 to index
        %get3A_702 = arith.constant 736 : index
        %get3A_703 = tpu.vector_load %arg15[%get3A_701, %get3A_702] {strides = array<i32>} : memref<16x1024xf32, #tpu.memory_space<vmem>>, vector<1x16xf32>,
        %get3A_704 = vector.shape_cast %get3A_703 : vector<1x16xf32> to vector<16xf32>
        %swap3A_705 = arith.index_cast %scan3A_288 : i32 to index
        %swap3A_706 = arith.constant 736 : index
        %swap3A_707 = tpu.vector_load %arg14[%swap3A_705, %swap3A_706] {strides = array<i32>} : memref<16x1024xf32, #tpu.memory_space<vmem>>, vector<1x16xf32>,
        %swap3A_708 = vector.shape_cast %swap3A_707 : vector<1x16xf32> to vector<16xf32>
        %swap3A_709 = vector.shape_cast %get3A_704 : vector<16xf32> to vector<1x16xf32>
        tpu.vector_store %arg14[%swap3A_705, %swap3A_706], %swap3A_709 {add = true, strides = array<i32>} : memref<16x1024xf32, #tpu.memory_space<vmem>>, vector<1x16xf32>,
        %get3A_710 = arith.index_cast %scan3A_288 : i32 to index
        %get3A_711 = arith.constant 752 : index
        %get3A_712 = tpu.vector_load %arg15[%get3A_710, %get3A_711] {strides = array<i32>} : memref<16x1024xf32, #tpu.memory_space<vmem>>, vector<1x16xf32>,
        %get3A_713 = vector.shape_cast %get3A_712 : vector<1x16xf32> to vector<16xf32>
        %swap3A_714 = arith.index_cast %scan3A_288 : i32 to index
        %swap3A_715 = arith.constant 752 : index
        %swap3A_716 = tpu.vector_load %arg14[%swap3A_714, %swap3A_715] {strides = array<i32>} : memref<16x1024xf32, #tpu.memory_space<vmem>>, vector<1x16xf32>,
        %swap3A_717 = vector.shape_cast %swap3A_716 : vector<1x16xf32> to vector<16xf32>
        %swap3A_718 = vector.shape_cast %get3A_713 : vector<16xf32> to vector<1x16xf32>
        tpu.vector_store %arg14[%swap3A_714, %swap3A_715], %swap3A_718 {add = true, strides = array<i32>} : memref<16x1024xf32, #tpu.memory_space<vmem>>, vector<1x16xf32>,
        %get3A_719 = arith.index_cast %scan3A_288 : i32 to index
        %get3A_720 = arith.constant 768 : index
        %get3A_721 = tpu.vector_load %arg15[%get3A_719, %get3A_720] {strides = array<i32>} : memref<16x1024xf32, #tpu.memory_space<vmem>>, vector<1x16xf32>,
        %get3A_722 = vector.shape_cast %get3A_721 : vector<1x16xf32> to vector<16xf32>
        %swap3A_723 = arith.index_cast %scan3A_288 : i32 to index
        %swap3A_724 = arith.constant 768 : index
        %swap3A_725 = tpu.vector_load %arg14[%swap3A_723, %swap3A_724] {strides = array<i32>} : memref<16x1024xf32, #tpu.memory_space<vmem>>, vector<1x16xf32>,
        %swap3A_726 = vector.shape_cast %swap3A_725 : vector<1x16xf32> to vector<16xf32>
        %swap3A_727 = vector.shape_cast %get3A_722 : vector<16xf32> to vector<1x16xf32>
        tpu.vector_store %arg14[%swap3A_723, %swap3A_724], %swap3A_727 {add = true, strides = array<i32>} : memref<16x1024xf32, #tpu.memory_space<vmem>>, vector<1x16xf32>,
        %get3A_728 = arith.index_cast %scan3A_288 : i32 to index
        %get3A_729 = arith.constant 784 : index
        %get3A_730 = tpu.vector_load %arg15[%get3A_728, %get3A_729] {strides = array<i32>} : memref<16x1024xf32, #tpu.memory_space<vmem>>, vector<1x16xf32>,
        %get3A_731 = vector.shape_cast %get3A_730 : vector<1x16xf32> to vector<16xf32>
        %swap3A_732 = arith.index_cast %scan3A_288 : i32 to index
        %swap3A_733 = arith.constant 784 : index
        %swap3A_734 = tpu.vector_load %arg14[%swap3A_732, %swap3A_733] {strides = array<i32>} : memref<16x1024xf32, #tpu.memory_space<vmem>>, vector<1x16xf32>,
        %swap3A_735 = vector.shape_cast %swap3A_734 : vector<1x16xf32> to vector<16xf32>
        %swap3A_736 = vector.shape_cast %get3A_731 : vector<16xf32> to vector<1x16xf32>
        tpu.vector_store %arg14[%swap3A_732, %swap3A_733], %swap3A_736 {add = true, strides = array<i32>} : memref<16x1024xf32, #tpu.memory_space<vmem>>, vector<1x16xf32>,
        %get3A_737 = arith.index_cast %scan3A_288 : i32 to index
        %get3A_738 = arith.constant 800 : index
        %get3A_739 = tpu.vector_load %arg15[%get3A_737, %get3A_738] {strides = array<i32>} : memref<16x1024xf32, #tpu.memory_space<vmem>>, vector<1x16xf32>,
        %get3A_740 = vector.shape_cast %get3A_739 : vector<1x16xf32> to vector<16xf32>
        %swap3A_741 = arith.index_cast %scan3A_288 : i32 to index
        %swap3A_742 = arith.constant 800 : index
        %swap3A_743 = tpu.vector_load %arg14[%swap3A_741, %swap3A_742] {strides = array<i32>} : memref<16x1024xf32, #tpu.memory_space<vmem>>, vector<1x16xf32>,
        %swap3A_744 = vector.shape_cast %swap3A_743 : vector<1x16xf32> to vector<16xf32>
        %swap3A_745 = vector.shape_cast %get3A_740 : vector<16xf32> to vector<1x16xf32>
        tpu.vector_store %arg14[%swap3A_741, %swap3A_742], %swap3A_745 {add = true, strides = array<i32>} : memref<16x1024xf32, #tpu.memory_space<vmem>>, vector<1x16xf32>,
        %get3A_746 = arith.index_cast %scan3A_288 : i32 to index
        %get3A_747 = arith.constant 816 : index
        %get3A_748 = tpu.vector_load %arg15[%get3A_746, %get3A_747] {strides = array<i32>} : memref<16x1024xf32, #tpu.memory_space<vmem>>, vector<1x16xf32>,
        %get3A_749 = vector.shape_cast %get3A_748 : vector<1x16xf32> to vector<16xf32>
        %swap3A_750 = arith.index_cast %scan3A_288 : i32 to index
        %swap3A_751 = arith.constant 816 : index
        %swap3A_752 = tpu.vector_load %arg14[%swap3A_750, %swap3A_751] {strides = array<i32>} : memref<16x1024xf32, #tpu.memory_space<vmem>>, vector<1x16xf32>,
        %swap3A_753 = vector.shape_cast %swap3A_752 : vector<1x16xf32> to vector<16xf32>
        %swap3A_754 = vector.shape_cast %get3A_749 : vector<16xf32> to vector<1x16xf32>
        tpu.vector_store %arg14[%swap3A_750, %swap3A_751], %swap3A_754 {add = true, strides = array<i32>} : memref<16x1024xf32, #tpu.memory_space<vmem>>, vector<1x16xf32>,
        %get3A_755 = arith.index_cast %scan3A_288 : i32 to index
        %get3A_756 = arith.constant 832 : index
        %get3A_757 = tpu.vector_load %arg15[%get3A_755, %get3A_756] {strides = array<i32>} : memref<16x1024xf32, #tpu.memory_space<vmem>>, vector<1x16xf32>,
        %get3A_758 = vector.shape_cast %get3A_757 : vector<1x16xf32> to vector<16xf32>
        %swap3A_759 = arith.index_cast %scan3A_288 : i32 to index
        %swap3A_760 = arith.constant 832 : index
        %swap3A_761 = tpu.vector_load %arg14[%swap3A_759, %swap3A_760] {strides = array<i32>} : memref<16x1024xf32, #tpu.memory_space<vmem>>, vector<1x16xf32>,
        %swap3A_762 = vector.shape_cast %swap3A_761 : vector<1x16xf32> to vector<16xf32>
        %swap3A_763 = vector.shape_cast %get3A_758 : vector<16xf32> to vector<1x16xf32>
        tpu.vector_store %arg14[%swap3A_759, %swap3A_760], %swap3A_763 {add = true, strides = array<i32>} : memref<16x1024xf32, #tpu.memory_space<vmem>>, vector<1x16xf32>,
        %get3A_764 = arith.index_cast %scan3A_288 : i32 to index
        %get3A_765 = arith.constant 848 : index
        %get3A_766 = tpu.vector_load %arg15[%get3A_764, %get3A_765] {strides = array<i32>} : memref<16x1024xf32, #tpu.memory_space<vmem>>, vector<1x16xf32>,
        %get3A_767 = vector.shape_cast %get3A_766 : vector<1x16xf32> to vector<16xf32>
        %swap3A_768 = arith.index_cast %scan3A_288 : i32 to index
        %swap3A_769 = arith.constant 848 : index
        %swap3A_770 = tpu.vector_load %arg14[%swap3A_768, %swap3A_769] {strides = array<i32>} : memref<16x1024xf32, #tpu.memory_space<vmem>>, vector<1x16xf32>,
        %swap3A_771 = vector.shape_cast %swap3A_770 : vector<1x16xf32> to vector<16xf32>
        %swap3A_772 = vector.shape_cast %get3A_767 : vector<16xf32> to vector<1x16xf32>
        tpu.vector_store %arg14[%swap3A_768, %swap3A_769], %swap3A_772 {add = true, strides = array<i32>} : memref<16x1024xf32, #tpu.memory_space<vmem>>, vector<1x16xf32>,
        %get3A_773 = arith.index_cast %scan3A_288 : i32 to index
        %get3A_774 = arith.constant 864 : index
        %get3A_775 = tpu.vector_load %arg15[%get3A_773, %get3A_774] {strides = array<i32>} : memref<16x1024xf32, #tpu.memory_space<vmem>>, vector<1x16xf32>,
        %get3A_776 = vector.shape_cast %get3A_775 : vector<1x16xf32> to vector<16xf32>
        %swap3A_777 = arith.index_cast %scan3A_288 : i32 to index
        %swap3A_778 = arith.constant 864 : index
        %swap3A_779 = tpu.vector_load %arg14[%swap3A_777, %swap3A_778] {strides = array<i32>} : memref<16x1024xf32, #tpu.memory_space<vmem>>, vector<1x16xf32>,
        %swap3A_780 = vector.shape_cast %swap3A_779 : vector<1x16xf32> to vector<16xf32>
        %swap3A_781 = vector.shape_cast %get3A_776 : vector<16xf32> to vector<1x16xf32>
        tpu.vector_store %arg14[%swap3A_777, %swap3A_778], %swap3A_781 {add = true, strides = array<i32>} : memref<16x1024xf32, #tpu.memory_space<vmem>>, vector<1x16xf32>,
        %get3A_782 = arith.index_cast %scan3A_288 : i32 to index
        %get3A_783 = arith.constant 880 : index
        %get3A_784 = tpu.vector_load %arg15[%get3A_782, %get3A_783] {strides = array<i32>} : memref<16x1024xf32, #tpu.memory_space<vmem>>, vector<1x16xf32>,
        %get3A_785 = vector.shape_cast %get3A_784 : vector<1x16xf32> to vector<16xf32>
        %swap3A_786 = arith.index_cast %scan3A_288 : i32 to index
        %swap3A_787 = arith.constant 880 : index
        %swap3A_788 = tpu.vector_load %arg14[%swap3A_786, %swap3A_787] {strides = array<i32>} : memref<16x1024xf32, #tpu.memory_space<vmem>>, vector<1x16xf32>,
        %swap3A_789 = vector.shape_cast %swap3A_788 : vector<1x16xf32> to vector<16xf32>
        %swap3A_790 = vector.shape_cast %get3A_785 : vector<16xf32> to vector<1x16xf32>
        tpu.vector_store %arg14[%swap3A_786, %swap3A_787], %swap3A_790 {add = true, strides = array<i32>} : memref<16x1024xf32, #tpu.memory_space<vmem>>, vector<1x16xf32>,
        %get3A_791 = arith.index_cast %scan3A_288 : i32 to index
        %get3A_792 = arith.constant 896 : index
        %get3A_793 = tpu.vector_load %arg15[%get3A_791, %get3A_792] {strides = array<i32>} : memref<16x1024xf32, #tpu.memory_space<vmem>>, vector<1x16xf32>,
        %get3A_794 = vector.shape_cast %get3A_793 : vector<1x16xf32> to vector<16xf32>
        %swap3A_795 = arith.index_cast %scan3A_288 : i32 to index
        %swap3A_796 = arith.constant 896 : index
        %swap3A_797 = tpu.vector_load %arg14[%swap3A_795, %swap3A_796] {strides = array<i32>} : memref<16x1024xf32, #tpu.memory_space<vmem>>, vector<1x16xf32>,
        %swap3A_798 = vector.shape_cast %swap3A_797 : vector<1x16xf32> to vector<16xf32>
        %swap3A_799 = vector.shape_cast %get3A_794 : vector<16xf32> to vector<1x16xf32>
        tpu.vector_store %arg14[%swap3A_795, %swap3A_796], %swap3A_799 {add = true, strides = array<i32>} : memref<16x1024xf32, #tpu.memory_space<vmem>>, vector<1x16xf32>,
        %get3A_800 = arith.index_cast %scan3A_288 : i32 to index
        %get3A_801 = arith.constant 912 : index
        %get3A_802 = tpu.vector_load %arg15[%get3A_800, %get3A_801] {strides = array<i32>} : memref<16x1024xf32, #tpu.memory_space<vmem>>, vector<1x16xf32>,
        %get3A_803 = vector.shape_cast %get3A_802 : vector<1x16xf32> to vector<16xf32>
        %swap3A_804 = arith.index_cast %scan3A_288 : i32 to index
        %swap3A_805 = arith.constant 912 : index
        %swap3A_806 = tpu.vector_load %arg14[%swap3A_804, %swap3A_805] {strides = array<i32>} : memref<16x1024xf32, #tpu.memory_space<vmem>>, vector<1x16xf32>,
        %swap3A_807 = vector.shape_cast %swap3A_806 : vector<1x16xf32> to vector<16xf32>
        %swap3A_808 = vector.shape_cast %get3A_803 : vector<16xf32> to vector<1x16xf32>
        tpu.vector_store %arg14[%swap3A_804, %swap3A_805], %swap3A_808 {add = true, strides = array<i32>} : memref<16x1024xf32, #tpu.memory_space<vmem>>, vector<1x16xf32>,
        %get3A_809 = arith.index_cast %scan3A_288 : i32 to index
        %get3A_810 = arith.constant 928 : index
        %get3A_811 = tpu.vector_load %arg15[%get3A_809, %get3A_810] {strides = array<i32>} : memref<16x1024xf32, #tpu.memory_space<vmem>>, vector<1x16xf32>,
        %get3A_812 = vector.shape_cast %get3A_811 : vector<1x16xf32> to vector<16xf32>
        %swap3A_813 = arith.index_cast %scan3A_288 : i32 to index
        %swap3A_814 = arith.constant 928 : index
        %swap3A_815 = tpu.vector_load %arg14[%swap3A_813, %swap3A_814] {strides = array<i32>} : memref<16x1024xf32, #tpu.memory_space<vmem>>, vector<1x16xf32>,
        %swap3A_816 = vector.shape_cast %swap3A_815 : vector<1x16xf32> to vector<16xf32>
        %swap3A_817 = vector.shape_cast %get3A_812 : vector<16xf32> to vector<1x16xf32>
        tpu.vector_store %arg14[%swap3A_813, %swap3A_814], %swap3A_817 {add = true, strides = array<i32>} : memref<16x1024xf32, #tpu.memory_space<vmem>>, vector<1x16xf32>,
        %get3A_818 = arith.index_cast %scan3A_288 : i32 to index
        %get3A_819 = arith.constant 944 : index
        %get3A_820 = tpu.vector_load %arg15[%get3A_818, %get3A_819] {strides = array<i32>} : memref<16x1024xf32, #tpu.memory_space<vmem>>, vector<1x16xf32>,
        %get3A_821 = vector.shape_cast %get3A_820 : vector<1x16xf32> to vector<16xf32>
        %swap3A_822 = arith.index_cast %scan3A_288 : i32 to index
        %swap3A_823 = arith.constant 944 : index
        %swap3A_824 = tpu.vector_load %arg14[%swap3A_822, %swap3A_823] {strides = array<i32>} : memref<16x1024xf32, #tpu.memory_space<vmem>>, vector<1x16xf32>,
        %swap3A_825 = vector.shape_cast %swap3A_824 : vector<1x16xf32> to vector<16xf32>
        %swap3A_826 = vector.shape_cast %get3A_821 : vector<16xf32> to vector<1x16xf32>
        tpu.vector_store %arg14[%swap3A_822, %swap3A_823], %swap3A_826 {add = true, strides = array<i32>} : memref<16x1024xf32, #tpu.memory_space<vmem>>, vector<1x16xf32>,
        %get3A_827 = arith.index_cast %scan3A_288 : i32 to index
        %get3A_828 = arith.constant 960 : index
        %get3A_829 = tpu.vector_load %arg15[%get3A_827, %get3A_828] {strides = array<i32>} : memref<16x1024xf32, #tpu.memory_space<vmem>>, vector<1x16xf32>,
        %get3A_830 = vector.shape_cast %get3A_829 : vector<1x16xf32> to vector<16xf32>
        %swap3A_831 = arith.index_cast %scan3A_288 : i32 to index
        %swap3A_832 = arith.constant 960 : index
        %swap3A_833 = tpu.vector_load %arg14[%swap3A_831, %swap3A_832] {strides = array<i32>} : memref<16x1024xf32, #tpu.memory_space<vmem>>, vector<1x16xf32>,
        %swap3A_834 = vector.shape_cast %swap3A_833 : vector<1x16xf32> to vector<16xf32>
        %swap3A_835 = vector.shape_cast %get3A_830 : vector<16xf32> to vector<1x16xf32>
        tpu.vector_store %arg14[%swap3A_831, %swap3A_832], %swap3A_835 {add = true, strides = array<i32>} : memref<16x1024xf32, #tpu.memory_space<vmem>>, vector<1x16xf32>,
        %get3A_836 = arith.index_cast %scan3A_288 : i32 to index
        %get3A_837 = arith.constant 976 : index
        %get3A_838 = tpu.vector_load %arg15[%get3A_836, %get3A_837] {strides = array<i32>} : memref<16x1024xf32, #tpu.memory_space<vmem>>, vector<1x16xf32>,
        %get3A_839 = vector.shape_cast %get3A_838 : vector<1x16xf32> to vector<16xf32>
        %swap3A_840 = arith.index_cast %scan3A_288 : i32 to index
        %swap3A_841 = arith.constant 976 : index
        %swap3A_842 = tpu.vector_load %arg14[%swap3A_840, %swap3A_841] {strides = array<i32>} : memref<16x1024xf32, #tpu.memory_space<vmem>>, vector<1x16xf32>,
        %swap3A_843 = vector.shape_cast %swap3A_842 : vector<1x16xf32> to vector<16xf32>
        %swap3A_844 = vector.shape_cast %get3A_839 : vector<16xf32> to vector<1x16xf32>
        tpu.vector_store %arg14[%swap3A_840, %swap3A_841], %swap3A_844 {add = true, strides = array<i32>} : memref<16x1024xf32, #tpu.memory_space<vmem>>, vector<1x16xf32>,
        %get3A_845 = arith.index_cast %scan3A_288 : i32 to index
        %get3A_846 = arith.constant 992 : index
        %get3A_847 = tpu.vector_load %arg15[%get3A_845, %get3A_846] {strides = array<i32>} : memref<16x1024xf32, #tpu.memory_space<vmem>>, vector<1x16xf32>,
        %get3A_848 = vector.shape_cast %get3A_847 : vector<1x16xf32> to vector<16xf32>
        %swap3A_849 = arith.index_cast %scan3A_288 : i32 to index
        %swap3A_850 = arith.constant 992 : index
        %swap3A_851 = tpu.vector_load %arg14[%swap3A_849, %swap3A_850] {strides = array<i32>} : memref<16x1024xf32, #tpu.memory_space<vmem>>, vector<1x16xf32>,
        %swap3A_852 = vector.shape_cast %swap3A_851 : vector<1x16xf32> to vector<16xf32>
        %swap3A_853 = vector.shape_cast %get3A_848 : vector<16xf32> to vector<1x16xf32>
        tpu.vector_store %arg14[%swap3A_849, %swap3A_850], %swap3A_853 {add = true, strides = array<i32>} : memref<16x1024xf32, #tpu.memory_space<vmem>>, vector<1x16xf32>,
        %get3A_854 = arith.index_cast %scan3A_288 : i32 to index
        %get3A_855 = arith.constant 1008 : index
        %get3A_856 = tpu.vector_load %arg15[%get3A_854, %get3A_855] {strides = array<i32>} : memref<16x1024xf32, #tpu.memory_space<vmem>>, vector<1x16xf32>,
        %get3A_857 = vector.shape_cast %get3A_856 : vector<1x16xf32> to vector<16xf32>
        %swap3A_858 = arith.index_cast %scan3A_288 : i32 to index
        %swap3A_859 = arith.constant 1008 : index
        %swap3A_860 = tpu.vector_load %arg14[%swap3A_858, %swap3A_859] {strides = array<i32>} : memref<16x1024xf32, #tpu.memory_space<vmem>>, vector<1x16xf32>,
        %swap3A_861 = vector.shape_cast %swap3A_860 : vector<1x16xf32> to vector<16xf32>
        %swap3A_862 = vector.shape_cast %get3A_857 : vector<16xf32> to vector<1x16xf32>
        tpu.vector_store %arg14[%swap3A_858, %swap3A_859], %swap3A_862 {add = true, strides = array<i32>} : memref<16x1024xf32, #tpu.memory_space<vmem>>, vector<1x16xf32>,
      }
      %scan3A_204 = arith.constant 16 : i32
      %dma_start3A_205 = arith.constant 0 : i32
      %dma_start3A_206 = tpu.memref_slice %arg6[%add3A_188, %dma_start3A_205] : memref<16384x1024xf32, #tpu.memory_space<hbm>> -> memref<16x1024xf32, #tpu.memory_space<hbm>>
      %dma_start3A_207 = arith.constant 0 : i32
      %dma_start3A_208 = tpu.memref_slice %arg6[%add3A_188, %dma_start3A_207] : memref<16384x1024xf32, #tpu.memory_space<hbm>> -> memref<16x1024xf32, #tpu.memory_space<hbm>>
      tpu.enqueue_dma source(%arg14 : memref<16x1024xf32, #tpu.memory_space<vmem>>) target(%dma_start3A_208 : memref<16x1024xf32, #tpu.memory_space<hbm>>) target_semaphore(%arg30 : memref<!tpu.dma_semaphore, #tpu.memory_space<semaphore_mem>>)
      %add3A_209 = arith.constant 3 : i32
      %add3A_210 = arith.addi %add3A_185, %add3A_209 : i32
      %lt3A_211 = arith.constant 32 : i32
      %lt3A_212 = arith.cmpi slt, %add3A_210, %lt3A_211 : i32
      %convert_element_type3A_213 = arith.extui %lt3A_212 : i1 to i32
      %cond3A_214 = arith.constant 0 : i32
      %cond3A_215 = arith.cmpi ne, %convert_element_type3A_213, %cond3A_214 : i32
      scf.if %cond3A_215 {
        %add3A_288 = arith.constant 3 : i32
        %add3A_289 = arith.addi %add3A_185, %add3A_288 : i32
        %mul3A_290 = arith.constant 16 : i32
        %mul3A_291 = arith.muli %add3A_289, %mul3A_290 : i32
        %add3A_292 = arith.addi %mul3A_2, %mul3A_291 : i32
        %dma_start3A_293 = tpu.memref_slice %arg2[%add3A_292] : memref<16384xi32, #tpu.memory_space<hbm>> -> memref<16xi32, #tpu.memory_space<hbm>>
        %dma_start3A_294 = tpu.memref_slice %arg2[%add3A_292] : memref<16384xi32, #tpu.memory_space<hbm>> -> memref<16xi32, #tpu.memory_space<hbm>>
        tpu.enqueue_dma source(%dma_start3A_294 : memref<16xi32, #tpu.memory_space<hbm>>) target(%arg12 : memref<16xi32, #tpu.memory_space<vmem>>) target_semaphore(%arg26 : memref<!tpu.dma_semaphore, #tpu.memory_space<semaphore_mem>>)
        %dma_start3A_295 = tpu.memref_slice %arg3[%add3A_292] : memref<16384xi32, #tpu.memory_space<hbm>> -> memref<16xi32, #tpu.memory_space<hbm>>
        %dma_start3A_296 = tpu.memref_slice %arg3[%add3A_292] : memref<16384xi32, #tpu.memory_space<hbm>> -> memref<16xi32, #tpu.memory_space<hbm>>
        tpu.enqueue_dma source(%dma_start3A_296 : memref<16xi32, #tpu.memory_space<hbm>>) target(%arg13 : memref<16xi32, #tpu.memory_space<vmem>>) target_semaphore(%arg27 : memref<!tpu.dma_semaphore, #tpu.memory_space<semaphore_mem>>)
      } else {
      }
      %ge3A_216 = arith.constant 1 : i32
      %ge3A_217 = arith.cmpi sge, %add3A_185, %ge3A_216 : i32
      %convert_element_type3A_218 = arith.extui %ge3A_217 : i1 to i32
      %cond3A_219 = arith.constant 0 : i32
      %cond3A_220 = arith.cmpi ne, %convert_element_type3A_218, %cond3A_219 : i32
      scf.if %cond3A_220 {
        %dma_wait3A_288 = arith.constant 0 : i32
        %dma_wait3A_289 = arith.constant 0 : i32
        %dma_wait3A_290 = tpu.memref_slice %arg6[%dma_wait3A_288, %dma_wait3A_289] : memref<16384x1024xf32, #tpu.memory_space<hbm>> -> memref<16x1024xf32, #tpu.memory_space<hbm>>
        %dma_wait3A_291 = arith.constant 0 : i32
        %dma_wait3A_292 = arith.constant 0 : i32
        %dma_wait3A_293 = tpu.memref_slice %arg6[%dma_wait3A_291, %dma_wait3A_292] : memref<16384x1024xf32, #tpu.memory_space<hbm>> -> memref<16x1024xf32, #tpu.memory_space<hbm>>
        tpu.wait_dma2 semaphore(%arg24 : memref<!tpu.dma_semaphore, #tpu.memory_space<semaphore_mem>>) src(%arg10 : memref<16x1024xf32, #tpu.memory_space<vmem>>) dst(%dma_wait3A_293 : memref<16x1024xf32, #tpu.memory_space<hbm>>)
        %dma_wait3A_294 = arith.constant 0 : i32
        %dma_wait3A_295 = arith.constant 0 : i32
        %dma_wait3A_296 = tpu.memref_slice %arg7[%dma_wait3A_294, %dma_wait3A_295] : memref<16384x1024xf32, #tpu.memory_space<hbm>> -> memref<16x1024xf32, #tpu.memory_space<hbm>>
        %dma_wait3A_297 = arith.constant 0 : i32
        %dma_wait3A_298 = arith.constant 0 : i32
        %dma_wait3A_299 = tpu.memref_slice %arg7[%dma_wait3A_297, %dma_wait3A_298] : memref<16384x1024xf32, #tpu.memory_space<hbm>> -> memref<16x1024xf32, #tpu.memory_space<hbm>>
        tpu.wait_dma2 semaphore(%arg25 : memref<!tpu.dma_semaphore, #tpu.memory_space<semaphore_mem>>) src(%arg11 : memref<16x1024xf32, #tpu.memory_space<vmem>>) dst(%dma_wait3A_299 : memref<16x1024xf32, #tpu.memory_space<hbm>>)
      } else {
      }
      %dma_wait3A_221 = arith.constant 0 : i32
      %dma_wait3A_222 = tpu.memref_slice %arg2[%dma_wait3A_221] : memref<16384xi32, #tpu.memory_space<hbm>> -> memref<16xi32, #tpu.memory_space<hbm>>
      %dma_wait3A_223 = arith.constant 0 : i32
      %dma_wait3A_224 = tpu.memref_slice %arg2[%dma_wait3A_223] : memref<16384xi32, #tpu.memory_space<hbm>> -> memref<16xi32, #tpu.memory_space<hbm>>
      tpu.wait_dma2 semaphore(%arg20 : memref<!tpu.dma_semaphore, #tpu.memory_space<semaphore_mem>>) src(%dma_wait3A_224 : memref<16xi32, #tpu.memory_space<hbm>>) dst(%arg8 : memref<16xi32, #tpu.memory_space<vmem>>)
      %dma_wait3A_225 = arith.constant 0 : i32
      %dma_wait3A_226 = tpu.memref_slice %arg3[%dma_wait3A_225] : memref<16384xi32, #tpu.memory_space<hbm>> -> memref<16xi32, #tpu.memory_space<hbm>>
      %dma_wait3A_227 = arith.constant 0 : i32
      %dma_wait3A_228 = tpu.memref_slice %arg3[%dma_wait3A_227] : memref<16384xi32, #tpu.memory_space<hbm>> -> memref<16xi32, #tpu.memory_space<hbm>>
      tpu.wait_dma2 semaphore(%arg21 : memref<!tpu.dma_semaphore, #tpu.memory_space<semaphore_mem>>) src(%dma_wait3A_228 : memref<16xi32, #tpu.memory_space<hbm>>) dst(%arg9 : memref<16xi32, #tpu.memory_space<vmem>>)
      %dma_start3A_229 = arith.constant 0 : i32
      %dma_start3A_230 = arith.constant 0 : i32
      %dma_start3A_231 = tpu.memref_slice %arg4[%dma_start3A_229, %dma_start3A_230] : memref<100000x1024xf32, #tpu.memory_space<hbm>> -> memref<100000x1024xf32, #tpu.memory_space<hbm>>
      tpu.enqueue_indirect_dma source(%dma_start3A_231 : memref<100000x1024xf32, #tpu.memory_space<hbm>>) target(%arg10 : memref<16x1024xf32, #tpu.memory_space<vmem>>) offsets(%arg8 : memref<16xi32, #tpu.memory_space<vmem>>) semaphore(%arg22 : memref<!tpu.dma_semaphore, #tpu.memory_space<semaphore_mem>>)
      %dma_start3A_232 = arith.constant 0 : i32
      %dma_start3A_233 = arith.constant 0 : i32
      %dma_start3A_234 = tpu.memref_slice %arg5[%dma_start3A_232, %dma_start3A_233] : memref<4096x1024xf32, #tpu.memory_space<hbm>> -> memref<4096x1024xf32, #tpu.memory_space<hbm>>
      tpu.enqueue_indirect_dma source(%dma_start3A_234 : memref<4096x1024xf32, #tpu.memory_space<hbm>>) target(%arg11 : memref<16x1024xf32, #tpu.memory_space<vmem>>) offsets(%arg9 : memref<16xi32, #tpu.memory_space<vmem>>) semaphore(%arg23 : memref<!tpu.dma_semaphore, #tpu.memory_space<semaphore_mem>>)
      %mul3A_235 = arith.constant 3 : i32
      %mul3A_236 = arith.muli %scan3A_132, %mul3A_235 : i32
      %add3A_237 = arith.constant 2 : i32
      %add3A_238 = arith.addi %mul3A_236, %add3A_237 : i32
      %mul3A_239 = arith.constant 16 : i32
      %mul3A_240 = arith.muli %add3A_238, %mul3A_239 : i32
      %add3A_241 = arith.addi %mul3A_2, %mul3A_240 : i32
      %dma_wait3A_242 = arith.constant 0 : i32
      %dma_wait3A_243 = arith.constant 0 : i32
      %dma_wait3A_244 = tpu.memref_slice %arg5[%dma_wait3A_242, %dma_wait3A_243] : memref<4096x1024xf32, #tpu.memory_space<hbm>> -> memref<4096x1024xf32, #tpu.memory_space<hbm>>
      tpu.wait_indirect_dma semaphore(%arg35 : memref<!tpu.dma_semaphore, #tpu.memory_space<semaphore_mem>>) src(%dma_wait3A_244 : memref<4096x1024xf32, #tpu.memory_space<hbm>>) dst(%arg19 : memref<16x1024xf32, #tpu.memory_space<vmem>>)
      %dma_start3A_245 = arith.constant 0 : i32
      %dma_start3A_246 = tpu.memref_slice %arg7[%add3A_241, %dma_start3A_245] : memref<16384x1024xf32, #tpu.memory_space<hbm>> -> memref<16x1024xf32, #tpu.memory_space<hbm>>
      %dma_start3A_247 = arith.constant 0 : i32
      %dma_start3A_248 = tpu.memref_slice %arg7[%add3A_241, %dma_start3A_247] : memref<16384x1024xf32, #tpu.memory_space<hbm>> -> memref<16x1024xf32, #tpu.memory_space<hbm>>
      tpu.enqueue_dma source(%arg19 : memref<16x1024xf32, #tpu.memory_space<vmem>>) target(%dma_start3A_248 : memref<16x1024xf32, #tpu.memory_space<hbm>>) target_semaphore(%arg37 : memref<!tpu.dma_semaphore, #tpu.memory_space<semaphore_mem>>)
      %dma_wait3A_249 = arith.constant 0 : i32
      %dma_wait3A_250 = arith.constant 0 : i32
      %dma_wait3A_251 = tpu.memref_slice %arg4[%dma_wait3A_249, %dma_wait3A_250] : memref<100000x1024xf32, #tpu.memory_space<hbm>> -> memref<100000x1024xf32, #tpu.memory_space<hbm>>
      tpu.wait_indirect_dma semaphore(%arg34 : memref<!tpu.dma_semaphore, #tpu.memory_space<semaphore_mem>>) src(%dma_wait3A_251 : memref<100000x1024xf32, #tpu.memory_space<hbm>>) dst(%arg18 : memref<16x1024xf32, #tpu.memory_space<vmem>>)
      %scan3A_252 = arith.constant 0 : i32
      %scan3A_253 = arith.constant 0 : i32
      %scan3A_254 = arith.constant 16 : i32
      %scan3A_255 = arith.addi %scan3A_253, %scan3A_254 : i32
      %scan3A_256 = arith.constant 1 : i32
      scf.for %scan3A_288 = %scan3A_253 to %scan3A_255 step %scan3A_256  : i32 {
        %get3A = arith.index_cast %scan3A_288 : i32 to index
        %get3A_289 = arith.constant 0 : index
        %get3A_290 = tpu.vector_load %arg19[%get3A, %get3A_289] {strides = array<i32>} : memref<16x1024xf32, #tpu.memory_space<vmem>>, vector<1x16xf32>,
        %get3A_291 = vector.shape_cast %get3A_290 : vector<1x16xf32> to vector<16xf32>
        %swap3A = arith.index_cast %scan3A_288 : i32 to index
        %swap3A_292 = arith.constant 0 : index
        %swap3A_293 = tpu.vector_load %arg18[%swap3A, %swap3A_292] {strides = array<i32>} : memref<16x1024xf32, #tpu.memory_space<vmem>>, vector<1x16xf32>,
        %swap3A_294 = vector.shape_cast %swap3A_293 : vector<1x16xf32> to vector<16xf32>
        %swap3A_295 = vector.shape_cast %get3A_291 : vector<16xf32> to vector<1x16xf32>
        tpu.vector_store %arg18[%swap3A, %swap3A_292], %swap3A_295 {add = true, strides = array<i32>} : memref<16x1024xf32, #tpu.memory_space<vmem>>, vector<1x16xf32>,
        %get3A_296 = arith.index_cast %scan3A_288 : i32 to index
        %get3A_297 = arith.constant 16 : index
        %get3A_298 = tpu.vector_load %arg19[%get3A_296, %get3A_297] {strides = array<i32>} : memref<16x1024xf32, #tpu.memory_space<vmem>>, vector<1x16xf32>,
        %get3A_299 = vector.shape_cast %get3A_298 : vector<1x16xf32> to vector<16xf32>
        %swap3A_300 = arith.index_cast %scan3A_288 : i32 to index
        %swap3A_301 = arith.constant 16 : index
        %swap3A_302 = tpu.vector_load %arg18[%swap3A_300, %swap3A_301] {strides = array<i32>} : memref<16x1024xf32, #tpu.memory_space<vmem>>, vector<1x16xf32>,
        %swap3A_303 = vector.shape_cast %swap3A_302 : vector<1x16xf32> to vector<16xf32>
        %swap3A_304 = vector.shape_cast %get3A_299 : vector<16xf32> to vector<1x16xf32>
        tpu.vector_store %arg18[%swap3A_300, %swap3A_301], %swap3A_304 {add = true, strides = array<i32>} : memref<16x1024xf32, #tpu.memory_space<vmem>>, vector<1x16xf32>,
        %get3A_305 = arith.index_cast %scan3A_288 : i32 to index
        %get3A_306 = arith.constant 32 : index
        %get3A_307 = tpu.vector_load %arg19[%get3A_305, %get3A_306] {strides = array<i32>} : memref<16x1024xf32, #tpu.memory_space<vmem>>, vector<1x16xf32>,
        %get3A_308 = vector.shape_cast %get3A_307 : vector<1x16xf32> to vector<16xf32>
        %swap3A_309 = arith.index_cast %scan3A_288 : i32 to index
        %swap3A_310 = arith.constant 32 : index
        %swap3A_311 = tpu.vector_load %arg18[%swap3A_309, %swap3A_310] {strides = array<i32>} : memref<16x1024xf32, #tpu.memory_space<vmem>>, vector<1x16xf32>,
        %swap3A_312 = vector.shape_cast %swap3A_311 : vector<1x16xf32> to vector<16xf32>
        %swap3A_313 = vector.shape_cast %get3A_308 : vector<16xf32> to vector<1x16xf32>
        tpu.vector_store %arg18[%swap3A_309, %swap3A_310], %swap3A_313 {add = true, strides = array<i32>} : memref<16x1024xf32, #tpu.memory_space<vmem>>, vector<1x16xf32>,
        %get3A_314 = arith.index_cast %scan3A_288 : i32 to index
        %get3A_315 = arith.constant 48 : index
        %get3A_316 = tpu.vector_load %arg19[%get3A_314, %get3A_315] {strides = array<i32>} : memref<16x1024xf32, #tpu.memory_space<vmem>>, vector<1x16xf32>,
        %get3A_317 = vector.shape_cast %get3A_316 : vector<1x16xf32> to vector<16xf32>
        %swap3A_318 = arith.index_cast %scan3A_288 : i32 to index
        %swap3A_319 = arith.constant 48 : index
        %swap3A_320 = tpu.vector_load %arg18[%swap3A_318, %swap3A_319] {strides = array<i32>} : memref<16x1024xf32, #tpu.memory_space<vmem>>, vector<1x16xf32>,
        %swap3A_321 = vector.shape_cast %swap3A_320 : vector<1x16xf32> to vector<16xf32>
        %swap3A_322 = vector.shape_cast %get3A_317 : vector<16xf32> to vector<1x16xf32>
        tpu.vector_store %arg18[%swap3A_318, %swap3A_319], %swap3A_322 {add = true, strides = array<i32>} : memref<16x1024xf32, #tpu.memory_space<vmem>>, vector<1x16xf32>,
        %get3A_323 = arith.index_cast %scan3A_288 : i32 to index
        %get3A_324 = arith.constant 64 : index
        %get3A_325 = tpu.vector_load %arg19[%get3A_323, %get3A_324] {strides = array<i32>} : memref<16x1024xf32, #tpu.memory_space<vmem>>, vector<1x16xf32>,
        %get3A_326 = vector.shape_cast %get3A_325 : vector<1x16xf32> to vector<16xf32>
        %swap3A_327 = arith.index_cast %scan3A_288 : i32 to index
        %swap3A_328 = arith.constant 64 : index
        %swap3A_329 = tpu.vector_load %arg18[%swap3A_327, %swap3A_328] {strides = array<i32>} : memref<16x1024xf32, #tpu.memory_space<vmem>>, vector<1x16xf32>,
        %swap3A_330 = vector.shape_cast %swap3A_329 : vector<1x16xf32> to vector<16xf32>
        %swap3A_331 = vector.shape_cast %get3A_326 : vector<16xf32> to vector<1x16xf32>
        tpu.vector_store %arg18[%swap3A_327, %swap3A_328], %swap3A_331 {add = true, strides = array<i32>} : memref<16x1024xf32, #tpu.memory_space<vmem>>, vector<1x16xf32>,
        %get3A_332 = arith.index_cast %scan3A_288 : i32 to index
        %get3A_333 = arith.constant 80 : index
        %get3A_334 = tpu.vector_load %arg19[%get3A_332, %get3A_333] {strides = array<i32>} : memref<16x1024xf32, #tpu.memory_space<vmem>>, vector<1x16xf32>,
        %get3A_335 = vector.shape_cast %get3A_334 : vector<1x16xf32> to vector<16xf32>
        %swap3A_336 = arith.index_cast %scan3A_288 : i32 to index
        %swap3A_337 = arith.constant 80 : index
        %swap3A_338 = tpu.vector_load %arg18[%swap3A_336, %swap3A_337] {strides = array<i32>} : memref<16x1024xf32, #tpu.memory_space<vmem>>, vector<1x16xf32>,
        %swap3A_339 = vector.shape_cast %swap3A_338 : vector<1x16xf32> to vector<16xf32>
        %swap3A_340 = vector.shape_cast %get3A_335 : vector<16xf32> to vector<1x16xf32>
        tpu.vector_store %arg18[%swap3A_336, %swap3A_337], %swap3A_340 {add = true, strides = array<i32>} : memref<16x1024xf32, #tpu.memory_space<vmem>>, vector<1x16xf32>,
        %get3A_341 = arith.index_cast %scan3A_288 : i32 to index
        %get3A_342 = arith.constant 96 : index
        %get3A_343 = tpu.vector_load %arg19[%get3A_341, %get3A_342] {strides = array<i32>} : memref<16x1024xf32, #tpu.memory_space<vmem>>, vector<1x16xf32>,
        %get3A_344 = vector.shape_cast %get3A_343 : vector<1x16xf32> to vector<16xf32>
        %swap3A_345 = arith.index_cast %scan3A_288 : i32 to index
        %swap3A_346 = arith.constant 96 : index
        %swap3A_347 = tpu.vector_load %arg18[%swap3A_345, %swap3A_346] {strides = array<i32>} : memref<16x1024xf32, #tpu.memory_space<vmem>>, vector<1x16xf32>,
        %swap3A_348 = vector.shape_cast %swap3A_347 : vector<1x16xf32> to vector<16xf32>
        %swap3A_349 = vector.shape_cast %get3A_344 : vector<16xf32> to vector<1x16xf32>
        tpu.vector_store %arg18[%swap3A_345, %swap3A_346], %swap3A_349 {add = true, strides = array<i32>} : memref<16x1024xf32, #tpu.memory_space<vmem>>, vector<1x16xf32>,
        %get3A_350 = arith.index_cast %scan3A_288 : i32 to index
        %get3A_351 = arith.constant 112 : index
        %get3A_352 = tpu.vector_load %arg19[%get3A_350, %get3A_351] {strides = array<i32>} : memref<16x1024xf32, #tpu.memory_space<vmem>>, vector<1x16xf32>,
        %get3A_353 = vector.shape_cast %get3A_352 : vector<1x16xf32> to vector<16xf32>
        %swap3A_354 = arith.index_cast %scan3A_288 : i32 to index
        %swap3A_355 = arith.constant 112 : index
        %swap3A_356 = tpu.vector_load %arg18[%swap3A_354, %swap3A_355] {strides = array<i32>} : memref<16x1024xf32, #tpu.memory_space<vmem>>, vector<1x16xf32>,
        %swap3A_357 = vector.shape_cast %swap3A_356 : vector<1x16xf32> to vector<16xf32>
        %swap3A_358 = vector.shape_cast %get3A_353 : vector<16xf32> to vector<1x16xf32>
        tpu.vector_store %arg18[%swap3A_354, %swap3A_355], %swap3A_358 {add = true, strides = array<i32>} : memref<16x1024xf32, #tpu.memory_space<vmem>>, vector<1x16xf32>,
        %get3A_359 = arith.index_cast %scan3A_288 : i32 to index
        %get3A_360 = arith.constant 128 : index
        %get3A_361 = tpu.vector_load %arg19[%get3A_359, %get3A_360] {strides = array<i32>} : memref<16x1024xf32, #tpu.memory_space<vmem>>, vector<1x16xf32>,
        %get3A_362 = vector.shape_cast %get3A_361 : vector<1x16xf32> to vector<16xf32>
        %swap3A_363 = arith.index_cast %scan3A_288 : i32 to index
        %swap3A_364 = arith.constant 128 : index
        %swap3A_365 = tpu.vector_load %arg18[%swap3A_363, %swap3A_364] {strides = array<i32>} : memref<16x1024xf32, #tpu.memory_space<vmem>>, vector<1x16xf32>,
        %swap3A_366 = vector.shape_cast %swap3A_365 : vector<1x16xf32> to vector<16xf32>
        %swap3A_367 = vector.shape_cast %get3A_362 : vector<16xf32> to vector<1x16xf32>
        tpu.vector_store %arg18[%swap3A_363, %swap3A_364], %swap3A_367 {add = true, strides = array<i32>} : memref<16x1024xf32, #tpu.memory_space<vmem>>, vector<1x16xf32>,
        %get3A_368 = arith.index_cast %scan3A_288 : i32 to index
        %get3A_369 = arith.constant 144 : index
        %get3A_370 = tpu.vector_load %arg19[%get3A_368, %get3A_369] {strides = array<i32>} : memref<16x1024xf32, #tpu.memory_space<vmem>>, vector<1x16xf32>,
        %get3A_371 = vector.shape_cast %get3A_370 : vector<1x16xf32> to vector<16xf32>
        %swap3A_372 = arith.index_cast %scan3A_288 : i32 to index
        %swap3A_373 = arith.constant 144 : index
        %swap3A_374 = tpu.vector_load %arg18[%swap3A_372, %swap3A_373] {strides = array<i32>} : memref<16x1024xf32, #tpu.memory_space<vmem>>, vector<1x16xf32>,
        %swap3A_375 = vector.shape_cast %swap3A_374 : vector<1x16xf32> to vector<16xf32>
        %swap3A_376 = vector.shape_cast %get3A_371 : vector<16xf32> to vector<1x16xf32>
        tpu.vector_store %arg18[%swap3A_372, %swap3A_373], %swap3A_376 {add = true, strides = array<i32>} : memref<16x1024xf32, #tpu.memory_space<vmem>>, vector<1x16xf32>,
        %get3A_377 = arith.index_cast %scan3A_288 : i32 to index
        %get3A_378 = arith.constant 160 : index
        %get3A_379 = tpu.vector_load %arg19[%get3A_377, %get3A_378] {strides = array<i32>} : memref<16x1024xf32, #tpu.memory_space<vmem>>, vector<1x16xf32>,
        %get3A_380 = vector.shape_cast %get3A_379 : vector<1x16xf32> to vector<16xf32>
        %swap3A_381 = arith.index_cast %scan3A_288 : i32 to index
        %swap3A_382 = arith.constant 160 : index
        %swap3A_383 = tpu.vector_load %arg18[%swap3A_381, %swap3A_382] {strides = array<i32>} : memref<16x1024xf32, #tpu.memory_space<vmem>>, vector<1x16xf32>,
        %swap3A_384 = vector.shape_cast %swap3A_383 : vector<1x16xf32> to vector<16xf32>
        %swap3A_385 = vector.shape_cast %get3A_380 : vector<16xf32> to vector<1x16xf32>
        tpu.vector_store %arg18[%swap3A_381, %swap3A_382], %swap3A_385 {add = true, strides = array<i32>} : memref<16x1024xf32, #tpu.memory_space<vmem>>, vector<1x16xf32>,
        %get3A_386 = arith.index_cast %scan3A_288 : i32 to index
        %get3A_387 = arith.constant 176 : index
        %get3A_388 = tpu.vector_load %arg19[%get3A_386, %get3A_387] {strides = array<i32>} : memref<16x1024xf32, #tpu.memory_space<vmem>>, vector<1x16xf32>,
        %get3A_389 = vector.shape_cast %get3A_388 : vector<1x16xf32> to vector<16xf32>
        %swap3A_390 = arith.index_cast %scan3A_288 : i32 to index
        %swap3A_391 = arith.constant 176 : index
        %swap3A_392 = tpu.vector_load %arg18[%swap3A_390, %swap3A_391] {strides = array<i32>} : memref<16x1024xf32, #tpu.memory_space<vmem>>, vector<1x16xf32>,
        %swap3A_393 = vector.shape_cast %swap3A_392 : vector<1x16xf32> to vector<16xf32>
        %swap3A_394 = vector.shape_cast %get3A_389 : vector<16xf32> to vector<1x16xf32>
        tpu.vector_store %arg18[%swap3A_390, %swap3A_391], %swap3A_394 {add = true, strides = array<i32>} : memref<16x1024xf32, #tpu.memory_space<vmem>>, vector<1x16xf32>,
        %get3A_395 = arith.index_cast %scan3A_288 : i32 to index
        %get3A_396 = arith.constant 192 : index
        %get3A_397 = tpu.vector_load %arg19[%get3A_395, %get3A_396] {strides = array<i32>} : memref<16x1024xf32, #tpu.memory_space<vmem>>, vector<1x16xf32>,
        %get3A_398 = vector.shape_cast %get3A_397 : vector<1x16xf32> to vector<16xf32>
        %swap3A_399 = arith.index_cast %scan3A_288 : i32 to index
        %swap3A_400 = arith.constant 192 : index
        %swap3A_401 = tpu.vector_load %arg18[%swap3A_399, %swap3A_400] {strides = array<i32>} : memref<16x1024xf32, #tpu.memory_space<vmem>>, vector<1x16xf32>,
        %swap3A_402 = vector.shape_cast %swap3A_401 : vector<1x16xf32> to vector<16xf32>
        %swap3A_403 = vector.shape_cast %get3A_398 : vector<16xf32> to vector<1x16xf32>
        tpu.vector_store %arg18[%swap3A_399, %swap3A_400], %swap3A_403 {add = true, strides = array<i32>} : memref<16x1024xf32, #tpu.memory_space<vmem>>, vector<1x16xf32>,
        %get3A_404 = arith.index_cast %scan3A_288 : i32 to index
        %get3A_405 = arith.constant 208 : index
        %get3A_406 = tpu.vector_load %arg19[%get3A_404, %get3A_405] {strides = array<i32>} : memref<16x1024xf32, #tpu.memory_space<vmem>>, vector<1x16xf32>,
        %get3A_407 = vector.shape_cast %get3A_406 : vector<1x16xf32> to vector<16xf32>
        %swap3A_408 = arith.index_cast %scan3A_288 : i32 to index
        %swap3A_409 = arith.constant 208 : index
        %swap3A_410 = tpu.vector_load %arg18[%swap3A_408, %swap3A_409] {strides = array<i32>} : memref<16x1024xf32, #tpu.memory_space<vmem>>, vector<1x16xf32>,
        %swap3A_411 = vector.shape_cast %swap3A_410 : vector<1x16xf32> to vector<16xf32>
        %swap3A_412 = vector.shape_cast %get3A_407 : vector<16xf32> to vector<1x16xf32>
        tpu.vector_store %arg18[%swap3A_408, %swap3A_409], %swap3A_412 {add = true, strides = array<i32>} : memref<16x1024xf32, #tpu.memory_space<vmem>>, vector<1x16xf32>,
        %get3A_413 = arith.index_cast %scan3A_288 : i32 to index
        %get3A_414 = arith.constant 224 : index
        %get3A_415 = tpu.vector_load %arg19[%get3A_413, %get3A_414] {strides = array<i32>} : memref<16x1024xf32, #tpu.memory_space<vmem>>, vector<1x16xf32>,
        %get3A_416 = vector.shape_cast %get3A_415 : vector<1x16xf32> to vector<16xf32>
        %swap3A_417 = arith.index_cast %scan3A_288 : i32 to index
        %swap3A_418 = arith.constant 224 : index
        %swap3A_419 = tpu.vector_load %arg18[%swap3A_417, %swap3A_418] {strides = array<i32>} : memref<16x1024xf32, #tpu.memory_space<vmem>>, vector<1x16xf32>,
        %swap3A_420 = vector.shape_cast %swap3A_419 : vector<1x16xf32> to vector<16xf32>
        %swap3A_421 = vector.shape_cast %get3A_416 : vector<16xf32> to vector<1x16xf32>
        tpu.vector_store %arg18[%swap3A_417, %swap3A_418], %swap3A_421 {add = true, strides = array<i32>} : memref<16x1024xf32, #tpu.memory_space<vmem>>, vector<1x16xf32>,
        %get3A_422 = arith.index_cast %scan3A_288 : i32 to index
        %get3A_423 = arith.constant 240 : index
        %get3A_424 = tpu.vector_load %arg19[%get3A_422, %get3A_423] {strides = array<i32>} : memref<16x1024xf32, #tpu.memory_space<vmem>>, vector<1x16xf32>,
        %get3A_425 = vector.shape_cast %get3A_424 : vector<1x16xf32> to vector<16xf32>
        %swap3A_426 = arith.index_cast %scan3A_288 : i32 to index
        %swap3A_427 = arith.constant 240 : index
        %swap3A_428 = tpu.vector_load %arg18[%swap3A_426, %swap3A_427] {strides = array<i32>} : memref<16x1024xf32, #tpu.memory_space<vmem>>, vector<1x16xf32>,
        %swap3A_429 = vector.shape_cast %swap3A_428 : vector<1x16xf32> to vector<16xf32>
        %swap3A_430 = vector.shape_cast %get3A_425 : vector<16xf32> to vector<1x16xf32>
        tpu.vector_store %arg18[%swap3A_426, %swap3A_427], %swap3A_430 {add = true, strides = array<i32>} : memref<16x1024xf32, #tpu.memory_space<vmem>>, vector<1x16xf32>,
        %get3A_431 = arith.index_cast %scan3A_288 : i32 to index
        %get3A_432 = arith.constant 256 : index
        %get3A_433 = tpu.vector_load %arg19[%get3A_431, %get3A_432] {strides = array<i32>} : memref<16x1024xf32, #tpu.memory_space<vmem>>, vector<1x16xf32>,
        %get3A_434 = vector.shape_cast %get3A_433 : vector<1x16xf32> to vector<16xf32>
        %swap3A_435 = arith.index_cast %scan3A_288 : i32 to index
        %swap3A_436 = arith.constant 256 : index
        %swap3A_437 = tpu.vector_load %arg18[%swap3A_435, %swap3A_436] {strides = array<i32>} : memref<16x1024xf32, #tpu.memory_space<vmem>>, vector<1x16xf32>,
        %swap3A_438 = vector.shape_cast %swap3A_437 : vector<1x16xf32> to vector<16xf32>
        %swap3A_439 = vector.shape_cast %get3A_434 : vector<16xf32> to vector<1x16xf32>
        tpu.vector_store %arg18[%swap3A_435, %swap3A_436], %swap3A_439 {add = true, strides = array<i32>} : memref<16x1024xf32, #tpu.memory_space<vmem>>, vector<1x16xf32>,
        %get3A_440 = arith.index_cast %scan3A_288 : i32 to index
        %get3A_441 = arith.constant 272 : index
        %get3A_442 = tpu.vector_load %arg19[%get3A_440, %get3A_441] {strides = array<i32>} : memref<16x1024xf32, #tpu.memory_space<vmem>>, vector<1x16xf32>,
        %get3A_443 = vector.shape_cast %get3A_442 : vector<1x16xf32> to vector<16xf32>
        %swap3A_444 = arith.index_cast %scan3A_288 : i32 to index
        %swap3A_445 = arith.constant 272 : index
        %swap3A_446 = tpu.vector_load %arg18[%swap3A_444, %swap3A_445] {strides = array<i32>} : memref<16x1024xf32, #tpu.memory_space<vmem>>, vector<1x16xf32>,
        %swap3A_447 = vector.shape_cast %swap3A_446 : vector<1x16xf32> to vector<16xf32>
        %swap3A_448 = vector.shape_cast %get3A_443 : vector<16xf32> to vector<1x16xf32>
        tpu.vector_store %arg18[%swap3A_444, %swap3A_445], %swap3A_448 {add = true, strides = array<i32>} : memref<16x1024xf32, #tpu.memory_space<vmem>>, vector<1x16xf32>,
        %get3A_449 = arith.index_cast %scan3A_288 : i32 to index
        %get3A_450 = arith.constant 288 : index
        %get3A_451 = tpu.vector_load %arg19[%get3A_449, %get3A_450] {strides = array<i32>} : memref<16x1024xf32, #tpu.memory_space<vmem>>, vector<1x16xf32>,
        %get3A_452 = vector.shape_cast %get3A_451 : vector<1x16xf32> to vector<16xf32>
        %swap3A_453 = arith.index_cast %scan3A_288 : i32 to index
        %swap3A_454 = arith.constant 288 : index
        %swap3A_455 = tpu.vector_load %arg18[%swap3A_453, %swap3A_454] {strides = array<i32>} : memref<16x1024xf32, #tpu.memory_space<vmem>>, vector<1x16xf32>,
        %swap3A_456 = vector.shape_cast %swap3A_455 : vector<1x16xf32> to vector<16xf32>
        %swap3A_457 = vector.shape_cast %get3A_452 : vector<16xf32> to vector<1x16xf32>
        tpu.vector_store %arg18[%swap3A_453, %swap3A_454], %swap3A_457 {add = true, strides = array<i32>} : memref<16x1024xf32, #tpu.memory_space<vmem>>, vector<1x16xf32>,
        %get3A_458 = arith.index_cast %scan3A_288 : i32 to index
        %get3A_459 = arith.constant 304 : index
        %get3A_460 = tpu.vector_load %arg19[%get3A_458, %get3A_459] {strides = array<i32>} : memref<16x1024xf32, #tpu.memory_space<vmem>>, vector<1x16xf32>,
        %get3A_461 = vector.shape_cast %get3A_460 : vector<1x16xf32> to vector<16xf32>
        %swap3A_462 = arith.index_cast %scan3A_288 : i32 to index
        %swap3A_463 = arith.constant 304 : index
        %swap3A_464 = tpu.vector_load %arg18[%swap3A_462, %swap3A_463] {strides = array<i32>} : memref<16x1024xf32, #tpu.memory_space<vmem>>, vector<1x16xf32>,
        %swap3A_465 = vector.shape_cast %swap3A_464 : vector<1x16xf32> to vector<16xf32>
        %swap3A_466 = vector.shape_cast %get3A_461 : vector<16xf32> to vector<1x16xf32>
        tpu.vector_store %arg18[%swap3A_462, %swap3A_463], %swap3A_466 {add = true, strides = array<i32>} : memref<16x1024xf32, #tpu.memory_space<vmem>>, vector<1x16xf32>,
        %get3A_467 = arith.index_cast %scan3A_288 : i32 to index
        %get3A_468 = arith.constant 320 : index
        %get3A_469 = tpu.vector_load %arg19[%get3A_467, %get3A_468] {strides = array<i32>} : memref<16x1024xf32, #tpu.memory_space<vmem>>, vector<1x16xf32>,
        %get3A_470 = vector.shape_cast %get3A_469 : vector<1x16xf32> to vector<16xf32>
        %swap3A_471 = arith.index_cast %scan3A_288 : i32 to index
        %swap3A_472 = arith.constant 320 : index
        %swap3A_473 = tpu.vector_load %arg18[%swap3A_471, %swap3A_472] {strides = array<i32>} : memref<16x1024xf32, #tpu.memory_space<vmem>>, vector<1x16xf32>,
        %swap3A_474 = vector.shape_cast %swap3A_473 : vector<1x16xf32> to vector<16xf32>
        %swap3A_475 = vector.shape_cast %get3A_470 : vector<16xf32> to vector<1x16xf32>
        tpu.vector_store %arg18[%swap3A_471, %swap3A_472], %swap3A_475 {add = true, strides = array<i32>} : memref<16x1024xf32, #tpu.memory_space<vmem>>, vector<1x16xf32>,
        %get3A_476 = arith.index_cast %scan3A_288 : i32 to index
        %get3A_477 = arith.constant 336 : index
        %get3A_478 = tpu.vector_load %arg19[%get3A_476, %get3A_477] {strides = array<i32>} : memref<16x1024xf32, #tpu.memory_space<vmem>>, vector<1x16xf32>,
        %get3A_479 = vector.shape_cast %get3A_478 : vector<1x16xf32> to vector<16xf32>
        %swap3A_480 = arith.index_cast %scan3A_288 : i32 to index
        %swap3A_481 = arith.constant 336 : index
        %swap3A_482 = tpu.vector_load %arg18[%swap3A_480, %swap3A_481] {strides = array<i32>} : memref<16x1024xf32, #tpu.memory_space<vmem>>, vector<1x16xf32>,
        %swap3A_483 = vector.shape_cast %swap3A_482 : vector<1x16xf32> to vector<16xf32>
        %swap3A_484 = vector.shape_cast %get3A_479 : vector<16xf32> to vector<1x16xf32>
        tpu.vector_store %arg18[%swap3A_480, %swap3A_481], %swap3A_484 {add = true, strides = array<i32>} : memref<16x1024xf32, #tpu.memory_space<vmem>>, vector<1x16xf32>,
        %get3A_485 = arith.index_cast %scan3A_288 : i32 to index
        %get3A_486 = arith.constant 352 : index
        %get3A_487 = tpu.vector_load %arg19[%get3A_485, %get3A_486] {strides = array<i32>} : memref<16x1024xf32, #tpu.memory_space<vmem>>, vector<1x16xf32>,
        %get3A_488 = vector.shape_cast %get3A_487 : vector<1x16xf32> to vector<16xf32>
        %swap3A_489 = arith.index_cast %scan3A_288 : i32 to index
        %swap3A_490 = arith.constant 352 : index
        %swap3A_491 = tpu.vector_load %arg18[%swap3A_489, %swap3A_490] {strides = array<i32>} : memref<16x1024xf32, #tpu.memory_space<vmem>>, vector<1x16xf32>,
        %swap3A_492 = vector.shape_cast %swap3A_491 : vector<1x16xf32> to vector<16xf32>
        %swap3A_493 = vector.shape_cast %get3A_488 : vector<16xf32> to vector<1x16xf32>
        tpu.vector_store %arg18[%swap3A_489, %swap3A_490], %swap3A_493 {add = true, strides = array<i32>} : memref<16x1024xf32, #tpu.memory_space<vmem>>, vector<1x16xf32>,
        %get3A_494 = arith.index_cast %scan3A_288 : i32 to index
        %get3A_495 = arith.constant 368 : index
        %get3A_496 = tpu.vector_load %arg19[%get3A_494, %get3A_495] {strides = array<i32>} : memref<16x1024xf32, #tpu.memory_space<vmem>>, vector<1x16xf32>,
        %get3A_497 = vector.shape_cast %get3A_496 : vector<1x16xf32> to vector<16xf32>
        %swap3A_498 = arith.index_cast %scan3A_288 : i32 to index
        %swap3A_499 = arith.constant 368 : index
        %swap3A_500 = tpu.vector_load %arg18[%swap3A_498, %swap3A_499] {strides = array<i32>} : memref<16x1024xf32, #tpu.memory_space<vmem>>, vector<1x16xf32>,
        %swap3A_501 = vector.shape_cast %swap3A_500 : vector<1x16xf32> to vector<16xf32>
        %swap3A_502 = vector.shape_cast %get3A_497 : vector<16xf32> to vector<1x16xf32>
        tpu.vector_store %arg18[%swap3A_498, %swap3A_499], %swap3A_502 {add = true, strides = array<i32>} : memref<16x1024xf32, #tpu.memory_space<vmem>>, vector<1x16xf32>,
        %get3A_503 = arith.index_cast %scan3A_288 : i32 to index
        %get3A_504 = arith.constant 384 : index
        %get3A_505 = tpu.vector_load %arg19[%get3A_503, %get3A_504] {strides = array<i32>} : memref<16x1024xf32, #tpu.memory_space<vmem>>, vector<1x16xf32>,
        %get3A_506 = vector.shape_cast %get3A_505 : vector<1x16xf32> to vector<16xf32>
        %swap3A_507 = arith.index_cast %scan3A_288 : i32 to index
        %swap3A_508 = arith.constant 384 : index
        %swap3A_509 = tpu.vector_load %arg18[%swap3A_507, %swap3A_508] {strides = array<i32>} : memref<16x1024xf32, #tpu.memory_space<vmem>>, vector<1x16xf32>,
        %swap3A_510 = vector.shape_cast %swap3A_509 : vector<1x16xf32> to vector<16xf32>
        %swap3A_511 = vector.shape_cast %get3A_506 : vector<16xf32> to vector<1x16xf32>
        tpu.vector_store %arg18[%swap3A_507, %swap3A_508], %swap3A_511 {add = true, strides = array<i32>} : memref<16x1024xf32, #tpu.memory_space<vmem>>, vector<1x16xf32>,
        %get3A_512 = arith.index_cast %scan3A_288 : i32 to index
        %get3A_513 = arith.constant 400 : index
        %get3A_514 = tpu.vector_load %arg19[%get3A_512, %get3A_513] {strides = array<i32>} : memref<16x1024xf32, #tpu.memory_space<vmem>>, vector<1x16xf32>,
        %get3A_515 = vector.shape_cast %get3A_514 : vector<1x16xf32> to vector<16xf32>
        %swap3A_516 = arith.index_cast %scan3A_288 : i32 to index
        %swap3A_517 = arith.constant 400 : index
        %swap3A_518 = tpu.vector_load %arg18[%swap3A_516, %swap3A_517] {strides = array<i32>} : memref<16x1024xf32, #tpu.memory_space<vmem>>, vector<1x16xf32>,
        %swap3A_519 = vector.shape_cast %swap3A_518 : vector<1x16xf32> to vector<16xf32>
        %swap3A_520 = vector.shape_cast %get3A_515 : vector<16xf32> to vector<1x16xf32>
        tpu.vector_store %arg18[%swap3A_516, %swap3A_517], %swap3A_520 {add = true, strides = array<i32>} : memref<16x1024xf32, #tpu.memory_space<vmem>>, vector<1x16xf32>,
        %get3A_521 = arith.index_cast %scan3A_288 : i32 to index
        %get3A_522 = arith.constant 416 : index
        %get3A_523 = tpu.vector_load %arg19[%get3A_521, %get3A_522] {strides = array<i32>} : memref<16x1024xf32, #tpu.memory_space<vmem>>, vector<1x16xf32>,
        %get3A_524 = vector.shape_cast %get3A_523 : vector<1x16xf32> to vector<16xf32>
        %swap3A_525 = arith.index_cast %scan3A_288 : i32 to index
        %swap3A_526 = arith.constant 416 : index
        %swap3A_527 = tpu.vector_load %arg18[%swap3A_525, %swap3A_526] {strides = array<i32>} : memref<16x1024xf32, #tpu.memory_space<vmem>>, vector<1x16xf32>,
        %swap3A_528 = vector.shape_cast %swap3A_527 : vector<1x16xf32> to vector<16xf32>
        %swap3A_529 = vector.shape_cast %get3A_524 : vector<16xf32> to vector<1x16xf32>
        tpu.vector_store %arg18[%swap3A_525, %swap3A_526], %swap3A_529 {add = true, strides = array<i32>} : memref<16x1024xf32, #tpu.memory_space<vmem>>, vector<1x16xf32>,
        %get3A_530 = arith.index_cast %scan3A_288 : i32 to index
        %get3A_531 = arith.constant 432 : index
        %get3A_532 = tpu.vector_load %arg19[%get3A_530, %get3A_531] {strides = array<i32>} : memref<16x1024xf32, #tpu.memory_space<vmem>>, vector<1x16xf32>,
        %get3A_533 = vector.shape_cast %get3A_532 : vector<1x16xf32> to vector<16xf32>
        %swap3A_534 = arith.index_cast %scan3A_288 : i32 to index
        %swap3A_535 = arith.constant 432 : index
        %swap3A_536 = tpu.vector_load %arg18[%swap3A_534, %swap3A_535] {strides = array<i32>} : memref<16x1024xf32, #tpu.memory_space<vmem>>, vector<1x16xf32>,
        %swap3A_537 = vector.shape_cast %swap3A_536 : vector<1x16xf32> to vector<16xf32>
        %swap3A_538 = vector.shape_cast %get3A_533 : vector<16xf32> to vector<1x16xf32>
        tpu.vector_store %arg18[%swap3A_534, %swap3A_535], %swap3A_538 {add = true, strides = array<i32>} : memref<16x1024xf32, #tpu.memory_space<vmem>>, vector<1x16xf32>,
        %get3A_539 = arith.index_cast %scan3A_288 : i32 to index
        %get3A_540 = arith.constant 448 : index
        %get3A_541 = tpu.vector_load %arg19[%get3A_539, %get3A_540] {strides = array<i32>} : memref<16x1024xf32, #tpu.memory_space<vmem>>, vector<1x16xf32>,
        %get3A_542 = vector.shape_cast %get3A_541 : vector<1x16xf32> to vector<16xf32>
        %swap3A_543 = arith.index_cast %scan3A_288 : i32 to index
        %swap3A_544 = arith.constant 448 : index
        %swap3A_545 = tpu.vector_load %arg18[%swap3A_543, %swap3A_544] {strides = array<i32>} : memref<16x1024xf32, #tpu.memory_space<vmem>>, vector<1x16xf32>,
        %swap3A_546 = vector.shape_cast %swap3A_545 : vector<1x16xf32> to vector<16xf32>
        %swap3A_547 = vector.shape_cast %get3A_542 : vector<16xf32> to vector<1x16xf32>
        tpu.vector_store %arg18[%swap3A_543, %swap3A_544], %swap3A_547 {add = true, strides = array<i32>} : memref<16x1024xf32, #tpu.memory_space<vmem>>, vector<1x16xf32>,
        %get3A_548 = arith.index_cast %scan3A_288 : i32 to index
        %get3A_549 = arith.constant 464 : index
        %get3A_550 = tpu.vector_load %arg19[%get3A_548, %get3A_549] {strides = array<i32>} : memref<16x1024xf32, #tpu.memory_space<vmem>>, vector<1x16xf32>,
        %get3A_551 = vector.shape_cast %get3A_550 : vector<1x16xf32> to vector<16xf32>
        %swap3A_552 = arith.index_cast %scan3A_288 : i32 to index
        %swap3A_553 = arith.constant 464 : index
        %swap3A_554 = tpu.vector_load %arg18[%swap3A_552, %swap3A_553] {strides = array<i32>} : memref<16x1024xf32, #tpu.memory_space<vmem>>, vector<1x16xf32>,
        %swap3A_555 = vector.shape_cast %swap3A_554 : vector<1x16xf32> to vector<16xf32>
        %swap3A_556 = vector.shape_cast %get3A_551 : vector<16xf32> to vector<1x16xf32>
        tpu.vector_store %arg18[%swap3A_552, %swap3A_553], %swap3A_556 {add = true, strides = array<i32>} : memref<16x1024xf32, #tpu.memory_space<vmem>>, vector<1x16xf32>,
        %get3A_557 = arith.index_cast %scan3A_288 : i32 to index
        %get3A_558 = arith.constant 480 : index
        %get3A_559 = tpu.vector_load %arg19[%get3A_557, %get3A_558] {strides = array<i32>} : memref<16x1024xf32, #tpu.memory_space<vmem>>, vector<1x16xf32>,
        %get3A_560 = vector.shape_cast %get3A_559 : vector<1x16xf32> to vector<16xf32>
        %swap3A_561 = arith.index_cast %scan3A_288 : i32 to index
        %swap3A_562 = arith.constant 480 : index
        %swap3A_563 = tpu.vector_load %arg18[%swap3A_561, %swap3A_562] {strides = array<i32>} : memref<16x1024xf32, #tpu.memory_space<vmem>>, vector<1x16xf32>,
        %swap3A_564 = vector.shape_cast %swap3A_563 : vector<1x16xf32> to vector<16xf32>
        %swap3A_565 = vector.shape_cast %get3A_560 : vector<16xf32> to vector<1x16xf32>
        tpu.vector_store %arg18[%swap3A_561, %swap3A_562], %swap3A_565 {add = true, strides = array<i32>} : memref<16x1024xf32, #tpu.memory_space<vmem>>, vector<1x16xf32>,
        %get3A_566 = arith.index_cast %scan3A_288 : i32 to index
        %get3A_567 = arith.constant 496 : index
        %get3A_568 = tpu.vector_load %arg19[%get3A_566, %get3A_567] {strides = array<i32>} : memref<16x1024xf32, #tpu.memory_space<vmem>>, vector<1x16xf32>,
        %get3A_569 = vector.shape_cast %get3A_568 : vector<1x16xf32> to vector<16xf32>
        %swap3A_570 = arith.index_cast %scan3A_288 : i32 to index
        %swap3A_571 = arith.constant 496 : index
        %swap3A_572 = tpu.vector_load %arg18[%swap3A_570, %swap3A_571] {strides = array<i32>} : memref<16x1024xf32, #tpu.memory_space<vmem>>, vector<1x16xf32>,
        %swap3A_573 = vector.shape_cast %swap3A_572 : vector<1x16xf32> to vector<16xf32>
        %swap3A_574 = vector.shape_cast %get3A_569 : vector<16xf32> to vector<1x16xf32>
        tpu.vector_store %arg18[%swap3A_570, %swap3A_571], %swap3A_574 {add = true, strides = array<i32>} : memref<16x1024xf32, #tpu.memory_space<vmem>>, vector<1x16xf32>,
        %get3A_575 = arith.index_cast %scan3A_288 : i32 to index
        %get3A_576 = arith.constant 512 : index
        %get3A_577 = tpu.vector_load %arg19[%get3A_575, %get3A_576] {strides = array<i32>} : memref<16x1024xf32, #tpu.memory_space<vmem>>, vector<1x16xf32>,
        %get3A_578 = vector.shape_cast %get3A_577 : vector<1x16xf32> to vector<16xf32>
        %swap3A_579 = arith.index_cast %scan3A_288 : i32 to index
        %swap3A_580 = arith.constant 512 : index
        %swap3A_581 = tpu.vector_load %arg18[%swap3A_579, %swap3A_580] {strides = array<i32>} : memref<16x1024xf32, #tpu.memory_space<vmem>>, vector<1x16xf32>,
        %swap3A_582 = vector.shape_cast %swap3A_581 : vector<1x16xf32> to vector<16xf32>
        %swap3A_583 = vector.shape_cast %get3A_578 : vector<16xf32> to vector<1x16xf32>
        tpu.vector_store %arg18[%swap3A_579, %swap3A_580], %swap3A_583 {add = true, strides = array<i32>} : memref<16x1024xf32, #tpu.memory_space<vmem>>, vector<1x16xf32>,
        %get3A_584 = arith.index_cast %scan3A_288 : i32 to index
        %get3A_585 = arith.constant 528 : index
        %get3A_586 = tpu.vector_load %arg19[%get3A_584, %get3A_585] {strides = array<i32>} : memref<16x1024xf32, #tpu.memory_space<vmem>>, vector<1x16xf32>,
        %get3A_587 = vector.shape_cast %get3A_586 : vector<1x16xf32> to vector<16xf32>
        %swap3A_588 = arith.index_cast %scan3A_288 : i32 to index
        %swap3A_589 = arith.constant 528 : index
        %swap3A_590 = tpu.vector_load %arg18[%swap3A_588, %swap3A_589] {strides = array<i32>} : memref<16x1024xf32, #tpu.memory_space<vmem>>, vector<1x16xf32>,
        %swap3A_591 = vector.shape_cast %swap3A_590 : vector<1x16xf32> to vector<16xf32>
        %swap3A_592 = vector.shape_cast %get3A_587 : vector<16xf32> to vector<1x16xf32>
        tpu.vector_store %arg18[%swap3A_588, %swap3A_589], %swap3A_592 {add = true, strides = array<i32>} : memref<16x1024xf32, #tpu.memory_space<vmem>>, vector<1x16xf32>,
        %get3A_593 = arith.index_cast %scan3A_288 : i32 to index
        %get3A_594 = arith.constant 544 : index
        %get3A_595 = tpu.vector_load %arg19[%get3A_593, %get3A_594] {strides = array<i32>} : memref<16x1024xf32, #tpu.memory_space<vmem>>, vector<1x16xf32>,
        %get3A_596 = vector.shape_cast %get3A_595 : vector<1x16xf32> to vector<16xf32>
        %swap3A_597 = arith.index_cast %scan3A_288 : i32 to index
        %swap3A_598 = arith.constant 544 : index
        %swap3A_599 = tpu.vector_load %arg18[%swap3A_597, %swap3A_598] {strides = array<i32>} : memref<16x1024xf32, #tpu.memory_space<vmem>>, vector<1x16xf32>,
        %swap3A_600 = vector.shape_cast %swap3A_599 : vector<1x16xf32> to vector<16xf32>
        %swap3A_601 = vector.shape_cast %get3A_596 : vector<16xf32> to vector<1x16xf32>
        tpu.vector_store %arg18[%swap3A_597, %swap3A_598], %swap3A_601 {add = true, strides = array<i32>} : memref<16x1024xf32, #tpu.memory_space<vmem>>, vector<1x16xf32>,
        %get3A_602 = arith.index_cast %scan3A_288 : i32 to index
        %get3A_603 = arith.constant 560 : index
        %get3A_604 = tpu.vector_load %arg19[%get3A_602, %get3A_603] {strides = array<i32>} : memref<16x1024xf32, #tpu.memory_space<vmem>>, vector<1x16xf32>,
        %get3A_605 = vector.shape_cast %get3A_604 : vector<1x16xf32> to vector<16xf32>
        %swap3A_606 = arith.index_cast %scan3A_288 : i32 to index
        %swap3A_607 = arith.constant 560 : index
        %swap3A_608 = tpu.vector_load %arg18[%swap3A_606, %swap3A_607] {strides = array<i32>} : memref<16x1024xf32, #tpu.memory_space<vmem>>, vector<1x16xf32>,
        %swap3A_609 = vector.shape_cast %swap3A_608 : vector<1x16xf32> to vector<16xf32>
        %swap3A_610 = vector.shape_cast %get3A_605 : vector<16xf32> to vector<1x16xf32>
        tpu.vector_store %arg18[%swap3A_606, %swap3A_607], %swap3A_610 {add = true, strides = array<i32>} : memref<16x1024xf32, #tpu.memory_space<vmem>>, vector<1x16xf32>,
        %get3A_611 = arith.index_cast %scan3A_288 : i32 to index
        %get3A_612 = arith.constant 576 : index
        %get3A_613 = tpu.vector_load %arg19[%get3A_611, %get3A_612] {strides = array<i32>} : memref<16x1024xf32, #tpu.memory_space<vmem>>, vector<1x16xf32>,
        %get3A_614 = vector.shape_cast %get3A_613 : vector<1x16xf32> to vector<16xf32>
        %swap3A_615 = arith.index_cast %scan3A_288 : i32 to index
        %swap3A_616 = arith.constant 576 : index
        %swap3A_617 = tpu.vector_load %arg18[%swap3A_615, %swap3A_616] {strides = array<i32>} : memref<16x1024xf32, #tpu.memory_space<vmem>>, vector<1x16xf32>,
        %swap3A_618 = vector.shape_cast %swap3A_617 : vector<1x16xf32> to vector<16xf32>
        %swap3A_619 = vector.shape_cast %get3A_614 : vector<16xf32> to vector<1x16xf32>
        tpu.vector_store %arg18[%swap3A_615, %swap3A_616], %swap3A_619 {add = true, strides = array<i32>} : memref<16x1024xf32, #tpu.memory_space<vmem>>, vector<1x16xf32>,
        %get3A_620 = arith.index_cast %scan3A_288 : i32 to index
        %get3A_621 = arith.constant 592 : index
        %get3A_622 = tpu.vector_load %arg19[%get3A_620, %get3A_621] {strides = array<i32>} : memref<16x1024xf32, #tpu.memory_space<vmem>>, vector<1x16xf32>,
        %get3A_623 = vector.shape_cast %get3A_622 : vector<1x16xf32> to vector<16xf32>
        %swap3A_624 = arith.index_cast %scan3A_288 : i32 to index
        %swap3A_625 = arith.constant 592 : index
        %swap3A_626 = tpu.vector_load %arg18[%swap3A_624, %swap3A_625] {strides = array<i32>} : memref<16x1024xf32, #tpu.memory_space<vmem>>, vector<1x16xf32>,
        %swap3A_627 = vector.shape_cast %swap3A_626 : vector<1x16xf32> to vector<16xf32>
        %swap3A_628 = vector.shape_cast %get3A_623 : vector<16xf32> to vector<1x16xf32>
        tpu.vector_store %arg18[%swap3A_624, %swap3A_625], %swap3A_628 {add = true, strides = array<i32>} : memref<16x1024xf32, #tpu.memory_space<vmem>>, vector<1x16xf32>,
        %get3A_629 = arith.index_cast %scan3A_288 : i32 to index
        %get3A_630 = arith.constant 608 : index
        %get3A_631 = tpu.vector_load %arg19[%get3A_629, %get3A_630] {strides = array<i32>} : memref<16x1024xf32, #tpu.memory_space<vmem>>, vector<1x16xf32>,
        %get3A_632 = vector.shape_cast %get3A_631 : vector<1x16xf32> to vector<16xf32>
        %swap3A_633 = arith.index_cast %scan3A_288 : i32 to index
        %swap3A_634 = arith.constant 608 : index
        %swap3A_635 = tpu.vector_load %arg18[%swap3A_633, %swap3A_634] {strides = array<i32>} : memref<16x1024xf32, #tpu.memory_space<vmem>>, vector<1x16xf32>,
        %swap3A_636 = vector.shape_cast %swap3A_635 : vector<1x16xf32> to vector<16xf32>
        %swap3A_637 = vector.shape_cast %get3A_632 : vector<16xf32> to vector<1x16xf32>
        tpu.vector_store %arg18[%swap3A_633, %swap3A_634], %swap3A_637 {add = true, strides = array<i32>} : memref<16x1024xf32, #tpu.memory_space<vmem>>, vector<1x16xf32>,
        %get3A_638 = arith.index_cast %scan3A_288 : i32 to index
        %get3A_639 = arith.constant 624 : index
        %get3A_640 = tpu.vector_load %arg19[%get3A_638, %get3A_639] {strides = array<i32>} : memref<16x1024xf32, #tpu.memory_space<vmem>>, vector<1x16xf32>,
        %get3A_641 = vector.shape_cast %get3A_640 : vector<1x16xf32> to vector<16xf32>
        %swap3A_642 = arith.index_cast %scan3A_288 : i32 to index
        %swap3A_643 = arith.constant 624 : index
        %swap3A_644 = tpu.vector_load %arg18[%swap3A_642, %swap3A_643] {strides = array<i32>} : memref<16x1024xf32, #tpu.memory_space<vmem>>, vector<1x16xf32>,
        %swap3A_645 = vector.shape_cast %swap3A_644 : vector<1x16xf32> to vector<16xf32>
        %swap3A_646 = vector.shape_cast %get3A_641 : vector<16xf32> to vector<1x16xf32>
        tpu.vector_store %arg18[%swap3A_642, %swap3A_643], %swap3A_646 {add = true, strides = array<i32>} : memref<16x1024xf32, #tpu.memory_space<vmem>>, vector<1x16xf32>,
        %get3A_647 = arith.index_cast %scan3A_288 : i32 to index
        %get3A_648 = arith.constant 640 : index
        %get3A_649 = tpu.vector_load %arg19[%get3A_647, %get3A_648] {strides = array<i32>} : memref<16x1024xf32, #tpu.memory_space<vmem>>, vector<1x16xf32>,
        %get3A_650 = vector.shape_cast %get3A_649 : vector<1x16xf32> to vector<16xf32>
        %swap3A_651 = arith.index_cast %scan3A_288 : i32 to index
        %swap3A_652 = arith.constant 640 : index
        %swap3A_653 = tpu.vector_load %arg18[%swap3A_651, %swap3A_652] {strides = array<i32>} : memref<16x1024xf32, #tpu.memory_space<vmem>>, vector<1x16xf32>,
        %swap3A_654 = vector.shape_cast %swap3A_653 : vector<1x16xf32> to vector<16xf32>
        %swap3A_655 = vector.shape_cast %get3A_650 : vector<16xf32> to vector<1x16xf32>
        tpu.vector_store %arg18[%swap3A_651, %swap3A_652], %swap3A_655 {add = true, strides = array<i32>} : memref<16x1024xf32, #tpu.memory_space<vmem>>, vector<1x16xf32>,
        %get3A_656 = arith.index_cast %scan3A_288 : i32 to index
        %get3A_657 = arith.constant 656 : index
        %get3A_658 = tpu.vector_load %arg19[%get3A_656, %get3A_657] {strides = array<i32>} : memref<16x1024xf32, #tpu.memory_space<vmem>>, vector<1x16xf32>,
        %get3A_659 = vector.shape_cast %get3A_658 : vector<1x16xf32> to vector<16xf32>
        %swap3A_660 = arith.index_cast %scan3A_288 : i32 to index
        %swap3A_661 = arith.constant 656 : index
        %swap3A_662 = tpu.vector_load %arg18[%swap3A_660, %swap3A_661] {strides = array<i32>} : memref<16x1024xf32, #tpu.memory_space<vmem>>, vector<1x16xf32>,
        %swap3A_663 = vector.shape_cast %swap3A_662 : vector<1x16xf32> to vector<16xf32>
        %swap3A_664 = vector.shape_cast %get3A_659 : vector<16xf32> to vector<1x16xf32>
        tpu.vector_store %arg18[%swap3A_660, %swap3A_661], %swap3A_664 {add = true, strides = array<i32>} : memref<16x1024xf32, #tpu.memory_space<vmem>>, vector<1x16xf32>,
        %get3A_665 = arith.index_cast %scan3A_288 : i32 to index
        %get3A_666 = arith.constant 672 : index
        %get3A_667 = tpu.vector_load %arg19[%get3A_665, %get3A_666] {strides = array<i32>} : memref<16x1024xf32, #tpu.memory_space<vmem>>, vector<1x16xf32>,
        %get3A_668 = vector.shape_cast %get3A_667 : vector<1x16xf32> to vector<16xf32>
        %swap3A_669 = arith.index_cast %scan3A_288 : i32 to index
        %swap3A_670 = arith.constant 672 : index
        %swap3A_671 = tpu.vector_load %arg18[%swap3A_669, %swap3A_670] {strides = array<i32>} : memref<16x1024xf32, #tpu.memory_space<vmem>>, vector<1x16xf32>,
        %swap3A_672 = vector.shape_cast %swap3A_671 : vector<1x16xf32> to vector<16xf32>
        %swap3A_673 = vector.shape_cast %get3A_668 : vector<16xf32> to vector<1x16xf32>
        tpu.vector_store %arg18[%swap3A_669, %swap3A_670], %swap3A_673 {add = true, strides = array<i32>} : memref<16x1024xf32, #tpu.memory_space<vmem>>, vector<1x16xf32>,
        %get3A_674 = arith.index_cast %scan3A_288 : i32 to index
        %get3A_675 = arith.constant 688 : index
        %get3A_676 = tpu.vector_load %arg19[%get3A_674, %get3A_675] {strides = array<i32>} : memref<16x1024xf32, #tpu.memory_space<vmem>>, vector<1x16xf32>,
        %get3A_677 = vector.shape_cast %get3A_676 : vector<1x16xf32> to vector<16xf32>
        %swap3A_678 = arith.index_cast %scan3A_288 : i32 to index
        %swap3A_679 = arith.constant 688 : index
        %swap3A_680 = tpu.vector_load %arg18[%swap3A_678, %swap3A_679] {strides = array<i32>} : memref<16x1024xf32, #tpu.memory_space<vmem>>, vector<1x16xf32>,
        %swap3A_681 = vector.shape_cast %swap3A_680 : vector<1x16xf32> to vector<16xf32>
        %swap3A_682 = vector.shape_cast %get3A_677 : vector<16xf32> to vector<1x16xf32>
        tpu.vector_store %arg18[%swap3A_678, %swap3A_679], %swap3A_682 {add = true, strides = array<i32>} : memref<16x1024xf32, #tpu.memory_space<vmem>>, vector<1x16xf32>,
        %get3A_683 = arith.index_cast %scan3A_288 : i32 to index
        %get3A_684 = arith.constant 704 : index
        %get3A_685 = tpu.vector_load %arg19[%get3A_683, %get3A_684] {strides = array<i32>} : memref<16x1024xf32, #tpu.memory_space<vmem>>, vector<1x16xf32>,
        %get3A_686 = vector.shape_cast %get3A_685 : vector<1x16xf32> to vector<16xf32>
        %swap3A_687 = arith.index_cast %scan3A_288 : i32 to index
        %swap3A_688 = arith.constant 704 : index
        %swap3A_689 = tpu.vector_load %arg18[%swap3A_687, %swap3A_688] {strides = array<i32>} : memref<16x1024xf32, #tpu.memory_space<vmem>>, vector<1x16xf32>,
        %swap3A_690 = vector.shape_cast %swap3A_689 : vector<1x16xf32> to vector<16xf32>
        %swap3A_691 = vector.shape_cast %get3A_686 : vector<16xf32> to vector<1x16xf32>
        tpu.vector_store %arg18[%swap3A_687, %swap3A_688], %swap3A_691 {add = true, strides = array<i32>} : memref<16x1024xf32, #tpu.memory_space<vmem>>, vector<1x16xf32>,
        %get3A_692 = arith.index_cast %scan3A_288 : i32 to index
        %get3A_693 = arith.constant 720 : index
        %get3A_694 = tpu.vector_load %arg19[%get3A_692, %get3A_693] {strides = array<i32>} : memref<16x1024xf32, #tpu.memory_space<vmem>>, vector<1x16xf32>,
        %get3A_695 = vector.shape_cast %get3A_694 : vector<1x16xf32> to vector<16xf32>
        %swap3A_696 = arith.index_cast %scan3A_288 : i32 to index
        %swap3A_697 = arith.constant 720 : index
        %swap3A_698 = tpu.vector_load %arg18[%swap3A_696, %swap3A_697] {strides = array<i32>} : memref<16x1024xf32, #tpu.memory_space<vmem>>, vector<1x16xf32>,
        %swap3A_699 = vector.shape_cast %swap3A_698 : vector<1x16xf32> to vector<16xf32>
        %swap3A_700 = vector.shape_cast %get3A_695 : vector<16xf32> to vector<1x16xf32>
        tpu.vector_store %arg18[%swap3A_696, %swap3A_697], %swap3A_700 {add = true, strides = array<i32>} : memref<16x1024xf32, #tpu.memory_space<vmem>>, vector<1x16xf32>,
        %get3A_701 = arith.index_cast %scan3A_288 : i32 to index
        %get3A_702 = arith.constant 736 : index
        %get3A_703 = tpu.vector_load %arg19[%get3A_701, %get3A_702] {strides = array<i32>} : memref<16x1024xf32, #tpu.memory_space<vmem>>, vector<1x16xf32>,
        %get3A_704 = vector.shape_cast %get3A_703 : vector<1x16xf32> to vector<16xf32>
        %swap3A_705 = arith.index_cast %scan3A_288 : i32 to index
        %swap3A_706 = arith.constant 736 : index
        %swap3A_707 = tpu.vector_load %arg18[%swap3A_705, %swap3A_706] {strides = array<i32>} : memref<16x1024xf32, #tpu.memory_space<vmem>>, vector<1x16xf32>,
        %swap3A_708 = vector.shape_cast %swap3A_707 : vector<1x16xf32> to vector<16xf32>
        %swap3A_709 = vector.shape_cast %get3A_704 : vector<16xf32> to vector<1x16xf32>
        tpu.vector_store %arg18[%swap3A_705, %swap3A_706], %swap3A_709 {add = true, strides = array<i32>} : memref<16x1024xf32, #tpu.memory_space<vmem>>, vector<1x16xf32>,
        %get3A_710 = arith.index_cast %scan3A_288 : i32 to index
        %get3A_711 = arith.constant 752 : index
        %get3A_712 = tpu.vector_load %arg19[%get3A_710, %get3A_711] {strides = array<i32>} : memref<16x1024xf32, #tpu.memory_space<vmem>>, vector<1x16xf32>,
        %get3A_713 = vector.shape_cast %get3A_712 : vector<1x16xf32> to vector<16xf32>
        %swap3A_714 = arith.index_cast %scan3A_288 : i32 to index
        %swap3A_715 = arith.constant 752 : index
        %swap3A_716 = tpu.vector_load %arg18[%swap3A_714, %swap3A_715] {strides = array<i32>} : memref<16x1024xf32, #tpu.memory_space<vmem>>, vector<1x16xf32>,
        %swap3A_717 = vector.shape_cast %swap3A_716 : vector<1x16xf32> to vector<16xf32>
        %swap3A_718 = vector.shape_cast %get3A_713 : vector<16xf32> to vector<1x16xf32>
        tpu.vector_store %arg18[%swap3A_714, %swap3A_715], %swap3A_718 {add = true, strides = array<i32>} : memref<16x1024xf32, #tpu.memory_space<vmem>>, vector<1x16xf32>,
        %get3A_719 = arith.index_cast %scan3A_288 : i32 to index
        %get3A_720 = arith.constant 768 : index
        %get3A_721 = tpu.vector_load %arg19[%get3A_719, %get3A_720] {strides = array<i32>} : memref<16x1024xf32, #tpu.memory_space<vmem>>, vector<1x16xf32>,
        %get3A_722 = vector.shape_cast %get3A_721 : vector<1x16xf32> to vector<16xf32>
        %swap3A_723 = arith.index_cast %scan3A_288 : i32 to index
        %swap3A_724 = arith.constant 768 : index
        %swap3A_725 = tpu.vector_load %arg18[%swap3A_723, %swap3A_724] {strides = array<i32>} : memref<16x1024xf32, #tpu.memory_space<vmem>>, vector<1x16xf32>,
        %swap3A_726 = vector.shape_cast %swap3A_725 : vector<1x16xf32> to vector<16xf32>
        %swap3A_727 = vector.shape_cast %get3A_722 : vector<16xf32> to vector<1x16xf32>
        tpu.vector_store %arg18[%swap3A_723, %swap3A_724], %swap3A_727 {add = true, strides = array<i32>} : memref<16x1024xf32, #tpu.memory_space<vmem>>, vector<1x16xf32>,
        %get3A_728 = arith.index_cast %scan3A_288 : i32 to index
        %get3A_729 = arith.constant 784 : index
        %get3A_730 = tpu.vector_load %arg19[%get3A_728, %get3A_729] {strides = array<i32>} : memref<16x1024xf32, #tpu.memory_space<vmem>>, vector<1x16xf32>,
        %get3A_731 = vector.shape_cast %get3A_730 : vector<1x16xf32> to vector<16xf32>
        %swap3A_732 = arith.index_cast %scan3A_288 : i32 to index
        %swap3A_733 = arith.constant 784 : index
        %swap3A_734 = tpu.vector_load %arg18[%swap3A_732, %swap3A_733] {strides = array<i32>} : memref<16x1024xf32, #tpu.memory_space<vmem>>, vector<1x16xf32>,
        %swap3A_735 = vector.shape_cast %swap3A_734 : vector<1x16xf32> to vector<16xf32>
        %swap3A_736 = vector.shape_cast %get3A_731 : vector<16xf32> to vector<1x16xf32>
        tpu.vector_store %arg18[%swap3A_732, %swap3A_733], %swap3A_736 {add = true, strides = array<i32>} : memref<16x1024xf32, #tpu.memory_space<vmem>>, vector<1x16xf32>,
        %get3A_737 = arith.index_cast %scan3A_288 : i32 to index
        %get3A_738 = arith.constant 800 : index
        %get3A_739 = tpu.vector_load %arg19[%get3A_737, %get3A_738] {strides = array<i32>} : memref<16x1024xf32, #tpu.memory_space<vmem>>, vector<1x16xf32>,
        %get3A_740 = vector.shape_cast %get3A_739 : vector<1x16xf32> to vector<16xf32>
        %swap3A_741 = arith.index_cast %scan3A_288 : i32 to index
        %swap3A_742 = arith.constant 800 : index
        %swap3A_743 = tpu.vector_load %arg18[%swap3A_741, %swap3A_742] {strides = array<i32>} : memref<16x1024xf32, #tpu.memory_space<vmem>>, vector<1x16xf32>,
        %swap3A_744 = vector.shape_cast %swap3A_743 : vector<1x16xf32> to vector<16xf32>
        %swap3A_745 = vector.shape_cast %get3A_740 : vector<16xf32> to vector<1x16xf32>
        tpu.vector_store %arg18[%swap3A_741, %swap3A_742], %swap3A_745 {add = true, strides = array<i32>} : memref<16x1024xf32, #tpu.memory_space<vmem>>, vector<1x16xf32>,
        %get3A_746 = arith.index_cast %scan3A_288 : i32 to index
        %get3A_747 = arith.constant 816 : index
        %get3A_748 = tpu.vector_load %arg19[%get3A_746, %get3A_747] {strides = array<i32>} : memref<16x1024xf32, #tpu.memory_space<vmem>>, vector<1x16xf32>,
        %get3A_749 = vector.shape_cast %get3A_748 : vector<1x16xf32> to vector<16xf32>
        %swap3A_750 = arith.index_cast %scan3A_288 : i32 to index
        %swap3A_751 = arith.constant 816 : index
        %swap3A_752 = tpu.vector_load %arg18[%swap3A_750, %swap3A_751] {strides = array<i32>} : memref<16x1024xf32, #tpu.memory_space<vmem>>, vector<1x16xf32>,
        %swap3A_753 = vector.shape_cast %swap3A_752 : vector<1x16xf32> to vector<16xf32>
        %swap3A_754 = vector.shape_cast %get3A_749 : vector<16xf32> to vector<1x16xf32>
        tpu.vector_store %arg18[%swap3A_750, %swap3A_751], %swap3A_754 {add = true, strides = array<i32>} : memref<16x1024xf32, #tpu.memory_space<vmem>>, vector<1x16xf32>,
        %get3A_755 = arith.index_cast %scan3A_288 : i32 to index
        %get3A_756 = arith.constant 832 : index
        %get3A_757 = tpu.vector_load %arg19[%get3A_755, %get3A_756] {strides = array<i32>} : memref<16x1024xf32, #tpu.memory_space<vmem>>, vector<1x16xf32>,
        %get3A_758 = vector.shape_cast %get3A_757 : vector<1x16xf32> to vector<16xf32>
        %swap3A_759 = arith.index_cast %scan3A_288 : i32 to index
        %swap3A_760 = arith.constant 832 : index
        %swap3A_761 = tpu.vector_load %arg18[%swap3A_759, %swap3A_760] {strides = array<i32>} : memref<16x1024xf32, #tpu.memory_space<vmem>>, vector<1x16xf32>,
        %swap3A_762 = vector.shape_cast %swap3A_761 : vector<1x16xf32> to vector<16xf32>
        %swap3A_763 = vector.shape_cast %get3A_758 : vector<16xf32> to vector<1x16xf32>
        tpu.vector_store %arg18[%swap3A_759, %swap3A_760], %swap3A_763 {add = true, strides = array<i32>} : memref<16x1024xf32, #tpu.memory_space<vmem>>, vector<1x16xf32>,
        %get3A_764 = arith.index_cast %scan3A_288 : i32 to index
        %get3A_765 = arith.constant 848 : index
        %get3A_766 = tpu.vector_load %arg19[%get3A_764, %get3A_765] {strides = array<i32>} : memref<16x1024xf32, #tpu.memory_space<vmem>>, vector<1x16xf32>,
        %get3A_767 = vector.shape_cast %get3A_766 : vector<1x16xf32> to vector<16xf32>
        %swap3A_768 = arith.index_cast %scan3A_288 : i32 to index
        %swap3A_769 = arith.constant 848 : index
        %swap3A_770 = tpu.vector_load %arg18[%swap3A_768, %swap3A_769] {strides = array<i32>} : memref<16x1024xf32, #tpu.memory_space<vmem>>, vector<1x16xf32>,
        %swap3A_771 = vector.shape_cast %swap3A_770 : vector<1x16xf32> to vector<16xf32>
        %swap3A_772 = vector.shape_cast %get3A_767 : vector<16xf32> to vector<1x16xf32>
        tpu.vector_store %arg18[%swap3A_768, %swap3A_769], %swap3A_772 {add = true, strides = array<i32>} : memref<16x1024xf32, #tpu.memory_space<vmem>>, vector<1x16xf32>,
        %get3A_773 = arith.index_cast %scan3A_288 : i32 to index
        %get3A_774 = arith.constant 864 : index
        %get3A_775 = tpu.vector_load %arg19[%get3A_773, %get3A_774] {strides = array<i32>} : memref<16x1024xf32, #tpu.memory_space<vmem>>, vector<1x16xf32>,
        %get3A_776 = vector.shape_cast %get3A_775 : vector<1x16xf32> to vector<16xf32>
        %swap3A_777 = arith.index_cast %scan3A_288 : i32 to index
        %swap3A_778 = arith.constant 864 : index
        %swap3A_779 = tpu.vector_load %arg18[%swap3A_777, %swap3A_778] {strides = array<i32>} : memref<16x1024xf32, #tpu.memory_space<vmem>>, vector<1x16xf32>,
        %swap3A_780 = vector.shape_cast %swap3A_779 : vector<1x16xf32> to vector<16xf32>
        %swap3A_781 = vector.shape_cast %get3A_776 : vector<16xf32> to vector<1x16xf32>
        tpu.vector_store %arg18[%swap3A_777, %swap3A_778], %swap3A_781 {add = true, strides = array<i32>} : memref<16x1024xf32, #tpu.memory_space<vmem>>, vector<1x16xf32>,
        %get3A_782 = arith.index_cast %scan3A_288 : i32 to index
        %get3A_783 = arith.constant 880 : index
        %get3A_784 = tpu.vector_load %arg19[%get3A_782, %get3A_783] {strides = array<i32>} : memref<16x1024xf32, #tpu.memory_space<vmem>>, vector<1x16xf32>,
        %get3A_785 = vector.shape_cast %get3A_784 : vector<1x16xf32> to vector<16xf32>
        %swap3A_786 = arith.index_cast %scan3A_288 : i32 to index
        %swap3A_787 = arith.constant 880 : index
        %swap3A_788 = tpu.vector_load %arg18[%swap3A_786, %swap3A_787] {strides = array<i32>} : memref<16x1024xf32, #tpu.memory_space<vmem>>, vector<1x16xf32>,
        %swap3A_789 = vector.shape_cast %swap3A_788 : vector<1x16xf32> to vector<16xf32>
        %swap3A_790 = vector.shape_cast %get3A_785 : vector<16xf32> to vector<1x16xf32>
        tpu.vector_store %arg18[%swap3A_786, %swap3A_787], %swap3A_790 {add = true, strides = array<i32>} : memref<16x1024xf32, #tpu.memory_space<vmem>>, vector<1x16xf32>,
        %get3A_791 = arith.index_cast %scan3A_288 : i32 to index
        %get3A_792 = arith.constant 896 : index
        %get3A_793 = tpu.vector_load %arg19[%get3A_791, %get3A_792] {strides = array<i32>} : memref<16x1024xf32, #tpu.memory_space<vmem>>, vector<1x16xf32>,
        %get3A_794 = vector.shape_cast %get3A_793 : vector<1x16xf32> to vector<16xf32>
        %swap3A_795 = arith.index_cast %scan3A_288 : i32 to index
        %swap3A_796 = arith.constant 896 : index
        %swap3A_797 = tpu.vector_load %arg18[%swap3A_795, %swap3A_796] {strides = array<i32>} : memref<16x1024xf32, #tpu.memory_space<vmem>>, vector<1x16xf32>,
        %swap3A_798 = vector.shape_cast %swap3A_797 : vector<1x16xf32> to vector<16xf32>
        %swap3A_799 = vector.shape_cast %get3A_794 : vector<16xf32> to vector<1x16xf32>
        tpu.vector_store %arg18[%swap3A_795, %swap3A_796], %swap3A_799 {add = true, strides = array<i32>} : memref<16x1024xf32, #tpu.memory_space<vmem>>, vector<1x16xf32>,
        %get3A_800 = arith.index_cast %scan3A_288 : i32 to index
        %get3A_801 = arith.constant 912 : index
        %get3A_802 = tpu.vector_load %arg19[%get3A_800, %get3A_801] {strides = array<i32>} : memref<16x1024xf32, #tpu.memory_space<vmem>>, vector<1x16xf32>,
        %get3A_803 = vector.shape_cast %get3A_802 : vector<1x16xf32> to vector<16xf32>
        %swap3A_804 = arith.index_cast %scan3A_288 : i32 to index
        %swap3A_805 = arith.constant 912 : index
        %swap3A_806 = tpu.vector_load %arg18[%swap3A_804, %swap3A_805] {strides = array<i32>} : memref<16x1024xf32, #tpu.memory_space<vmem>>, vector<1x16xf32>,
        %swap3A_807 = vector.shape_cast %swap3A_806 : vector<1x16xf32> to vector<16xf32>
        %swap3A_808 = vector.shape_cast %get3A_803 : vector<16xf32> to vector<1x16xf32>
        tpu.vector_store %arg18[%swap3A_804, %swap3A_805], %swap3A_808 {add = true, strides = array<i32>} : memref<16x1024xf32, #tpu.memory_space<vmem>>, vector<1x16xf32>,
        %get3A_809 = arith.index_cast %scan3A_288 : i32 to index
        %get3A_810 = arith.constant 928 : index
        %get3A_811 = tpu.vector_load %arg19[%get3A_809, %get3A_810] {strides = array<i32>} : memref<16x1024xf32, #tpu.memory_space<vmem>>, vector<1x16xf32>,
        %get3A_812 = vector.shape_cast %get3A_811 : vector<1x16xf32> to vector<16xf32>
        %swap3A_813 = arith.index_cast %scan3A_288 : i32 to index
        %swap3A_814 = arith.constant 928 : index
        %swap3A_815 = tpu.vector_load %arg18[%swap3A_813, %swap3A_814] {strides = array<i32>} : memref<16x1024xf32, #tpu.memory_space<vmem>>, vector<1x16xf32>,
        %swap3A_816 = vector.shape_cast %swap3A_815 : vector<1x16xf32> to vector<16xf32>
        %swap3A_817 = vector.shape_cast %get3A_812 : vector<16xf32> to vector<1x16xf32>
        tpu.vector_store %arg18[%swap3A_813, %swap3A_814], %swap3A_817 {add = true, strides = array<i32>} : memref<16x1024xf32, #tpu.memory_space<vmem>>, vector<1x16xf32>,
        %get3A_818 = arith.index_cast %scan3A_288 : i32 to index
        %get3A_819 = arith.constant 944 : index
        %get3A_820 = tpu.vector_load %arg19[%get3A_818, %get3A_819] {strides = array<i32>} : memref<16x1024xf32, #tpu.memory_space<vmem>>, vector<1x16xf32>,
        %get3A_821 = vector.shape_cast %get3A_820 : vector<1x16xf32> to vector<16xf32>
        %swap3A_822 = arith.index_cast %scan3A_288 : i32 to index
        %swap3A_823 = arith.constant 944 : index
        %swap3A_824 = tpu.vector_load %arg18[%swap3A_822, %swap3A_823] {strides = array<i32>} : memref<16x1024xf32, #tpu.memory_space<vmem>>, vector<1x16xf32>,
        %swap3A_825 = vector.shape_cast %swap3A_824 : vector<1x16xf32> to vector<16xf32>
        %swap3A_826 = vector.shape_cast %get3A_821 : vector<16xf32> to vector<1x16xf32>
        tpu.vector_store %arg18[%swap3A_822, %swap3A_823], %swap3A_826 {add = true, strides = array<i32>} : memref<16x1024xf32, #tpu.memory_space<vmem>>, vector<1x16xf32>,
        %get3A_827 = arith.index_cast %scan3A_288 : i32 to index
        %get3A_828 = arith.constant 960 : index
        %get3A_829 = tpu.vector_load %arg19[%get3A_827, %get3A_828] {strides = array<i32>} : memref<16x1024xf32, #tpu.memory_space<vmem>>, vector<1x16xf32>,
        %get3A_830 = vector.shape_cast %get3A_829 : vector<1x16xf32> to vector<16xf32>
        %swap3A_831 = arith.index_cast %scan3A_288 : i32 to index
        %swap3A_832 = arith.constant 960 : index
        %swap3A_833 = tpu.vector_load %arg18[%swap3A_831, %swap3A_832] {strides = array<i32>} : memref<16x1024xf32, #tpu.memory_space<vmem>>, vector<1x16xf32>,
        %swap3A_834 = vector.shape_cast %swap3A_833 : vector<1x16xf32> to vector<16xf32>
        %swap3A_835 = vector.shape_cast %get3A_830 : vector<16xf32> to vector<1x16xf32>
        tpu.vector_store %arg18[%swap3A_831, %swap3A_832], %swap3A_835 {add = true, strides = array<i32>} : memref<16x1024xf32, #tpu.memory_space<vmem>>, vector<1x16xf32>,
        %get3A_836 = arith.index_cast %scan3A_288 : i32 to index
        %get3A_837 = arith.constant 976 : index
        %get3A_838 = tpu.vector_load %arg19[%get3A_836, %get3A_837] {strides = array<i32>} : memref<16x1024xf32, #tpu.memory_space<vmem>>, vector<1x16xf32>,
        %get3A_839 = vector.shape_cast %get3A_838 : vector<1x16xf32> to vector<16xf32>
        %swap3A_840 = arith.index_cast %scan3A_288 : i32 to index
        %swap3A_841 = arith.constant 976 : index
        %swap3A_842 = tpu.vector_load %arg18[%swap3A_840, %swap3A_841] {strides = array<i32>} : memref<16x1024xf32, #tpu.memory_space<vmem>>, vector<1x16xf32>,
        %swap3A_843 = vector.shape_cast %swap3A_842 : vector<1x16xf32> to vector<16xf32>
        %swap3A_844 = vector.shape_cast %get3A_839 : vector<16xf32> to vector<1x16xf32>
        tpu.vector_store %arg18[%swap3A_840, %swap3A_841], %swap3A_844 {add = true, strides = array<i32>} : memref<16x1024xf32, #tpu.memory_space<vmem>>, vector<1x16xf32>,
        %get3A_845 = arith.index_cast %scan3A_288 : i32 to index
        %get3A_846 = arith.constant 992 : index
        %get3A_847 = tpu.vector_load %arg19[%get3A_845, %get3A_846] {strides = array<i32>} : memref<16x1024xf32, #tpu.memory_space<vmem>>, vector<1x16xf32>,
        %get3A_848 = vector.shape_cast %get3A_847 : vector<1x16xf32> to vector<16xf32>
        %swap3A_849 = arith.index_cast %scan3A_288 : i32 to index
        %swap3A_850 = arith.constant 992 : index
        %swap3A_851 = tpu.vector_load %arg18[%swap3A_849, %swap3A_850] {strides = array<i32>} : memref<16x1024xf32, #tpu.memory_space<vmem>>, vector<1x16xf32>,
        %swap3A_852 = vector.shape_cast %swap3A_851 : vector<1x16xf32> to vector<16xf32>
        %swap3A_853 = vector.shape_cast %get3A_848 : vector<16xf32> to vector<1x16xf32>
        tpu.vector_store %arg18[%swap3A_849, %swap3A_850], %swap3A_853 {add = true, strides = array<i32>} : memref<16x1024xf32, #tpu.memory_space<vmem>>, vector<1x16xf32>,
        %get3A_854 = arith.index_cast %scan3A_288 : i32 to index
        %get3A_855 = arith.constant 1008 : index
        %get3A_856 = tpu.vector_load %arg19[%get3A_854, %get3A_855] {strides = array<i32>} : memref<16x1024xf32, #tpu.memory_space<vmem>>, vector<1x16xf32>,
        %get3A_857 = vector.shape_cast %get3A_856 : vector<1x16xf32> to vector<16xf32>
        %swap3A_858 = arith.index_cast %scan3A_288 : i32 to index
        %swap3A_859 = arith.constant 1008 : index
        %swap3A_860 = tpu.vector_load %arg18[%swap3A_858, %swap3A_859] {strides = array<i32>} : memref<16x1024xf32, #tpu.memory_space<vmem>>, vector<1x16xf32>,
        %swap3A_861 = vector.shape_cast %swap3A_860 : vector<1x16xf32> to vector<16xf32>
        %swap3A_862 = vector.shape_cast %get3A_857 : vector<16xf32> to vector<1x16xf32>
        tpu.vector_store %arg18[%swap3A_858, %swap3A_859], %swap3A_862 {add = true, strides = array<i32>} : memref<16x1024xf32, #tpu.memory_space<vmem>>, vector<1x16xf32>,
      }
      %scan3A_257 = arith.constant 16 : i32
      %dma_start3A_258 = arith.constant 0 : i32
      %dma_start3A_259 = tpu.memref_slice %arg6[%add3A_241, %dma_start3A_258] : memref<16384x1024xf32, #tpu.memory_space<hbm>> -> memref<16x1024xf32, #tpu.memory_space<hbm>>
      %dma_start3A_260 = arith.constant 0 : i32
      %dma_start3A_261 = tpu.memref_slice %arg6[%add3A_241, %dma_start3A_260] : memref<16384x1024xf32, #tpu.memory_space<hbm>> -> memref<16x1024xf32, #tpu.memory_space<hbm>>
      tpu.enqueue_dma source(%arg18 : memref<16x1024xf32, #tpu.memory_space<vmem>>) target(%dma_start3A_261 : memref<16x1024xf32, #tpu.memory_space<hbm>>) target_semaphore(%arg36 : memref<!tpu.dma_semaphore, #tpu.memory_space<semaphore_mem>>)
      %add3A_262 = arith.constant 3 : i32
      %add3A_263 = arith.addi %add3A_238, %add3A_262 : i32
      %lt3A_264 = arith.constant 32 : i32
      %lt3A_265 = arith.cmpi slt, %add3A_263, %lt3A_264 : i32
      %convert_element_type3A_266 = arith.extui %lt3A_265 : i1 to i32
      %cond3A_267 = arith.constant 0 : i32
      %cond3A_268 = arith.cmpi ne, %convert_element_type3A_266, %cond3A_267 : i32
      scf.if %cond3A_268 {
        %add3A_288 = arith.constant 3 : i32
        %add3A_289 = arith.addi %add3A_238, %add3A_288 : i32
        %mul3A_290 = arith.constant 16 : i32
        %mul3A_291 = arith.muli %add3A_289, %mul3A_290 : i32
        %add3A_292 = arith.addi %mul3A_2, %mul3A_291 : i32
        %dma_start3A_293 = tpu.memref_slice %arg2[%add3A_292] : memref<16384xi32, #tpu.memory_space<hbm>> -> memref<16xi32, #tpu.memory_space<hbm>>
        %dma_start3A_294 = tpu.memref_slice %arg2[%add3A_292] : memref<16384xi32, #tpu.memory_space<hbm>> -> memref<16xi32, #tpu.memory_space<hbm>>
        tpu.enqueue_dma source(%dma_start3A_294 : memref<16xi32, #tpu.memory_space<hbm>>) target(%arg16 : memref<16xi32, #tpu.memory_space<vmem>>) target_semaphore(%arg32 : memref<!tpu.dma_semaphore, #tpu.memory_space<semaphore_mem>>)
        %dma_start3A_295 = tpu.memref_slice %arg3[%add3A_292] : memref<16384xi32, #tpu.memory_space<hbm>> -> memref<16xi32, #tpu.memory_space<hbm>>
        %dma_start3A_296 = tpu.memref_slice %arg3[%add3A_292] : memref<16384xi32, #tpu.memory_space<hbm>> -> memref<16xi32, #tpu.memory_space<hbm>>
        tpu.enqueue_dma source(%dma_start3A_296 : memref<16xi32, #tpu.memory_space<hbm>>) target(%arg17 : memref<16xi32, #tpu.memory_space<vmem>>) target_semaphore(%arg33 : memref<!tpu.dma_semaphore, #tpu.memory_space<semaphore_mem>>)
      } else {
      }
      %ge3A_269 = arith.constant 1 : i32
      %ge3A_270 = arith.cmpi sge, %add3A_238, %ge3A_269 : i32
      %convert_element_type3A_271 = arith.extui %ge3A_270 : i1 to i32
      %cond3A_272 = arith.constant 0 : i32
      %cond3A_273 = arith.cmpi ne, %convert_element_type3A_271, %cond3A_272 : i32
      scf.if %cond3A_273 {
        %dma_wait3A_288 = arith.constant 0 : i32
        %dma_wait3A_289 = arith.constant 0 : i32
        %dma_wait3A_290 = tpu.memref_slice %arg6[%dma_wait3A_288, %dma_wait3A_289] : memref<16384x1024xf32, #tpu.memory_space<hbm>> -> memref<16x1024xf32, #tpu.memory_space<hbm>>
        %dma_wait3A_291 = arith.constant 0 : i32
        %dma_wait3A_292 = arith.constant 0 : i32
        %dma_wait3A_293 = tpu.memref_slice %arg6[%dma_wait3A_291, %dma_wait3A_292] : memref<16384x1024xf32, #tpu.memory_space<hbm>> -> memref<16x1024xf32, #tpu.memory_space<hbm>>
        tpu.wait_dma2 semaphore(%arg30 : memref<!tpu.dma_semaphore, #tpu.memory_space<semaphore_mem>>) src(%arg14 : memref<16x1024xf32, #tpu.memory_space<vmem>>) dst(%dma_wait3A_293 : memref<16x1024xf32, #tpu.memory_space<hbm>>)
        %dma_wait3A_294 = arith.constant 0 : i32
        %dma_wait3A_295 = arith.constant 0 : i32
        %dma_wait3A_296 = tpu.memref_slice %arg7[%dma_wait3A_294, %dma_wait3A_295] : memref<16384x1024xf32, #tpu.memory_space<hbm>> -> memref<16x1024xf32, #tpu.memory_space<hbm>>
        %dma_wait3A_297 = arith.constant 0 : i32
        %dma_wait3A_298 = arith.constant 0 : i32
        %dma_wait3A_299 = tpu.memref_slice %arg7[%dma_wait3A_297, %dma_wait3A_298] : memref<16384x1024xf32, #tpu.memory_space<hbm>> -> memref<16x1024xf32, #tpu.memory_space<hbm>>
        tpu.wait_dma2 semaphore(%arg31 : memref<!tpu.dma_semaphore, #tpu.memory_space<semaphore_mem>>) src(%arg15 : memref<16x1024xf32, #tpu.memory_space<vmem>>) dst(%dma_wait3A_299 : memref<16x1024xf32, #tpu.memory_space<hbm>>)
      } else {
      }
      %dma_wait3A_274 = arith.constant 0 : i32
      %dma_wait3A_275 = tpu.memref_slice %arg2[%dma_wait3A_274] : memref<16384xi32, #tpu.memory_space<hbm>> -> memref<16xi32, #tpu.memory_space<hbm>>
      %dma_wait3A_276 = arith.constant 0 : i32
      %dma_wait3A_277 = tpu.memref_slice %arg2[%dma_wait3A_276] : memref<16384xi32, #tpu.memory_space<hbm>> -> memref<16xi32, #tpu.memory_space<hbm>>
      tpu.wait_dma2 semaphore(%arg26 : memref<!tpu.dma_semaphore, #tpu.memory_space<semaphore_mem>>) src(%dma_wait3A_277 : memref<16xi32, #tpu.memory_space<hbm>>) dst(%arg12 : memref<16xi32, #tpu.memory_space<vmem>>)
      %dma_wait3A_278 = arith.constant 0 : i32
      %dma_wait3A_279 = tpu.memref_slice %arg3[%dma_wait3A_278] : memref<16384xi32, #tpu.memory_space<hbm>> -> memref<16xi32, #tpu.memory_space<hbm>>
      %dma_wait3A_280 = arith.constant 0 : i32
      %dma_wait3A_281 = tpu.memref_slice %arg3[%dma_wait3A_280] : memref<16384xi32, #tpu.memory_space<hbm>> -> memref<16xi32, #tpu.memory_space<hbm>>
      tpu.wait_dma2 semaphore(%arg27 : memref<!tpu.dma_semaphore, #tpu.memory_space<semaphore_mem>>) src(%dma_wait3A_281 : memref<16xi32, #tpu.memory_space<hbm>>) dst(%arg13 : memref<16xi32, #tpu.memory_space<vmem>>)
      %dma_start3A_282 = arith.constant 0 : i32
      %dma_start3A_283 = arith.constant 0 : i32
      %dma_start3A_284 = tpu.memref_slice %arg4[%dma_start3A_282, %dma_start3A_283] : memref<100000x1024xf32, #tpu.memory_space<hbm>> -> memref<100000x1024xf32, #tpu.memory_space<hbm>>
      tpu.enqueue_indirect_dma source(%dma_start3A_284 : memref<100000x1024xf32, #tpu.memory_space<hbm>>) target(%arg14 : memref<16x1024xf32, #tpu.memory_space<vmem>>) offsets(%arg12 : memref<16xi32, #tpu.memory_space<vmem>>) semaphore(%arg28 : memref<!tpu.dma_semaphore, #tpu.memory_space<semaphore_mem>>)
      %dma_start3A_285 = arith.constant 0 : i32
      %dma_start3A_286 = arith.constant 0 : i32
      %dma_start3A_287 = tpu.memref_slice %arg5[%dma_start3A_285, %dma_start3A_286] : memref<4096x1024xf32, #tpu.memory_space<hbm>> -> memref<4096x1024xf32, #tpu.memory_space<hbm>>
      tpu.enqueue_indirect_dma source(%dma_start3A_287 : memref<4096x1024xf32, #tpu.memory_space<hbm>>) target(%arg15 : memref<16x1024xf32, #tpu.memory_space<vmem>>) offsets(%arg13 : memref<16xi32, #tpu.memory_space<vmem>>) semaphore(%arg29 : memref<!tpu.dma_semaphore, #tpu.memory_space<semaphore_mem>>)
    }
    %scan3A_51 = arith.constant 10 : i32
    %add3A_52 = arith.constant 480 : i32
    %add3A_53 = arith.addi %mul3A_2, %add3A_52 : i32
    %dma_wait3A_54 = arith.constant 0 : i32
    %dma_wait3A_55 = arith.constant 0 : i32
    %dma_wait3A_56 = tpu.memref_slice %arg5[%dma_wait3A_54, %dma_wait3A_55] : memref<4096x1024xf32, #tpu.memory_space<hbm>> -> memref<4096x1024xf32, #tpu.memory_space<hbm>>
    tpu.wait_indirect_dma semaphore(%arg23 : memref<!tpu.dma_semaphore, #tpu.memory_space<semaphore_mem>>) src(%dma_wait3A_56 : memref<4096x1024xf32, #tpu.memory_space<hbm>>) dst(%arg11 : memref<16x1024xf32, #tpu.memory_space<vmem>>)
    %dma_start3A_57 = arith.constant 0 : i32
    %dma_start3A_58 = tpu.memref_slice %arg7[%add3A_53, %dma_start3A_57] : memref<16384x1024xf32, #tpu.memory_space<hbm>> -> memref<16x1024xf32, #tpu.memory_space<hbm>>
    %dma_start3A_59 = arith.constant 0 : i32
    %dma_start3A_60 = tpu.memref_slice %arg7[%add3A_53, %dma_start3A_59] : memref<16384x1024xf32, #tpu.memory_space<hbm>> -> memref<16x1024xf32, #tpu.memory_space<hbm>>
    tpu.enqueue_dma source(%arg11 : memref<16x1024xf32, #tpu.memory_space<vmem>>) target(%dma_start3A_60 : memref<16x1024xf32, #tpu.memory_space<hbm>>) target_semaphore(%arg25 : memref<!tpu.dma_semaphore, #tpu.memory_space<semaphore_mem>>)
    %dma_wait3A_61 = arith.constant 0 : i32
    %dma_wait3A_62 = arith.constant 0 : i32
    %dma_wait3A_63 = tpu.memref_slice %arg4[%dma_wait3A_61, %dma_wait3A_62] : memref<100000x1024xf32, #tpu.memory_space<hbm>> -> memref<100000x1024xf32, #tpu.memory_space<hbm>>
    tpu.wait_indirect_dma semaphore(%arg22 : memref<!tpu.dma_semaphore, #tpu.memory_space<semaphore_mem>>) src(%dma_wait3A_63 : memref<100000x1024xf32, #tpu.memory_space<hbm>>) dst(%arg10 : memref<16x1024xf32, #tpu.memory_space<vmem>>)
    %scan3A_64 = arith.constant 0 : i32
    %scan3A_65 = arith.constant 0 : i32
    %scan3A_66 = arith.constant 16 : i32
    %scan3A_67 = arith.addi %scan3A_65, %scan3A_66 : i32
    %scan3A_68 = arith.constant 1 : i32
    scf.for %scan3A_132 = %scan3A_65 to %scan3A_67 step %scan3A_68  : i32 {
      %get3A = arith.index_cast %scan3A_132 : i32 to index
      %get3A_133 = arith.constant 0 : index
      %get3A_134 = tpu.vector_load %arg11[%get3A, %get3A_133] {strides = array<i32>} : memref<16x1024xf32, #tpu.memory_space<vmem>>, vector<1x16xf32>,
      %get3A_135 = vector.shape_cast %get3A_134 : vector<1x16xf32> to vector<16xf32>
      %swap3A = arith.index_cast %scan3A_132 : i32 to index
      %swap3A_136 = arith.constant 0 : index
      %swap3A_137 = tpu.vector_load %arg10[%swap3A, %swap3A_136] {strides = array<i32>} : memref<16x1024xf32, #tpu.memory_space<vmem>>, vector<1x16xf32>,
      %swap3A_138 = vector.shape_cast %swap3A_137 : vector<1x16xf32> to vector<16xf32>
      %swap3A_139 = vector.shape_cast %get3A_135 : vector<16xf32> to vector<1x16xf32>
      tpu.vector_store %arg10[%swap3A, %swap3A_136], %swap3A_139 {add = true, strides = array<i32>} : memref<16x1024xf32, #tpu.memory_space<vmem>>, vector<1x16xf32>,
      %get3A_140 = arith.index_cast %scan3A_132 : i32 to index
      %get3A_141 = arith.constant 16 : index
      %get3A_142 = tpu.vector_load %arg11[%get3A_140, %get3A_141] {strides = array<i32>} : memref<16x1024xf32, #tpu.memory_space<vmem>>, vector<1x16xf32>,
      %get3A_143 = vector.shape_cast %get3A_142 : vector<1x16xf32> to vector<16xf32>
      %swap3A_144 = arith.index_cast %scan3A_132 : i32 to index
      %swap3A_145 = arith.constant 16 : index
      %swap3A_146 = tpu.vector_load %arg10[%swap3A_144, %swap3A_145] {strides = array<i32>} : memref<16x1024xf32, #tpu.memory_space<vmem>>, vector<1x16xf32>,
      %swap3A_147 = vector.shape_cast %swap3A_146 : vector<1x16xf32> to vector<16xf32>
      %swap3A_148 = vector.shape_cast %get3A_143 : vector<16xf32> to vector<1x16xf32>
      tpu.vector_store %arg10[%swap3A_144, %swap3A_145], %swap3A_148 {add = true, strides = array<i32>} : memref<16x1024xf32, #tpu.memory_space<vmem>>, vector<1x16xf32>,
      %get3A_149 = arith.index_cast %scan3A_132 : i32 to index
      %get3A_150 = arith.constant 32 : index
      %get3A_151 = tpu.vector_load %arg11[%get3A_149, %get3A_150] {strides = array<i32>} : memref<16x1024xf32, #tpu.memory_space<vmem>>, vector<1x16xf32>,
      %get3A_152 = vector.shape_cast %get3A_151 : vector<1x16xf32> to vector<16xf32>
      %swap3A_153 = arith.index_cast %scan3A_132 : i32 to index
      %swap3A_154 = arith.constant 32 : index
      %swap3A_155 = tpu.vector_load %arg10[%swap3A_153, %swap3A_154] {strides = array<i32>} : memref<16x1024xf32, #tpu.memory_space<vmem>>, vector<1x16xf32>,
      %swap3A_156 = vector.shape_cast %swap3A_155 : vector<1x16xf32> to vector<16xf32>
      %swap3A_157 = vector.shape_cast %get3A_152 : vector<16xf32> to vector<1x16xf32>
      tpu.vector_store %arg10[%swap3A_153, %swap3A_154], %swap3A_157 {add = true, strides = array<i32>} : memref<16x1024xf32, #tpu.memory_space<vmem>>, vector<1x16xf32>,
      %get3A_158 = arith.index_cast %scan3A_132 : i32 to index
      %get3A_159 = arith.constant 48 : index
      %get3A_160 = tpu.vector_load %arg11[%get3A_158, %get3A_159] {strides = array<i32>} : memref<16x1024xf32, #tpu.memory_space<vmem>>, vector<1x16xf32>,
      %get3A_161 = vector.shape_cast %get3A_160 : vector<1x16xf32> to vector<16xf32>
      %swap3A_162 = arith.index_cast %scan3A_132 : i32 to index
      %swap3A_163 = arith.constant 48 : index
      %swap3A_164 = tpu.vector_load %arg10[%swap3A_162, %swap3A_163] {strides = array<i32>} : memref<16x1024xf32, #tpu.memory_space<vmem>>, vector<1x16xf32>,
      %swap3A_165 = vector.shape_cast %swap3A_164 : vector<1x16xf32> to vector<16xf32>
      %swap3A_166 = vector.shape_cast %get3A_161 : vector<16xf32> to vector<1x16xf32>
      tpu.vector_store %arg10[%swap3A_162, %swap3A_163], %swap3A_166 {add = true, strides = array<i32>} : memref<16x1024xf32, #tpu.memory_space<vmem>>, vector<1x16xf32>,
      %get3A_167 = arith.index_cast %scan3A_132 : i32 to index
      %get3A_168 = arith.constant 64 : index
      %get3A_169 = tpu.vector_load %arg11[%get3A_167, %get3A_168] {strides = array<i32>} : memref<16x1024xf32, #tpu.memory_space<vmem>>, vector<1x16xf32>,
      %get3A_170 = vector.shape_cast %get3A_169 : vector<1x16xf32> to vector<16xf32>
      %swap3A_171 = arith.index_cast %scan3A_132 : i32 to index
      %swap3A_172 = arith.constant 64 : index
      %swap3A_173 = tpu.vector_load %arg10[%swap3A_171, %swap3A_172] {strides = array<i32>} : memref<16x1024xf32, #tpu.memory_space<vmem>>, vector<1x16xf32>,
      %swap3A_174 = vector.shape_cast %swap3A_173 : vector<1x16xf32> to vector<16xf32>
      %swap3A_175 = vector.shape_cast %get3A_170 : vector<16xf32> to vector<1x16xf32>
      tpu.vector_store %arg10[%swap3A_171, %swap3A_172], %swap3A_175 {add = true, strides = array<i32>} : memref<16x1024xf32, #tpu.memory_space<vmem>>, vector<1x16xf32>,
      %get3A_176 = arith.index_cast %scan3A_132 : i32 to index
      %get3A_177 = arith.constant 80 : index
      %get3A_178 = tpu.vector_load %arg11[%get3A_176, %get3A_177] {strides = array<i32>} : memref<16x1024xf32, #tpu.memory_space<vmem>>, vector<1x16xf32>,
      %get3A_179 = vector.shape_cast %get3A_178 : vector<1x16xf32> to vector<16xf32>
      %swap3A_180 = arith.index_cast %scan3A_132 : i32 to index
      %swap3A_181 = arith.constant 80 : index
      %swap3A_182 = tpu.vector_load %arg10[%swap3A_180, %swap3A_181] {strides = array<i32>} : memref<16x1024xf32, #tpu.memory_space<vmem>>, vector<1x16xf32>,
      %swap3A_183 = vector.shape_cast %swap3A_182 : vector<1x16xf32> to vector<16xf32>
      %swap3A_184 = vector.shape_cast %get3A_179 : vector<16xf32> to vector<1x16xf32>
      tpu.vector_store %arg10[%swap3A_180, %swap3A_181], %swap3A_184 {add = true, strides = array<i32>} : memref<16x1024xf32, #tpu.memory_space<vmem>>, vector<1x16xf32>,
      %get3A_185 = arith.index_cast %scan3A_132 : i32 to index
      %get3A_186 = arith.constant 96 : index
      %get3A_187 = tpu.vector_load %arg11[%get3A_185, %get3A_186] {strides = array<i32>} : memref<16x1024xf32, #tpu.memory_space<vmem>>, vector<1x16xf32>,
      %get3A_188 = vector.shape_cast %get3A_187 : vector<1x16xf32> to vector<16xf32>
      %swap3A_189 = arith.index_cast %scan3A_132 : i32 to index
      %swap3A_190 = arith.constant 96 : index
      %swap3A_191 = tpu.vector_load %arg10[%swap3A_189, %swap3A_190] {strides = array<i32>} : memref<16x1024xf32, #tpu.memory_space<vmem>>, vector<1x16xf32>,
      %swap3A_192 = vector.shape_cast %swap3A_191 : vector<1x16xf32> to vector<16xf32>
      %swap3A_193 = vector.shape_cast %get3A_188 : vector<16xf32> to vector<1x16xf32>
      tpu.vector_store %arg10[%swap3A_189, %swap3A_190], %swap3A_193 {add = true, strides = array<i32>} : memref<16x1024xf32, #tpu.memory_space<vmem>>, vector<1x16xf32>,
      %get3A_194 = arith.index_cast %scan3A_132 : i32 to index
      %get3A_195 = arith.constant 112 : index
      %get3A_196 = tpu.vector_load %arg11[%get3A_194, %get3A_195] {strides = array<i32>} : memref<16x1024xf32, #tpu.memory_space<vmem>>, vector<1x16xf32>,
      %get3A_197 = vector.shape_cast %get3A_196 : vector<1x16xf32> to vector<16xf32>
      %swap3A_198 = arith.index_cast %scan3A_132 : i32 to index
      %swap3A_199 = arith.constant 112 : index
      %swap3A_200 = tpu.vector_load %arg10[%swap3A_198, %swap3A_199] {strides = array<i32>} : memref<16x1024xf32, #tpu.memory_space<vmem>>, vector<1x16xf32>,
      %swap3A_201 = vector.shape_cast %swap3A_200 : vector<1x16xf32> to vector<16xf32>
      %swap3A_202 = vector.shape_cast %get3A_197 : vector<16xf32> to vector<1x16xf32>
      tpu.vector_store %arg10[%swap3A_198, %swap3A_199], %swap3A_202 {add = true, strides = array<i32>} : memref<16x1024xf32, #tpu.memory_space<vmem>>, vector<1x16xf32>,
      %get3A_203 = arith.index_cast %scan3A_132 : i32 to index
      %get3A_204 = arith.constant 128 : index
      %get3A_205 = tpu.vector_load %arg11[%get3A_203, %get3A_204] {strides = array<i32>} : memref<16x1024xf32, #tpu.memory_space<vmem>>, vector<1x16xf32>,
      %get3A_206 = vector.shape_cast %get3A_205 : vector<1x16xf32> to vector<16xf32>
      %swap3A_207 = arith.index_cast %scan3A_132 : i32 to index
      %swap3A_208 = arith.constant 128 : index
      %swap3A_209 = tpu.vector_load %arg10[%swap3A_207, %swap3A_208] {strides = array<i32>} : memref<16x1024xf32, #tpu.memory_space<vmem>>, vector<1x16xf32>,
      %swap3A_210 = vector.shape_cast %swap3A_209 : vector<1x16xf32> to vector<16xf32>
      %swap3A_211 = vector.shape_cast %get3A_206 : vector<16xf32> to vector<1x16xf32>
      tpu.vector_store %arg10[%swap3A_207, %swap3A_208], %swap3A_211 {add = true, strides = array<i32>} : memref<16x1024xf32, #tpu.memory_space<vmem>>, vector<1x16xf32>,
      %get3A_212 = arith.index_cast %scan3A_132 : i32 to index
      %get3A_213 = arith.constant 144 : index
      %get3A_214 = tpu.vector_load %arg11[%get3A_212, %get3A_213] {strides = array<i32>} : memref<16x1024xf32, #tpu.memory_space<vmem>>, vector<1x16xf32>,
      %get3A_215 = vector.shape_cast %get3A_214 : vector<1x16xf32> to vector<16xf32>
      %swap3A_216 = arith.index_cast %scan3A_132 : i32 to index
      %swap3A_217 = arith.constant 144 : index
      %swap3A_218 = tpu.vector_load %arg10[%swap3A_216, %swap3A_217] {strides = array<i32>} : memref<16x1024xf32, #tpu.memory_space<vmem>>, vector<1x16xf32>,
      %swap3A_219 = vector.shape_cast %swap3A_218 : vector<1x16xf32> to vector<16xf32>
      %swap3A_220 = vector.shape_cast %get3A_215 : vector<16xf32> to vector<1x16xf32>
      tpu.vector_store %arg10[%swap3A_216, %swap3A_217], %swap3A_220 {add = true, strides = array<i32>} : memref<16x1024xf32, #tpu.memory_space<vmem>>, vector<1x16xf32>,
      %get3A_221 = arith.index_cast %scan3A_132 : i32 to index
      %get3A_222 = arith.constant 160 : index
      %get3A_223 = tpu.vector_load %arg11[%get3A_221, %get3A_222] {strides = array<i32>} : memref<16x1024xf32, #tpu.memory_space<vmem>>, vector<1x16xf32>,
      %get3A_224 = vector.shape_cast %get3A_223 : vector<1x16xf32> to vector<16xf32>
      %swap3A_225 = arith.index_cast %scan3A_132 : i32 to index
      %swap3A_226 = arith.constant 160 : index
      %swap3A_227 = tpu.vector_load %arg10[%swap3A_225, %swap3A_226] {strides = array<i32>} : memref<16x1024xf32, #tpu.memory_space<vmem>>, vector<1x16xf32>,
      %swap3A_228 = vector.shape_cast %swap3A_227 : vector<1x16xf32> to vector<16xf32>
      %swap3A_229 = vector.shape_cast %get3A_224 : vector<16xf32> to vector<1x16xf32>
      tpu.vector_store %arg10[%swap3A_225, %swap3A_226], %swap3A_229 {add = true, strides = array<i32>} : memref<16x1024xf32, #tpu.memory_space<vmem>>, vector<1x16xf32>,
      %get3A_230 = arith.index_cast %scan3A_132 : i32 to index
      %get3A_231 = arith.constant 176 : index
      %get3A_232 = tpu.vector_load %arg11[%get3A_230, %get3A_231] {strides = array<i32>} : memref<16x1024xf32, #tpu.memory_space<vmem>>, vector<1x16xf32>,
      %get3A_233 = vector.shape_cast %get3A_232 : vector<1x16xf32> to vector<16xf32>
      %swap3A_234 = arith.index_cast %scan3A_132 : i32 to index
      %swap3A_235 = arith.constant 176 : index
      %swap3A_236 = tpu.vector_load %arg10[%swap3A_234, %swap3A_235] {strides = array<i32>} : memref<16x1024xf32, #tpu.memory_space<vmem>>, vector<1x16xf32>,
      %swap3A_237 = vector.shape_cast %swap3A_236 : vector<1x16xf32> to vector<16xf32>
      %swap3A_238 = vector.shape_cast %get3A_233 : vector<16xf32> to vector<1x16xf32>
      tpu.vector_store %arg10[%swap3A_234, %swap3A_235], %swap3A_238 {add = true, strides = array<i32>} : memref<16x1024xf32, #tpu.memory_space<vmem>>, vector<1x16xf32>,
      %get3A_239 = arith.index_cast %scan3A_132 : i32 to index
      %get3A_240 = arith.constant 192 : index
      %get3A_241 = tpu.vector_load %arg11[%get3A_239, %get3A_240] {strides = array<i32>} : memref<16x1024xf32, #tpu.memory_space<vmem>>, vector<1x16xf32>,
      %get3A_242 = vector.shape_cast %get3A_241 : vector<1x16xf32> to vector<16xf32>
      %swap3A_243 = arith.index_cast %scan3A_132 : i32 to index
      %swap3A_244 = arith.constant 192 : index
      %swap3A_245 = tpu.vector_load %arg10[%swap3A_243, %swap3A_244] {strides = array<i32>} : memref<16x1024xf32, #tpu.memory_space<vmem>>, vector<1x16xf32>,
      %swap3A_246 = vector.shape_cast %swap3A_245 : vector<1x16xf32> to vector<16xf32>
      %swap3A_247 = vector.shape_cast %get3A_242 : vector<16xf32> to vector<1x16xf32>
      tpu.vector_store %arg10[%swap3A_243, %swap3A_244], %swap3A_247 {add = true, strides = array<i32>} : memref<16x1024xf32, #tpu.memory_space<vmem>>, vector<1x16xf32>,
      %get3A_248 = arith.index_cast %scan3A_132 : i32 to index
      %get3A_249 = arith.constant 208 : index
      %get3A_250 = tpu.vector_load %arg11[%get3A_248, %get3A_249] {strides = array<i32>} : memref<16x1024xf32, #tpu.memory_space<vmem>>, vector<1x16xf32>,
      %get3A_251 = vector.shape_cast %get3A_250 : vector<1x16xf32> to vector<16xf32>
      %swap3A_252 = arith.index_cast %scan3A_132 : i32 to index
      %swap3A_253 = arith.constant 208 : index
      %swap3A_254 = tpu.vector_load %arg10[%swap3A_252, %swap3A_253] {strides = array<i32>} : memref<16x1024xf32, #tpu.memory_space<vmem>>, vector<1x16xf32>,
      %swap3A_255 = vector.shape_cast %swap3A_254 : vector<1x16xf32> to vector<16xf32>
      %swap3A_256 = vector.shape_cast %get3A_251 : vector<16xf32> to vector<1x16xf32>
      tpu.vector_store %arg10[%swap3A_252, %swap3A_253], %swap3A_256 {add = true, strides = array<i32>} : memref<16x1024xf32, #tpu.memory_space<vmem>>, vector<1x16xf32>,
      %get3A_257 = arith.index_cast %scan3A_132 : i32 to index
      %get3A_258 = arith.constant 224 : index
      %get3A_259 = tpu.vector_load %arg11[%get3A_257, %get3A_258] {strides = array<i32>} : memref<16x1024xf32, #tpu.memory_space<vmem>>, vector<1x16xf32>,
      %get3A_260 = vector.shape_cast %get3A_259 : vector<1x16xf32> to vector<16xf32>
      %swap3A_261 = arith.index_cast %scan3A_132 : i32 to index
      %swap3A_262 = arith.constant 224 : index
      %swap3A_263 = tpu.vector_load %arg10[%swap3A_261, %swap3A_262] {strides = array<i32>} : memref<16x1024xf32, #tpu.memory_space<vmem>>, vector<1x16xf32>,
      %swap3A_264 = vector.shape_cast %swap3A_263 : vector<1x16xf32> to vector<16xf32>
      %swap3A_265 = vector.shape_cast %get3A_260 : vector<16xf32> to vector<1x16xf32>
      tpu.vector_store %arg10[%swap3A_261, %swap3A_262], %swap3A_265 {add = true, strides = array<i32>} : memref<16x1024xf32, #tpu.memory_space<vmem>>, vector<1x16xf32>,
      %get3A_266 = arith.index_cast %scan3A_132 : i32 to index
      %get3A_267 = arith.constant 240 : index
      %get3A_268 = tpu.vector_load %arg11[%get3A_266, %get3A_267] {strides = array<i32>} : memref<16x1024xf32, #tpu.memory_space<vmem>>, vector<1x16xf32>,
      %get3A_269 = vector.shape_cast %get3A_268 : vector<1x16xf32> to vector<16xf32>
      %swap3A_270 = arith.index_cast %scan3A_132 : i32 to index
      %swap3A_271 = arith.constant 240 : index
      %swap3A_272 = tpu.vector_load %arg10[%swap3A_270, %swap3A_271] {strides = array<i32>} : memref<16x1024xf32, #tpu.memory_space<vmem>>, vector<1x16xf32>,
      %swap3A_273 = vector.shape_cast %swap3A_272 : vector<1x16xf32> to vector<16xf32>
      %swap3A_274 = vector.shape_cast %get3A_269 : vector<16xf32> to vector<1x16xf32>
      tpu.vector_store %arg10[%swap3A_270, %swap3A_271], %swap3A_274 {add = true, strides = array<i32>} : memref<16x1024xf32, #tpu.memory_space<vmem>>, vector<1x16xf32>,
      %get3A_275 = arith.index_cast %scan3A_132 : i32 to index
      %get3A_276 = arith.constant 256 : index
      %get3A_277 = tpu.vector_load %arg11[%get3A_275, %get3A_276] {strides = array<i32>} : memref<16x1024xf32, #tpu.memory_space<vmem>>, vector<1x16xf32>,
      %get3A_278 = vector.shape_cast %get3A_277 : vector<1x16xf32> to vector<16xf32>
      %swap3A_279 = arith.index_cast %scan3A_132 : i32 to index
      %swap3A_280 = arith.constant 256 : index
      %swap3A_281 = tpu.vector_load %arg10[%swap3A_279, %swap3A_280] {strides = array<i32>} : memref<16x1024xf32, #tpu.memory_space<vmem>>, vector<1x16xf32>,
      %swap3A_282 = vector.shape_cast %swap3A_281 : vector<1x16xf32> to vector<16xf32>
      %swap3A_283 = vector.shape_cast %get3A_278 : vector<16xf32> to vector<1x16xf32>
      tpu.vector_store %arg10[%swap3A_279, %swap3A_280], %swap3A_283 {add = true, strides = array<i32>} : memref<16x1024xf32, #tpu.memory_space<vmem>>, vector<1x16xf32>,
      %get3A_284 = arith.index_cast %scan3A_132 : i32 to index
      %get3A_285 = arith.constant 272 : index
      %get3A_286 = tpu.vector_load %arg11[%get3A_284, %get3A_285] {strides = array<i32>} : memref<16x1024xf32, #tpu.memory_space<vmem>>, vector<1x16xf32>,
      %get3A_287 = vector.shape_cast %get3A_286 : vector<1x16xf32> to vector<16xf32>
      %swap3A_288 = arith.index_cast %scan3A_132 : i32 to index
      %swap3A_289 = arith.constant 272 : index
      %swap3A_290 = tpu.vector_load %arg10[%swap3A_288, %swap3A_289] {strides = array<i32>} : memref<16x1024xf32, #tpu.memory_space<vmem>>, vector<1x16xf32>,
      %swap3A_291 = vector.shape_cast %swap3A_290 : vector<1x16xf32> to vector<16xf32>
      %swap3A_292 = vector.shape_cast %get3A_287 : vector<16xf32> to vector<1x16xf32>
      tpu.vector_store %arg10[%swap3A_288, %swap3A_289], %swap3A_292 {add = true, strides = array<i32>} : memref<16x1024xf32, #tpu.memory_space<vmem>>, vector<1x16xf32>,
      %get3A_293 = arith.index_cast %scan3A_132 : i32 to index
      %get3A_294 = arith.constant 288 : index
      %get3A_295 = tpu.vector_load %arg11[%get3A_293, %get3A_294] {strides = array<i32>} : memref<16x1024xf32, #tpu.memory_space<vmem>>, vector<1x16xf32>,
      %get3A_296 = vector.shape_cast %get3A_295 : vector<1x16xf32> to vector<16xf32>
      %swap3A_297 = arith.index_cast %scan3A_132 : i32 to index
      %swap3A_298 = arith.constant 288 : index
      %swap3A_299 = tpu.vector_load %arg10[%swap3A_297, %swap3A_298] {strides = array<i32>} : memref<16x1024xf32, #tpu.memory_space<vmem>>, vector<1x16xf32>,
      %swap3A_300 = vector.shape_cast %swap3A_299 : vector<1x16xf32> to vector<16xf32>
      %swap3A_301 = vector.shape_cast %get3A_296 : vector<16xf32> to vector<1x16xf32>
      tpu.vector_store %arg10[%swap3A_297, %swap3A_298], %swap3A_301 {add = true, strides = array<i32>} : memref<16x1024xf32, #tpu.memory_space<vmem>>, vector<1x16xf32>,
      %get3A_302 = arith.index_cast %scan3A_132 : i32 to index
      %get3A_303 = arith.constant 304 : index
      %get3A_304 = tpu.vector_load %arg11[%get3A_302, %get3A_303] {strides = array<i32>} : memref<16x1024xf32, #tpu.memory_space<vmem>>, vector<1x16xf32>,
      %get3A_305 = vector.shape_cast %get3A_304 : vector<1x16xf32> to vector<16xf32>
      %swap3A_306 = arith.index_cast %scan3A_132 : i32 to index
      %swap3A_307 = arith.constant 304 : index
      %swap3A_308 = tpu.vector_load %arg10[%swap3A_306, %swap3A_307] {strides = array<i32>} : memref<16x1024xf32, #tpu.memory_space<vmem>>, vector<1x16xf32>,
      %swap3A_309 = vector.shape_cast %swap3A_308 : vector<1x16xf32> to vector<16xf32>
      %swap3A_310 = vector.shape_cast %get3A_305 : vector<16xf32> to vector<1x16xf32>
      tpu.vector_store %arg10[%swap3A_306, %swap3A_307], %swap3A_310 {add = true, strides = array<i32>} : memref<16x1024xf32, #tpu.memory_space<vmem>>, vector<1x16xf32>,
      %get3A_311 = arith.index_cast %scan3A_132 : i32 to index
      %get3A_312 = arith.constant 320 : index
      %get3A_313 = tpu.vector_load %arg11[%get3A_311, %get3A_312] {strides = array<i32>} : memref<16x1024xf32, #tpu.memory_space<vmem>>, vector<1x16xf32>,
      %get3A_314 = vector.shape_cast %get3A_313 : vector<1x16xf32> to vector<16xf32>
      %swap3A_315 = arith.index_cast %scan3A_132 : i32 to index
      %swap3A_316 = arith.constant 320 : index
      %swap3A_317 = tpu.vector_load %arg10[%swap3A_315, %swap3A_316] {strides = array<i32>} : memref<16x1024xf32, #tpu.memory_space<vmem>>, vector<1x16xf32>,
      %swap3A_318 = vector.shape_cast %swap3A_317 : vector<1x16xf32> to vector<16xf32>
      %swap3A_319 = vector.shape_cast %get3A_314 : vector<16xf32> to vector<1x16xf32>
      tpu.vector_store %arg10[%swap3A_315, %swap3A_316], %swap3A_319 {add = true, strides = array<i32>} : memref<16x1024xf32, #tpu.memory_space<vmem>>, vector<1x16xf32>,
      %get3A_320 = arith.index_cast %scan3A_132 : i32 to index
      %get3A_321 = arith.constant 336 : index
      %get3A_322 = tpu.vector_load %arg11[%get3A_320, %get3A_321] {strides = array<i32>} : memref<16x1024xf32, #tpu.memory_space<vmem>>, vector<1x16xf32>,
      %get3A_323 = vector.shape_cast %get3A_322 : vector<1x16xf32> to vector<16xf32>
      %swap3A_324 = arith.index_cast %scan3A_132 : i32 to index
      %swap3A_325 = arith.constant 336 : index
      %swap3A_326 = tpu.vector_load %arg10[%swap3A_324, %swap3A_325] {strides = array<i32>} : memref<16x1024xf32, #tpu.memory_space<vmem>>, vector<1x16xf32>,
      %swap3A_327 = vector.shape_cast %swap3A_326 : vector<1x16xf32> to vector<16xf32>
      %swap3A_328 = vector.shape_cast %get3A_323 : vector<16xf32> to vector<1x16xf32>
      tpu.vector_store %arg10[%swap3A_324, %swap3A_325], %swap3A_328 {add = true, strides = array<i32>} : memref<16x1024xf32, #tpu.memory_space<vmem>>, vector<1x16xf32>,
      %get3A_329 = arith.index_cast %scan3A_132 : i32 to index
      %get3A_330 = arith.constant 352 : index
      %get3A_331 = tpu.vector_load %arg11[%get3A_329, %get3A_330] {strides = array<i32>} : memref<16x1024xf32, #tpu.memory_space<vmem>>, vector<1x16xf32>,
      %get3A_332 = vector.shape_cast %get3A_331 : vector<1x16xf32> to vector<16xf32>
      %swap3A_333 = arith.index_cast %scan3A_132 : i32 to index
      %swap3A_334 = arith.constant 352 : index
      %swap3A_335 = tpu.vector_load %arg10[%swap3A_333, %swap3A_334] {strides = array<i32>} : memref<16x1024xf32, #tpu.memory_space<vmem>>, vector<1x16xf32>,
      %swap3A_336 = vector.shape_cast %swap3A_335 : vector<1x16xf32> to vector<16xf32>
      %swap3A_337 = vector.shape_cast %get3A_332 : vector<16xf32> to vector<1x16xf32>
      tpu.vector_store %arg10[%swap3A_333, %swap3A_334], %swap3A_337 {add = true, strides = array<i32>} : memref<16x1024xf32, #tpu.memory_space<vmem>>, vector<1x16xf32>,
      %get3A_338 = arith.index_cast %scan3A_132 : i32 to index
      %get3A_339 = arith.constant 368 : index
      %get3A_340 = tpu.vector_load %arg11[%get3A_338, %get3A_339] {strides = array<i32>} : memref<16x1024xf32, #tpu.memory_space<vmem>>, vector<1x16xf32>,
      %get3A_341 = vector.shape_cast %get3A_340 : vector<1x16xf32> to vector<16xf32>
      %swap3A_342 = arith.index_cast %scan3A_132 : i32 to index
      %swap3A_343 = arith.constant 368 : index
      %swap3A_344 = tpu.vector_load %arg10[%swap3A_342, %swap3A_343] {strides = array<i32>} : memref<16x1024xf32, #tpu.memory_space<vmem>>, vector<1x16xf32>,
      %swap3A_345 = vector.shape_cast %swap3A_344 : vector<1x16xf32> to vector<16xf32>
      %swap3A_346 = vector.shape_cast %get3A_341 : vector<16xf32> to vector<1x16xf32>
      tpu.vector_store %arg10[%swap3A_342, %swap3A_343], %swap3A_346 {add = true, strides = array<i32>} : memref<16x1024xf32, #tpu.memory_space<vmem>>, vector<1x16xf32>,
      %get3A_347 = arith.index_cast %scan3A_132 : i32 to index
      %get3A_348 = arith.constant 384 : index
      %get3A_349 = tpu.vector_load %arg11[%get3A_347, %get3A_348] {strides = array<i32>} : memref<16x1024xf32, #tpu.memory_space<vmem>>, vector<1x16xf32>,
      %get3A_350 = vector.shape_cast %get3A_349 : vector<1x16xf32> to vector<16xf32>
      %swap3A_351 = arith.index_cast %scan3A_132 : i32 to index
      %swap3A_352 = arith.constant 384 : index
      %swap3A_353 = tpu.vector_load %arg10[%swap3A_351, %swap3A_352] {strides = array<i32>} : memref<16x1024xf32, #tpu.memory_space<vmem>>, vector<1x16xf32>,
      %swap3A_354 = vector.shape_cast %swap3A_353 : vector<1x16xf32> to vector<16xf32>
      %swap3A_355 = vector.shape_cast %get3A_350 : vector<16xf32> to vector<1x16xf32>
      tpu.vector_store %arg10[%swap3A_351, %swap3A_352], %swap3A_355 {add = true, strides = array<i32>} : memref<16x1024xf32, #tpu.memory_space<vmem>>, vector<1x16xf32>,
      %get3A_356 = arith.index_cast %scan3A_132 : i32 to index
      %get3A_357 = arith.constant 400 : index
      %get3A_358 = tpu.vector_load %arg11[%get3A_356, %get3A_357] {strides = array<i32>} : memref<16x1024xf32, #tpu.memory_space<vmem>>, vector<1x16xf32>,
      %get3A_359 = vector.shape_cast %get3A_358 : vector<1x16xf32> to vector<16xf32>
      %swap3A_360 = arith.index_cast %scan3A_132 : i32 to index
      %swap3A_361 = arith.constant 400 : index
      %swap3A_362 = tpu.vector_load %arg10[%swap3A_360, %swap3A_361] {strides = array<i32>} : memref<16x1024xf32, #tpu.memory_space<vmem>>, vector<1x16xf32>,
      %swap3A_363 = vector.shape_cast %swap3A_362 : vector<1x16xf32> to vector<16xf32>
      %swap3A_364 = vector.shape_cast %get3A_359 : vector<16xf32> to vector<1x16xf32>
      tpu.vector_store %arg10[%swap3A_360, %swap3A_361], %swap3A_364 {add = true, strides = array<i32>} : memref<16x1024xf32, #tpu.memory_space<vmem>>, vector<1x16xf32>,
      %get3A_365 = arith.index_cast %scan3A_132 : i32 to index
      %get3A_366 = arith.constant 416 : index
      %get3A_367 = tpu.vector_load %arg11[%get3A_365, %get3A_366] {strides = array<i32>} : memref<16x1024xf32, #tpu.memory_space<vmem>>, vector<1x16xf32>,
      %get3A_368 = vector.shape_cast %get3A_367 : vector<1x16xf32> to vector<16xf32>
      %swap3A_369 = arith.index_cast %scan3A_132 : i32 to index
      %swap3A_370 = arith.constant 416 : index
      %swap3A_371 = tpu.vector_load %arg10[%swap3A_369, %swap3A_370] {strides = array<i32>} : memref<16x1024xf32, #tpu.memory_space<vmem>>, vector<1x16xf32>,
      %swap3A_372 = vector.shape_cast %swap3A_371 : vector<1x16xf32> to vector<16xf32>
      %swap3A_373 = vector.shape_cast %get3A_368 : vector<16xf32> to vector<1x16xf32>
      tpu.vector_store %arg10[%swap3A_369, %swap3A_370], %swap3A_373 {add = true, strides = array<i32>} : memref<16x1024xf32, #tpu.memory_space<vmem>>, vector<1x16xf32>,
      %get3A_374 = arith.index_cast %scan3A_132 : i32 to index
      %get3A_375 = arith.constant 432 : index
      %get3A_376 = tpu.vector_load %arg11[%get3A_374, %get3A_375] {strides = array<i32>} : memref<16x1024xf32, #tpu.memory_space<vmem>>, vector<1x16xf32>,
      %get3A_377 = vector.shape_cast %get3A_376 : vector<1x16xf32> to vector<16xf32>
      %swap3A_378 = arith.index_cast %scan3A_132 : i32 to index
      %swap3A_379 = arith.constant 432 : index
      %swap3A_380 = tpu.vector_load %arg10[%swap3A_378, %swap3A_379] {strides = array<i32>} : memref<16x1024xf32, #tpu.memory_space<vmem>>, vector<1x16xf32>,
      %swap3A_381 = vector.shape_cast %swap3A_380 : vector<1x16xf32> to vector<16xf32>
      %swap3A_382 = vector.shape_cast %get3A_377 : vector<16xf32> to vector<1x16xf32>
      tpu.vector_store %arg10[%swap3A_378, %swap3A_379], %swap3A_382 {add = true, strides = array<i32>} : memref<16x1024xf32, #tpu.memory_space<vmem>>, vector<1x16xf32>,
      %get3A_383 = arith.index_cast %scan3A_132 : i32 to index
      %get3A_384 = arith.constant 448 : index
      %get3A_385 = tpu.vector_load %arg11[%get3A_383, %get3A_384] {strides = array<i32>} : memref<16x1024xf32, #tpu.memory_space<vmem>>, vector<1x16xf32>,
      %get3A_386 = vector.shape_cast %get3A_385 : vector<1x16xf32> to vector<16xf32>
      %swap3A_387 = arith.index_cast %scan3A_132 : i32 to index
      %swap3A_388 = arith.constant 448 : index
      %swap3A_389 = tpu.vector_load %arg10[%swap3A_387, %swap3A_388] {strides = array<i32>} : memref<16x1024xf32, #tpu.memory_space<vmem>>, vector<1x16xf32>,
      %swap3A_390 = vector.shape_cast %swap3A_389 : vector<1x16xf32> to vector<16xf32>
      %swap3A_391 = vector.shape_cast %get3A_386 : vector<16xf32> to vector<1x16xf32>
      tpu.vector_store %arg10[%swap3A_387, %swap3A_388], %swap3A_391 {add = true, strides = array<i32>} : memref<16x1024xf32, #tpu.memory_space<vmem>>, vector<1x16xf32>,
      %get3A_392 = arith.index_cast %scan3A_132 : i32 to index
      %get3A_393 = arith.constant 464 : index
      %get3A_394 = tpu.vector_load %arg11[%get3A_392, %get3A_393] {strides = array<i32>} : memref<16x1024xf32, #tpu.memory_space<vmem>>, vector<1x16xf32>,
      %get3A_395 = vector.shape_cast %get3A_394 : vector<1x16xf32> to vector<16xf32>
      %swap3A_396 = arith.index_cast %scan3A_132 : i32 to index
      %swap3A_397 = arith.constant 464 : index
      %swap3A_398 = tpu.vector_load %arg10[%swap3A_396, %swap3A_397] {strides = array<i32>} : memref<16x1024xf32, #tpu.memory_space<vmem>>, vector<1x16xf32>,
      %swap3A_399 = vector.shape_cast %swap3A_398 : vector<1x16xf32> to vector<16xf32>
      %swap3A_400 = vector.shape_cast %get3A_395 : vector<16xf32> to vector<1x16xf32>
      tpu.vector_store %arg10[%swap3A_396, %swap3A_397], %swap3A_400 {add = true, strides = array<i32>} : memref<16x1024xf32, #tpu.memory_space<vmem>>, vector<1x16xf32>,
      %get3A_401 = arith.index_cast %scan3A_132 : i32 to index
      %get3A_402 = arith.constant 480 : index
      %get3A_403 = tpu.vector_load %arg11[%get3A_401, %get3A_402] {strides = array<i32>} : memref<16x1024xf32, #tpu.memory_space<vmem>>, vector<1x16xf32>,
      %get3A_404 = vector.shape_cast %get3A_403 : vector<1x16xf32> to vector<16xf32>
      %swap3A_405 = arith.index_cast %scan3A_132 : i32 to index
      %swap3A_406 = arith.constant 480 : index
      %swap3A_407 = tpu.vector_load %arg10[%swap3A_405, %swap3A_406] {strides = array<i32>} : memref<16x1024xf32, #tpu.memory_space<vmem>>, vector<1x16xf32>,
      %swap3A_408 = vector.shape_cast %swap3A_407 : vector<1x16xf32> to vector<16xf32>
      %swap3A_409 = vector.shape_cast %get3A_404 : vector<16xf32> to vector<1x16xf32>
      tpu.vector_store %arg10[%swap3A_405, %swap3A_406], %swap3A_409 {add = true, strides = array<i32>} : memref<16x1024xf32, #tpu.memory_space<vmem>>, vector<1x16xf32>,
      %get3A_410 = arith.index_cast %scan3A_132 : i32 to index
      %get3A_411 = arith.constant 496 : index
      %get3A_412 = tpu.vector_load %arg11[%get3A_410, %get3A_411] {strides = array<i32>} : memref<16x1024xf32, #tpu.memory_space<vmem>>, vector<1x16xf32>,
      %get3A_413 = vector.shape_cast %get3A_412 : vector<1x16xf32> to vector<16xf32>
      %swap3A_414 = arith.index_cast %scan3A_132 : i32 to index
      %swap3A_415 = arith.constant 496 : index
      %swap3A_416 = tpu.vector_load %arg10[%swap3A_414, %swap3A_415] {strides = array<i32>} : memref<16x1024xf32, #tpu.memory_space<vmem>>, vector<1x16xf32>,
      %swap3A_417 = vector.shape_cast %swap3A_416 : vector<1x16xf32> to vector<16xf32>
      %swap3A_418 = vector.shape_cast %get3A_413 : vector<16xf32> to vector<1x16xf32>
      tpu.vector_store %arg10[%swap3A_414, %swap3A_415], %swap3A_418 {add = true, strides = array<i32>} : memref<16x1024xf32, #tpu.memory_space<vmem>>, vector<1x16xf32>,
      %get3A_419 = arith.index_cast %scan3A_132 : i32 to index
      %get3A_420 = arith.constant 512 : index
      %get3A_421 = tpu.vector_load %arg11[%get3A_419, %get3A_420] {strides = array<i32>} : memref<16x1024xf32, #tpu.memory_space<vmem>>, vector<1x16xf32>,
      %get3A_422 = vector.shape_cast %get3A_421 : vector<1x16xf32> to vector<16xf32>
      %swap3A_423 = arith.index_cast %scan3A_132 : i32 to index
      %swap3A_424 = arith.constant 512 : index
      %swap3A_425 = tpu.vector_load %arg10[%swap3A_423, %swap3A_424] {strides = array<i32>} : memref<16x1024xf32, #tpu.memory_space<vmem>>, vector<1x16xf32>,
      %swap3A_426 = vector.shape_cast %swap3A_425 : vector<1x16xf32> to vector<16xf32>
      %swap3A_427 = vector.shape_cast %get3A_422 : vector<16xf32> to vector<1x16xf32>
      tpu.vector_store %arg10[%swap3A_423, %swap3A_424], %swap3A_427 {add = true, strides = array<i32>} : memref<16x1024xf32, #tpu.memory_space<vmem>>, vector<1x16xf32>,
      %get3A_428 = arith.index_cast %scan3A_132 : i32 to index
      %get3A_429 = arith.constant 528 : index
      %get3A_430 = tpu.vector_load %arg11[%get3A_428, %get3A_429] {strides = array<i32>} : memref<16x1024xf32, #tpu.memory_space<vmem>>, vector<1x16xf32>,
      %get3A_431 = vector.shape_cast %get3A_430 : vector<1x16xf32> to vector<16xf32>
      %swap3A_432 = arith.index_cast %scan3A_132 : i32 to index
      %swap3A_433 = arith.constant 528 : index
      %swap3A_434 = tpu.vector_load %arg10[%swap3A_432, %swap3A_433] {strides = array<i32>} : memref<16x1024xf32, #tpu.memory_space<vmem>>, vector<1x16xf32>,
      %swap3A_435 = vector.shape_cast %swap3A_434 : vector<1x16xf32> to vector<16xf32>
      %swap3A_436 = vector.shape_cast %get3A_431 : vector<16xf32> to vector<1x16xf32>
      tpu.vector_store %arg10[%swap3A_432, %swap3A_433], %swap3A_436 {add = true, strides = array<i32>} : memref<16x1024xf32, #tpu.memory_space<vmem>>, vector<1x16xf32>,
      %get3A_437 = arith.index_cast %scan3A_132 : i32 to index
      %get3A_438 = arith.constant 544 : index
      %get3A_439 = tpu.vector_load %arg11[%get3A_437, %get3A_438] {strides = array<i32>} : memref<16x1024xf32, #tpu.memory_space<vmem>>, vector<1x16xf32>,
      %get3A_440 = vector.shape_cast %get3A_439 : vector<1x16xf32> to vector<16xf32>
      %swap3A_441 = arith.index_cast %scan3A_132 : i32 to index
      %swap3A_442 = arith.constant 544 : index
      %swap3A_443 = tpu.vector_load %arg10[%swap3A_441, %swap3A_442] {strides = array<i32>} : memref<16x1024xf32, #tpu.memory_space<vmem>>, vector<1x16xf32>,
      %swap3A_444 = vector.shape_cast %swap3A_443 : vector<1x16xf32> to vector<16xf32>
      %swap3A_445 = vector.shape_cast %get3A_440 : vector<16xf32> to vector<1x16xf32>
      tpu.vector_store %arg10[%swap3A_441, %swap3A_442], %swap3A_445 {add = true, strides = array<i32>} : memref<16x1024xf32, #tpu.memory_space<vmem>>, vector<1x16xf32>,
      %get3A_446 = arith.index_cast %scan3A_132 : i32 to index
      %get3A_447 = arith.constant 560 : index
      %get3A_448 = tpu.vector_load %arg11[%get3A_446, %get3A_447] {strides = array<i32>} : memref<16x1024xf32, #tpu.memory_space<vmem>>, vector<1x16xf32>,
      %get3A_449 = vector.shape_cast %get3A_448 : vector<1x16xf32> to vector<16xf32>
      %swap3A_450 = arith.index_cast %scan3A_132 : i32 to index
      %swap3A_451 = arith.constant 560 : index
      %swap3A_452 = tpu.vector_load %arg10[%swap3A_450, %swap3A_451] {strides = array<i32>} : memref<16x1024xf32, #tpu.memory_space<vmem>>, vector<1x16xf32>,
      %swap3A_453 = vector.shape_cast %swap3A_452 : vector<1x16xf32> to vector<16xf32>
      %swap3A_454 = vector.shape_cast %get3A_449 : vector<16xf32> to vector<1x16xf32>
      tpu.vector_store %arg10[%swap3A_450, %swap3A_451], %swap3A_454 {add = true, strides = array<i32>} : memref<16x1024xf32, #tpu.memory_space<vmem>>, vector<1x16xf32>,
      %get3A_455 = arith.index_cast %scan3A_132 : i32 to index
      %get3A_456 = arith.constant 576 : index
      %get3A_457 = tpu.vector_load %arg11[%get3A_455, %get3A_456] {strides = array<i32>} : memref<16x1024xf32, #tpu.memory_space<vmem>>, vector<1x16xf32>,
      %get3A_458 = vector.shape_cast %get3A_457 : vector<1x16xf32> to vector<16xf32>
      %swap3A_459 = arith.index_cast %scan3A_132 : i32 to index
      %swap3A_460 = arith.constant 576 : index
      %swap3A_461 = tpu.vector_load %arg10[%swap3A_459, %swap3A_460] {strides = array<i32>} : memref<16x1024xf32, #tpu.memory_space<vmem>>, vector<1x16xf32>,
      %swap3A_462 = vector.shape_cast %swap3A_461 : vector<1x16xf32> to vector<16xf32>
      %swap3A_463 = vector.shape_cast %get3A_458 : vector<16xf32> to vector<1x16xf32>
      tpu.vector_store %arg10[%swap3A_459, %swap3A_460], %swap3A_463 {add = true, strides = array<i32>} : memref<16x1024xf32, #tpu.memory_space<vmem>>, vector<1x16xf32>,
      %get3A_464 = arith.index_cast %scan3A_132 : i32 to index
      %get3A_465 = arith.constant 592 : index
      %get3A_466 = tpu.vector_load %arg11[%get3A_464, %get3A_465] {strides = array<i32>} : memref<16x1024xf32, #tpu.memory_space<vmem>>, vector<1x16xf32>,
      %get3A_467 = vector.shape_cast %get3A_466 : vector<1x16xf32> to vector<16xf32>
      %swap3A_468 = arith.index_cast %scan3A_132 : i32 to index
      %swap3A_469 = arith.constant 592 : index
      %swap3A_470 = tpu.vector_load %arg10[%swap3A_468, %swap3A_469] {strides = array<i32>} : memref<16x1024xf32, #tpu.memory_space<vmem>>, vector<1x16xf32>,
      %swap3A_471 = vector.shape_cast %swap3A_470 : vector<1x16xf32> to vector<16xf32>
      %swap3A_472 = vector.shape_cast %get3A_467 : vector<16xf32> to vector<1x16xf32>
      tpu.vector_store %arg10[%swap3A_468, %swap3A_469], %swap3A_472 {add = true, strides = array<i32>} : memref<16x1024xf32, #tpu.memory_space<vmem>>, vector<1x16xf32>,
      %get3A_473 = arith.index_cast %scan3A_132 : i32 to index
      %get3A_474 = arith.constant 608 : index
      %get3A_475 = tpu.vector_load %arg11[%get3A_473, %get3A_474] {strides = array<i32>} : memref<16x1024xf32, #tpu.memory_space<vmem>>, vector<1x16xf32>,
      %get3A_476 = vector.shape_cast %get3A_475 : vector<1x16xf32> to vector<16xf32>
      %swap3A_477 = arith.index_cast %scan3A_132 : i32 to index
      %swap3A_478 = arith.constant 608 : index
      %swap3A_479 = tpu.vector_load %arg10[%swap3A_477, %swap3A_478] {strides = array<i32>} : memref<16x1024xf32, #tpu.memory_space<vmem>>, vector<1x16xf32>,
      %swap3A_480 = vector.shape_cast %swap3A_479 : vector<1x16xf32> to vector<16xf32>
      %swap3A_481 = vector.shape_cast %get3A_476 : vector<16xf32> to vector<1x16xf32>
      tpu.vector_store %arg10[%swap3A_477, %swap3A_478], %swap3A_481 {add = true, strides = array<i32>} : memref<16x1024xf32, #tpu.memory_space<vmem>>, vector<1x16xf32>,
      %get3A_482 = arith.index_cast %scan3A_132 : i32 to index
      %get3A_483 = arith.constant 624 : index
      %get3A_484 = tpu.vector_load %arg11[%get3A_482, %get3A_483] {strides = array<i32>} : memref<16x1024xf32, #tpu.memory_space<vmem>>, vector<1x16xf32>,
      %get3A_485 = vector.shape_cast %get3A_484 : vector<1x16xf32> to vector<16xf32>
      %swap3A_486 = arith.index_cast %scan3A_132 : i32 to index
      %swap3A_487 = arith.constant 624 : index
      %swap3A_488 = tpu.vector_load %arg10[%swap3A_486, %swap3A_487] {strides = array<i32>} : memref<16x1024xf32, #tpu.memory_space<vmem>>, vector<1x16xf32>,
      %swap3A_489 = vector.shape_cast %swap3A_488 : vector<1x16xf32> to vector<16xf32>
      %swap3A_490 = vector.shape_cast %get3A_485 : vector<16xf32> to vector<1x16xf32>
      tpu.vector_store %arg10[%swap3A_486, %swap3A_487], %swap3A_490 {add = true, strides = array<i32>} : memref<16x1024xf32, #tpu.memory_space<vmem>>, vector<1x16xf32>,
      %get3A_491 = arith.index_cast %scan3A_132 : i32 to index
      %get3A_492 = arith.constant 640 : index
      %get3A_493 = tpu.vector_load %arg11[%get3A_491, %get3A_492] {strides = array<i32>} : memref<16x1024xf32, #tpu.memory_space<vmem>>, vector<1x16xf32>,
      %get3A_494 = vector.shape_cast %get3A_493 : vector<1x16xf32> to vector<16xf32>
      %swap3A_495 = arith.index_cast %scan3A_132 : i32 to index
      %swap3A_496 = arith.constant 640 : index
      %swap3A_497 = tpu.vector_load %arg10[%swap3A_495, %swap3A_496] {strides = array<i32>} : memref<16x1024xf32, #tpu.memory_space<vmem>>, vector<1x16xf32>,
      %swap3A_498 = vector.shape_cast %swap3A_497 : vector<1x16xf32> to vector<16xf32>
      %swap3A_499 = vector.shape_cast %get3A_494 : vector<16xf32> to vector<1x16xf32>
      tpu.vector_store %arg10[%swap3A_495, %swap3A_496], %swap3A_499 {add = true, strides = array<i32>} : memref<16x1024xf32, #tpu.memory_space<vmem>>, vector<1x16xf32>,
      %get3A_500 = arith.index_cast %scan3A_132 : i32 to index
      %get3A_501 = arith.constant 656 : index
      %get3A_502 = tpu.vector_load %arg11[%get3A_500, %get3A_501] {strides = array<i32>} : memref<16x1024xf32, #tpu.memory_space<vmem>>, vector<1x16xf32>,
      %get3A_503 = vector.shape_cast %get3A_502 : vector<1x16xf32> to vector<16xf32>
      %swap3A_504 = arith.index_cast %scan3A_132 : i32 to index
      %swap3A_505 = arith.constant 656 : index
      %swap3A_506 = tpu.vector_load %arg10[%swap3A_504, %swap3A_505] {strides = array<i32>} : memref<16x1024xf32, #tpu.memory_space<vmem>>, vector<1x16xf32>,
      %swap3A_507 = vector.shape_cast %swap3A_506 : vector<1x16xf32> to vector<16xf32>
      %swap3A_508 = vector.shape_cast %get3A_503 : vector<16xf32> to vector<1x16xf32>
      tpu.vector_store %arg10[%swap3A_504, %swap3A_505], %swap3A_508 {add = true, strides = array<i32>} : memref<16x1024xf32, #tpu.memory_space<vmem>>, vector<1x16xf32>,
      %get3A_509 = arith.index_cast %scan3A_132 : i32 to index
      %get3A_510 = arith.constant 672 : index
      %get3A_511 = tpu.vector_load %arg11[%get3A_509, %get3A_510] {strides = array<i32>} : memref<16x1024xf32, #tpu.memory_space<vmem>>, vector<1x16xf32>,
      %get3A_512 = vector.shape_cast %get3A_511 : vector<1x16xf32> to vector<16xf32>
      %swap3A_513 = arith.index_cast %scan3A_132 : i32 to index
      %swap3A_514 = arith.constant 672 : index
      %swap3A_515 = tpu.vector_load %arg10[%swap3A_513, %swap3A_514] {strides = array<i32>} : memref<16x1024xf32, #tpu.memory_space<vmem>>, vector<1x16xf32>,
      %swap3A_516 = vector.shape_cast %swap3A_515 : vector<1x16xf32> to vector<16xf32>
      %swap3A_517 = vector.shape_cast %get3A_512 : vector<16xf32> to vector<1x16xf32>
      tpu.vector_store %arg10[%swap3A_513, %swap3A_514], %swap3A_517 {add = true, strides = array<i32>} : memref<16x1024xf32, #tpu.memory_space<vmem>>, vector<1x16xf32>,
      %get3A_518 = arith.index_cast %scan3A_132 : i32 to index
      %get3A_519 = arith.constant 688 : index
      %get3A_520 = tpu.vector_load %arg11[%get3A_518, %get3A_519] {strides = array<i32>} : memref<16x1024xf32, #tpu.memory_space<vmem>>, vector<1x16xf32>,
      %get3A_521 = vector.shape_cast %get3A_520 : vector<1x16xf32> to vector<16xf32>
      %swap3A_522 = arith.index_cast %scan3A_132 : i32 to index
      %swap3A_523 = arith.constant 688 : index
      %swap3A_524 = tpu.vector_load %arg10[%swap3A_522, %swap3A_523] {strides = array<i32>} : memref<16x1024xf32, #tpu.memory_space<vmem>>, vector<1x16xf32>,
      %swap3A_525 = vector.shape_cast %swap3A_524 : vector<1x16xf32> to vector<16xf32>
      %swap3A_526 = vector.shape_cast %get3A_521 : vector<16xf32> to vector<1x16xf32>
      tpu.vector_store %arg10[%swap3A_522, %swap3A_523], %swap3A_526 {add = true, strides = array<i32>} : memref<16x1024xf32, #tpu.memory_space<vmem>>, vector<1x16xf32>,
      %get3A_527 = arith.index_cast %scan3A_132 : i32 to index
      %get3A_528 = arith.constant 704 : index
      %get3A_529 = tpu.vector_load %arg11[%get3A_527, %get3A_528] {strides = array<i32>} : memref<16x1024xf32, #tpu.memory_space<vmem>>, vector<1x16xf32>,
      %get3A_530 = vector.shape_cast %get3A_529 : vector<1x16xf32> to vector<16xf32>
      %swap3A_531 = arith.index_cast %scan3A_132 : i32 to index
      %swap3A_532 = arith.constant 704 : index
      %swap3A_533 = tpu.vector_load %arg10[%swap3A_531, %swap3A_532] {strides = array<i32>} : memref<16x1024xf32, #tpu.memory_space<vmem>>, vector<1x16xf32>,
      %swap3A_534 = vector.shape_cast %swap3A_533 : vector<1x16xf32> to vector<16xf32>
      %swap3A_535 = vector.shape_cast %get3A_530 : vector<16xf32> to vector<1x16xf32>
      tpu.vector_store %arg10[%swap3A_531, %swap3A_532], %swap3A_535 {add = true, strides = array<i32>} : memref<16x1024xf32, #tpu.memory_space<vmem>>, vector<1x16xf32>,
      %get3A_536 = arith.index_cast %scan3A_132 : i32 to index
      %get3A_537 = arith.constant 720 : index
      %get3A_538 = tpu.vector_load %arg11[%get3A_536, %get3A_537] {strides = array<i32>} : memref<16x1024xf32, #tpu.memory_space<vmem>>, vector<1x16xf32>,
      %get3A_539 = vector.shape_cast %get3A_538 : vector<1x16xf32> to vector<16xf32>
      %swap3A_540 = arith.index_cast %scan3A_132 : i32 to index
      %swap3A_541 = arith.constant 720 : index
      %swap3A_542 = tpu.vector_load %arg10[%swap3A_540, %swap3A_541] {strides = array<i32>} : memref<16x1024xf32, #tpu.memory_space<vmem>>, vector<1x16xf32>,
      %swap3A_543 = vector.shape_cast %swap3A_542 : vector<1x16xf32> to vector<16xf32>
      %swap3A_544 = vector.shape_cast %get3A_539 : vector<16xf32> to vector<1x16xf32>
      tpu.vector_store %arg10[%swap3A_540, %swap3A_541], %swap3A_544 {add = true, strides = array<i32>} : memref<16x1024xf32, #tpu.memory_space<vmem>>, vector<1x16xf32>,
      %get3A_545 = arith.index_cast %scan3A_132 : i32 to index
      %get3A_546 = arith.constant 736 : index
      %get3A_547 = tpu.vector_load %arg11[%get3A_545, %get3A_546] {strides = array<i32>} : memref<16x1024xf32, #tpu.memory_space<vmem>>, vector<1x16xf32>,
      %get3A_548 = vector.shape_cast %get3A_547 : vector<1x16xf32> to vector<16xf32>
      %swap3A_549 = arith.index_cast %scan3A_132 : i32 to index
      %swap3A_550 = arith.constant 736 : index
      %swap3A_551 = tpu.vector_load %arg10[%swap3A_549, %swap3A_550] {strides = array<i32>} : memref<16x1024xf32, #tpu.memory_space<vmem>>, vector<1x16xf32>,
      %swap3A_552 = vector.shape_cast %swap3A_551 : vector<1x16xf32> to vector<16xf32>
      %swap3A_553 = vector.shape_cast %get3A_548 : vector<16xf32> to vector<1x16xf32>
      tpu.vector_store %arg10[%swap3A_549, %swap3A_550], %swap3A_553 {add = true, strides = array<i32>} : memref<16x1024xf32, #tpu.memory_space<vmem>>, vector<1x16xf32>,
      %get3A_554 = arith.index_cast %scan3A_132 : i32 to index
      %get3A_555 = arith.constant 752 : index
      %get3A_556 = tpu.vector_load %arg11[%get3A_554, %get3A_555] {strides = array<i32>} : memref<16x1024xf32, #tpu.memory_space<vmem>>, vector<1x16xf32>,
      %get3A_557 = vector.shape_cast %get3A_556 : vector<1x16xf32> to vector<16xf32>
      %swap3A_558 = arith.index_cast %scan3A_132 : i32 to index
      %swap3A_559 = arith.constant 752 : index
      %swap3A_560 = tpu.vector_load %arg10[%swap3A_558, %swap3A_559] {strides = array<i32>} : memref<16x1024xf32, #tpu.memory_space<vmem>>, vector<1x16xf32>,
      %swap3A_561 = vector.shape_cast %swap3A_560 : vector<1x16xf32> to vector<16xf32>
      %swap3A_562 = vector.shape_cast %get3A_557 : vector<16xf32> to vector<1x16xf32>
      tpu.vector_store %arg10[%swap3A_558, %swap3A_559], %swap3A_562 {add = true, strides = array<i32>} : memref<16x1024xf32, #tpu.memory_space<vmem>>, vector<1x16xf32>,
      %get3A_563 = arith.index_cast %scan3A_132 : i32 to index
      %get3A_564 = arith.constant 768 : index
      %get3A_565 = tpu.vector_load %arg11[%get3A_563, %get3A_564] {strides = array<i32>} : memref<16x1024xf32, #tpu.memory_space<vmem>>, vector<1x16xf32>,
      %get3A_566 = vector.shape_cast %get3A_565 : vector<1x16xf32> to vector<16xf32>
      %swap3A_567 = arith.index_cast %scan3A_132 : i32 to index
      %swap3A_568 = arith.constant 768 : index
      %swap3A_569 = tpu.vector_load %arg10[%swap3A_567, %swap3A_568] {strides = array<i32>} : memref<16x1024xf32, #tpu.memory_space<vmem>>, vector<1x16xf32>,
      %swap3A_570 = vector.shape_cast %swap3A_569 : vector<1x16xf32> to vector<16xf32>
      %swap3A_571 = vector.shape_cast %get3A_566 : vector<16xf32> to vector<1x16xf32>
      tpu.vector_store %arg10[%swap3A_567, %swap3A_568], %swap3A_571 {add = true, strides = array<i32>} : memref<16x1024xf32, #tpu.memory_space<vmem>>, vector<1x16xf32>,
      %get3A_572 = arith.index_cast %scan3A_132 : i32 to index
      %get3A_573 = arith.constant 784 : index
      %get3A_574 = tpu.vector_load %arg11[%get3A_572, %get3A_573] {strides = array<i32>} : memref<16x1024xf32, #tpu.memory_space<vmem>>, vector<1x16xf32>,
      %get3A_575 = vector.shape_cast %get3A_574 : vector<1x16xf32> to vector<16xf32>
      %swap3A_576 = arith.index_cast %scan3A_132 : i32 to index
      %swap3A_577 = arith.constant 784 : index
      %swap3A_578 = tpu.vector_load %arg10[%swap3A_576, %swap3A_577] {strides = array<i32>} : memref<16x1024xf32, #tpu.memory_space<vmem>>, vector<1x16xf32>,
      %swap3A_579 = vector.shape_cast %swap3A_578 : vector<1x16xf32> to vector<16xf32>
      %swap3A_580 = vector.shape_cast %get3A_575 : vector<16xf32> to vector<1x16xf32>
      tpu.vector_store %arg10[%swap3A_576, %swap3A_577], %swap3A_580 {add = true, strides = array<i32>} : memref<16x1024xf32, #tpu.memory_space<vmem>>, vector<1x16xf32>,
      %get3A_581 = arith.index_cast %scan3A_132 : i32 to index
      %get3A_582 = arith.constant 800 : index
      %get3A_583 = tpu.vector_load %arg11[%get3A_581, %get3A_582] {strides = array<i32>} : memref<16x1024xf32, #tpu.memory_space<vmem>>, vector<1x16xf32>,
      %get3A_584 = vector.shape_cast %get3A_583 : vector<1x16xf32> to vector<16xf32>
      %swap3A_585 = arith.index_cast %scan3A_132 : i32 to index
      %swap3A_586 = arith.constant 800 : index
      %swap3A_587 = tpu.vector_load %arg10[%swap3A_585, %swap3A_586] {strides = array<i32>} : memref<16x1024xf32, #tpu.memory_space<vmem>>, vector<1x16xf32>,
      %swap3A_588 = vector.shape_cast %swap3A_587 : vector<1x16xf32> to vector<16xf32>
      %swap3A_589 = vector.shape_cast %get3A_584 : vector<16xf32> to vector<1x16xf32>
      tpu.vector_store %arg10[%swap3A_585, %swap3A_586], %swap3A_589 {add = true, strides = array<i32>} : memref<16x1024xf32, #tpu.memory_space<vmem>>, vector<1x16xf32>,
      %get3A_590 = arith.index_cast %scan3A_132 : i32 to index
      %get3A_591 = arith.constant 816 : index
      %get3A_592 = tpu.vector_load %arg11[%get3A_590, %get3A_591] {strides = array<i32>} : memref<16x1024xf32, #tpu.memory_space<vmem>>, vector<1x16xf32>,
      %get3A_593 = vector.shape_cast %get3A_592 : vector<1x16xf32> to vector<16xf32>
      %swap3A_594 = arith.index_cast %scan3A_132 : i32 to index
      %swap3A_595 = arith.constant 816 : index
      %swap3A_596 = tpu.vector_load %arg10[%swap3A_594, %swap3A_595] {strides = array<i32>} : memref<16x1024xf32, #tpu.memory_space<vmem>>, vector<1x16xf32>,
      %swap3A_597 = vector.shape_cast %swap3A_596 : vector<1x16xf32> to vector<16xf32>
      %swap3A_598 = vector.shape_cast %get3A_593 : vector<16xf32> to vector<1x16xf32>
      tpu.vector_store %arg10[%swap3A_594, %swap3A_595], %swap3A_598 {add = true, strides = array<i32>} : memref<16x1024xf32, #tpu.memory_space<vmem>>, vector<1x16xf32>,
      %get3A_599 = arith.index_cast %scan3A_132 : i32 to index
      %get3A_600 = arith.constant 832 : index
      %get3A_601 = tpu.vector_load %arg11[%get3A_599, %get3A_600] {strides = array<i32>} : memref<16x1024xf32, #tpu.memory_space<vmem>>, vector<1x16xf32>,
      %get3A_602 = vector.shape_cast %get3A_601 : vector<1x16xf32> to vector<16xf32>
      %swap3A_603 = arith.index_cast %scan3A_132 : i32 to index
      %swap3A_604 = arith.constant 832 : index
      %swap3A_605 = tpu.vector_load %arg10[%swap3A_603, %swap3A_604] {strides = array<i32>} : memref<16x1024xf32, #tpu.memory_space<vmem>>, vector<1x16xf32>,
      %swap3A_606 = vector.shape_cast %swap3A_605 : vector<1x16xf32> to vector<16xf32>
      %swap3A_607 = vector.shape_cast %get3A_602 : vector<16xf32> to vector<1x16xf32>
      tpu.vector_store %arg10[%swap3A_603, %swap3A_604], %swap3A_607 {add = true, strides = array<i32>} : memref<16x1024xf32, #tpu.memory_space<vmem>>, vector<1x16xf32>,
      %get3A_608 = arith.index_cast %scan3A_132 : i32 to index
      %get3A_609 = arith.constant 848 : index
      %get3A_610 = tpu.vector_load %arg11[%get3A_608, %get3A_609] {strides = array<i32>} : memref<16x1024xf32, #tpu.memory_space<vmem>>, vector<1x16xf32>,
      %get3A_611 = vector.shape_cast %get3A_610 : vector<1x16xf32> to vector<16xf32>
      %swap3A_612 = arith.index_cast %scan3A_132 : i32 to index
      %swap3A_613 = arith.constant 848 : index
      %swap3A_614 = tpu.vector_load %arg10[%swap3A_612, %swap3A_613] {strides = array<i32>} : memref<16x1024xf32, #tpu.memory_space<vmem>>, vector<1x16xf32>,
      %swap3A_615 = vector.shape_cast %swap3A_614 : vector<1x16xf32> to vector<16xf32>
      %swap3A_616 = vector.shape_cast %get3A_611 : vector<16xf32> to vector<1x16xf32>
      tpu.vector_store %arg10[%swap3A_612, %swap3A_613], %swap3A_616 {add = true, strides = array<i32>} : memref<16x1024xf32, #tpu.memory_space<vmem>>, vector<1x16xf32>,
      %get3A_617 = arith.index_cast %scan3A_132 : i32 to index
      %get3A_618 = arith.constant 864 : index
      %get3A_619 = tpu.vector_load %arg11[%get3A_617, %get3A_618] {strides = array<i32>} : memref<16x1024xf32, #tpu.memory_space<vmem>>, vector<1x16xf32>,
      %get3A_620 = vector.shape_cast %get3A_619 : vector<1x16xf32> to vector<16xf32>
      %swap3A_621 = arith.index_cast %scan3A_132 : i32 to index
      %swap3A_622 = arith.constant 864 : index
      %swap3A_623 = tpu.vector_load %arg10[%swap3A_621, %swap3A_622] {strides = array<i32>} : memref<16x1024xf32, #tpu.memory_space<vmem>>, vector<1x16xf32>,
      %swap3A_624 = vector.shape_cast %swap3A_623 : vector<1x16xf32> to vector<16xf32>
      %swap3A_625 = vector.shape_cast %get3A_620 : vector<16xf32> to vector<1x16xf32>
      tpu.vector_store %arg10[%swap3A_621, %swap3A_622], %swap3A_625 {add = true, strides = array<i32>} : memref<16x1024xf32, #tpu.memory_space<vmem>>, vector<1x16xf32>,
      %get3A_626 = arith.index_cast %scan3A_132 : i32 to index
      %get3A_627 = arith.constant 880 : index
      %get3A_628 = tpu.vector_load %arg11[%get3A_626, %get3A_627] {strides = array<i32>} : memref<16x1024xf32, #tpu.memory_space<vmem>>, vector<1x16xf32>,
      %get3A_629 = vector.shape_cast %get3A_628 : vector<1x16xf32> to vector<16xf32>
      %swap3A_630 = arith.index_cast %scan3A_132 : i32 to index
      %swap3A_631 = arith.constant 880 : index
      %swap3A_632 = tpu.vector_load %arg10[%swap3A_630, %swap3A_631] {strides = array<i32>} : memref<16x1024xf32, #tpu.memory_space<vmem>>, vector<1x16xf32>,
      %swap3A_633 = vector.shape_cast %swap3A_632 : vector<1x16xf32> to vector<16xf32>
      %swap3A_634 = vector.shape_cast %get3A_629 : vector<16xf32> to vector<1x16xf32>
      tpu.vector_store %arg10[%swap3A_630, %swap3A_631], %swap3A_634 {add = true, strides = array<i32>} : memref<16x1024xf32, #tpu.memory_space<vmem>>, vector<1x16xf32>,
      %get3A_635 = arith.index_cast %scan3A_132 : i32 to index
      %get3A_636 = arith.constant 896 : index
      %get3A_637 = tpu.vector_load %arg11[%get3A_635, %get3A_636] {strides = array<i32>} : memref<16x1024xf32, #tpu.memory_space<vmem>>, vector<1x16xf32>,
      %get3A_638 = vector.shape_cast %get3A_637 : vector<1x16xf32> to vector<16xf32>
      %swap3A_639 = arith.index_cast %scan3A_132 : i32 to index
      %swap3A_640 = arith.constant 896 : index
      %swap3A_641 = tpu.vector_load %arg10[%swap3A_639, %swap3A_640] {strides = array<i32>} : memref<16x1024xf32, #tpu.memory_space<vmem>>, vector<1x16xf32>,
      %swap3A_642 = vector.shape_cast %swap3A_641 : vector<1x16xf32> to vector<16xf32>
      %swap3A_643 = vector.shape_cast %get3A_638 : vector<16xf32> to vector<1x16xf32>
      tpu.vector_store %arg10[%swap3A_639, %swap3A_640], %swap3A_643 {add = true, strides = array<i32>} : memref<16x1024xf32, #tpu.memory_space<vmem>>, vector<1x16xf32>,
      %get3A_644 = arith.index_cast %scan3A_132 : i32 to index
      %get3A_645 = arith.constant 912 : index
      %get3A_646 = tpu.vector_load %arg11[%get3A_644, %get3A_645] {strides = array<i32>} : memref<16x1024xf32, #tpu.memory_space<vmem>>, vector<1x16xf32>,
      %get3A_647 = vector.shape_cast %get3A_646 : vector<1x16xf32> to vector<16xf32>
      %swap3A_648 = arith.index_cast %scan3A_132 : i32 to index
      %swap3A_649 = arith.constant 912 : index
      %swap3A_650 = tpu.vector_load %arg10[%swap3A_648, %swap3A_649] {strides = array<i32>} : memref<16x1024xf32, #tpu.memory_space<vmem>>, vector<1x16xf32>,
      %swap3A_651 = vector.shape_cast %swap3A_650 : vector<1x16xf32> to vector<16xf32>
      %swap3A_652 = vector.shape_cast %get3A_647 : vector<16xf32> to vector<1x16xf32>
      tpu.vector_store %arg10[%swap3A_648, %swap3A_649], %swap3A_652 {add = true, strides = array<i32>} : memref<16x1024xf32, #tpu.memory_space<vmem>>, vector<1x16xf32>,
      %get3A_653 = arith.index_cast %scan3A_132 : i32 to index
      %get3A_654 = arith.constant 928 : index
      %get3A_655 = tpu.vector_load %arg11[%get3A_653, %get3A_654] {strides = array<i32>} : memref<16x1024xf32, #tpu.memory_space<vmem>>, vector<1x16xf32>,
      %get3A_656 = vector.shape_cast %get3A_655 : vector<1x16xf32> to vector<16xf32>
      %swap3A_657 = arith.index_cast %scan3A_132 : i32 to index
      %swap3A_658 = arith.constant 928 : index
      %swap3A_659 = tpu.vector_load %arg10[%swap3A_657, %swap3A_658] {strides = array<i32>} : memref<16x1024xf32, #tpu.memory_space<vmem>>, vector<1x16xf32>,
      %swap3A_660 = vector.shape_cast %swap3A_659 : vector<1x16xf32> to vector<16xf32>
      %swap3A_661 = vector.shape_cast %get3A_656 : vector<16xf32> to vector<1x16xf32>
      tpu.vector_store %arg10[%swap3A_657, %swap3A_658], %swap3A_661 {add = true, strides = array<i32>} : memref<16x1024xf32, #tpu.memory_space<vmem>>, vector<1x16xf32>,
      %get3A_662 = arith.index_cast %scan3A_132 : i32 to index
      %get3A_663 = arith.constant 944 : index
      %get3A_664 = tpu.vector_load %arg11[%get3A_662, %get3A_663] {strides = array<i32>} : memref<16x1024xf32, #tpu.memory_space<vmem>>, vector<1x16xf32>,
      %get3A_665 = vector.shape_cast %get3A_664 : vector<1x16xf32> to vector<16xf32>
      %swap3A_666 = arith.index_cast %scan3A_132 : i32 to index
      %swap3A_667 = arith.constant 944 : index
      %swap3A_668 = tpu.vector_load %arg10[%swap3A_666, %swap3A_667] {strides = array<i32>} : memref<16x1024xf32, #tpu.memory_space<vmem>>, vector<1x16xf32>,
      %swap3A_669 = vector.shape_cast %swap3A_668 : vector<1x16xf32> to vector<16xf32>
      %swap3A_670 = vector.shape_cast %get3A_665 : vector<16xf32> to vector<1x16xf32>
      tpu.vector_store %arg10[%swap3A_666, %swap3A_667], %swap3A_670 {add = true, strides = array<i32>} : memref<16x1024xf32, #tpu.memory_space<vmem>>, vector<1x16xf32>,
      %get3A_671 = arith.index_cast %scan3A_132 : i32 to index
      %get3A_672 = arith.constant 960 : index
      %get3A_673 = tpu.vector_load %arg11[%get3A_671, %get3A_672] {strides = array<i32>} : memref<16x1024xf32, #tpu.memory_space<vmem>>, vector<1x16xf32>,
      %get3A_674 = vector.shape_cast %get3A_673 : vector<1x16xf32> to vector<16xf32>
      %swap3A_675 = arith.index_cast %scan3A_132 : i32 to index
      %swap3A_676 = arith.constant 960 : index
      %swap3A_677 = tpu.vector_load %arg10[%swap3A_675, %swap3A_676] {strides = array<i32>} : memref<16x1024xf32, #tpu.memory_space<vmem>>, vector<1x16xf32>,
      %swap3A_678 = vector.shape_cast %swap3A_677 : vector<1x16xf32> to vector<16xf32>
      %swap3A_679 = vector.shape_cast %get3A_674 : vector<16xf32> to vector<1x16xf32>
      tpu.vector_store %arg10[%swap3A_675, %swap3A_676], %swap3A_679 {add = true, strides = array<i32>} : memref<16x1024xf32, #tpu.memory_space<vmem>>, vector<1x16xf32>,
      %get3A_680 = arith.index_cast %scan3A_132 : i32 to index
      %get3A_681 = arith.constant 976 : index
      %get3A_682 = tpu.vector_load %arg11[%get3A_680, %get3A_681] {strides = array<i32>} : memref<16x1024xf32, #tpu.memory_space<vmem>>, vector<1x16xf32>,
      %get3A_683 = vector.shape_cast %get3A_682 : vector<1x16xf32> to vector<16xf32>
      %swap3A_684 = arith.index_cast %scan3A_132 : i32 to index
      %swap3A_685 = arith.constant 976 : index
      %swap3A_686 = tpu.vector_load %arg10[%swap3A_684, %swap3A_685] {strides = array<i32>} : memref<16x1024xf32, #tpu.memory_space<vmem>>, vector<1x16xf32>,
      %swap3A_687 = vector.shape_cast %swap3A_686 : vector<1x16xf32> to vector<16xf32>
      %swap3A_688 = vector.shape_cast %get3A_683 : vector<16xf32> to vector<1x16xf32>
      tpu.vector_store %arg10[%swap3A_684, %swap3A_685], %swap3A_688 {add = true, strides = array<i32>} : memref<16x1024xf32, #tpu.memory_space<vmem>>, vector<1x16xf32>,
      %get3A_689 = arith.index_cast %scan3A_132 : i32 to index
      %get3A_690 = arith.constant 992 : index
      %get3A_691 = tpu.vector_load %arg11[%get3A_689, %get3A_690] {strides = array<i32>} : memref<16x1024xf32, #tpu.memory_space<vmem>>, vector<1x16xf32>,
      %get3A_692 = vector.shape_cast %get3A_691 : vector<1x16xf32> to vector<16xf32>
      %swap3A_693 = arith.index_cast %scan3A_132 : i32 to index
      %swap3A_694 = arith.constant 992 : index
      %swap3A_695 = tpu.vector_load %arg10[%swap3A_693, %swap3A_694] {strides = array<i32>} : memref<16x1024xf32, #tpu.memory_space<vmem>>, vector<1x16xf32>,
      %swap3A_696 = vector.shape_cast %swap3A_695 : vector<1x16xf32> to vector<16xf32>
      %swap3A_697 = vector.shape_cast %get3A_692 : vector<16xf32> to vector<1x16xf32>
      tpu.vector_store %arg10[%swap3A_693, %swap3A_694], %swap3A_697 {add = true, strides = array<i32>} : memref<16x1024xf32, #tpu.memory_space<vmem>>, vector<1x16xf32>,
      %get3A_698 = arith.index_cast %scan3A_132 : i32 to index
      %get3A_699 = arith.constant 1008 : index
      %get3A_700 = tpu.vector_load %arg11[%get3A_698, %get3A_699] {strides = array<i32>} : memref<16x1024xf32, #tpu.memory_space<vmem>>, vector<1x16xf32>,
      %get3A_701 = vector.shape_cast %get3A_700 : vector<1x16xf32> to vector<16xf32>
      %swap3A_702 = arith.index_cast %scan3A_132 : i32 to index
      %swap3A_703 = arith.constant 1008 : index
      %swap3A_704 = tpu.vector_load %arg10[%swap3A_702, %swap3A_703] {strides = array<i32>} : memref<16x1024xf32, #tpu.memory_space<vmem>>, vector<1x16xf32>,
      %swap3A_705 = vector.shape_cast %swap3A_704 : vector<1x16xf32> to vector<16xf32>
      %swap3A_706 = vector.shape_cast %get3A_701 : vector<16xf32> to vector<1x16xf32>
      tpu.vector_store %arg10[%swap3A_702, %swap3A_703], %swap3A_706 {add = true, strides = array<i32>} : memref<16x1024xf32, #tpu.memory_space<vmem>>, vector<1x16xf32>,
    }
    %scan3A_69 = arith.constant 16 : i32
    %dma_start3A_70 = arith.constant 0 : i32
    %dma_start3A_71 = tpu.memref_slice %arg6[%add3A_53, %dma_start3A_70] : memref<16384x1024xf32, #tpu.memory_space<hbm>> -> memref<16x1024xf32, #tpu.memory_space<hbm>>
    %dma_start3A_72 = arith.constant 0 : i32
    %dma_start3A_73 = tpu.memref_slice %arg6[%add3A_53, %dma_start3A_72] : memref<16384x1024xf32, #tpu.memory_space<hbm>> -> memref<16x1024xf32, #tpu.memory_space<hbm>>
    tpu.enqueue_dma source(%arg10 : memref<16x1024xf32, #tpu.memory_space<vmem>>) target(%dma_start3A_73 : memref<16x1024xf32, #tpu.memory_space<hbm>>) target_semaphore(%arg24 : memref<!tpu.dma_semaphore, #tpu.memory_space<semaphore_mem>>)
    %add3A_74 = arith.constant 496 : i32
    %add3A_75 = arith.addi %mul3A_2, %add3A_74 : i32
    %dma_wait3A_76 = arith.constant 0 : i32
    %dma_wait3A_77 = arith.constant 0 : i32
    %dma_wait3A_78 = tpu.memref_slice %arg5[%dma_wait3A_76, %dma_wait3A_77] : memref<4096x1024xf32, #tpu.memory_space<hbm>> -> memref<4096x1024xf32, #tpu.memory_space<hbm>>
    tpu.wait_indirect_dma semaphore(%arg29 : memref<!tpu.dma_semaphore, #tpu.memory_space<semaphore_mem>>) src(%dma_wait3A_78 : memref<4096x1024xf32, #tpu.memory_space<hbm>>) dst(%arg15 : memref<16x1024xf32, #tpu.memory_space<vmem>>)
    %dma_start3A_79 = arith.constant 0 : i32
    %dma_start3A_80 = tpu.memref_slice %arg7[%add3A_75, %dma_start3A_79] : memref<16384x1024xf32, #tpu.memory_space<hbm>> -> memref<16x1024xf32, #tpu.memory_space<hbm>>
    %dma_start3A_81 = arith.constant 0 : i32
    %dma_start3A_82 = tpu.memref_slice %arg7[%add3A_75, %dma_start3A_81] : memref<16384x1024xf32, #tpu.memory_space<hbm>> -> memref<16x1024xf32, #tpu.memory_space<hbm>>
    tpu.enqueue_dma source(%arg15 : memref<16x1024xf32, #tpu.memory_space<vmem>>) target(%dma_start3A_82 : memref<16x1024xf32, #tpu.memory_space<hbm>>) target_semaphore(%arg31 : memref<!tpu.dma_semaphore, #tpu.memory_space<semaphore_mem>>)
    %dma_wait3A_83 = arith.constant 0 : i32
    %dma_wait3A_84 = arith.constant 0 : i32
    %dma_wait3A_85 = tpu.memref_slice %arg4[%dma_wait3A_83, %dma_wait3A_84] : memref<100000x1024xf32, #tpu.memory_space<hbm>> -> memref<100000x1024xf32, #tpu.memory_space<hbm>>
    tpu.wait_indirect_dma semaphore(%arg28 : memref<!tpu.dma_semaphore, #tpu.memory_space<semaphore_mem>>) src(%dma_wait3A_85 : memref<100000x1024xf32, #tpu.memory_space<hbm>>) dst(%arg14 : memref<16x1024xf32, #tpu.memory_space<vmem>>)
    %scan3A_86 = arith.constant 0 : i32
    %scan3A_87 = arith.constant 0 : i32
    %scan3A_88 = arith.constant 16 : i32
    %scan3A_89 = arith.addi %scan3A_87, %scan3A_88 : i32
    %scan3A_90 = arith.constant 1 : i32
    scf.for %scan3A_132 = %scan3A_87 to %scan3A_89 step %scan3A_90  : i32 {
      %get3A = arith.index_cast %scan3A_132 : i32 to index
      %get3A_133 = arith.constant 0 : index
      %get3A_134 = tpu.vector_load %arg15[%get3A, %get3A_133] {strides = array<i32>} : memref<16x1024xf32, #tpu.memory_space<vmem>>, vector<1x16xf32>,
      %get3A_135 = vector.shape_cast %get3A_134 : vector<1x16xf32> to vector<16xf32>
      %swap3A = arith.index_cast %scan3A_132 : i32 to index
      %swap3A_136 = arith.constant 0 : index
      %swap3A_137 = tpu.vector_load %arg14[%swap3A, %swap3A_136] {strides = array<i32>} : memref<16x1024xf32, #tpu.memory_space<vmem>>, vector<1x16xf32>,
      %swap3A_138 = vector.shape_cast %swap3A_137 : vector<1x16xf32> to vector<16xf32>
      %swap3A_139 = vector.shape_cast %get3A_135 : vector<16xf32> to vector<1x16xf32>
      tpu.vector_store %arg14[%swap3A, %swap3A_136], %swap3A_139 {add = true, strides = array<i32>} : memref<16x1024xf32, #tpu.memory_space<vmem>>, vector<1x16xf32>,
      %get3A_140 = arith.index_cast %scan3A_132 : i32 to index
      %get3A_141 = arith.constant 16 : index
      %get3A_142 = tpu.vector_load %arg15[%get3A_140, %get3A_141] {strides = array<i32>} : memref<16x1024xf32, #tpu.memory_space<vmem>>, vector<1x16xf32>,
      %get3A_143 = vector.shape_cast %get3A_142 : vector<1x16xf32> to vector<16xf32>
      %swap3A_144 = arith.index_cast %scan3A_132 : i32 to index
      %swap3A_145 = arith.constant 16 : index
      %swap3A_146 = tpu.vector_load %arg14[%swap3A_144, %swap3A_145] {strides = array<i32>} : memref<16x1024xf32, #tpu.memory_space<vmem>>, vector<1x16xf32>,
      %swap3A_147 = vector.shape_cast %swap3A_146 : vector<1x16xf32> to vector<16xf32>
      %swap3A_148 = vector.shape_cast %get3A_143 : vector<16xf32> to vector<1x16xf32>
      tpu.vector_store %arg14[%swap3A_144, %swap3A_145], %swap3A_148 {add = true, strides = array<i32>} : memref<16x1024xf32, #tpu.memory_space<vmem>>, vector<1x16xf32>,
      %get3A_149 = arith.index_cast %scan3A_132 : i32 to index
      %get3A_150 = arith.constant 32 : index
      %get3A_151 = tpu.vector_load %arg15[%get3A_149, %get3A_150] {strides = array<i32>} : memref<16x1024xf32, #tpu.memory_space<vmem>>, vector<1x16xf32>,
      %get3A_152 = vector.shape_cast %get3A_151 : vector<1x16xf32> to vector<16xf32>
      %swap3A_153 = arith.index_cast %scan3A_132 : i32 to index
      %swap3A_154 = arith.constant 32 : index
      %swap3A_155 = tpu.vector_load %arg14[%swap3A_153, %swap3A_154] {strides = array<i32>} : memref<16x1024xf32, #tpu.memory_space<vmem>>, vector<1x16xf32>,
      %swap3A_156 = vector.shape_cast %swap3A_155 : vector<1x16xf32> to vector<16xf32>
      %swap3A_157 = vector.shape_cast %get3A_152 : vector<16xf32> to vector<1x16xf32>
      tpu.vector_store %arg14[%swap3A_153, %swap3A_154], %swap3A_157 {add = true, strides = array<i32>} : memref<16x1024xf32, #tpu.memory_space<vmem>>, vector<1x16xf32>,
      %get3A_158 = arith.index_cast %scan3A_132 : i32 to index
      %get3A_159 = arith.constant 48 : index
      %get3A_160 = tpu.vector_load %arg15[%get3A_158, %get3A_159] {strides = array<i32>} : memref<16x1024xf32, #tpu.memory_space<vmem>>, vector<1x16xf32>,
      %get3A_161 = vector.shape_cast %get3A_160 : vector<1x16xf32> to vector<16xf32>
      %swap3A_162 = arith.index_cast %scan3A_132 : i32 to index
      %swap3A_163 = arith.constant 48 : index
      %swap3A_164 = tpu.vector_load %arg14[%swap3A_162, %swap3A_163] {strides = array<i32>} : memref<16x1024xf32, #tpu.memory_space<vmem>>, vector<1x16xf32>,
      %swap3A_165 = vector.shape_cast %swap3A_164 : vector<1x16xf32> to vector<16xf32>
      %swap3A_166 = vector.shape_cast %get3A_161 : vector<16xf32> to vector<1x16xf32>
      tpu.vector_store %arg14[%swap3A_162, %swap3A_163], %swap3A_166 {add = true, strides = array<i32>} : memref<16x1024xf32, #tpu.memory_space<vmem>>, vector<1x16xf32>,
      %get3A_167 = arith.index_cast %scan3A_132 : i32 to index
      %get3A_168 = arith.constant 64 : index
      %get3A_169 = tpu.vector_load %arg15[%get3A_167, %get3A_168] {strides = array<i32>} : memref<16x1024xf32, #tpu.memory_space<vmem>>, vector<1x16xf32>,
      %get3A_170 = vector.shape_cast %get3A_169 : vector<1x16xf32> to vector<16xf32>
      %swap3A_171 = arith.index_cast %scan3A_132 : i32 to index
      %swap3A_172 = arith.constant 64 : index
      %swap3A_173 = tpu.vector_load %arg14[%swap3A_171, %swap3A_172] {strides = array<i32>} : memref<16x1024xf32, #tpu.memory_space<vmem>>, vector<1x16xf32>,
      %swap3A_174 = vector.shape_cast %swap3A_173 : vector<1x16xf32> to vector<16xf32>
      %swap3A_175 = vector.shape_cast %get3A_170 : vector<16xf32> to vector<1x16xf32>
      tpu.vector_store %arg14[%swap3A_171, %swap3A_172], %swap3A_175 {add = true, strides = array<i32>} : memref<16x1024xf32, #tpu.memory_space<vmem>>, vector<1x16xf32>,
      %get3A_176 = arith.index_cast %scan3A_132 : i32 to index
      %get3A_177 = arith.constant 80 : index
      %get3A_178 = tpu.vector_load %arg15[%get3A_176, %get3A_177] {strides = array<i32>} : memref<16x1024xf32, #tpu.memory_space<vmem>>, vector<1x16xf32>,
      %get3A_179 = vector.shape_cast %get3A_178 : vector<1x16xf32> to vector<16xf32>
      %swap3A_180 = arith.index_cast %scan3A_132 : i32 to index
      %swap3A_181 = arith.constant 80 : index
      %swap3A_182 = tpu.vector_load %arg14[%swap3A_180, %swap3A_181] {strides = array<i32>} : memref<16x1024xf32, #tpu.memory_space<vmem>>, vector<1x16xf32>,
      %swap3A_183 = vector.shape_cast %swap3A_182 : vector<1x16xf32> to vector<16xf32>
      %swap3A_184 = vector.shape_cast %get3A_179 : vector<16xf32> to vector<1x16xf32>
      tpu.vector_store %arg14[%swap3A_180, %swap3A_181], %swap3A_184 {add = true, strides = array<i32>} : memref<16x1024xf32, #tpu.memory_space<vmem>>, vector<1x16xf32>,
      %get3A_185 = arith.index_cast %scan3A_132 : i32 to index
      %get3A_186 = arith.constant 96 : index
      %get3A_187 = tpu.vector_load %arg15[%get3A_185, %get3A_186] {strides = array<i32>} : memref<16x1024xf32, #tpu.memory_space<vmem>>, vector<1x16xf32>,
      %get3A_188 = vector.shape_cast %get3A_187 : vector<1x16xf32> to vector<16xf32>
      %swap3A_189 = arith.index_cast %scan3A_132 : i32 to index
      %swap3A_190 = arith.constant 96 : index
      %swap3A_191 = tpu.vector_load %arg14[%swap3A_189, %swap3A_190] {strides = array<i32>} : memref<16x1024xf32, #tpu.memory_space<vmem>>, vector<1x16xf32>,
      %swap3A_192 = vector.shape_cast %swap3A_191 : vector<1x16xf32> to vector<16xf32>
      %swap3A_193 = vector.shape_cast %get3A_188 : vector<16xf32> to vector<1x16xf32>
      tpu.vector_store %arg14[%swap3A_189, %swap3A_190], %swap3A_193 {add = true, strides = array<i32>} : memref<16x1024xf32, #tpu.memory_space<vmem>>, vector<1x16xf32>,
      %get3A_194 = arith.index_cast %scan3A_132 : i32 to index
      %get3A_195 = arith.constant 112 : index
      %get3A_196 = tpu.vector_load %arg15[%get3A_194, %get3A_195] {strides = array<i32>} : memref<16x1024xf32, #tpu.memory_space<vmem>>, vector<1x16xf32>,
      %get3A_197 = vector.shape_cast %get3A_196 : vector<1x16xf32> to vector<16xf32>
      %swap3A_198 = arith.index_cast %scan3A_132 : i32 to index
      %swap3A_199 = arith.constant 112 : index
      %swap3A_200 = tpu.vector_load %arg14[%swap3A_198, %swap3A_199] {strides = array<i32>} : memref<16x1024xf32, #tpu.memory_space<vmem>>, vector<1x16xf32>,
      %swap3A_201 = vector.shape_cast %swap3A_200 : vector<1x16xf32> to vector<16xf32>
      %swap3A_202 = vector.shape_cast %get3A_197 : vector<16xf32> to vector<1x16xf32>
      tpu.vector_store %arg14[%swap3A_198, %swap3A_199], %swap3A_202 {add = true, strides = array<i32>} : memref<16x1024xf32, #tpu.memory_space<vmem>>, vector<1x16xf32>,
      %get3A_203 = arith.index_cast %scan3A_132 : i32 to index
      %get3A_204 = arith.constant 128 : index
      %get3A_205 = tpu.vector_load %arg15[%get3A_203, %get3A_204] {strides = array<i32>} : memref<16x1024xf32, #tpu.memory_space<vmem>>, vector<1x16xf32>,
      %get3A_206 = vector.shape_cast %get3A_205 : vector<1x16xf32> to vector<16xf32>
      %swap3A_207 = arith.index_cast %scan3A_132 : i32 to index
      %swap3A_208 = arith.constant 128 : index
      %swap3A_209 = tpu.vector_load %arg14[%swap3A_207, %swap3A_208] {strides = array<i32>} : memref<16x1024xf32, #tpu.memory_space<vmem>>, vector<1x16xf32>,
      %swap3A_210 = vector.shape_cast %swap3A_209 : vector<1x16xf32> to vector<16xf32>
      %swap3A_211 = vector.shape_cast %get3A_206 : vector<16xf32> to vector<1x16xf32>
      tpu.vector_store %arg14[%swap3A_207, %swap3A_208], %swap3A_211 {add = true, strides = array<i32>} : memref<16x1024xf32, #tpu.memory_space<vmem>>, vector<1x16xf32>,
      %get3A_212 = arith.index_cast %scan3A_132 : i32 to index
      %get3A_213 = arith.constant 144 : index
      %get3A_214 = tpu.vector_load %arg15[%get3A_212, %get3A_213] {strides = array<i32>} : memref<16x1024xf32, #tpu.memory_space<vmem>>, vector<1x16xf32>,
      %get3A_215 = vector.shape_cast %get3A_214 : vector<1x16xf32> to vector<16xf32>
      %swap3A_216 = arith.index_cast %scan3A_132 : i32 to index
      %swap3A_217 = arith.constant 144 : index
      %swap3A_218 = tpu.vector_load %arg14[%swap3A_216, %swap3A_217] {strides = array<i32>} : memref<16x1024xf32, #tpu.memory_space<vmem>>, vector<1x16xf32>,
      %swap3A_219 = vector.shape_cast %swap3A_218 : vector<1x16xf32> to vector<16xf32>
      %swap3A_220 = vector.shape_cast %get3A_215 : vector<16xf32> to vector<1x16xf32>
      tpu.vector_store %arg14[%swap3A_216, %swap3A_217], %swap3A_220 {add = true, strides = array<i32>} : memref<16x1024xf32, #tpu.memory_space<vmem>>, vector<1x16xf32>,
      %get3A_221 = arith.index_cast %scan3A_132 : i32 to index
      %get3A_222 = arith.constant 160 : index
      %get3A_223 = tpu.vector_load %arg15[%get3A_221, %get3A_222] {strides = array<i32>} : memref<16x1024xf32, #tpu.memory_space<vmem>>, vector<1x16xf32>,
      %get3A_224 = vector.shape_cast %get3A_223 : vector<1x16xf32> to vector<16xf32>
      %swap3A_225 = arith.index_cast %scan3A_132 : i32 to index
      %swap3A_226 = arith.constant 160 : index
      %swap3A_227 = tpu.vector_load %arg14[%swap3A_225, %swap3A_226] {strides = array<i32>} : memref<16x1024xf32, #tpu.memory_space<vmem>>, vector<1x16xf32>,
      %swap3A_228 = vector.shape_cast %swap3A_227 : vector<1x16xf32> to vector<16xf32>
      %swap3A_229 = vector.shape_cast %get3A_224 : vector<16xf32> to vector<1x16xf32>
      tpu.vector_store %arg14[%swap3A_225, %swap3A_226], %swap3A_229 {add = true, strides = array<i32>} : memref<16x1024xf32, #tpu.memory_space<vmem>>, vector<1x16xf32>,
      %get3A_230 = arith.index_cast %scan3A_132 : i32 to index
      %get3A_231 = arith.constant 176 : index
      %get3A_232 = tpu.vector_load %arg15[%get3A_230, %get3A_231] {strides = array<i32>} : memref<16x1024xf32, #tpu.memory_space<vmem>>, vector<1x16xf32>,
      %get3A_233 = vector.shape_cast %get3A_232 : vector<1x16xf32> to vector<16xf32>
      %swap3A_234 = arith.index_cast %scan3A_132 : i32 to index
      %swap3A_235 = arith.constant 176 : index
      %swap3A_236 = tpu.vector_load %arg14[%swap3A_234, %swap3A_235] {strides = array<i32>} : memref<16x1024xf32, #tpu.memory_space<vmem>>, vector<1x16xf32>,
      %swap3A_237 = vector.shape_cast %swap3A_236 : vector<1x16xf32> to vector<16xf32>
      %swap3A_238 = vector.shape_cast %get3A_233 : vector<16xf32> to vector<1x16xf32>
      tpu.vector_store %arg14[%swap3A_234, %swap3A_235], %swap3A_238 {add = true, strides = array<i32>} : memref<16x1024xf32, #tpu.memory_space<vmem>>, vector<1x16xf32>,
      %get3A_239 = arith.index_cast %scan3A_132 : i32 to index
      %get3A_240 = arith.constant 192 : index
      %get3A_241 = tpu.vector_load %arg15[%get3A_239, %get3A_240] {strides = array<i32>} : memref<16x1024xf32, #tpu.memory_space<vmem>>, vector<1x16xf32>,
      %get3A_242 = vector.shape_cast %get3A_241 : vector<1x16xf32> to vector<16xf32>
      %swap3A_243 = arith.index_cast %scan3A_132 : i32 to index
      %swap3A_244 = arith.constant 192 : index
      %swap3A_245 = tpu.vector_load %arg14[%swap3A_243, %swap3A_244] {strides = array<i32>} : memref<16x1024xf32, #tpu.memory_space<vmem>>, vector<1x16xf32>,
      %swap3A_246 = vector.shape_cast %swap3A_245 : vector<1x16xf32> to vector<16xf32>
      %swap3A_247 = vector.shape_cast %get3A_242 : vector<16xf32> to vector<1x16xf32>
      tpu.vector_store %arg14[%swap3A_243, %swap3A_244], %swap3A_247 {add = true, strides = array<i32>} : memref<16x1024xf32, #tpu.memory_space<vmem>>, vector<1x16xf32>,
      %get3A_248 = arith.index_cast %scan3A_132 : i32 to index
      %get3A_249 = arith.constant 208 : index
      %get3A_250 = tpu.vector_load %arg15[%get3A_248, %get3A_249] {strides = array<i32>} : memref<16x1024xf32, #tpu.memory_space<vmem>>, vector<1x16xf32>,
      %get3A_251 = vector.shape_cast %get3A_250 : vector<1x16xf32> to vector<16xf32>
      %swap3A_252 = arith.index_cast %scan3A_132 : i32 to index
      %swap3A_253 = arith.constant 208 : index
      %swap3A_254 = tpu.vector_load %arg14[%swap3A_252, %swap3A_253] {strides = array<i32>} : memref<16x1024xf32, #tpu.memory_space<vmem>>, vector<1x16xf32>,
      %swap3A_255 = vector.shape_cast %swap3A_254 : vector<1x16xf32> to vector<16xf32>
      %swap3A_256 = vector.shape_cast %get3A_251 : vector<16xf32> to vector<1x16xf32>
      tpu.vector_store %arg14[%swap3A_252, %swap3A_253], %swap3A_256 {add = true, strides = array<i32>} : memref<16x1024xf32, #tpu.memory_space<vmem>>, vector<1x16xf32>,
      %get3A_257 = arith.index_cast %scan3A_132 : i32 to index
      %get3A_258 = arith.constant 224 : index
      %get3A_259 = tpu.vector_load %arg15[%get3A_257, %get3A_258] {strides = array<i32>} : memref<16x1024xf32, #tpu.memory_space<vmem>>, vector<1x16xf32>,
      %get3A_260 = vector.shape_cast %get3A_259 : vector<1x16xf32> to vector<16xf32>
      %swap3A_261 = arith.index_cast %scan3A_132 : i32 to index
      %swap3A_262 = arith.constant 224 : index
      %swap3A_263 = tpu.vector_load %arg14[%swap3A_261, %swap3A_262] {strides = array<i32>} : memref<16x1024xf32, #tpu.memory_space<vmem>>, vector<1x16xf32>,
      %swap3A_264 = vector.shape_cast %swap3A_263 : vector<1x16xf32> to vector<16xf32>
      %swap3A_265 = vector.shape_cast %get3A_260 : vector<16xf32> to vector<1x16xf32>
      tpu.vector_store %arg14[%swap3A_261, %swap3A_262], %swap3A_265 {add = true, strides = array<i32>} : memref<16x1024xf32, #tpu.memory_space<vmem>>, vector<1x16xf32>,
      %get3A_266 = arith.index_cast %scan3A_132 : i32 to index
      %get3A_267 = arith.constant 240 : index
      %get3A_268 = tpu.vector_load %arg15[%get3A_266, %get3A_267] {strides = array<i32>} : memref<16x1024xf32, #tpu.memory_space<vmem>>, vector<1x16xf32>,
      %get3A_269 = vector.shape_cast %get3A_268 : vector<1x16xf32> to vector<16xf32>
      %swap3A_270 = arith.index_cast %scan3A_132 : i32 to index
      %swap3A_271 = arith.constant 240 : index
      %swap3A_272 = tpu.vector_load %arg14[%swap3A_270, %swap3A_271] {strides = array<i32>} : memref<16x1024xf32, #tpu.memory_space<vmem>>, vector<1x16xf32>,
      %swap3A_273 = vector.shape_cast %swap3A_272 : vector<1x16xf32> to vector<16xf32>
      %swap3A_274 = vector.shape_cast %get3A_269 : vector<16xf32> to vector<1x16xf32>
      tpu.vector_store %arg14[%swap3A_270, %swap3A_271], %swap3A_274 {add = true, strides = array<i32>} : memref<16x1024xf32, #tpu.memory_space<vmem>>, vector<1x16xf32>,
      %get3A_275 = arith.index_cast %scan3A_132 : i32 to index
      %get3A_276 = arith.constant 256 : index
      %get3A_277 = tpu.vector_load %arg15[%get3A_275, %get3A_276] {strides = array<i32>} : memref<16x1024xf32, #tpu.memory_space<vmem>>, vector<1x16xf32>,
      %get3A_278 = vector.shape_cast %get3A_277 : vector<1x16xf32> to vector<16xf32>
      %swap3A_279 = arith.index_cast %scan3A_132 : i32 to index
      %swap3A_280 = arith.constant 256 : index
      %swap3A_281 = tpu.vector_load %arg14[%swap3A_279, %swap3A_280] {strides = array<i32>} : memref<16x1024xf32, #tpu.memory_space<vmem>>, vector<1x16xf32>,
      %swap3A_282 = vector.shape_cast %swap3A_281 : vector<1x16xf32> to vector<16xf32>
      %swap3A_283 = vector.shape_cast %get3A_278 : vector<16xf32> to vector<1x16xf32>
      tpu.vector_store %arg14[%swap3A_279, %swap3A_280], %swap3A_283 {add = true, strides = array<i32>} : memref<16x1024xf32, #tpu.memory_space<vmem>>, vector<1x16xf32>,
      %get3A_284 = arith.index_cast %scan3A_132 : i32 to index
      %get3A_285 = arith.constant 272 : index
      %get3A_286 = tpu.vector_load %arg15[%get3A_284, %get3A_285] {strides = array<i32>} : memref<16x1024xf32, #tpu.memory_space<vmem>>, vector<1x16xf32>,
      %get3A_287 = vector.shape_cast %get3A_286 : vector<1x16xf32> to vector<16xf32>
      %swap3A_288 = arith.index_cast %scan3A_132 : i32 to index
      %swap3A_289 = arith.constant 272 : index
      %swap3A_290 = tpu.vector_load %arg14[%swap3A_288, %swap3A_289] {strides = array<i32>} : memref<16x1024xf32, #tpu.memory_space<vmem>>, vector<1x16xf32>,
      %swap3A_291 = vector.shape_cast %swap3A_290 : vector<1x16xf32> to vector<16xf32>
      %swap3A_292 = vector.shape_cast %get3A_287 : vector<16xf32> to vector<1x16xf32>
      tpu.vector_store %arg14[%swap3A_288, %swap3A_289], %swap3A_292 {add = true, strides = array<i32>} : memref<16x1024xf32, #tpu.memory_space<vmem>>, vector<1x16xf32>,
      %get3A_293 = arith.index_cast %scan3A_132 : i32 to index
      %get3A_294 = arith.constant 288 : index
      %get3A_295 = tpu.vector_load %arg15[%get3A_293, %get3A_294] {strides = array<i32>} : memref<16x1024xf32, #tpu.memory_space<vmem>>, vector<1x16xf32>,
      %get3A_296 = vector.shape_cast %get3A_295 : vector<1x16xf32> to vector<16xf32>
      %swap3A_297 = arith.index_cast %scan3A_132 : i32 to index
      %swap3A_298 = arith.constant 288 : index
      %swap3A_299 = tpu.vector_load %arg14[%swap3A_297, %swap3A_298] {strides = array<i32>} : memref<16x1024xf32, #tpu.memory_space<vmem>>, vector<1x16xf32>,
      %swap3A_300 = vector.shape_cast %swap3A_299 : vector<1x16xf32> to vector<16xf32>
      %swap3A_301 = vector.shape_cast %get3A_296 : vector<16xf32> to vector<1x16xf32>
      tpu.vector_store %arg14[%swap3A_297, %swap3A_298], %swap3A_301 {add = true, strides = array<i32>} : memref<16x1024xf32, #tpu.memory_space<vmem>>, vector<1x16xf32>,
      %get3A_302 = arith.index_cast %scan3A_132 : i32 to index
      %get3A_303 = arith.constant 304 : index
      %get3A_304 = tpu.vector_load %arg15[%get3A_302, %get3A_303] {strides = array<i32>} : memref<16x1024xf32, #tpu.memory_space<vmem>>, vector<1x16xf32>,
      %get3A_305 = vector.shape_cast %get3A_304 : vector<1x16xf32> to vector<16xf32>
      %swap3A_306 = arith.index_cast %scan3A_132 : i32 to index
      %swap3A_307 = arith.constant 304 : index
      %swap3A_308 = tpu.vector_load %arg14[%swap3A_306, %swap3A_307] {strides = array<i32>} : memref<16x1024xf32, #tpu.memory_space<vmem>>, vector<1x16xf32>,
      %swap3A_309 = vector.shape_cast %swap3A_308 : vector<1x16xf32> to vector<16xf32>
      %swap3A_310 = vector.shape_cast %get3A_305 : vector<16xf32> to vector<1x16xf32>
      tpu.vector_store %arg14[%swap3A_306, %swap3A_307], %swap3A_310 {add = true, strides = array<i32>} : memref<16x1024xf32, #tpu.memory_space<vmem>>, vector<1x16xf32>,
      %get3A_311 = arith.index_cast %scan3A_132 : i32 to index
      %get3A_312 = arith.constant 320 : index
      %get3A_313 = tpu.vector_load %arg15[%get3A_311, %get3A_312] {strides = array<i32>} : memref<16x1024xf32, #tpu.memory_space<vmem>>, vector<1x16xf32>,
      %get3A_314 = vector.shape_cast %get3A_313 : vector<1x16xf32> to vector<16xf32>
      %swap3A_315 = arith.index_cast %scan3A_132 : i32 to index
      %swap3A_316 = arith.constant 320 : index
      %swap3A_317 = tpu.vector_load %arg14[%swap3A_315, %swap3A_316] {strides = array<i32>} : memref<16x1024xf32, #tpu.memory_space<vmem>>, vector<1x16xf32>,
      %swap3A_318 = vector.shape_cast %swap3A_317 : vector<1x16xf32> to vector<16xf32>
      %swap3A_319 = vector.shape_cast %get3A_314 : vector<16xf32> to vector<1x16xf32>
      tpu.vector_store %arg14[%swap3A_315, %swap3A_316], %swap3A_319 {add = true, strides = array<i32>} : memref<16x1024xf32, #tpu.memory_space<vmem>>, vector<1x16xf32>,
      %get3A_320 = arith.index_cast %scan3A_132 : i32 to index
      %get3A_321 = arith.constant 336 : index
      %get3A_322 = tpu.vector_load %arg15[%get3A_320, %get3A_321] {strides = array<i32>} : memref<16x1024xf32, #tpu.memory_space<vmem>>, vector<1x16xf32>,
      %get3A_323 = vector.shape_cast %get3A_322 : vector<1x16xf32> to vector<16xf32>
      %swap3A_324 = arith.index_cast %scan3A_132 : i32 to index
      %swap3A_325 = arith.constant 336 : index
      %swap3A_326 = tpu.vector_load %arg14[%swap3A_324, %swap3A_325] {strides = array<i32>} : memref<16x1024xf32, #tpu.memory_space<vmem>>, vector<1x16xf32>,
      %swap3A_327 = vector.shape_cast %swap3A_326 : vector<1x16xf32> to vector<16xf32>
      %swap3A_328 = vector.shape_cast %get3A_323 : vector<16xf32> to vector<1x16xf32>
      tpu.vector_store %arg14[%swap3A_324, %swap3A_325], %swap3A_328 {add = true, strides = array<i32>} : memref<16x1024xf32, #tpu.memory_space<vmem>>, vector<1x16xf32>,
      %get3A_329 = arith.index_cast %scan3A_132 : i32 to index
      %get3A_330 = arith.constant 352 : index
      %get3A_331 = tpu.vector_load %arg15[%get3A_329, %get3A_330] {strides = array<i32>} : memref<16x1024xf32, #tpu.memory_space<vmem>>, vector<1x16xf32>,
      %get3A_332 = vector.shape_cast %get3A_331 : vector<1x16xf32> to vector<16xf32>
      %swap3A_333 = arith.index_cast %scan3A_132 : i32 to index
      %swap3A_334 = arith.constant 352 : index
      %swap3A_335 = tpu.vector_load %arg14[%swap3A_333, %swap3A_334] {strides = array<i32>} : memref<16x1024xf32, #tpu.memory_space<vmem>>, vector<1x16xf32>,
      %swap3A_336 = vector.shape_cast %swap3A_335 : vector<1x16xf32> to vector<16xf32>
      %swap3A_337 = vector.shape_cast %get3A_332 : vector<16xf32> to vector<1x16xf32>
      tpu.vector_store %arg14[%swap3A_333, %swap3A_334], %swap3A_337 {add = true, strides = array<i32>} : memref<16x1024xf32, #tpu.memory_space<vmem>>, vector<1x16xf32>,
      %get3A_338 = arith.index_cast %scan3A_132 : i32 to index
      %get3A_339 = arith.constant 368 : index
      %get3A_340 = tpu.vector_load %arg15[%get3A_338, %get3A_339] {strides = array<i32>} : memref<16x1024xf32, #tpu.memory_space<vmem>>, vector<1x16xf32>,
      %get3A_341 = vector.shape_cast %get3A_340 : vector<1x16xf32> to vector<16xf32>
      %swap3A_342 = arith.index_cast %scan3A_132 : i32 to index
      %swap3A_343 = arith.constant 368 : index
      %swap3A_344 = tpu.vector_load %arg14[%swap3A_342, %swap3A_343] {strides = array<i32>} : memref<16x1024xf32, #tpu.memory_space<vmem>>, vector<1x16xf32>,
      %swap3A_345 = vector.shape_cast %swap3A_344 : vector<1x16xf32> to vector<16xf32>
      %swap3A_346 = vector.shape_cast %get3A_341 : vector<16xf32> to vector<1x16xf32>
      tpu.vector_store %arg14[%swap3A_342, %swap3A_343], %swap3A_346 {add = true, strides = array<i32>} : memref<16x1024xf32, #tpu.memory_space<vmem>>, vector<1x16xf32>,
      %get3A_347 = arith.index_cast %scan3A_132 : i32 to index
      %get3A_348 = arith.constant 384 : index
      %get3A_349 = tpu.vector_load %arg15[%get3A_347, %get3A_348] {strides = array<i32>} : memref<16x1024xf32, #tpu.memory_space<vmem>>, vector<1x16xf32>,
      %get3A_350 = vector.shape_cast %get3A_349 : vector<1x16xf32> to vector<16xf32>
      %swap3A_351 = arith.index_cast %scan3A_132 : i32 to index
      %swap3A_352 = arith.constant 384 : index
      %swap3A_353 = tpu.vector_load %arg14[%swap3A_351, %swap3A_352] {strides = array<i32>} : memref<16x1024xf32, #tpu.memory_space<vmem>>, vector<1x16xf32>,
      %swap3A_354 = vector.shape_cast %swap3A_353 : vector<1x16xf32> to vector<16xf32>
      %swap3A_355 = vector.shape_cast %get3A_350 : vector<16xf32> to vector<1x16xf32>
      tpu.vector_store %arg14[%swap3A_351, %swap3A_352], %swap3A_355 {add = true, strides = array<i32>} : memref<16x1024xf32, #tpu.memory_space<vmem>>, vector<1x16xf32>,
      %get3A_356 = arith.index_cast %scan3A_132 : i32 to index
      %get3A_357 = arith.constant 400 : index
      %get3A_358 = tpu.vector_load %arg15[%get3A_356, %get3A_357] {strides = array<i32>} : memref<16x1024xf32, #tpu.memory_space<vmem>>, vector<1x16xf32>,
      %get3A_359 = vector.shape_cast %get3A_358 : vector<1x16xf32> to vector<16xf32>
      %swap3A_360 = arith.index_cast %scan3A_132 : i32 to index
      %swap3A_361 = arith.constant 400 : index
      %swap3A_362 = tpu.vector_load %arg14[%swap3A_360, %swap3A_361] {strides = array<i32>} : memref<16x1024xf32, #tpu.memory_space<vmem>>, vector<1x16xf32>,
      %swap3A_363 = vector.shape_cast %swap3A_362 : vector<1x16xf32> to vector<16xf32>
      %swap3A_364 = vector.shape_cast %get3A_359 : vector<16xf32> to vector<1x16xf32>
      tpu.vector_store %arg14[%swap3A_360, %swap3A_361], %swap3A_364 {add = true, strides = array<i32>} : memref<16x1024xf32, #tpu.memory_space<vmem>>, vector<1x16xf32>,
      %get3A_365 = arith.index_cast %scan3A_132 : i32 to index
      %get3A_366 = arith.constant 416 : index
      %get3A_367 = tpu.vector_load %arg15[%get3A_365, %get3A_366] {strides = array<i32>} : memref<16x1024xf32, #tpu.memory_space<vmem>>, vector<1x16xf32>,
      %get3A_368 = vector.shape_cast %get3A_367 : vector<1x16xf32> to vector<16xf32>
      %swap3A_369 = arith.index_cast %scan3A_132 : i32 to index
      %swap3A_370 = arith.constant 416 : index
      %swap3A_371 = tpu.vector_load %arg14[%swap3A_369, %swap3A_370] {strides = array<i32>} : memref<16x1024xf32, #tpu.memory_space<vmem>>, vector<1x16xf32>,
      %swap3A_372 = vector.shape_cast %swap3A_371 : vector<1x16xf32> to vector<16xf32>
      %swap3A_373 = vector.shape_cast %get3A_368 : vector<16xf32> to vector<1x16xf32>
      tpu.vector_store %arg14[%swap3A_369, %swap3A_370], %swap3A_373 {add = true, strides = array<i32>} : memref<16x1024xf32, #tpu.memory_space<vmem>>, vector<1x16xf32>,
      %get3A_374 = arith.index_cast %scan3A_132 : i32 to index
      %get3A_375 = arith.constant 432 : index
      %get3A_376 = tpu.vector_load %arg15[%get3A_374, %get3A_375] {strides = array<i32>} : memref<16x1024xf32, #tpu.memory_space<vmem>>, vector<1x16xf32>,
      %get3A_377 = vector.shape_cast %get3A_376 : vector<1x16xf32> to vector<16xf32>
      %swap3A_378 = arith.index_cast %scan3A_132 : i32 to index
      %swap3A_379 = arith.constant 432 : index
      %swap3A_380 = tpu.vector_load %arg14[%swap3A_378, %swap3A_379] {strides = array<i32>} : memref<16x1024xf32, #tpu.memory_space<vmem>>, vector<1x16xf32>,
      %swap3A_381 = vector.shape_cast %swap3A_380 : vector<1x16xf32> to vector<16xf32>
      %swap3A_382 = vector.shape_cast %get3A_377 : vector<16xf32> to vector<1x16xf32>
      tpu.vector_store %arg14[%swap3A_378, %swap3A_379], %swap3A_382 {add = true, strides = array<i32>} : memref<16x1024xf32, #tpu.memory_space<vmem>>, vector<1x16xf32>,
      %get3A_383 = arith.index_cast %scan3A_132 : i32 to index
      %get3A_384 = arith.constant 448 : index
      %get3A_385 = tpu.vector_load %arg15[%get3A_383, %get3A_384] {strides = array<i32>} : memref<16x1024xf32, #tpu.memory_space<vmem>>, vector<1x16xf32>,
      %get3A_386 = vector.shape_cast %get3A_385 : vector<1x16xf32> to vector<16xf32>
      %swap3A_387 = arith.index_cast %scan3A_132 : i32 to index
      %swap3A_388 = arith.constant 448 : index
      %swap3A_389 = tpu.vector_load %arg14[%swap3A_387, %swap3A_388] {strides = array<i32>} : memref<16x1024xf32, #tpu.memory_space<vmem>>, vector<1x16xf32>,
      %swap3A_390 = vector.shape_cast %swap3A_389 : vector<1x16xf32> to vector<16xf32>
      %swap3A_391 = vector.shape_cast %get3A_386 : vector<16xf32> to vector<1x16xf32>
      tpu.vector_store %arg14[%swap3A_387, %swap3A_388], %swap3A_391 {add = true, strides = array<i32>} : memref<16x1024xf32, #tpu.memory_space<vmem>>, vector<1x16xf32>,
      %get3A_392 = arith.index_cast %scan3A_132 : i32 to index
      %get3A_393 = arith.constant 464 : index
      %get3A_394 = tpu.vector_load %arg15[%get3A_392, %get3A_393] {strides = array<i32>} : memref<16x1024xf32, #tpu.memory_space<vmem>>, vector<1x16xf32>,
      %get3A_395 = vector.shape_cast %get3A_394 : vector<1x16xf32> to vector<16xf32>
      %swap3A_396 = arith.index_cast %scan3A_132 : i32 to index
      %swap3A_397 = arith.constant 464 : index
      %swap3A_398 = tpu.vector_load %arg14[%swap3A_396, %swap3A_397] {strides = array<i32>} : memref<16x1024xf32, #tpu.memory_space<vmem>>, vector<1x16xf32>,
      %swap3A_399 = vector.shape_cast %swap3A_398 : vector<1x16xf32> to vector<16xf32>
      %swap3A_400 = vector.shape_cast %get3A_395 : vector<16xf32> to vector<1x16xf32>
      tpu.vector_store %arg14[%swap3A_396, %swap3A_397], %swap3A_400 {add = true, strides = array<i32>} : memref<16x1024xf32, #tpu.memory_space<vmem>>, vector<1x16xf32>,
      %get3A_401 = arith.index_cast %scan3A_132 : i32 to index
      %get3A_402 = arith.constant 480 : index
      %get3A_403 = tpu.vector_load %arg15[%get3A_401, %get3A_402] {strides = array<i32>} : memref<16x1024xf32, #tpu.memory_space<vmem>>, vector<1x16xf32>,
      %get3A_404 = vector.shape_cast %get3A_403 : vector<1x16xf32> to vector<16xf32>
      %swap3A_405 = arith.index_cast %scan3A_132 : i32 to index
      %swap3A_406 = arith.constant 480 : index
      %swap3A_407 = tpu.vector_load %arg14[%swap3A_405, %swap3A_406] {strides = array<i32>} : memref<16x1024xf32, #tpu.memory_space<vmem>>, vector<1x16xf32>,
      %swap3A_408 = vector.shape_cast %swap3A_407 : vector<1x16xf32> to vector<16xf32>
      %swap3A_409 = vector.shape_cast %get3A_404 : vector<16xf32> to vector<1x16xf32>
      tpu.vector_store %arg14[%swap3A_405, %swap3A_406], %swap3A_409 {add = true, strides = array<i32>} : memref<16x1024xf32, #tpu.memory_space<vmem>>, vector<1x16xf32>,
      %get3A_410 = arith.index_cast %scan3A_132 : i32 to index
      %get3A_411 = arith.constant 496 : index
      %get3A_412 = tpu.vector_load %arg15[%get3A_410, %get3A_411] {strides = array<i32>} : memref<16x1024xf32, #tpu.memory_space<vmem>>, vector<1x16xf32>,
      %get3A_413 = vector.shape_cast %get3A_412 : vector<1x16xf32> to vector<16xf32>
      %swap3A_414 = arith.index_cast %scan3A_132 : i32 to index
      %swap3A_415 = arith.constant 496 : index
      %swap3A_416 = tpu.vector_load %arg14[%swap3A_414, %swap3A_415] {strides = array<i32>} : memref<16x1024xf32, #tpu.memory_space<vmem>>, vector<1x16xf32>,
      %swap3A_417 = vector.shape_cast %swap3A_416 : vector<1x16xf32> to vector<16xf32>
      %swap3A_418 = vector.shape_cast %get3A_413 : vector<16xf32> to vector<1x16xf32>
      tpu.vector_store %arg14[%swap3A_414, %swap3A_415], %swap3A_418 {add = true, strides = array<i32>} : memref<16x1024xf32, #tpu.memory_space<vmem>>, vector<1x16xf32>,
      %get3A_419 = arith.index_cast %scan3A_132 : i32 to index
      %get3A_420 = arith.constant 512 : index
      %get3A_421 = tpu.vector_load %arg15[%get3A_419, %get3A_420] {strides = array<i32>} : memref<16x1024xf32, #tpu.memory_space<vmem>>, vector<1x16xf32>,
      %get3A_422 = vector.shape_cast %get3A_421 : vector<1x16xf32> to vector<16xf32>
      %swap3A_423 = arith.index_cast %scan3A_132 : i32 to index
      %swap3A_424 = arith.constant 512 : index
      %swap3A_425 = tpu.vector_load %arg14[%swap3A_423, %swap3A_424] {strides = array<i32>} : memref<16x1024xf32, #tpu.memory_space<vmem>>, vector<1x16xf32>,
      %swap3A_426 = vector.shape_cast %swap3A_425 : vector<1x16xf32> to vector<16xf32>
      %swap3A_427 = vector.shape_cast %get3A_422 : vector<16xf32> to vector<1x16xf32>
      tpu.vector_store %arg14[%swap3A_423, %swap3A_424], %swap3A_427 {add = true, strides = array<i32>} : memref<16x1024xf32, #tpu.memory_space<vmem>>, vector<1x16xf32>,
      %get3A_428 = arith.index_cast %scan3A_132 : i32 to index
      %get3A_429 = arith.constant 528 : index
      %get3A_430 = tpu.vector_load %arg15[%get3A_428, %get3A_429] {strides = array<i32>} : memref<16x1024xf32, #tpu.memory_space<vmem>>, vector<1x16xf32>,
      %get3A_431 = vector.shape_cast %get3A_430 : vector<1x16xf32> to vector<16xf32>
      %swap3A_432 = arith.index_cast %scan3A_132 : i32 to index
      %swap3A_433 = arith.constant 528 : index
      %swap3A_434 = tpu.vector_load %arg14[%swap3A_432, %swap3A_433] {strides = array<i32>} : memref<16x1024xf32, #tpu.memory_space<vmem>>, vector<1x16xf32>,
      %swap3A_435 = vector.shape_cast %swap3A_434 : vector<1x16xf32> to vector<16xf32>
      %swap3A_436 = vector.shape_cast %get3A_431 : vector<16xf32> to vector<1x16xf32>
      tpu.vector_store %arg14[%swap3A_432, %swap3A_433], %swap3A_436 {add = true, strides = array<i32>} : memref<16x1024xf32, #tpu.memory_space<vmem>>, vector<1x16xf32>,
      %get3A_437 = arith.index_cast %scan3A_132 : i32 to index
      %get3A_438 = arith.constant 544 : index
      %get3A_439 = tpu.vector_load %arg15[%get3A_437, %get3A_438] {strides = array<i32>} : memref<16x1024xf32, #tpu.memory_space<vmem>>, vector<1x16xf32>,
      %get3A_440 = vector.shape_cast %get3A_439 : vector<1x16xf32> to vector<16xf32>
      %swap3A_441 = arith.index_cast %scan3A_132 : i32 to index
      %swap3A_442 = arith.constant 544 : index
      %swap3A_443 = tpu.vector_load %arg14[%swap3A_441, %swap3A_442] {strides = array<i32>} : memref<16x1024xf32, #tpu.memory_space<vmem>>, vector<1x16xf32>,
      %swap3A_444 = vector.shape_cast %swap3A_443 : vector<1x16xf32> to vector<16xf32>
      %swap3A_445 = vector.shape_cast %get3A_440 : vector<16xf32> to vector<1x16xf32>
      tpu.vector_store %arg14[%swap3A_441, %swap3A_442], %swap3A_445 {add = true, strides = array<i32>} : memref<16x1024xf32, #tpu.memory_space<vmem>>, vector<1x16xf32>,
      %get3A_446 = arith.index_cast %scan3A_132 : i32 to index
      %get3A_447 = arith.constant 560 : index
      %get3A_448 = tpu.vector_load %arg15[%get3A_446, %get3A_447] {strides = array<i32>} : memref<16x1024xf32, #tpu.memory_space<vmem>>, vector<1x16xf32>,
      %get3A_449 = vector.shape_cast %get3A_448 : vector<1x16xf32> to vector<16xf32>
      %swap3A_450 = arith.index_cast %scan3A_132 : i32 to index
      %swap3A_451 = arith.constant 560 : index
      %swap3A_452 = tpu.vector_load %arg14[%swap3A_450, %swap3A_451] {strides = array<i32>} : memref<16x1024xf32, #tpu.memory_space<vmem>>, vector<1x16xf32>,
      %swap3A_453 = vector.shape_cast %swap3A_452 : vector<1x16xf32> to vector<16xf32>
      %swap3A_454 = vector.shape_cast %get3A_449 : vector<16xf32> to vector<1x16xf32>
      tpu.vector_store %arg14[%swap3A_450, %swap3A_451], %swap3A_454 {add = true, strides = array<i32>} : memref<16x1024xf32, #tpu.memory_space<vmem>>, vector<1x16xf32>,
      %get3A_455 = arith.index_cast %scan3A_132 : i32 to index
      %get3A_456 = arith.constant 576 : index
      %get3A_457 = tpu.vector_load %arg15[%get3A_455, %get3A_456] {strides = array<i32>} : memref<16x1024xf32, #tpu.memory_space<vmem>>, vector<1x16xf32>,
      %get3A_458 = vector.shape_cast %get3A_457 : vector<1x16xf32> to vector<16xf32>
      %swap3A_459 = arith.index_cast %scan3A_132 : i32 to index
      %swap3A_460 = arith.constant 576 : index
      %swap3A_461 = tpu.vector_load %arg14[%swap3A_459, %swap3A_460] {strides = array<i32>} : memref<16x1024xf32, #tpu.memory_space<vmem>>, vector<1x16xf32>,
      %swap3A_462 = vector.shape_cast %swap3A_461 : vector<1x16xf32> to vector<16xf32>
      %swap3A_463 = vector.shape_cast %get3A_458 : vector<16xf32> to vector<1x16xf32>
      tpu.vector_store %arg14[%swap3A_459, %swap3A_460], %swap3A_463 {add = true, strides = array<i32>} : memref<16x1024xf32, #tpu.memory_space<vmem>>, vector<1x16xf32>,
      %get3A_464 = arith.index_cast %scan3A_132 : i32 to index
      %get3A_465 = arith.constant 592 : index
      %get3A_466 = tpu.vector_load %arg15[%get3A_464, %get3A_465] {strides = array<i32>} : memref<16x1024xf32, #tpu.memory_space<vmem>>, vector<1x16xf32>,
      %get3A_467 = vector.shape_cast %get3A_466 : vector<1x16xf32> to vector<16xf32>
      %swap3A_468 = arith.index_cast %scan3A_132 : i32 to index
      %swap3A_469 = arith.constant 592 : index
      %swap3A_470 = tpu.vector_load %arg14[%swap3A_468, %swap3A_469] {strides = array<i32>} : memref<16x1024xf32, #tpu.memory_space<vmem>>, vector<1x16xf32>,
      %swap3A_471 = vector.shape_cast %swap3A_470 : vector<1x16xf32> to vector<16xf32>
      %swap3A_472 = vector.shape_cast %get3A_467 : vector<16xf32> to vector<1x16xf32>
      tpu.vector_store %arg14[%swap3A_468, %swap3A_469], %swap3A_472 {add = true, strides = array<i32>} : memref<16x1024xf32, #tpu.memory_space<vmem>>, vector<1x16xf32>,
      %get3A_473 = arith.index_cast %scan3A_132 : i32 to index
      %get3A_474 = arith.constant 608 : index
      %get3A_475 = tpu.vector_load %arg15[%get3A_473, %get3A_474] {strides = array<i32>} : memref<16x1024xf32, #tpu.memory_space<vmem>>, vector<1x16xf32>,
      %get3A_476 = vector.shape_cast %get3A_475 : vector<1x16xf32> to vector<16xf32>
      %swap3A_477 = arith.index_cast %scan3A_132 : i32 to index
      %swap3A_478 = arith.constant 608 : index
      %swap3A_479 = tpu.vector_load %arg14[%swap3A_477, %swap3A_478] {strides = array<i32>} : memref<16x1024xf32, #tpu.memory_space<vmem>>, vector<1x16xf32>,
      %swap3A_480 = vector.shape_cast %swap3A_479 : vector<1x16xf32> to vector<16xf32>
      %swap3A_481 = vector.shape_cast %get3A_476 : vector<16xf32> to vector<1x16xf32>
      tpu.vector_store %arg14[%swap3A_477, %swap3A_478], %swap3A_481 {add = true, strides = array<i32>} : memref<16x1024xf32, #tpu.memory_space<vmem>>, vector<1x16xf32>,
      %get3A_482 = arith.index_cast %scan3A_132 : i32 to index
      %get3A_483 = arith.constant 624 : index
      %get3A_484 = tpu.vector_load %arg15[%get3A_482, %get3A_483] {strides = array<i32>} : memref<16x1024xf32, #tpu.memory_space<vmem>>, vector<1x16xf32>,
      %get3A_485 = vector.shape_cast %get3A_484 : vector<1x16xf32> to vector<16xf32>
      %swap3A_486 = arith.index_cast %scan3A_132 : i32 to index
      %swap3A_487 = arith.constant 624 : index
      %swap3A_488 = tpu.vector_load %arg14[%swap3A_486, %swap3A_487] {strides = array<i32>} : memref<16x1024xf32, #tpu.memory_space<vmem>>, vector<1x16xf32>,
      %swap3A_489 = vector.shape_cast %swap3A_488 : vector<1x16xf32> to vector<16xf32>
      %swap3A_490 = vector.shape_cast %get3A_485 : vector<16xf32> to vector<1x16xf32>
      tpu.vector_store %arg14[%swap3A_486, %swap3A_487], %swap3A_490 {add = true, strides = array<i32>} : memref<16x1024xf32, #tpu.memory_space<vmem>>, vector<1x16xf32>,
      %get3A_491 = arith.index_cast %scan3A_132 : i32 to index
      %get3A_492 = arith.constant 640 : index
      %get3A_493 = tpu.vector_load %arg15[%get3A_491, %get3A_492] {strides = array<i32>} : memref<16x1024xf32, #tpu.memory_space<vmem>>, vector<1x16xf32>,
      %get3A_494 = vector.shape_cast %get3A_493 : vector<1x16xf32> to vector<16xf32>
      %swap3A_495 = arith.index_cast %scan3A_132 : i32 to index
      %swap3A_496 = arith.constant 640 : index
      %swap3A_497 = tpu.vector_load %arg14[%swap3A_495, %swap3A_496] {strides = array<i32>} : memref<16x1024xf32, #tpu.memory_space<vmem>>, vector<1x16xf32>,
      %swap3A_498 = vector.shape_cast %swap3A_497 : vector<1x16xf32> to vector<16xf32>
      %swap3A_499 = vector.shape_cast %get3A_494 : vector<16xf32> to vector<1x16xf32>
      tpu.vector_store %arg14[%swap3A_495, %swap3A_496], %swap3A_499 {add = true, strides = array<i32>} : memref<16x1024xf32, #tpu.memory_space<vmem>>, vector<1x16xf32>,
      %get3A_500 = arith.index_cast %scan3A_132 : i32 to index
      %get3A_501 = arith.constant 656 : index
      %get3A_502 = tpu.vector_load %arg15[%get3A_500, %get3A_501] {strides = array<i32>} : memref<16x1024xf32, #tpu.memory_space<vmem>>, vector<1x16xf32>,
      %get3A_503 = vector.shape_cast %get3A_502 : vector<1x16xf32> to vector<16xf32>
      %swap3A_504 = arith.index_cast %scan3A_132 : i32 to index
      %swap3A_505 = arith.constant 656 : index
      %swap3A_506 = tpu.vector_load %arg14[%swap3A_504, %swap3A_505] {strides = array<i32>} : memref<16x1024xf32, #tpu.memory_space<vmem>>, vector<1x16xf32>,
      %swap3A_507 = vector.shape_cast %swap3A_506 : vector<1x16xf32> to vector<16xf32>
      %swap3A_508 = vector.shape_cast %get3A_503 : vector<16xf32> to vector<1x16xf32>
      tpu.vector_store %arg14[%swap3A_504, %swap3A_505], %swap3A_508 {add = true, strides = array<i32>} : memref<16x1024xf32, #tpu.memory_space<vmem>>, vector<1x16xf32>,
      %get3A_509 = arith.index_cast %scan3A_132 : i32 to index
      %get3A_510 = arith.constant 672 : index
      %get3A_511 = tpu.vector_load %arg15[%get3A_509, %get3A_510] {strides = array<i32>} : memref<16x1024xf32, #tpu.memory_space<vmem>>, vector<1x16xf32>,
      %get3A_512 = vector.shape_cast %get3A_511 : vector<1x16xf32> to vector<16xf32>
      %swap3A_513 = arith.index_cast %scan3A_132 : i32 to index
      %swap3A_514 = arith.constant 672 : index
      %swap3A_515 = tpu.vector_load %arg14[%swap3A_513, %swap3A_514] {strides = array<i32>} : memref<16x1024xf32, #tpu.memory_space<vmem>>, vector<1x16xf32>,
      %swap3A_516 = vector.shape_cast %swap3A_515 : vector<1x16xf32> to vector<16xf32>
      %swap3A_517 = vector.shape_cast %get3A_512 : vector<16xf32> to vector<1x16xf32>
      tpu.vector_store %arg14[%swap3A_513, %swap3A_514], %swap3A_517 {add = true, strides = array<i32>} : memref<16x1024xf32, #tpu.memory_space<vmem>>, vector<1x16xf32>,
      %get3A_518 = arith.index_cast %scan3A_132 : i32 to index
      %get3A_519 = arith.constant 688 : index
      %get3A_520 = tpu.vector_load %arg15[%get3A_518, %get3A_519] {strides = array<i32>} : memref<16x1024xf32, #tpu.memory_space<vmem>>, vector<1x16xf32>,
      %get3A_521 = vector.shape_cast %get3A_520 : vector<1x16xf32> to vector<16xf32>
      %swap3A_522 = arith.index_cast %scan3A_132 : i32 to index
      %swap3A_523 = arith.constant 688 : index
      %swap3A_524 = tpu.vector_load %arg14[%swap3A_522, %swap3A_523] {strides = array<i32>} : memref<16x1024xf32, #tpu.memory_space<vmem>>, vector<1x16xf32>,
      %swap3A_525 = vector.shape_cast %swap3A_524 : vector<1x16xf32> to vector<16xf32>
      %swap3A_526 = vector.shape_cast %get3A_521 : vector<16xf32> to vector<1x16xf32>
      tpu.vector_store %arg14[%swap3A_522, %swap3A_523], %swap3A_526 {add = true, strides = array<i32>} : memref<16x1024xf32, #tpu.memory_space<vmem>>, vector<1x16xf32>,
      %get3A_527 = arith.index_cast %scan3A_132 : i32 to index
      %get3A_528 = arith.constant 704 : index
      %get3A_529 = tpu.vector_load %arg15[%get3A_527, %get3A_528] {strides = array<i32>} : memref<16x1024xf32, #tpu.memory_space<vmem>>, vector<1x16xf32>,
      %get3A_530 = vector.shape_cast %get3A_529 : vector<1x16xf32> to vector<16xf32>
      %swap3A_531 = arith.index_cast %scan3A_132 : i32 to index
      %swap3A_532 = arith.constant 704 : index
      %swap3A_533 = tpu.vector_load %arg14[%swap3A_531, %swap3A_532] {strides = array<i32>} : memref<16x1024xf32, #tpu.memory_space<vmem>>, vector<1x16xf32>,
      %swap3A_534 = vector.shape_cast %swap3A_533 : vector<1x16xf32> to vector<16xf32>
      %swap3A_535 = vector.shape_cast %get3A_530 : vector<16xf32> to vector<1x16xf32>
      tpu.vector_store %arg14[%swap3A_531, %swap3A_532], %swap3A_535 {add = true, strides = array<i32>} : memref<16x1024xf32, #tpu.memory_space<vmem>>, vector<1x16xf32>,
      %get3A_536 = arith.index_cast %scan3A_132 : i32 to index
      %get3A_537 = arith.constant 720 : index
      %get3A_538 = tpu.vector_load %arg15[%get3A_536, %get3A_537] {strides = array<i32>} : memref<16x1024xf32, #tpu.memory_space<vmem>>, vector<1x16xf32>,
      %get3A_539 = vector.shape_cast %get3A_538 : vector<1x16xf32> to vector<16xf32>
      %swap3A_540 = arith.index_cast %scan3A_132 : i32 to index
      %swap3A_541 = arith.constant 720 : index
      %swap3A_542 = tpu.vector_load %arg14[%swap3A_540, %swap3A_541] {strides = array<i32>} : memref<16x1024xf32, #tpu.memory_space<vmem>>, vector<1x16xf32>,
      %swap3A_543 = vector.shape_cast %swap3A_542 : vector<1x16xf32> to vector<16xf32>
      %swap3A_544 = vector.shape_cast %get3A_539 : vector<16xf32> to vector<1x16xf32>
      tpu.vector_store %arg14[%swap3A_540, %swap3A_541], %swap3A_544 {add = true, strides = array<i32>} : memref<16x1024xf32, #tpu.memory_space<vmem>>, vector<1x16xf32>,
      %get3A_545 = arith.index_cast %scan3A_132 : i32 to index
      %get3A_546 = arith.constant 736 : index
      %get3A_547 = tpu.vector_load %arg15[%get3A_545, %get3A_546] {strides = array<i32>} : memref<16x1024xf32, #tpu.memory_space<vmem>>, vector<1x16xf32>,
      %get3A_548 = vector.shape_cast %get3A_547 : vector<1x16xf32> to vector<16xf32>
      %swap3A_549 = arith.index_cast %scan3A_132 : i32 to index
      %swap3A_550 = arith.constant 736 : index
      %swap3A_551 = tpu.vector_load %arg14[%swap3A_549, %swap3A_550] {strides = array<i32>} : memref<16x1024xf32, #tpu.memory_space<vmem>>, vector<1x16xf32>,
      %swap3A_552 = vector.shape_cast %swap3A_551 : vector<1x16xf32> to vector<16xf32>
      %swap3A_553 = vector.shape_cast %get3A_548 : vector<16xf32> to vector<1x16xf32>
      tpu.vector_store %arg14[%swap3A_549, %swap3A_550], %swap3A_553 {add = true, strides = array<i32>} : memref<16x1024xf32, #tpu.memory_space<vmem>>, vector<1x16xf32>,
      %get3A_554 = arith.index_cast %scan3A_132 : i32 to index
      %get3A_555 = arith.constant 752 : index
      %get3A_556 = tpu.vector_load %arg15[%get3A_554, %get3A_555] {strides = array<i32>} : memref<16x1024xf32, #tpu.memory_space<vmem>>, vector<1x16xf32>,
      %get3A_557 = vector.shape_cast %get3A_556 : vector<1x16xf32> to vector<16xf32>
      %swap3A_558 = arith.index_cast %scan3A_132 : i32 to index
      %swap3A_559 = arith.constant 752 : index
      %swap3A_560 = tpu.vector_load %arg14[%swap3A_558, %swap3A_559] {strides = array<i32>} : memref<16x1024xf32, #tpu.memory_space<vmem>>, vector<1x16xf32>,
      %swap3A_561 = vector.shape_cast %swap3A_560 : vector<1x16xf32> to vector<16xf32>
      %swap3A_562 = vector.shape_cast %get3A_557 : vector<16xf32> to vector<1x16xf32>
      tpu.vector_store %arg14[%swap3A_558, %swap3A_559], %swap3A_562 {add = true, strides = array<i32>} : memref<16x1024xf32, #tpu.memory_space<vmem>>, vector<1x16xf32>,
      %get3A_563 = arith.index_cast %scan3A_132 : i32 to index
      %get3A_564 = arith.constant 768 : index
      %get3A_565 = tpu.vector_load %arg15[%get3A_563, %get3A_564] {strides = array<i32>} : memref<16x1024xf32, #tpu.memory_space<vmem>>, vector<1x16xf32>,
      %get3A_566 = vector.shape_cast %get3A_565 : vector<1x16xf32> to vector<16xf32>
      %swap3A_567 = arith.index_cast %scan3A_132 : i32 to index
      %swap3A_568 = arith.constant 768 : index
      %swap3A_569 = tpu.vector_load %arg14[%swap3A_567, %swap3A_568] {strides = array<i32>} : memref<16x1024xf32, #tpu.memory_space<vmem>>, vector<1x16xf32>,
      %swap3A_570 = vector.shape_cast %swap3A_569 : vector<1x16xf32> to vector<16xf32>
      %swap3A_571 = vector.shape_cast %get3A_566 : vector<16xf32> to vector<1x16xf32>
      tpu.vector_store %arg14[%swap3A_567, %swap3A_568], %swap3A_571 {add = true, strides = array<i32>} : memref<16x1024xf32, #tpu.memory_space<vmem>>, vector<1x16xf32>,
      %get3A_572 = arith.index_cast %scan3A_132 : i32 to index
      %get3A_573 = arith.constant 784 : index
      %get3A_574 = tpu.vector_load %arg15[%get3A_572, %get3A_573] {strides = array<i32>} : memref<16x1024xf32, #tpu.memory_space<vmem>>, vector<1x16xf32>,
      %get3A_575 = vector.shape_cast %get3A_574 : vector<1x16xf32> to vector<16xf32>
      %swap3A_576 = arith.index_cast %scan3A_132 : i32 to index
      %swap3A_577 = arith.constant 784 : index
      %swap3A_578 = tpu.vector_load %arg14[%swap3A_576, %swap3A_577] {strides = array<i32>} : memref<16x1024xf32, #tpu.memory_space<vmem>>, vector<1x16xf32>,
      %swap3A_579 = vector.shape_cast %swap3A_578 : vector<1x16xf32> to vector<16xf32>
      %swap3A_580 = vector.shape_cast %get3A_575 : vector<16xf32> to vector<1x16xf32>
      tpu.vector_store %arg14[%swap3A_576, %swap3A_577], %swap3A_580 {add = true, strides = array<i32>} : memref<16x1024xf32, #tpu.memory_space<vmem>>, vector<1x16xf32>,
      %get3A_581 = arith.index_cast %scan3A_132 : i32 to index
      %get3A_582 = arith.constant 800 : index
      %get3A_583 = tpu.vector_load %arg15[%get3A_581, %get3A_582] {strides = array<i32>} : memref<16x1024xf32, #tpu.memory_space<vmem>>, vector<1x16xf32>,
      %get3A_584 = vector.shape_cast %get3A_583 : vector<1x16xf32> to vector<16xf32>
      %swap3A_585 = arith.index_cast %scan3A_132 : i32 to index
      %swap3A_586 = arith.constant 800 : index
      %swap3A_587 = tpu.vector_load %arg14[%swap3A_585, %swap3A_586] {strides = array<i32>} : memref<16x1024xf32, #tpu.memory_space<vmem>>, vector<1x16xf32>,
      %swap3A_588 = vector.shape_cast %swap3A_587 : vector<1x16xf32> to vector<16xf32>
      %swap3A_589 = vector.shape_cast %get3A_584 : vector<16xf32> to vector<1x16xf32>
      tpu.vector_store %arg14[%swap3A_585, %swap3A_586], %swap3A_589 {add = true, strides = array<i32>} : memref<16x1024xf32, #tpu.memory_space<vmem>>, vector<1x16xf32>,
      %get3A_590 = arith.index_cast %scan3A_132 : i32 to index
      %get3A_591 = arith.constant 816 : index
      %get3A_592 = tpu.vector_load %arg15[%get3A_590, %get3A_591] {strides = array<i32>} : memref<16x1024xf32, #tpu.memory_space<vmem>>, vector<1x16xf32>,
      %get3A_593 = vector.shape_cast %get3A_592 : vector<1x16xf32> to vector<16xf32>
      %swap3A_594 = arith.index_cast %scan3A_132 : i32 to index
      %swap3A_595 = arith.constant 816 : index
      %swap3A_596 = tpu.vector_load %arg14[%swap3A_594, %swap3A_595] {strides = array<i32>} : memref<16x1024xf32, #tpu.memory_space<vmem>>, vector<1x16xf32>,
      %swap3A_597 = vector.shape_cast %swap3A_596 : vector<1x16xf32> to vector<16xf32>
      %swap3A_598 = vector.shape_cast %get3A_593 : vector<16xf32> to vector<1x16xf32>
      tpu.vector_store %arg14[%swap3A_594, %swap3A_595], %swap3A_598 {add = true, strides = array<i32>} : memref<16x1024xf32, #tpu.memory_space<vmem>>, vector<1x16xf32>,
      %get3A_599 = arith.index_cast %scan3A_132 : i32 to index
      %get3A_600 = arith.constant 832 : index
      %get3A_601 = tpu.vector_load %arg15[%get3A_599, %get3A_600] {strides = array<i32>} : memref<16x1024xf32, #tpu.memory_space<vmem>>, vector<1x16xf32>,
      %get3A_602 = vector.shape_cast %get3A_601 : vector<1x16xf32> to vector<16xf32>
      %swap3A_603 = arith.index_cast %scan3A_132 : i32 to index
      %swap3A_604 = arith.constant 832 : index
      %swap3A_605 = tpu.vector_load %arg14[%swap3A_603, %swap3A_604] {strides = array<i32>} : memref<16x1024xf32, #tpu.memory_space<vmem>>, vector<1x16xf32>,
      %swap3A_606 = vector.shape_cast %swap3A_605 : vector<1x16xf32> to vector<16xf32>
      %swap3A_607 = vector.shape_cast %get3A_602 : vector<16xf32> to vector<1x16xf32>
      tpu.vector_store %arg14[%swap3A_603, %swap3A_604], %swap3A_607 {add = true, strides = array<i32>} : memref<16x1024xf32, #tpu.memory_space<vmem>>, vector<1x16xf32>,
      %get3A_608 = arith.index_cast %scan3A_132 : i32 to index
      %get3A_609 = arith.constant 848 : index
      %get3A_610 = tpu.vector_load %arg15[%get3A_608, %get3A_609] {strides = array<i32>} : memref<16x1024xf32, #tpu.memory_space<vmem>>, vector<1x16xf32>,
      %get3A_611 = vector.shape_cast %get3A_610 : vector<1x16xf32> to vector<16xf32>
      %swap3A_612 = arith.index_cast %scan3A_132 : i32 to index
      %swap3A_613 = arith.constant 848 : index
      %swap3A_614 = tpu.vector_load %arg14[%swap3A_612, %swap3A_613] {strides = array<i32>} : memref<16x1024xf32, #tpu.memory_space<vmem>>, vector<1x16xf32>,
      %swap3A_615 = vector.shape_cast %swap3A_614 : vector<1x16xf32> to vector<16xf32>
      %swap3A_616 = vector.shape_cast %get3A_611 : vector<16xf32> to vector<1x16xf32>
      tpu.vector_store %arg14[%swap3A_612, %swap3A_613], %swap3A_616 {add = true, strides = array<i32>} : memref<16x1024xf32, #tpu.memory_space<vmem>>, vector<1x16xf32>,
      %get3A_617 = arith.index_cast %scan3A_132 : i32 to index
      %get3A_618 = arith.constant 864 : index
      %get3A_619 = tpu.vector_load %arg15[%get3A_617, %get3A_618] {strides = array<i32>} : memref<16x1024xf32, #tpu.memory_space<vmem>>, vector<1x16xf32>,
      %get3A_620 = vector.shape_cast %get3A_619 : vector<1x16xf32> to vector<16xf32>
      %swap3A_621 = arith.index_cast %scan3A_132 : i32 to index
      %swap3A_622 = arith.constant 864 : index
      %swap3A_623 = tpu.vector_load %arg14[%swap3A_621, %swap3A_622] {strides = array<i32>} : memref<16x1024xf32, #tpu.memory_space<vmem>>, vector<1x16xf32>,
      %swap3A_624 = vector.shape_cast %swap3A_623 : vector<1x16xf32> to vector<16xf32>
      %swap3A_625 = vector.shape_cast %get3A_620 : vector<16xf32> to vector<1x16xf32>
      tpu.vector_store %arg14[%swap3A_621, %swap3A_622], %swap3A_625 {add = true, strides = array<i32>} : memref<16x1024xf32, #tpu.memory_space<vmem>>, vector<1x16xf32>,
      %get3A_626 = arith.index_cast %scan3A_132 : i32 to index
      %get3A_627 = arith.constant 880 : index
      %get3A_628 = tpu.vector_load %arg15[%get3A_626, %get3A_627] {strides = array<i32>} : memref<16x1024xf32, #tpu.memory_space<vmem>>, vector<1x16xf32>,
      %get3A_629 = vector.shape_cast %get3A_628 : vector<1x16xf32> to vector<16xf32>
      %swap3A_630 = arith.index_cast %scan3A_132 : i32 to index
      %swap3A_631 = arith.constant 880 : index
      %swap3A_632 = tpu.vector_load %arg14[%swap3A_630, %swap3A_631] {strides = array<i32>} : memref<16x1024xf32, #tpu.memory_space<vmem>>, vector<1x16xf32>,
      %swap3A_633 = vector.shape_cast %swap3A_632 : vector<1x16xf32> to vector<16xf32>
      %swap3A_634 = vector.shape_cast %get3A_629 : vector<16xf32> to vector<1x16xf32>
      tpu.vector_store %arg14[%swap3A_630, %swap3A_631], %swap3A_634 {add = true, strides = array<i32>} : memref<16x1024xf32, #tpu.memory_space<vmem>>, vector<1x16xf32>,
      %get3A_635 = arith.index_cast %scan3A_132 : i32 to index
      %get3A_636 = arith.constant 896 : index
      %get3A_637 = tpu.vector_load %arg15[%get3A_635, %get3A_636] {strides = array<i32>} : memref<16x1024xf32, #tpu.memory_space<vmem>>, vector<1x16xf32>,
      %get3A_638 = vector.shape_cast %get3A_637 : vector<1x16xf32> to vector<16xf32>
      %swap3A_639 = arith.index_cast %scan3A_132 : i32 to index
      %swap3A_640 = arith.constant 896 : index
      %swap3A_641 = tpu.vector_load %arg14[%swap3A_639, %swap3A_640] {strides = array<i32>} : memref<16x1024xf32, #tpu.memory_space<vmem>>, vector<1x16xf32>,
      %swap3A_642 = vector.shape_cast %swap3A_641 : vector<1x16xf32> to vector<16xf32>
      %swap3A_643 = vector.shape_cast %get3A_638 : vector<16xf32> to vector<1x16xf32>
      tpu.vector_store %arg14[%swap3A_639, %swap3A_640], %swap3A_643 {add = true, strides = array<i32>} : memref<16x1024xf32, #tpu.memory_space<vmem>>, vector<1x16xf32>,
      %get3A_644 = arith.index_cast %scan3A_132 : i32 to index
      %get3A_645 = arith.constant 912 : index
      %get3A_646 = tpu.vector_load %arg15[%get3A_644, %get3A_645] {strides = array<i32>} : memref<16x1024xf32, #tpu.memory_space<vmem>>, vector<1x16xf32>,
      %get3A_647 = vector.shape_cast %get3A_646 : vector<1x16xf32> to vector<16xf32>
      %swap3A_648 = arith.index_cast %scan3A_132 : i32 to index
      %swap3A_649 = arith.constant 912 : index
      %swap3A_650 = tpu.vector_load %arg14[%swap3A_648, %swap3A_649] {strides = array<i32>} : memref<16x1024xf32, #tpu.memory_space<vmem>>, vector<1x16xf32>,
      %swap3A_651 = vector.shape_cast %swap3A_650 : vector<1x16xf32> to vector<16xf32>
      %swap3A_652 = vector.shape_cast %get3A_647 : vector<16xf32> to vector<1x16xf32>
      tpu.vector_store %arg14[%swap3A_648, %swap3A_649], %swap3A_652 {add = true, strides = array<i32>} : memref<16x1024xf32, #tpu.memory_space<vmem>>, vector<1x16xf32>,
      %get3A_653 = arith.index_cast %scan3A_132 : i32 to index
      %get3A_654 = arith.constant 928 : index
      %get3A_655 = tpu.vector_load %arg15[%get3A_653, %get3A_654] {strides = array<i32>} : memref<16x1024xf32, #tpu.memory_space<vmem>>, vector<1x16xf32>,
      %get3A_656 = vector.shape_cast %get3A_655 : vector<1x16xf32> to vector<16xf32>
      %swap3A_657 = arith.index_cast %scan3A_132 : i32 to index
      %swap3A_658 = arith.constant 928 : index
      %swap3A_659 = tpu.vector_load %arg14[%swap3A_657, %swap3A_658] {strides = array<i32>} : memref<16x1024xf32, #tpu.memory_space<vmem>>, vector<1x16xf32>,
      %swap3A_660 = vector.shape_cast %swap3A_659 : vector<1x16xf32> to vector<16xf32>
      %swap3A_661 = vector.shape_cast %get3A_656 : vector<16xf32> to vector<1x16xf32>
      tpu.vector_store %arg14[%swap3A_657, %swap3A_658], %swap3A_661 {add = true, strides = array<i32>} : memref<16x1024xf32, #tpu.memory_space<vmem>>, vector<1x16xf32>,
      %get3A_662 = arith.index_cast %scan3A_132 : i32 to index
      %get3A_663 = arith.constant 944 : index
      %get3A_664 = tpu.vector_load %arg15[%get3A_662, %get3A_663] {strides = array<i32>} : memref<16x1024xf32, #tpu.memory_space<vmem>>, vector<1x16xf32>,
      %get3A_665 = vector.shape_cast %get3A_664 : vector<1x16xf32> to vector<16xf32>
      %swap3A_666 = arith.index_cast %scan3A_132 : i32 to index
      %swap3A_667 = arith.constant 944 : index
      %swap3A_668 = tpu.vector_load %arg14[%swap3A_666, %swap3A_667] {strides = array<i32>} : memref<16x1024xf32, #tpu.memory_space<vmem>>, vector<1x16xf32>,
      %swap3A_669 = vector.shape_cast %swap3A_668 : vector<1x16xf32> to vector<16xf32>
      %swap3A_670 = vector.shape_cast %get3A_665 : vector<16xf32> to vector<1x16xf32>
      tpu.vector_store %arg14[%swap3A_666, %swap3A_667], %swap3A_670 {add = true, strides = array<i32>} : memref<16x1024xf32, #tpu.memory_space<vmem>>, vector<1x16xf32>,
      %get3A_671 = arith.index_cast %scan3A_132 : i32 to index
      %get3A_672 = arith.constant 960 : index
      %get3A_673 = tpu.vector_load %arg15[%get3A_671, %get3A_672] {strides = array<i32>} : memref<16x1024xf32, #tpu.memory_space<vmem>>, vector<1x16xf32>,
      %get3A_674 = vector.shape_cast %get3A_673 : vector<1x16xf32> to vector<16xf32>
      %swap3A_675 = arith.index_cast %scan3A_132 : i32 to index
      %swap3A_676 = arith.constant 960 : index
      %swap3A_677 = tpu.vector_load %arg14[%swap3A_675, %swap3A_676] {strides = array<i32>} : memref<16x1024xf32, #tpu.memory_space<vmem>>, vector<1x16xf32>,
      %swap3A_678 = vector.shape_cast %swap3A_677 : vector<1x16xf32> to vector<16xf32>
      %swap3A_679 = vector.shape_cast %get3A_674 : vector<16xf32> to vector<1x16xf32>
      tpu.vector_store %arg14[%swap3A_675, %swap3A_676], %swap3A_679 {add = true, strides = array<i32>} : memref<16x1024xf32, #tpu.memory_space<vmem>>, vector<1x16xf32>,
      %get3A_680 = arith.index_cast %scan3A_132 : i32 to index
      %get3A_681 = arith.constant 976 : index
      %get3A_682 = tpu.vector_load %arg15[%get3A_680, %get3A_681] {strides = array<i32>} : memref<16x1024xf32, #tpu.memory_space<vmem>>, vector<1x16xf32>,
      %get3A_683 = vector.shape_cast %get3A_682 : vector<1x16xf32> to vector<16xf32>
      %swap3A_684 = arith.index_cast %scan3A_132 : i32 to index
      %swap3A_685 = arith.constant 976 : index
      %swap3A_686 = tpu.vector_load %arg14[%swap3A_684, %swap3A_685] {strides = array<i32>} : memref<16x1024xf32, #tpu.memory_space<vmem>>, vector<1x16xf32>,
      %swap3A_687 = vector.shape_cast %swap3A_686 : vector<1x16xf32> to vector<16xf32>
      %swap3A_688 = vector.shape_cast %get3A_683 : vector<16xf32> to vector<1x16xf32>
      tpu.vector_store %arg14[%swap3A_684, %swap3A_685], %swap3A_688 {add = true, strides = array<i32>} : memref<16x1024xf32, #tpu.memory_space<vmem>>, vector<1x16xf32>,
      %get3A_689 = arith.index_cast %scan3A_132 : i32 to index
      %get3A_690 = arith.constant 992 : index
      %get3A_691 = tpu.vector_load %arg15[%get3A_689, %get3A_690] {strides = array<i32>} : memref<16x1024xf32, #tpu.memory_space<vmem>>, vector<1x16xf32>,
      %get3A_692 = vector.shape_cast %get3A_691 : vector<1x16xf32> to vector<16xf32>
      %swap3A_693 = arith.index_cast %scan3A_132 : i32 to index
      %swap3A_694 = arith.constant 992 : index
      %swap3A_695 = tpu.vector_load %arg14[%swap3A_693, %swap3A_694] {strides = array<i32>} : memref<16x1024xf32, #tpu.memory_space<vmem>>, vector<1x16xf32>,
      %swap3A_696 = vector.shape_cast %swap3A_695 : vector<1x16xf32> to vector<16xf32>
      %swap3A_697 = vector.shape_cast %get3A_692 : vector<16xf32> to vector<1x16xf32>
      tpu.vector_store %arg14[%swap3A_693, %swap3A_694], %swap3A_697 {add = true, strides = array<i32>} : memref<16x1024xf32, #tpu.memory_space<vmem>>, vector<1x16xf32>,
      %get3A_698 = arith.index_cast %scan3A_132 : i32 to index
      %get3A_699 = arith.constant 1008 : index
      %get3A_700 = tpu.vector_load %arg15[%get3A_698, %get3A_699] {strides = array<i32>} : memref<16x1024xf32, #tpu.memory_space<vmem>>, vector<1x16xf32>,
      %get3A_701 = vector.shape_cast %get3A_700 : vector<1x16xf32> to vector<16xf32>
      %swap3A_702 = arith.index_cast %scan3A_132 : i32 to index
      %swap3A_703 = arith.constant 1008 : index
      %swap3A_704 = tpu.vector_load %arg14[%swap3A_702, %swap3A_703] {strides = array<i32>} : memref<16x1024xf32, #tpu.memory_space<vmem>>, vector<1x16xf32>,
      %swap3A_705 = vector.shape_cast %swap3A_704 : vector<1x16xf32> to vector<16xf32>
      %swap3A_706 = vector.shape_cast %get3A_701 : vector<16xf32> to vector<1x16xf32>
      tpu.vector_store %arg14[%swap3A_702, %swap3A_703], %swap3A_706 {add = true, strides = array<i32>} : memref<16x1024xf32, #tpu.memory_space<vmem>>, vector<1x16xf32>,
    }
    %scan3A_91 = arith.constant 16 : i32
    %dma_start3A_92 = arith.constant 0 : i32
    %dma_start3A_93 = tpu.memref_slice %arg6[%add3A_75, %dma_start3A_92] : memref<16384x1024xf32, #tpu.memory_space<hbm>> -> memref<16x1024xf32, #tpu.memory_space<hbm>>
    %dma_start3A_94 = arith.constant 0 : i32
    %dma_start3A_95 = tpu.memref_slice %arg6[%add3A_75, %dma_start3A_94] : memref<16384x1024xf32, #tpu.memory_space<hbm>> -> memref<16x1024xf32, #tpu.memory_space<hbm>>
    tpu.enqueue_dma source(%arg14 : memref<16x1024xf32, #tpu.memory_space<vmem>>) target(%dma_start3A_95 : memref<16x1024xf32, #tpu.memory_space<hbm>>) target_semaphore(%arg30 : memref<!tpu.dma_semaphore, #tpu.memory_space<semaphore_mem>>)
    %dma_wait3A_96 = arith.constant 0 : i32
    %dma_wait3A_97 = arith.constant 0 : i32
    %dma_wait3A_98 = tpu.memref_slice %arg6[%dma_wait3A_96, %dma_wait3A_97] : memref<16384x1024xf32, #tpu.memory_space<hbm>> -> memref<16x1024xf32, #tpu.memory_space<hbm>>
    %dma_wait3A_99 = arith.constant 0 : i32
    %dma_wait3A_100 = arith.constant 0 : i32
    %dma_wait3A_101 = tpu.memref_slice %arg6[%dma_wait3A_99, %dma_wait3A_100] : memref<16384x1024xf32, #tpu.memory_space<hbm>> -> memref<16x1024xf32, #tpu.memory_space<hbm>>
    tpu.wait_dma2 semaphore(%arg24 : memref<!tpu.dma_semaphore, #tpu.memory_space<semaphore_mem>>) src(%arg10 : memref<16x1024xf32, #tpu.memory_space<vmem>>) dst(%dma_wait3A_101 : memref<16x1024xf32, #tpu.memory_space<hbm>>)
    %dma_wait3A_102 = arith.constant 0 : i32
    %dma_wait3A_103 = arith.constant 0 : i32
    %dma_wait3A_104 = tpu.memref_slice %arg7[%dma_wait3A_102, %dma_wait3A_103] : memref<16384x1024xf32, #tpu.memory_space<hbm>> -> memref<16x1024xf32, #tpu.memory_space<hbm>>
    %dma_wait3A_105 = arith.constant 0 : i32
    %dma_wait3A_106 = arith.constant 0 : i32
    %dma_wait3A_107 = tpu.memref_slice %arg7[%dma_wait3A_105, %dma_wait3A_106] : memref<16384x1024xf32, #tpu.memory_space<hbm>> -> memref<16x1024xf32, #tpu.memory_space<hbm>>
    tpu.wait_dma2 semaphore(%arg25 : memref<!tpu.dma_semaphore, #tpu.memory_space<semaphore_mem>>) src(%arg11 : memref<16x1024xf32, #tpu.memory_space<vmem>>) dst(%dma_wait3A_107 : memref<16x1024xf32, #tpu.memory_space<hbm>>)
    %dma_wait3A_108 = arith.constant 0 : i32
    %dma_wait3A_109 = arith.constant 0 : i32
    %dma_wait3A_110 = tpu.memref_slice %arg6[%dma_wait3A_108, %dma_wait3A_109] : memref<16384x1024xf32, #tpu.memory_space<hbm>> -> memref<16x1024xf32, #tpu.memory_space<hbm>>
    %dma_wait3A_111 = arith.constant 0 : i32
    %dma_wait3A_112 = arith.constant 0 : i32
    %dma_wait3A_113 = tpu.memref_slice %arg6[%dma_wait3A_111, %dma_wait3A_112] : memref<16384x1024xf32, #tpu.memory_space<hbm>> -> memref<16x1024xf32, #tpu.memory_space<hbm>>
    tpu.wait_dma2 semaphore(%arg30 : memref<!tpu.dma_semaphore, #tpu.memory_space<semaphore_mem>>) src(%arg14 : memref<16x1024xf32, #tpu.memory_space<vmem>>) dst(%dma_wait3A_113 : memref<16x1024xf32, #tpu.memory_space<hbm>>)
    %dma_wait3A_114 = arith.constant 0 : i32
    %dma_wait3A_115 = arith.constant 0 : i32
    %dma_wait3A_116 = tpu.memref_slice %arg7[%dma_wait3A_114, %dma_wait3A_115] : memref<16384x1024xf32, #tpu.memory_space<hbm>> -> memref<16x1024xf32, #tpu.memory_space<hbm>>
    %dma_wait3A_117 = arith.constant 0 : i32
    %dma_wait3A_118 = arith.constant 0 : i32
    %dma_wait3A_119 = tpu.memref_slice %arg7[%dma_wait3A_117, %dma_wait3A_118] : memref<16384x1024xf32, #tpu.memory_space<hbm>> -> memref<16x1024xf32, #tpu.memory_space<hbm>>
    tpu.wait_dma2 semaphore(%arg31 : memref<!tpu.dma_semaphore, #tpu.memory_space<semaphore_mem>>) src(%arg15 : memref<16x1024xf32, #tpu.memory_space<vmem>>) dst(%dma_wait3A_119 : memref<16x1024xf32, #tpu.memory_space<hbm>>)
    %dma_wait3A_120 = arith.constant 0 : i32
    %dma_wait3A_121 = arith.constant 0 : i32
    %dma_wait3A_122 = tpu.memref_slice %arg6[%dma_wait3A_120, %dma_wait3A_121] : memref<16384x1024xf32, #tpu.memory_space<hbm>> -> memref<16x1024xf32, #tpu.memory_space<hbm>>
    %dma_wait3A_123 = arith.constant 0 : i32
    %dma_wait3A_124 = arith.constant 0 : i32
    %dma_wait3A_125 = tpu.memref_slice %arg6[%dma_wait3A_123, %dma_wait3A_124] : memref<16384x1024xf32, #tpu.memory_space<hbm>> -> memref<16x1024xf32, #tpu.memory_space<hbm>>
    tpu.wait_dma2 semaphore(%arg36 : memref<!tpu.dma_semaphore, #tpu.memory_space<semaphore_mem>>) src(%arg18 : memref<16x1024xf32, #tpu.memory_space<vmem>>) dst(%dma_wait3A_125 : memref<16x1024xf32, #tpu.memory_space<hbm>>)
    %dma_wait3A_126 = arith.constant 0 : i32
    %dma_wait3A_127 = arith.constant 0 : i32
    %dma_wait3A_128 = tpu.memref_slice %arg7[%dma_wait3A_126, %dma_wait3A_127] : memref<16384x1024xf32, #tpu.memory_space<hbm>> -> memref<16x1024xf32, #tpu.memory_space<hbm>>
    %dma_wait3A_129 = arith.constant 0 : i32
    %dma_wait3A_130 = arith.constant 0 : i32
    %dma_wait3A_131 = tpu.memref_slice %arg7[%dma_wait3A_129, %dma_wait3A_130] : memref<16384x1024xf32, #tpu.memory_space<hbm>> -> memref<16x1024xf32, #tpu.memory_space<hbm>>
    tpu.wait_dma2 semaphore(%arg37 : memref<!tpu.dma_semaphore, #tpu.memory_space<semaphore_mem>>) src(%arg19 : memref<16x1024xf32, #tpu.memory_space<vmem>>) dst(%dma_wait3A_131 : memref<16x1024xf32, #tpu.memory_space<hbm>>)
    return
  }
}

</mosaic_0001>

<sc_bundles>
// kernel: kernel.3.cloned.1.call-start
scs
__scs_entry_jumppad:
0x0: {  	(pc) =	sbr.rel $0x88, $3  }
0x1: {  	(tag) =	ssettag $0x0;
	lr =	simm.s32 $0x1  }
0x2: {  	[smem:$0x3F9C] =	sst lr;
	_ =	strace $0xD0000000  }
0x3: {  	_ = 	snop  }
0x4: {  	_ = 	snop  }
0x5: {  	_ = 	snop  }
0x6: {  	_ = 	snop  }
0x7: {  	_ = 	snop  }
__scs_overlays_trampoline_lowered:
0x8: {  	[smem:$0x3FAB] =	sst s0  }
0x9: {  	[smem:$0x3FAC] =	sst s1  }
0xa: {  	[smem:$0x3FAD] =	sst s2  }
0xb: {  	[smem:$0x3FAE] =	sst s3  }
0xc: {  	[smem:$0x3FAF] =	sst s4  }
0xd: {  	[smem:$0x3FB0] =	sst s5  }
0xe: {  	[smem:$0x3FB1] =	sst s6  }
0xf: {  	[smem:$0x3FB2] =	sst s7  }
0x10: {  	[smem:$0x3FB3] =	sst s8  }
0x11: {  	[smem:$0x3FB4] =	sst s9;
	s0 =	simm.s32 @!p0 $0x0  }
0x12: {  	s1 =	sld [smem:$0x3F9A];
	s0 =	simm.s32 @p0 $0x1  }
0x13: {  	[smem:$0x3FB5] =	sst s0;
	s0 =	simm.s32 @!p1 $0x0  }
0x14: {  	s2 =	sld [smem:$0x3F99];
	s0 =	simm.s32 @p1 $0x1  }
0x15: {  	[smem:$0x3FB6] =	sst s0;
	s0 =	simm.s32 @!p2 $0x0  }
0x16: {  	s3 =	sld [smem:$0x3FDB];
	s0 =	simm.s32 @p2 $0x1  }
0x17: {  	s4 =	simm.s32 $0x1BF5;
	[smem:$0x3FB8] =	sst s0  }
0x18: {  	s0 =	sld [smem:$0x3F9B];
	_ =	swait.ge [sflag:s4], $0x0  }
0x19: {  	s7 =	sld [smem:$0x3F9C]  }
0x1a: {  	s8 =	sadd.s32 $0xFFFFE003, lr  }
0x1b: {  	s9 =	sadd.s32 $0xFFFFFEF7, lr;
	s5 =	simm.s32 $0xFFFFFFFF;
	p2 =	slt.u32 s8, $0xFFFFF086  }
0x1c: {  	p1 =	slt.u32 s9, $0xF7A;
	s5 =	simm.s32 @!p2 $0x0  }
0x1d: {  	s5 =	simm.s32 @p1 $0x1;
	p0 =	seq.s32 s7, s2  }
0x1e: {  	s7 =	smul.u32 @!p0 $0xF7A, s2;
	p2 =	seq.s32 @!p0 s5, $0x0  }
0x1f: {  	s9 =	smul.u32 $0xF7A, s1;
	s8 =	simm.s32 @!p0 $0x1BF5;
	p2 =	por !p2, p0  }
0x20: {  	[sflag:s8] =	ssyncset.s32 @!p0 $0xFFFFF086;
	s6 =	sadd.s32 @!p0 s3, s7;
	s7 =	simm.s32 @!p0 $0x108  }
0x21: {  	s3 =	sadd.s32 s3, s9;
	s6 =	sadd.s32 @!p0 $0x88, s6;
	s7 =	simm.s32 @p2 $0x1082  }
0x22: {  	[simem:s7], [sflag:s8] =	dma.local @!p0 [hbm:s6], $0xF7A  }
0x23: {  	s9 =	sor.u32 $0xD0000000, s2;
	s6 =	simm.s32 $0x108;
	_ =	swait.ge @!p0 [sflag:s8], $0x0  }
0x24: {  	s3 =	sadd.s32 $0x88, s3;
	s6 =	simm.s32 @!p1 $0x1082;
	[sflag:s4] =	ssyncset.s32 $0xFFFFF086  }
0x25: {  	[simem:s6], [sflag:s4] =	dma.local [hbm:s3], $0xF7A  }
0x26: {  	[smem:$0x3F9C] =	sst s1;
	(tag) =	ssettag s2;
	_ =	strace s9  }
0x27: {  	s1 =	sld [smem:$0x3FAC]  }
0x28: {  	s2 =	sld [smem:$0x3FAD]  }
0x29: {  	s4 =	sld [smem:$0x3FAF]  }
0x2a: {  	p0 =	seq.s32 s5, $0x0;
	s5 =	sld [smem:$0x3FB0]  }
0x2b: {  	s6 =	sld [smem:$0x3FB1]  }
0x2c: {  	s7 =	sld [smem:$0x3FB2]  }
0x2d: {  	s3 =	simm.s32 $0x108;
	s8 =	sld [smem:$0x3FB3]  }
0x2e: {  	s3 =	simm.s32 @!p0 $0x1082;
	s9 =	sld [smem:$0x3FB4]  }
0x2f: {  	lr =	sadd.s32 s0, s3;
	s0 =	sld [smem:$0x3FAB]  }
0x30: {  	s3 =	sld [smem:$0x3FAE]  }
0x31: {  	[smem:$0x3FB7] =	sst s10  }
0x32: {  	s10 =	sld [smem:$0x3FB5];
	_ =	sdelay $0x3  }
0x33: {  	p0 =	seq.s32 s10, $0x1;
	s10 =	sld [smem:$0x3FB7];
	_ =	sdelay $0x3  }
0x34: {  	[smem:$0x3FB7] =	sst s10  }
0x35: {  	s10 =	sld [smem:$0x3FB6];
	_ =	sdelay $0x3  }
0x36: {  	p1 =	seq.s32 s10, $0x1;
	s10 =	sld [smem:$0x3FB7];
	_ =	sdelay $0x3  }
0x37: {  	[smem:$0x3FB7] =	sst s10  }
0x38: {  	s10 =	sld [smem:$0x3FB8]  }
0x39: {  	_ = 	snop;
	(pc) =	sbr.ind lr, $3  }
0x3a: {  	_ = 	snop  }
0x3b: {  	_ = 	snop  }
0x3c: {  	p2 =	seq.s32 s10, $0x1;
	s10 =	sld [smem:$0x3FB7]  }
0x3d: {  	_ =	shalt  }
0x3e: {  	_ =	shalt  }
0x3f: {  	_ =	shalt  }
0x40: {  	_ =	shalt  }
0x41: {  	_ =	shalt  }
0x42: {  	_ =	shalt  }
0x43: {  	_ =	shalt  }
0x44: {  	_ =	shalt  }
0x45: {  	_ =	shalt  }
0x46: {  	_ =	shalt  }
0x47: {  	_ =	shalt  }
0x48: {  	_ =	shalt  }
0x49: {  	_ =	shalt  }
0x4a: {  	_ =	shalt  }
0x4b: {  	_ =	shalt  }
0x4c: {  	_ =	shalt  }
0x4d: {  	_ =	shalt  }
0x4e: {  	_ =	shalt  }
0x4f: {  	_ =	shalt  }
0x50: {  	_ =	shalt  }
0x51: {  	_ =	shalt  }
0x52: {  	_ =	shalt  }
0x53: {  	_ =	shalt  }
0x54: {  	_ =	shalt  }
0x55: {  	_ =	shalt  }
0x56: {  	_ =	shalt  }
0x57: {  	_ =	shalt  }
0x58: {  	_ =	shalt  }
0x59: {  	_ =	shalt  }
0x5a: {  	_ =	shalt  }
0x5b: {  	_ =	shalt  }
0x5c: {  	_ =	shalt  }
0x5d: {  	_ =	shalt  }
0x5e: {  	_ =	shalt  }
0x5f: {  	_ =	shalt  }
0x60: {  	_ =	shalt  }
0x61: {  	_ =	shalt  }
0x62: {  	_ =	shalt  }
0x63: {  	_ =	shalt  }
0x64: {  	_ =	shalt  }
0x65: {  	_ =	shalt  }
0x66: {  	_ =	shalt  }
0x67: {  	_ =	shalt  }
0x68: {  	_ =	shalt  }
0x69: {  	_ =	shalt  }
0x6a: {  	_ =	shalt  }
0x6b: {  	_ =	shalt  }
0x6c: {  	_ =	shalt  }
0x6d: {  	_ =	shalt  }
0x6e: {  	_ =	shalt  }
0x6f: {  	_ =	shalt  }
0x70: {  	_ =	shalt  }
0x71: {  	_ =	shalt  }
0x72: {  	_ =	shalt  }
0x73: {  	_ =	shalt  }
0x74: {  	_ =	shalt  }
0x75: {  	_ =	shalt  }
0x76: {  	_ =	shalt  }
0x77: {  	_ =	shalt  }
0x78: {  	_ =	shalt  }
0x79: {  	_ =	shalt  }
0x7a: {  	_ =	shalt  }
0x7b: {  	_ =	shalt  }
0x7c: {  	_ =	shalt  }
0x7d: {  	_ =	shalt  }
0x7e: {  	_ =	shalt  }
0x7f: {  	_ =	shalt  }
0x80: {  	_ =	shalt  }
0x81: {  	_ =	shalt  }
0x82: {  	_ =	shalt  }
0x83: {  	_ =	shalt  }
0x84: {  	_ =	shalt  }
0x85: {  	_ =	shalt  }
0x86: {  	_ =	shalt  }
0x87: {  	_ =	shalt  }
.Lfunc_end0:
.L_simem_size_0:
called_computation_lowered:
.L_overlay_start_0:
0x88: {  	s2 =	sld [smem:$0x3FD9]  }
0x89: {  	s3 =	sld [smem:$0x3FFE];
	_ =	sdelay $0x1  }
0x8a: {  	s1 =	srdreg.scid  }
0x8b: {  	s0 =	sand.u32 $0x1, s1  }
0x8c: {  	s14 =	sshll.u32 s0, $0xA;
	s2 =	sadd.s32 s3, s2  }
0x8d: {  	s2 =	sadd.s32 s2, s14  }
0x8e: {  	[smem:$0x3FC3] =	sst s2  }
0x8f: {  	_ = 	snop  }
0x90: {  	s2 =	sld [smem:$0x3FD0];
	_ =	sdelay $0x1  }
0x91: {  	s15 =	sld [smem:$0x3FC6]  }
0x92: {  	s5 =	simm.s32 $0xA;
	s6 =	simm.s32 $0x10;
	s4 =	sld [smem:$0x3FC5]  }
0x93: {  	[smem:s6], [sflag:s5] =	dma.local [hbm:s2], $0x1  }
0x94: {  	_ =	swait.eq [sflag:s5], $0x1  }
0x95: {  	s16 =	sld [smem:$0x10];
	[sflag:s5] =	ssyncset.done $0x0  }
0x96: {  	s17 =	sld [smem:$0x11];
	[sflag:s5] =	ssyncadd.s32 $0xFFFFFFFF  }
0x97: {  	s18 =	sld [smem:$0x12];
	(tm) =	ssettm $0x1  }
0x98: {  	s7 =	sld [smem:$0x3FFB];
	_ =	sdelay $0x3  }
0x99: {  	_ =	strace s7  }
0x9a: {  	s7 =	sld [smem:$0x3FFC];
	_ =	sdelay $0x3  }
0x9b: {  	_ =	strace s7  }
0x9c: {  	s7 =	sld [smem:$0x3FFD];
	_ =	sdelay $0x3  }
0x9d: {  	_ =	strace s7  }
0x9e: {  	_ =	strace $0x8FFFFFFF  }
0x9f: {  	s19 =	sld [smem:$0x3FDB];
	_ =	sdelay $0x1  }
0xa0: {  	s8 =	simm.s32 $_scs_section_size  }
0xa1: {  	s9 =	simm.s32 $_size__tile_overlayer_lowered;
	s10 =	simm.s32 $_tile_overlayer_lowered  }
0xa2: {  	s22 =	simm.s32 $0x1BFF;
	s21 =	sshll.u32 s10, $0x1;
	s7 =	sadd.s32 s8, s19  }
0xa3: {  	s11 =	simm.s32 $0x0;
	s20 =	sshll.u32 s9, $0x1;
	s9 =	sadd.s32 s21, s7  }
0xa4: {  	[timem:s11], [sflag:s22] =	dma.local [hbm:s9], s20  }
0xa5: {  	_ =	swait.ge [sflag:s22], s20  }
0xa6: {  	s8 =	ssub.s32 $0x0, s20;
	[sflag:s22] =	ssyncset.done $0x0  }
0xa7: {  	[sflag:s22] =	ssyncadd.s32 s8;
	_ =	sdelay $0x1  }
0xa8: {  	s23 =	simm.s32 $0x1B8B  }
0xa9: {  	_ =	swait.ge [sflag:s23], $0x1  }
0xaa: {  	[sflag:s23] =	ssyncset.done $0x0  }
0xab: {  	s25 =	simm.s32 $0x1B8E;
	s24 =	sld [smem:$0x3FFE];
	[sflag:s23] =	ssyncadd.s32 $0xFFFFFFFF  }
0xac: {  	s26 =	simm.s32 $execute0_lowered;
	[smem:$0x3FD2] =	sst s25  }
0xad: {  	s9 =	sshll.u32 s26, $0x1;
	_ =	strace $0x80000046;
	[dreg:$0x1] =	wrdreg $0xFFFFFFFF  }
0xae: {  	s28 =	simm.s32 $_size_execute0_lowered;
	s7 =	sadd.s32 s7, s9;
	[dreg:$0x0] =	wrdreg $0x0  }
0xaf: {  	s9 =	sshll.u32 s28, $0x1;
	[dreg:$0x2] =	wrdreg s7  }
0xb0: {  	[dreg:$0x3] =	wrdreg s9  }
0xb1: {  	[dreg:$0x4] =	wrdreg $0xC0  }
0xb2: {  	_ =	task [dreg:s11], $0x5FFFF  }
0xb3: {  	[dreg:$0x1] =	wrdreg $0xFFFFFFFF  }
0xb4: {  	[dreg:$0x0] =	wrdreg $0x60  }
0xb5: {  	[dreg:$0x2] =	wrdreg s17  }
0xb6: {  	[dreg:$0x3] =	wrdreg s24  }
0xb7: {  	[dreg:$0x4] =	wrdreg s15  }
0xb8: {  	[dreg:$0x5] =	wrdreg s4  }
0xb9: {  	[dreg:$0x6] =	wrdreg s16  }
0xba: {  	[dreg:$0x7] =	wrdreg s18  }
0xbb: {  	[dreg:$0x8] =	wrdreg $0x9  }
0xbc: {  	_ =	task.clear_ibuf [dreg:s11], $0x9FFFF;
	_ =	strace $0x90000046  }
0xbd: {  	s29 =	simm.s32 $0x9;
	_ =	strace $0x80000048  }
0xbe: {  	_ =	swait.ge [sflag:s29], $0x1  }
0xbf: {  	[sflag:s29] =	ssyncadd.s32 $0xFFFFFFFF  }
0xc0: {  	_ =	strace $0x90000048  }
0xc1: {  	_ =	sfence  }
0xc2: {  	s30 =	sld [smem:$0x0];
	_ =	sdelay $0x2  }
0xc3: {  	s31 =	sshll.u32 s1, $0xD;
	s1 =	sshrl.u32 s1, $0x2  }
0xc4: {  	s3 =	sand.u32 $0x4000, s31;
	s1 =	sadd.s32 s1, s30  }
0xc5: {  	s0 =	sor.u32 s3, s0;
	s1 =	sshll.u32 s1, $0x11  }
0xc6: {  	s0 =	sor.u32 s1, s0  }
0xc7: {  	s0 =	sadd.s32 $0x8F2B, s0  }
0xc8: {  	[sflag:s0] =	ssyncadd.remote.s32 $0x1  }
0xc9: {  	_ =	sfence.sel $0xFFFF  }
0xca: {  	[dreg:$0x0] =	wrdreg $0xFFFFFFFF;
	(pc) =	sbr.abs _section_cstart, $3  }
0xcb: {  	[dreg:$0x1] =	wrdreg $0xFFFFFFFF  }
0xcc: {  	_ =	task.clear_ibuf [dreg:s11], $0x2FFFF;
	_ =	strace $0x9FFFFFFF  }
0xcd: {  	(tm) =	ssettm $0x7FFFFFFF  }
tec
execute0_lowered:
.L_overlay_start_1:
0x0: {  	(tag) =	ssettag $0x1  }
0x1: {  	s6 =	rddreg [dreg:$0x0]  }
0x2: {  	s0 =	rddreg [dreg:$0x1]  }
0x3: {  	s2 =	rddreg [dreg:$0x2]  }
0x4: {  	s3 =	rddreg [dreg:$0x3]  }
0x5: {  	s8 =	rddreg [dreg:$0x4]  }
0x6: {  	s10 =	rddreg [dreg:$0x5]  }
0x7: {  	s1 =	srdreg.scid;
	s4 =	stileid.u32;
	s7 =	simm.s32 $0x0  }
0x8: {  	s30 =	simm.s32 $0x9;
	s31 =	simm.s32 $0x5;
	s1 =	sand.u32 $0x1, s1  }
0x9: {  	s4 =	sshll.u32 s4, $0xA;
	[smem:$0x7FF] =	sst s7;
	s9 =	sadd.s32 $0xA00, s0  }
0xa: {  	s16 =	sadd.s32 $0x100, s2;
	s17 =	sadd.s32 $0x200, s2;
	s18 =	sadd.s32 $0x300, s2  }
0xb: {  	s28 =	sadd.s32 $0x200, s3;
	s5 =	sshll.u32 s1, $0x9;
	s1 =	ssub.s32 $0x2, s1  }
0xc: {  	s29 =	sadd.s32 $0x300, s3;
	s11 =	sor.u32 s5, s4;
	s21 =	sshrl.u32 s1, $0x1  }
0xd: {  	_ =	strace $0x80000047;
	s5 =	sshrl.u32 s11, $0x3;
	s0 =	ssub.s32 s1, s21  }
0xe: {  	s14 =	sshll.u32 s11, $0xA;
	[dreg:$0x7] =	wrdreg s11;
	s22 =	sadd.s32 s6, s5  }
0xf: {  	s15 =	sshll.u32 s11, $0x7;
	s23 =	sadd.s32 s9, s5;
	[dreg:$0x8] =	wrdreg s22  }
0x10: {  	s24 =	sor.u32 $0x2, s5;
	s19 =	sor.u32 $0x1000, s15;
	[dreg:$0x9] =	wrdreg s23  }
0x11: {  	s25 =	sor.u32 $0x4, s5;
	s0 =	smax.u32 s0, $0x1;
	[dreg:$0xf] =	wrdreg s19  }
0x12: {  	s20 =	sor.u32 $0xF000, s15;
	s26 =	sadd.s32 s6, s24;
	[dreg:$0x14] =	wrdreg s0  }
0x13: {  	s5 =	simm.s32 $0x0;
	s1 =	sadd.s32 s9, s24;
	[dreg:$0xa] =	wrdreg s26  }
0x14: {  	s12 =	sadd.s32 s6, s25;
	s13 =	sadd.s32 s9, s25;
	[dreg:$0xb] =	wrdreg s1  }
0x15: {  	s21 =	sadd.s32 s10, s20;
	s22 =	sor.u32 $0xF800, s15;
	[dreg:$0xc] =	wrdreg s12  }
0x16: {  	s23 =	sor.u32 $0x30, s11;
	s24 =	sor.u32 $0x40, s11;
	[dreg:$0xd] =	wrdreg s13  }
0x17: {  	s25 =	sor.u32 $0x50, s11;
	s11 =	simm.s32 $0x8;
	[dreg:$0x10] =	wrdreg s21  }
0x18: {  	s19 =	simm.s32 $0xC;
	s1 =	sor.u32 $0x4000, s14;
	[dreg:$0x15] =	wrdreg s23  }
0x19: {  	s4 =	sadd.s32 s10, s22;
	s26 =	sadd.s32 $0x100, s3;
	[dreg:$0x16] =	wrdreg s24  }
0x1a: {  	[dreg:$0x17] =	wrdreg s25;
	s21 =	simm.s32 $0x8200;
	s24 =	simm.s32 $0x3  }
0x1b: {  	s14 =	simm.s32 $0x10;
	s10 =	simm.s32 $0xB;
	[dreg:$0xe] =	wrdreg s1  }
0x1c: {  	v2 =	vlaneseq.u32;
	s1 =	sadd.s32 s8, s20;
	[dreg:$0x12] =	wrdreg s4;
	s20 =	simm.s32 $0xA  }
0x1d: {  	vm0 =	vmmov $0xffff;
	v1 =	vshrl.u32 v2, $0x3;
	[dreg:$0x11] =	wrdreg s1;
	s1 =	sadd.s32 s8, s22;
	s22 =	simm.s32 $0x4  }
0x1e: {  	v0 =	vand.u32 $0x7, v2;
	v2 =	vor.u32 $0x8, v2;
	v1 =	vmul.u32 $0x8, v1;
	s8 =	simm.s32 $0xF;
	[dreg:$0x13] =	wrdreg s1;
	s1 =	simm.s32 $0x6  }
.LBB2_1:
0x1f: {  	[dreg:$0x18] =	wrdreg s5  }
0x20: {  	s0 =	rddreg [dreg:$0x8]  }
0x21: {  	[tilespmem:s7], [sflag:$0x1] =	stream.linear.gather [hbm4b:s0+s7], $0x10, $0x38;
	[tilespmem:$0x18300] =	vst v63  }
0x22: {  	s15 =	rddreg [dreg:$0x9];
	s23 =	simm.s32 $0x80  }
0x23: {  	[tilespmem:s23], [sflag:$0x2] =	stream.linear.gather [hbm4b:s15+s7], $0x10, $0x38;
	[tilespmem:$0x18300] =	vst v63  }
0x24: {  	s25 =	rddreg [dreg:$0xa];
	s4 =	simm.s32 $0x8100  }
0x25: {  	[tilespmem:s4], [sflag:$0x7] =	stream.linear.gather [hbm4b:s25+s7], $0x10, $0x38;
	[tilespmem:$0x18300] =	vst v63  }
0x26: {  	s6 =	rddreg [dreg:$0xb];
	s12 =	simm.s32 $0x8180  }
0x27: {  	[tilespmem:s12], [sflag:$0x8] =	stream.linear.gather [hbm4b:s6+s7], $0x10, $0x38;
	[tilespmem:$0x18300] =	vst v63  }
0x28: {  	s13 =	rddreg [dreg:$0xc];
	s15 =	simm.s32 $0x10200  }
0x29: {  	[tilespmem:s15], [sflag:$0xD] =	stream.linear.gather [hbm4b:s13+s7], $0x10, $0x38;
	[tilespmem:$0x18300] =	vst v63  }
0x2a: {  	s23 =	rddreg [dreg:$0xd];
	s25 =	simm.s32 $0x10280;
	s4 =	simm.s32 $0x1  }
0x2b: {  	[tilespmem:s25], [sflag:$0xE] =	stream.linear.gather [hbm4b:s23+s7], $0x10, $0x38;
	[tilespmem:$0x18300] =	vst v63  }
0x2c: {  	_ =	swait.ge [sflag:s4], $0x10  }
0x2d: {  	[sflag:s4] =	ssyncset.done $0x0  }
0x2e: {  	s5 =	simm.s32 $0x2;
	[sflag:s4] =	ssyncadd.s32 $0xFFFFFFF0  }
0x2f: {  	_ =	swait.ge [sflag:s5], $0x10  }
0x30: {  	[sflag:s5] =	ssyncset.done $0x0  }
0x31: {  	[sflag:s5] =	ssyncadd.s32 $0xFFFFFFF0  }
0x32: {  	v3 =	vld [tilespmem:$0x0];
	_ =	sdelay $0x4  }
0x33: {  	v4 =	vshll.u32 v3, $0x3  }
0x34: {  	v3 =	vand.u32 $0x7, v3;
	v4 =	vand.u32 $0xFFFFFFC0, v4  }
0x35: {  	v3 =	vor.u32 v3, v4  }
0x36: {  	v4 =	vperm.xlane v3, v0;
	_ =	sdelay $0x1  }
0x37: {  	v4 =	vadd.s32 v1, v4;
	_ =	sdelay $0x3  }
0x38: {  	s6 =	simm.s32 $0x100  }
0x39: {  	[tilespmem:s6], [sflag:$0x3] =	stream.indirect_vreg.gather [hbm4b:s2+s7], $0x80, v4, vm0, $0xb8;
	[tilespmem:$0x18300] =	vst v63  }
0x3a: {  	s12 =	simm.s32 $0x900;
	v3 =	vperm.xlane v3, v2  }
0x3b: {  	[tilespmem:s12], [sflag:$0x3] =	stream.indirect_vreg.gather [hbm4b:s16+s7], $0x80, v4, vm0, $0xb8;
	[tilespmem:$0x18300] =	vst v63  }
0x3c: {  	s13 =	simm.s32 $0x1100;
	v3 =	vadd.s32 v1, v3  }
0x3d: {  	[tilespmem:s13], [sflag:$0x3] =	stream.indirect_vreg.gather [hbm4b:s17+s7], $0x80, v4, vm0, $0xb8;
	[tilespmem:$0x18300] =	vst v63  }
0x3e: {  	s15 =	simm.s32 $0x1900  }
0x3f: {  	[tilespmem:s15], [sflag:$0x3] =	stream.indirect_vreg.gather [hbm4b:s18+s7], $0x80, v4, vm0, $0xb8;
	[tilespmem:$0x18300] =	vst v63  }
0x40: {  	s23 =	simm.s32 $0x2100  }
0x41: {  	[tilespmem:s23], [sflag:$0x3] =	stream.indirect_vreg.gather [hbm4b:s2+s7], $0x80, v3, vm0, $0xb8;
	[tilespmem:$0x18300] =	vst v63  }
0x42: {  	s25 =	simm.s32 $0x2900  }
0x43: {  	[tilespmem:s25], [sflag:$0x3] =	stream.indirect_vreg.gather [hbm4b:s16+s7], $0x80, v3, vm0, $0xb8;
	[tilespmem:$0x18300] =	vst v63  }
0x44: {  	s4 =	simm.s32 $0x3100  }
0x45: {  	[tilespmem:s4], [sflag:$0x3] =	stream.indirect_vreg.gather [hbm4b:s17+s7], $0x80, v3, vm0, $0xb8;
	[tilespmem:$0x18300] =	vst v63  }
0x46: {  	s5 =	simm.s32 $0x3900  }
0x47: {  	[tilespmem:s5], [sflag:$0x3] =	stream.indirect_vreg.gather [hbm4b:s18+s7], $0x80, v3, vm0, $0xb8;
	[tilespmem:$0x18300] =	vst v63  }
0x48: {  	v3 =	vld [tilespmem:$0x80];
	_ =	sdelay $0x4  }
0x49: {  	v61 =	vshll.u32 v3, $0x3  }
0x4a: {  	v3 =	vand.u32 $0x7, v3;
	v4 =	vand.u32 $0xFFFFFFC0, v61  }
0x4b: {  	v3 =	vor.u32 v3, v4  }
0x4c: {  	v4 =	vperm.xlane v3, v0;
	_ =	sdelay $0x1  }
0x4d: {  	v4 =	vadd.s32 v1, v4;
	_ =	sdelay $0x3  }
0x4e: {  	s6 =	simm.s32 $0x4100  }
0x4f: {  	[tilespmem:s6], [sflag:$0x4] =	stream.indirect_vreg.gather [hbm4b:s3+s7], $0x80, v4, vm0, $0xb8;
	[tilespmem:$0x18300] =	vst v63  }
0x50: {  	s12 =	simm.s32 $0x4900;
	v3 =	vperm.xlane v3, v2  }
0x51: {  	[tilespmem:s12], [sflag:$0x4] =	stream.indirect_vreg.gather [hbm4b:s26+s7], $0x80, v4, vm0, $0xb8;
	[tilespmem:$0x18300] =	vst v63  }
0x52: {  	s13 =	simm.s32 $0x5100;
	v3 =	vadd.s32 v1, v3  }
0x53: {  	[tilespmem:s13], [sflag:$0x4] =	stream.indirect_vreg.gather [hbm4b:s28+s7], $0x80, v4, vm0, $0xb8;
	[tilespmem:$0x18300] =	vst v63  }
0x54: {  	s15 =	simm.s32 $0x5900  }
0x55: {  	[tilespmem:s15], [sflag:$0x4] =	stream.indirect_vreg.gather [hbm4b:s29+s7], $0x80, v4, vm0, $0xb8;
	[tilespmem:$0x18300] =	vst v63  }
0x56: {  	s23 =	simm.s32 $0x6100  }
0x57: {  	[tilespmem:s23], [sflag:$0x4] =	stream.indirect_vreg.gather [hbm4b:s3+s7], $0x80, v3, vm0, $0xb8;
	[tilespmem:$0x18300] =	vst v63  }
0x58: {  	s25 =	simm.s32 $0x6900  }
0x59: {  	[tilespmem:s25], [sflag:$0x4] =	stream.indirect_vreg.gather [hbm4b:s26+s7], $0x80, v3, vm0, $0xb8;
	[tilespmem:$0x18300] =	vst v63  }
0x5a: {  	s4 =	simm.s32 $0x7100  }
0x5b: {  	[tilespmem:s4], [sflag:$0x4] =	stream.indirect_vreg.gather [hbm4b:s28+s7], $0x80, v3, vm0, $0xb8;
	[tilespmem:$0x18300] =	vst v63  }
0x5c: {  	s5 =	simm.s32 $0x7900;
	s6 =	simm.s32 $0x7  }
0x5d: {  	[tilespmem:s5], [sflag:$0x4] =	stream.indirect_vreg.gather [hbm4b:s29+s7], $0x80, v3, vm0, $0xb8;
	[tilespmem:$0x18300] =	vst v63  }
0x5e: {  	_ =	swait.ge [sflag:s6], $0x10  }
0x5f: {  	[sflag:s6] =	ssyncset.done $0x0  }
0x60: {  	[sflag:s6] =	ssyncadd.s32 $0xFFFFFFF0  }
0x61: {  	_ =	swait.ge [sflag:s11], $0x10  }
0x62: {  	[sflag:s11] =	ssyncset.done $0x0  }
0x63: {  	[sflag:s11] =	ssyncadd.s32 $0xFFFFFFF0  }
0x64: {  	v3 =	vld [tilespmem:$0x8100];
	_ =	sdelay $0x4  }
0x65: {  	v62 =	vshll.u32 v3, $0x3  }
0x66: {  	v3 =	vand.u32 $0x7, v3;
	v4 =	vand.u32 $0xFFFFFFC0, v62  }
0x67: {  	v3 =	vor.u32 v3, v4  }
0x68: {  	v4 =	vperm.xlane v3, v0;
	_ =	sdelay $0x1  }
0x69: {  	v4 =	vadd.s32 v1, v4;
	_ =	sdelay $0x4  }
0x6a: {  	[tilespmem:s21], [sflag:$0x9] =	stream.indirect_vreg.gather [hbm4b:s2+s7], $0x80, v4, vm0, $0xb8;
	[tilespmem:$0x18300] =	vst v63  }
0x6b: {  	s12 =	simm.s32 $0x8A00;
	v3 =	vperm.xlane v3, v2  }
0x6c: {  	[tilespmem:s12], [sflag:$0x9] =	stream.indirect_vreg.gather [hbm4b:s16+s7], $0x80, v4, vm0, $0xb8;
	[tilespmem:$0x18300] =	vst v63  }
0x6d: {  	s13 =	simm.s32 $0x9200;
	v3 =	vadd.s32 v1, v3  }
0x6e: {  	[tilespmem:s13], [sflag:$0x9] =	stream.indirect_vreg.gather [hbm4b:s17+s7], $0x80, v4, vm0, $0xb8;
	[tilespmem:$0x18300] =	vst v63  }
0x6f: {  	s15 =	simm.s32 $0x9A00  }
0x70: {  	[tilespmem:s15], [sflag:$0x9] =	stream.indirect_vreg.gather [hbm4b:s18+s7], $0x80, v4, vm0, $0xb8;
	[tilespmem:$0x18300] =	vst v63  }
0x71: {  	s21 =	simm.s32 $0xA200  }
0x72: {  	[tilespmem:s21], [sflag:$0x9] =	stream.indirect_vreg.gather [hbm4b:s2+s7], $0x80, v3, vm0, $0xb8;
	[tilespmem:$0x18300] =	vst v63  }
0x73: {  	s23 =	simm.s32 $0xAA00  }
0x74: {  	[tilespmem:s23], [sflag:$0x9] =	stream.indirect_vreg.gather [hbm4b:s16+s7], $0x80, v3, vm0, $0xb8;
	[tilespmem:$0x18300] =	vst v63  }
0x75: {  	s25 =	simm.s32 $0xB200  }
0x76: {  	[tilespmem:s25], [sflag:$0x9] =	stream.indirect_vreg.gather [hbm4b:s17+s7], $0x80, v3, vm0, $0xb8;
	[tilespmem:$0x18300] =	vst v63  }
0x77: {  	s4 =	simm.s32 $0xBA00  }
0x78: {  	[tilespmem:s4], [sflag:$0x9] =	stream.indirect_vreg.gather [hbm4b:s18+s7], $0x80, v3, vm0, $0xb8;
	[tilespmem:$0x18300] =	vst v63  }
0x79: {  	v3 =	vld [tilespmem:$0x8180];
	_ =	sdelay $0x4  }
0x7a: {  	v63 =	vshll.u32 v3, $0x3  }
0x7b: {  	v3 =	vand.u32 $0x7, v3;
	v4 =	vand.u32 $0xFFFFFFC0, v63  }
0x7c: {  	v3 =	vor.u32 v3, v4  }
0x7d: {  	v4 =	vperm.xlane v3, v0;
	_ =	sdelay $0x1  }
0x7e: {  	v4 =	vadd.s32 v1, v4;
	_ =	sdelay $0x3  }
0x7f: {  	s5 =	simm.s32 $0xC200  }
0x80: {  	[tilespmem:s5], [sflag:$0xA] =	stream.indirect_vreg.gather [hbm4b:s3+s7], $0x80, v4, vm0, $0xb8;
	[tilespmem:$0x18300] =	vst v63  }
0x81: {  	s6 =	simm.s32 $0xCA00;
	v3 =	vperm.xlane v3, v2  }
0x82: {  	[tilespmem:s6], [sflag:$0xA] =	stream.indirect_vreg.gather [hbm4b:s26+s7], $0x80, v4, vm0, $0xb8;
	[tilespmem:$0x18300] =	vst v63  }
0x83: {  	s12 =	simm.s32 $0xD200;
	v3 =	vadd.s32 v1, v3  }
0x84: {  	[tilespmem:s12], [sflag:$0xA] =	stream.indirect_vreg.gather [hbm4b:s28+s7], $0x80, v4, vm0, $0xb8;
	[tilespmem:$0x18300] =	vst v63  }
0x85: {  	s13 =	simm.s32 $0xDA00  }
0x86: {  	[tilespmem:s13], [sflag:$0xA] =	stream.indirect_vreg.gather [hbm4b:s29+s7], $0x80, v4, vm0, $0xb8;
	[tilespmem:$0x18300] =	vst v63  }
0x87: {  	s15 =	simm.s32 $0xE200  }
0x88: {  	[tilespmem:s15], [sflag:$0xA] =	stream.indirect_vreg.gather [hbm4b:s3+s7], $0x80, v3, vm0, $0xb8;
	[tilespmem:$0x18300] =	vst v63  }
0x89: {  	s21 =	simm.s32 $0xEA00  }
0x8a: {  	[tilespmem:s21], [sflag:$0xA] =	stream.indirect_vreg.gather [hbm4b:s26+s7], $0x80, v3, vm0, $0xb8;
	[tilespmem:$0x18300] =	vst v63  }
0x8b: {  	s23 =	simm.s32 $0xF200  }
0x8c: {  	[tilespmem:s23], [sflag:$0xA] =	stream.indirect_vreg.gather [hbm4b:s28+s7], $0x80, v3, vm0, $0xb8;
	[tilespmem:$0x18300] =	vst v63  }
0x8d: {  	s25 =	simm.s32 $0xFA00;
	s15 =	simm.s32 $0x0  }
0x8e: {  	[tilespmem:s25], [sflag:$0xA] =	stream.indirect_vreg.gather [hbm4b:s29+s7], $0x80, v3, vm0, $0xb8;
	[tilespmem:$0x18300] =	vst v63  }
.LBB2_2:
0x8f: {  	s23 =	smul.u32 $0x30, s15;
	_ =	swait.ge [sflag:s22], $0x4000  }
0x90: {  	s0 =	rddreg [dreg:$0x7];
	[sflag:s22] =	ssyncset.done $0x0  }
0x91: {  	s0 =	sadd.s32 s0, s23;
	[sflag:s22] =	ssyncadd.s32 $0xFFFFC000  }
0x92: {  	s0 =	sshll.u32 s0, $0x7;
	s5 =	rddreg [dreg:$0x5]  }
0x93: {  	s12 =	simm.s32 $0x4100;
	s6 =	sadd.s32 s5, s0;
	s5 =	simm.s32 $0x0  }
0x94: {  	[hbm4b:s6+s5] =	stream.linear.scatter [tilespmem:s12], [sflag:$0x6], $0x4000, $0x38;
	[tilespmem:$0x18300] =	vst v63  }
0x95: {  	_ =	swait.ge [sflag:s24], $0x4000  }
0x96: {  	s4 =	simm.s32 $0x8200;
	s13 =	simm.s32 $0x0;
	[sflag:s24] =	ssyncset.done $0x0  }
0x97: {  	s6 =	simm.s32 $0xFFFFC000;
	s12 =	simm.s32 $0x0;
	[sflag:s24] =	ssyncadd.s32 $0xFFFFC000  }
.LBB2_3:
0x98: {  	s25 =	sadd.s32 $0x4000, s6  }
0x99: {  	s21 =	sand.u32 $0x380, s13;
	s25 =	sand.u32 $0x2000, s25  }
0x9a: {  	s25 =	sor.u32 s21, s25  }
0x9b: {  	v3 =	vld [tilespmem:s25+$0x4100]  }
0x9c: {  	v4 =	vld [tilespmem:s25+$0x4120]  }
0x9d: {  	v5 =	vld [tilespmem:s25+$0x4130]  }
0x9e: {  	v6 =	vld [tilespmem:s25+$0x4140]  }
0x9f: {  	v7 =	vld [tilespmem:s25+$0x4150]  }
0xa0: {  	v24 =	vld [tilespmem:s25+$0x4170]  }
0xa1: {  	v25 =	vld [tilespmem:s25+$0x4500]  }
0xa2: {  	v26 =	vld [tilespmem:s25+$0x4510]  }
0xa3: {  	v27 =	vld [tilespmem:s25+$0x4520]  }
0xa4: {  	v28 =	vld [tilespmem:s25+$0x4540]  }
0xa5: {  	v29 =	vld [tilespmem:s25+$0x4550]  }
0xa6: {  	v30 =	vld [tilespmem:s25+$0x4560]  }
0xa7: {  	v31 =	vld [tilespmem:s25+$0x4570]  }
0xa8: {  	v32 =	vld [tilespmem:s25+$0x4910]  }
0xa9: {  	v33 =	vld [tilespmem:s25+$0x4920]  }
0xaa: {  	v34 =	vld [tilespmem:s25+$0x4930]  }
0xab: {  	v35 =	vld [tilespmem:s25+$0x4940]  }
0xac: {  	v36 =	vld [tilespmem:s25+$0x4960]  }
0xad: {  	v37 =	vld [tilespmem:s25+$0x4970]  }
0xae: {  	v38 =	vld [tilespmem:s25+$0x4D00]  }
0xaf: {  	v39 =	vld [tilespmem:s25+$0x4D10]  }
0xb0: {  	v40 =	vld [tilespmem:s25+$0x4D30]  }
0xb1: {  	v41 =	vld [tilespmem:s25+$0x4D40]  }
0xb2: {  	v42 =	vld [tilespmem:s25+$0x4D50]  }
0xb3: {  	v43 =	vld [tilespmem:s25+$0x4D60]  }
0xb4: {  	v44 =	vld [tilespmem:s25+$0x5100]  }
0xb5: {  	v45 =	vld [tilespmem:s25+$0x5110]  }
0xb6: {  	v46 =	vld [tilespmem:s25+$0x5120]  }
0xb7: {  	v47 =	vld [tilespmem:s25+$0x5130]  }
0xb8: {  	v48 =	vld [tilespmem:s25+$0x5150]  }
0xb9: {  	v49 =	vld [tilespmem:s25+$0x5160]  }
0xba: {  	v50 =	vld [tilespmem:s25+$0x5170]  }
0xbb: {  	v51 =	vld [tilespmem:s25+$0x5500]  }
0xbc: {  	v52 =	vld [tilespmem:s25+$0x5520]  }
0xbd: {  	v53 =	vld [tilespmem:s25+$0x5530]  }
0xbe: {  	v54 =	vld [tilespmem:s25+$0x5540]  }
0xbf: {  	v55 =	vld [tilespmem:s25+$0x5550]  }
0xc0: {  	v56 =	vld [tilespmem:s25+$0x5570]  }
0xc1: {  	v57 =	vld [tilespmem:s25+$0x5900]  }
0xc2: {  	v58 =	vld [tilespmem:s25+$0x5910]  }
0xc3: {  	v59 =	vld [tilespmem:s25+$0x5920]  }
0xc4: {  	v60 =	vld [tilespmem:s25+$0x5940]  }
0xc5: {  	v61 =	vld [tilespmem:s25+$0x5950]  }
0xc6: {  	v62 =	vld [tilespmem:s25+$0x5960]  }
0xc7: {  	v63 =	vld [tilespmem:s25+$0x5970]  }
0xc8: {  	[tilespmem:s25+$0x100] =	vst.add.f32.msk $0xffff, v3  }
0xc9: {  	v3 =	vld [tilespmem:s25+$0x4110]  }
0xca: {  	[tilespmem:s25+$0x120] =	vst.add.f32.msk $0xffff, v4  }
0xcb: {  	[tilespmem:s25+$0x130] =	vst.add.f32.msk $0xffff, v5  }
0xcc: {  	[tilespmem:s25+$0x140] =	vst.add.f32.msk $0xffff, v6  }
0xcd: {  	[tilespmem:s25+$0x150] =	vst.add.f32.msk $0xffff, v7  }
0xce: {  	[tilespmem:s25+$0x110] =	vst.add.f32.msk $0xffff, v3  }
0xcf: {  	v3 =	vld [tilespmem:s25+$0x4160]  }
0xd0: {  	[tilespmem:s25+$0x170] =	vst.add.f32.msk $0xffff, v24  }
0xd1: {  	[tilespmem:s25+$0x500] =	vst.add.f32.msk $0xffff, v25  }
0xd2: {  	[tilespmem:s25+$0x510] =	vst.add.f32.msk $0xffff, v26  }
0xd3: {  	[tilespmem:s25+$0x520] =	vst.add.f32.msk $0xffff, v27  }
0xd4: {  	[tilespmem:s25+$0x160] =	vst.add.f32.msk $0xffff, v3  }
0xd5: {  	v3 =	vld [tilespmem:s25+$0x4530]  }
0xd6: {  	[tilespmem:s25+$0x540] =	vst.add.f32.msk $0xffff, v28  }
0xd7: {  	[tilespmem:s25+$0x550] =	vst.add.f32.msk $0xffff, v29  }
0xd8: {  	[tilespmem:s25+$0x560] =	vst.add.f32.msk $0xffff, v30  }
0xd9: {  	[tilespmem:s25+$0x570] =	vst.add.f32.msk $0xffff, v31  }
0xda: {  	[tilespmem:s25+$0x530] =	vst.add.f32.msk $0xffff, v3  }
0xdb: {  	v3 =	vld [tilespmem:s25+$0x4900]  }
0xdc: {  	[tilespmem:s25+$0x910] =	vst.add.f32.msk $0xffff, v32  }
0xdd: {  	[tilespmem:s25+$0x920] =	vst.add.f32.msk $0xffff, v33  }
0xde: {  	[tilespmem:s25+$0x930] =	vst.add.f32.msk $0xffff, v34  }
0xdf: {  	[tilespmem:s25+$0x940] =	vst.add.f32.msk $0xffff, v35  }
0xe0: {  	[tilespmem:s25+$0x900] =	vst.add.f32.msk $0xffff, v3  }
0xe1: {  	v3 =	vld [tilespmem:s25+$0x4950]  }
0xe2: {  	[tilespmem:s25+$0x960] =	vst.add.f32.msk $0xffff, v36  }
0xe3: {  	[tilespmem:s25+$0x970] =	vst.add.f32.msk $0xffff, v37  }
0xe4: {  	[tilespmem:s25+$0xD00] =	vst.add.f32.msk $0xffff, v38  }
0xe5: {  	[tilespmem:s25+$0xD10] =	vst.add.f32.msk $0xffff, v39  }
0xe6: {  	[tilespmem:s25+$0x950] =	vst.add.f32.msk $0xffff, v3  }
0xe7: {  	v3 =	vld [tilespmem:s25+$0x4D20]  }
0xe8: {  	[tilespmem:s25+$0xD30] =	vst.add.f32.msk $0xffff, v40  }
0xe9: {  	[tilespmem:s25+$0xD40] =	vst.add.f32.msk $0xffff, v41  }
0xea: {  	[tilespmem:s25+$0xD50] =	vst.add.f32.msk $0xffff, v42  }
0xeb: {  	[tilespmem:s25+$0xD60] =	vst.add.f32.msk $0xffff, v43  }
0xec: {  	[tilespmem:s25+$0xD20] =	vst.add.f32.msk $0xffff, v3  }
0xed: {  	v3 =	vld [tilespmem:s25+$0x4D70]  }
0xee: {  	[tilespmem:s25+$0x1100] =	vst.add.f32.msk $0xffff, v44  }
0xef: {  	[tilespmem:s25+$0x1110] =	vst.add.f32.msk $0xffff, v45  }
0xf0: {  	[tilespmem:s25+$0x1120] =	vst.add.f32.msk $0xffff, v46  }
0xf1: {  	[tilespmem:s25+$0x1130] =	vst.add.f32.msk $0xffff, v47  }
0xf2: {  	[tilespmem:s25+$0xD70] =	vst.add.f32.msk $0xffff, v3  }
0xf3: {  	v3 =	vld [tilespmem:s25+$0x5140]  }
0xf4: {  	[tilespmem:s25+$0x1150] =	vst.add.f32.msk $0xffff, v48  }
0xf5: {  	[tilespmem:s25+$0x1160] =	vst.add.f32.msk $0xffff, v49  }
0xf6: {  	[tilespmem:s25+$0x1170] =	vst.add.f32.msk $0xffff, v50  }
0xf7: {  	[tilespmem:s25+$0x1500] =	vst.add.f32.msk $0xffff, v51  }
0xf8: {  	[tilespmem:s25+$0x1140] =	vst.add.f32.msk $0xffff, v3  }
0xf9: {  	v3 =	vld [tilespmem:s25+$0x5510]  }
0xfa: {  	[tilespmem:s25+$0x1520] =	vst.add.f32.msk $0xffff, v52  }
0xfb: {  	[tilespmem:s25+$0x1530] =	vst.add.f32.msk $0xffff, v53  }
0xfc: {  	[tilespmem:s25+$0x1540] =	vst.add.f32.msk $0xffff, v54  }
0xfd: {  	[tilespmem:s25+$0x1550] =	vst.add.f32.msk $0xffff, v55  }
0xfe: {  	[tilespmem:s25+$0x1510] =	vst.add.f32.msk $0xffff, v3  }
0xff: {  	v3 =	vld [tilespmem:s25+$0x5560]  }
0x100: {  	[tilespmem:s25+$0x1570] =	vst.add.f32.msk $0xffff, v56  }
0x101: {  	[tilespmem:s25+$0x1900] =	vst.add.f32.msk $0xffff, v57  }
0x102: {  	[tilespmem:s25+$0x1910] =	vst.add.f32.msk $0xffff, v58  }
0x103: {  	[tilespmem:s25+$0x1920] =	vst.add.f32.msk $0xffff, v59  }
0x104: {  	[tilespmem:s25+$0x1560] =	vst.add.f32.msk $0xffff, v3  }
0x105: {  	v3 =	vld [tilespmem:s25+$0x5930]  }
0x106: {  	[tilespmem:s25+$0x1940] =	vst.add.f32.msk $0xffff, v60  }
0x107: {  	s21 =	sand.u32 $0x7, s5;
	[tilespmem:s25+$0x1950] =	vst.add.f32.msk $0xffff, v61  }
0x108: {  	s21 =	sshll.u32 s21, $0x7;
	[tilespmem:s25+$0x1960] =	vst.add.f32.msk $0xffff, v62  }
0x109: {  	s21 =	sadd.s32 s21, s12;
	[tilespmem:s25+$0x1970] =	vst.add.f32.msk $0xffff, v63  }
0x10a: {  	[tilespmem:s25+$0x1930] =	vst.add.f32.msk $0xffff, v3;
	s25 =	sor.u32 $0x1C00, s21  }
0x10b: {  	v3 =	vld [tilespmem:s25+$0x4100];
	_ =	sdelay $0x4  }
0x10c: {  	[tilespmem:s25+$0x100] =	vst.add.f32.msk $0xffff, v3;
	s25 =	sor.u32 $0x1C10, s21  }
0x10d: {  	v3 =	vld [tilespmem:s25+$0x4100];
	_ =	sdelay $0x4  }
0x10e: {  	[tilespmem:s25+$0x100] =	vst.add.f32.msk $0xffff, v3;
	s25 =	sor.u32 $0x1C20, s21  }
0x10f: {  	v3 =	vld [tilespmem:s25+$0x4100];
	_ =	sdelay $0x4  }
0x110: {  	[tilespmem:s25+$0x100] =	vst.add.f32.msk $0xffff, v3;
	s25 =	sor.u32 $0x1C30, s21  }
0x111: {  	v3 =	vld [tilespmem:s25+$0x4100];
	_ =	sdelay $0x4  }
0x112: {  	[tilespmem:s25+$0x100] =	vst.add.f32.msk $0xffff, v3;
	s25 =	sor.u32 $0x1C40, s21  }
0x113: {  	v3 =	vld [tilespmem:s25+$0x4100];
	_ =	sdelay $0x4  }
0x114: {  	[tilespmem:s25+$0x100] =	vst.add.f32.msk $0xffff, v3;
	s25 =	sor.u32 $0x1C50, s21  }
0x115: {  	v3 =	vld [tilespmem:s25+$0x4100];
	_ =	sdelay $0x4  }
0x116: {  	[tilespmem:s25+$0x100] =	vst.add.f32.msk $0xffff, v3;
	s25 =	sor.u32 $0x1C60, s21  }
0x117: {  	v3 =	vld [tilespmem:s25+$0x4100];
	_ =	sdelay $0x4  }
0x118: {  	s21 =	sor.u32 $0x1C70, s21;
	[tilespmem:s25+$0x100] =	vst.add.f32.msk $0xffff, v3  }
0x119: {  	p0 =	sne.s32 s13, $0x780;
	v3 =	vld [tilespmem:s21+$0x4100]  }
.Ltmp0:
0x11a: {  	_ = 	snop;
	(pc) =	sbr.rel @p0 .LBB2_3-.Ltmp0, $3  }
0x11b: {  	_ =	sdelay $0x1  }
0x11c: {  	s6 =	sadd.s32 $0x400, s6  }
0x11d: {  	s13 =	sadd.s32 $0x80, s13;
	s5 =	sadd.s32 $0x1, s5;
	s12 =	sadd.s32 $0x400, s12;
	[tilespmem:s21+$0x100] =	vst.add.f32.msk $0xffff, v3  }
0x11e: {  	s5 =	rddreg [dreg:$0x4]  }
0x11f: {  	s12 =	simm.s32 $0x100;
	s13 =	rddreg [dreg:$0x15];
	s0 =	sadd.s32 s5, s0  }
0x120: {  	[hbm4b:s0+s7] =	stream.linear.scatter [tilespmem:s12], [sflag:$0x5], $0x4000, $0x38;
	[tilespmem:$0x18300] =	vst v63  }
0x121: {  	s0 =	sadd.s32 s23, s13  }
0x122: {  	s21 =	rddreg [dreg:$0x0];
	s0 =	sshrl.u32 s0, $0x3  }
0x123: {  	s5 =	sadd.s32 s21, s0  }
0x124: {  	[tilespmem:s7], [sflag:$0x1] =	stream.linear.gather [hbm4b:s5+s7], $0x10, $0x38;
	[tilespmem:$0x18300] =	vst v63  }
0x125: {  	s25 =	simm.s32 $0x80;
	p0 =	seq.s32 s15, $0x0;
	s0 =	sadd.s32 s9, s0  }
0x126: {  	[tilespmem:s25], [sflag:$0x2] =	stream.linear.gather [hbm4b:s0+s7], $0x10, $0x38;
	[tilespmem:$0x18300] =	vst v63  }
0x127: {  	s0 =	simm.s32 @!p0 $0x11  }
0x128: {  	_ =	swait.ge @!p0 [sflag:s0], $0x4000  }
0x129: {  	[sflag:s0] =	ssyncset.done @!p0 $0x0  }
0x12a: {  	[sflag:s0] =	ssyncadd.s32 @!p0 $0xFFFFC000;
	s0 =	simm.s32 @!p0 $0x12  }
0x12b: {  	_ =	swait.ge @!p0 [sflag:s0], $0x4000  }
0x12c: {  	[sflag:s0] =	ssyncset.done @!p0 $0x0  }
0x12d: {  	s6 =	simm.s32 $0xD;
	[sflag:s0] =	ssyncadd.s32 @!p0 $0xFFFFC000  }
0x12e: {  	_ =	swait.ge [sflag:s6], $0x10  }
0x12f: {  	[sflag:s6] =	ssyncset.done $0x0  }
0x130: {  	s12 =	simm.s32 $0xE;
	[sflag:s6] =	ssyncadd.s32 $0xFFFFFFF0  }
0x131: {  	_ =	swait.ge [sflag:s12], $0x10  }
0x132: {  	[sflag:s12] =	ssyncset.done $0x0  }
0x133: {  	[sflag:s12] =	ssyncadd.s32 $0xFFFFFFF0  }
0x134: {  	v3 =	vld [tilespmem:$0x10200];
	_ =	sdelay $0x4  }
0x135: {  	v4 =	vshll.u32 v3, $0x3  }
0x136: {  	v3 =	vand.u32 $0x7, v3;
	v4 =	vand.u32 $0xFFFFFFC0, v4  }
0x137: {  	v3 =	vor.u32 v3, v4  }
0x138: {  	v4 =	vperm.xlane v3, v0;
	_ =	sdelay $0x1  }
0x139: {  	v4 =	vadd.s32 v1, v4;
	_ =	sdelay $0x3  }
0x13a: {  	s13 =	simm.s32 $0x10300;
	s0 =	simm.s32 $0x0  }
0x13b: {  	[tilespmem:s13], [sflag:$0xF] =	stream.indirect_vreg.gather [hbm4b:s2+s0], $0x80, v4, vm0, $0xb8;
	[tilespmem:$0x18300] =	vst v63  }
0x13c: {  	s21 =	simm.s32 $0x10B00;
	v3 =	vperm.xlane v3, v2  }
0x13d: {  	[tilespmem:s21], [sflag:$0xF] =	stream.indirect_vreg.gather [hbm4b:s16+s0], $0x80, v4, vm0, $0xb8;
	[tilespmem:$0x18300] =	vst v63  }
0x13e: {  	s25 =	simm.s32 $0x11300;
	v3 =	vadd.s32 v1, v3  }
0x13f: {  	[tilespmem:s25], [sflag:$0xF] =	stream.indirect_vreg.gather [hbm4b:s17+s0], $0x80, v4, vm0, $0xb8;
	[tilespmem:$0x18300] =	vst v63  }
0x140: {  	s6 =	simm.s32 $0x11B00  }
0x141: {  	[tilespmem:s6], [sflag:$0xF] =	stream.indirect_vreg.gather [hbm4b:s18+s0], $0x80, v4, vm0, $0xb8;
	[tilespmem:$0x18300] =	vst v63  }
0x142: {  	s12 =	simm.s32 $0x12300  }
0x143: {  	[tilespmem:s12], [sflag:$0xF] =	stream.indirect_vreg.gather [hbm4b:s2+s0], $0x80, v3, vm0, $0xb8;
	[tilespmem:$0x18300] =	vst v63  }
0x144: {  	s13 =	simm.s32 $0x12B00  }
0x145: {  	[tilespmem:s13], [sflag:$0xF] =	stream.indirect_vreg.gather [hbm4b:s16+s0], $0x80, v3, vm0, $0xb8;
	[tilespmem:$0x18300] =	vst v63  }
0x146: {  	s21 =	simm.s32 $0x13300  }
0x147: {  	[tilespmem:s21], [sflag:$0xF] =	stream.indirect_vreg.gather [hbm4b:s17+s0], $0x80, v3, vm0, $0xb8;
	[tilespmem:$0x18300] =	vst v63  }
0x148: {  	s25 =	simm.s32 $0x13B00  }
0x149: {  	[tilespmem:s25], [sflag:$0xF] =	stream.indirect_vreg.gather [hbm4b:s18+s0], $0x80, v3, vm0, $0xb8;
	[tilespmem:$0x18300] =	vst v63  }
0x14a: {  	v3 =	vld [tilespmem:$0x10280];
	_ =	sdelay $0x4  }
0x14b: {  	v63 =	vshll.u32 v3, $0x3  }
0x14c: {  	v3 =	vand.u32 $0x7, v3;
	v4 =	vand.u32 $0xFFFFFFC0, v63  }
0x14d: {  	v3 =	vor.u32 v3, v4  }
0x14e: {  	v4 =	vperm.xlane v3, v0;
	_ =	sdelay $0x1  }
0x14f: {  	v4 =	vadd.s32 v1, v4;
	_ =	sdelay $0x3  }
0x150: {  	s6 =	simm.s32 $0x14300  }
0x151: {  	[tilespmem:s6], [sflag:$0x10] =	stream.indirect_vreg.gather [hbm4b:s3+s0], $0x80, v4, vm0, $0xb8;
	[tilespmem:$0x18300] =	vst v63  }
0x152: {  	s12 =	simm.s32 $0x14B00;
	v3 =	vperm.xlane v3, v2  }
0x153: {  	[tilespmem:s12], [sflag:$0x10] =	stream.indirect_vreg.gather [hbm4b:s26+s0], $0x80, v4, vm0, $0xb8;
	[tilespmem:$0x18300] =	vst v63  }
0x154: {  	s13 =	simm.s32 $0x15300;
	v3 =	vadd.s32 v1, v3  }
0x155: {  	[tilespmem:s13], [sflag:$0x10] =	stream.indirect_vreg.gather [hbm4b:s28+s0], $0x80, v4, vm0, $0xb8;
	[tilespmem:$0x18300] =	vst v63  }
0x156: {  	s21 =	simm.s32 $0x15B00  }
0x157: {  	[tilespmem:s21], [sflag:$0x10] =	stream.indirect_vreg.gather [hbm4b:s29+s0], $0x80, v4, vm0, $0xb8;
	[tilespmem:$0x18300] =	vst v63  }
0x158: {  	s25 =	simm.s32 $0x16300  }
0x159: {  	[tilespmem:s25], [sflag:$0x10] =	stream.indirect_vreg.gather [hbm4b:s3+s0], $0x80, v3, vm0, $0xb8;
	[tilespmem:$0x18300] =	vst v63  }
0x15a: {  	s6 =	simm.s32 $0x16B00  }
0x15b: {  	[tilespmem:s6], [sflag:$0x10] =	stream.indirect_vreg.gather [hbm4b:s26+s0], $0x80, v3, vm0, $0xb8;
	[tilespmem:$0x18300] =	vst v63  }
0x15c: {  	s12 =	simm.s32 $0x17300  }
0x15d: {  	[tilespmem:s12], [sflag:$0x10] =	stream.indirect_vreg.gather [hbm4b:s28+s0], $0x80, v3, vm0, $0xb8;
	[tilespmem:$0x18300] =	vst v63  }
0x15e: {  	s6 =	simm.s32 $0x17B00  }
0x15f: {  	[tilespmem:s6], [sflag:$0x10] =	stream.indirect_vreg.gather [hbm4b:s29+s0], $0x80, v3, vm0, $0xb8;
	[tilespmem:$0x18300] =	vst v63  }
0x160: {  	s13 =	smul.u32 $0xC000, s15;
	_ =	swait.ge [sflag:s20], $0x4000  }
0x161: {  	s21 =	rddreg [dreg:$0xe];
	[sflag:s20] =	ssyncset.done $0x0  }
0x162: {  	s5 =	sadd.s32 s13, s21;
	[sflag:s20] =	ssyncadd.s32 $0xFFFFC000  }
0x163: {  	s5 =	sshrl.u32 s5, $0x3;
	s25 =	rddreg [dreg:$0x5]  }
0x164: {  	s12 =	simm.s32 $0xC200;
	s6 =	sadd.s32 s25, s5  }
0x165: {  	[hbm4b:s6+s0] =	stream.linear.scatter [tilespmem:s12], [sflag:$0xC], $0x4000, $0x38;
	[tilespmem:$0x18300] =	vst v63  }
0x166: {  	_ =	swait.ge [sflag:s30], $0x4000  }
0x167: {  	s13 =	simm.s32 $0x0;
	[sflag:s30] =	ssyncset.done $0x0  }
0x168: {  	s6 =	simm.s32 $0xFFFFC000;
	s12 =	simm.s32 $0x0;
	[sflag:s30] =	ssyncadd.s32 $0xFFFFC000  }
.LBB2_5:
0x169: {  	s21 =	sadd.s32 $0x4000, s6  }
0x16a: {  	s25 =	sand.u32 $0x380, s13;
	s21 =	sand.u32 $0x2000, s21  }
0x16b: {  	s25 =	sor.u32 s25, s21  }
0x16c: {  	v3 =	vld [tilespmem:s25+$0xC200]  }
0x16d: {  	v4 =	vld [tilespmem:s25+$0xC220]  }
0x16e: {  	v5 =	vld [tilespmem:s25+$0xC230]  }
0x16f: {  	v6 =	vld [tilespmem:s25+$0xC240]  }
0x170: {  	v7 =	vld [tilespmem:s25+$0xC250]  }
0x171: {  	v24 =	vld [tilespmem:s25+$0xC270]  }
0x172: {  	v25 =	vld [tilespmem:s25+$0xC600]  }
0x173: {  	v26 =	vld [tilespmem:s25+$0xC610]  }
0x174: {  	v27 =	vld [tilespmem:s25+$0xC620]  }
0x175: {  	v28 =	vld [tilespmem:s25+$0xC640]  }
0x176: {  	v29 =	vld [tilespmem:s25+$0xC650]  }
0x177: {  	v30 =	vld [tilespmem:s25+$0xC660]  }
0x178: {  	v31 =	vld [tilespmem:s25+$0xC670]  }
0x179: {  	v32 =	vld [tilespmem:s25+$0xCA10]  }
0x17a: {  	v33 =	vld [tilespmem:s25+$0xCA20]  }
0x17b: {  	v34 =	vld [tilespmem:s25+$0xCA30]  }
0x17c: {  	v35 =	vld [tilespmem:s25+$0xCA40]  }
0x17d: {  	v36 =	vld [tilespmem:s25+$0xCA60]  }
0x17e: {  	v37 =	vld [tilespmem:s25+$0xCA70]  }
0x17f: {  	v38 =	vld [tilespmem:s25+$0xCE00]  }
0x180: {  	v39 =	vld [tilespmem:s25+$0xCE10]  }
0x181: {  	v40 =	vld [tilespmem:s25+$0xCE30]  }
0x182: {  	v41 =	vld [tilespmem:s25+$0xCE40]  }
0x183: {  	v42 =	vld [tilespmem:s25+$0xCE50]  }
0x184: {  	v43 =	vld [tilespmem:s25+$0xCE60]  }
0x185: {  	v44 =	vld [tilespmem:s25+$0xD200]  }
0x186: {  	v45 =	vld [tilespmem:s25+$0xD210]  }
0x187: {  	v46 =	vld [tilespmem:s25+$0xD220]  }
0x188: {  	v47 =	vld [tilespmem:s25+$0xD230]  }
0x189: {  	v48 =	vld [tilespmem:s25+$0xD250]  }
0x18a: {  	v49 =	vld [tilespmem:s25+$0xD260]  }
0x18b: {  	v50 =	vld [tilespmem:s25+$0xD270]  }
0x18c: {  	v51 =	vld [tilespmem:s25+$0xD600]  }
0x18d: {  	v52 =	vld [tilespmem:s25+$0xD620]  }
0x18e: {  	v53 =	vld [tilespmem:s25+$0xD630]  }
0x18f: {  	v54 =	vld [tilespmem:s25+$0xD640]  }
0x190: {  	v55 =	vld [tilespmem:s25+$0xD650]  }
0x191: {  	v56 =	vld [tilespmem:s25+$0xD670]  }
0x192: {  	v57 =	vld [tilespmem:s25+$0xDA00]  }
0x193: {  	v58 =	vld [tilespmem:s25+$0xDA10]  }
0x194: {  	v59 =	vld [tilespmem:s25+$0xDA20]  }
0x195: {  	v60 =	vld [tilespmem:s25+$0xDA40]  }
0x196: {  	v61 =	vld [tilespmem:s25+$0xDA50]  }
0x197: {  	v62 =	vld [tilespmem:s25+$0xDA60]  }
0x198: {  	v63 =	vld [tilespmem:s25+$0xDA70]  }
0x199: {  	[tilespmem:s25+$0x8200] =	vst.add.f32.msk $0xffff, v3  }
0x19a: {  	v3 =	vld [tilespmem:s25+$0xC210]  }
0x19b: {  	[tilespmem:s25+$0x8220] =	vst.add.f32.msk $0xffff, v4  }
0x19c: {  	[tilespmem:s25+$0x8230] =	vst.add.f32.msk $0xffff, v5  }
0x19d: {  	[tilespmem:s25+$0x8240] =	vst.add.f32.msk $0xffff, v6  }
0x19e: {  	[tilespmem:s25+$0x8250] =	vst.add.f32.msk $0xffff, v7  }
0x19f: {  	[tilespmem:s25+$0x8210] =	vst.add.f32.msk $0xffff, v3  }
0x1a0: {  	v3 =	vld [tilespmem:s25+$0xC260]  }
0x1a1: {  	[tilespmem:s25+$0x8270] =	vst.add.f32.msk $0xffff, v24  }
0x1a2: {  	[tilespmem:s25+$0x8600] =	vst.add.f32.msk $0xffff, v25  }
0x1a3: {  	[tilespmem:s25+$0x8610] =	vst.add.f32.msk $0xffff, v26  }
0x1a4: {  	[tilespmem:s25+$0x8620] =	vst.add.f32.msk $0xffff, v27  }
0x1a5: {  	[tilespmem:s25+$0x8260] =	vst.add.f32.msk $0xffff, v3  }
0x1a6: {  	v3 =	vld [tilespmem:s25+$0xC630]  }
0x1a7: {  	[tilespmem:s25+$0x8640] =	vst.add.f32.msk $0xffff, v28  }
0x1a8: {  	[tilespmem:s25+$0x8650] =	vst.add.f32.msk $0xffff, v29  }
0x1a9: {  	[tilespmem:s25+$0x8660] =	vst.add.f32.msk $0xffff, v30  }
0x1aa: {  	[tilespmem:s25+$0x8670] =	vst.add.f32.msk $0xffff, v31  }
0x1ab: {  	[tilespmem:s25+$0x8630] =	vst.add.f32.msk $0xffff, v3  }
0x1ac: {  	v3 =	vld [tilespmem:s25+$0xCA00]  }
0x1ad: {  	[tilespmem:s25+$0x8A10] =	vst.add.f32.msk $0xffff, v32  }
0x1ae: {  	[tilespmem:s25+$0x8A20] =	vst.add.f32.msk $0xffff, v33  }
0x1af: {  	[tilespmem:s25+$0x8A30] =	vst.add.f32.msk $0xffff, v34  }
0x1b0: {  	[tilespmem:s25+$0x8A40] =	vst.add.f32.msk $0xffff, v35  }
0x1b1: {  	[tilespmem:s25+$0x8A00] =	vst.add.f32.msk $0xffff, v3  }
0x1b2: {  	v3 =	vld [tilespmem:s25+$0xCA50]  }
0x1b3: {  	[tilespmem:s25+$0x8A60] =	vst.add.f32.msk $0xffff, v36  }
0x1b4: {  	[tilespmem:s25+$0x8A70] =	vst.add.f32.msk $0xffff, v37  }
0x1b5: {  	[tilespmem:s25+$0x8E00] =	vst.add.f32.msk $0xffff, v38  }
0x1b6: {  	[tilespmem:s25+$0x8E10] =	vst.add.f32.msk $0xffff, v39  }
0x1b7: {  	[tilespmem:s25+$0x8A50] =	vst.add.f32.msk $0xffff, v3  }
0x1b8: {  	v3 =	vld [tilespmem:s25+$0xCE20]  }
0x1b9: {  	[tilespmem:s25+$0x8E30] =	vst.add.f32.msk $0xffff, v40  }
0x1ba: {  	[tilespmem:s25+$0x8E40] =	vst.add.f32.msk $0xffff, v41  }
0x1bb: {  	[tilespmem:s25+$0x8E50] =	vst.add.f32.msk $0xffff, v42  }
0x1bc: {  	[tilespmem:s25+$0x8E60] =	vst.add.f32.msk $0xffff, v43  }
0x1bd: {  	[tilespmem:s25+$0x8E20] =	vst.add.f32.msk $0xffff, v3  }
0x1be: {  	v3 =	vld [tilespmem:s25+$0xCE70]  }
0x1bf: {  	[tilespmem:s25+$0x9200] =	vst.add.f32.msk $0xffff, v44  }
0x1c0: {  	[tilespmem:s25+$0x9210] =	vst.add.f32.msk $0xffff, v45  }
0x1c1: {  	[tilespmem:s25+$0x9220] =	vst.add.f32.msk $0xffff, v46  }
0x1c2: {  	[tilespmem:s25+$0x9230] =	vst.add.f32.msk $0xffff, v47  }
0x1c3: {  	[tilespmem:s25+$0x8E70] =	vst.add.f32.msk $0xffff, v3  }
0x1c4: {  	v3 =	vld [tilespmem:s25+$0xD240]  }
0x1c5: {  	[tilespmem:s25+$0x9250] =	vst.add.f32.msk $0xffff, v48  }
0x1c6: {  	[tilespmem:s25+$0x9260] =	vst.add.f32.msk $0xffff, v49  }
0x1c7: {  	[tilespmem:s25+$0x9270] =	vst.add.f32.msk $0xffff, v50  }
0x1c8: {  	[tilespmem:s25+$0x9600] =	vst.add.f32.msk $0xffff, v51  }
0x1c9: {  	[tilespmem:s25+$0x9240] =	vst.add.f32.msk $0xffff, v3  }
0x1ca: {  	v3 =	vld [tilespmem:s25+$0xD610]  }
0x1cb: {  	[tilespmem:s25+$0x9620] =	vst.add.f32.msk $0xffff, v52  }
0x1cc: {  	[tilespmem:s25+$0x9630] =	vst.add.f32.msk $0xffff, v53  }
0x1cd: {  	[tilespmem:s25+$0x9640] =	vst.add.f32.msk $0xffff, v54  }
0x1ce: {  	[tilespmem:s25+$0x9650] =	vst.add.f32.msk $0xffff, v55  }
0x1cf: {  	[tilespmem:s25+$0x9610] =	vst.add.f32.msk $0xffff, v3  }
0x1d0: {  	v3 =	vld [tilespmem:s25+$0xD660]  }
0x1d1: {  	[tilespmem:s25+$0x9670] =	vst.add.f32.msk $0xffff, v56  }
0x1d2: {  	[tilespmem:s25+$0x9A00] =	vst.add.f32.msk $0xffff, v57  }
0x1d3: {  	[tilespmem:s25+$0x9A10] =	vst.add.f32.msk $0xffff, v58  }
0x1d4: {  	[tilespmem:s25+$0x9A20] =	vst.add.f32.msk $0xffff, v59  }
0x1d5: {  	[tilespmem:s25+$0x9660] =	vst.add.f32.msk $0xffff, v3  }
0x1d6: {  	v3 =	vld [tilespmem:s25+$0xDA30]  }
0x1d7: {  	[tilespmem:s25+$0x9A40] =	vst.add.f32.msk $0xffff, v60  }
0x1d8: {  	s21 =	sand.u32 $0x7, s0;
	[tilespmem:s25+$0x9A50] =	vst.add.f32.msk $0xffff, v61  }
0x1d9: {  	s21 =	sshll.u32 s21, $0x7;
	[tilespmem:s25+$0x9A60] =	vst.add.f32.msk $0xffff, v62  }
0x1da: {  	s21 =	sadd.s32 s21, s12;
	[tilespmem:s25+$0x9A70] =	vst.add.f32.msk $0xffff, v63  }
0x1db: {  	[tilespmem:s25+$0x9A30] =	vst.add.f32.msk $0xffff, v3;
	s25 =	sor.u32 $0x1C00, s21  }
0x1dc: {  	v3 =	vld [tilespmem:s25+$0xC200];
	_ =	sdelay $0x4  }
0x1dd: {  	[tilespmem:s25+$0x8200] =	vst.add.f32.msk $0xffff, v3;
	s25 =	sor.u32 $0x1C10, s21  }
0x1de: {  	v3 =	vld [tilespmem:s25+$0xC200];
	_ =	sdelay $0x4  }
0x1df: {  	[tilespmem:s25+$0x8200] =	vst.add.f32.msk $0xffff, v3;
	s25 =	sor.u32 $0x1C20, s21  }
0x1e0: {  	v3 =	vld [tilespmem:s25+$0xC200];
	_ =	sdelay $0x4  }
0x1e1: {  	[tilespmem:s25+$0x8200] =	vst.add.f32.msk $0xffff, v3;
	s25 =	sor.u32 $0x1C30, s21  }
0x1e2: {  	v3 =	vld [tilespmem:s25+$0xC200];
	_ =	sdelay $0x4  }
0x1e3: {  	[tilespmem:s25+$0x8200] =	vst.add.f32.msk $0xffff, v3;
	s25 =	sor.u32 $0x1C40, s21  }
0x1e4: {  	v3 =	vld [tilespmem:s25+$0xC200];
	_ =	sdelay $0x4  }
0x1e5: {  	[tilespmem:s25+$0x8200] =	vst.add.f32.msk $0xffff, v3;
	s25 =	sor.u32 $0x1C50, s21  }
0x1e6: {  	v3 =	vld [tilespmem:s25+$0xC200];
	_ =	sdelay $0x4  }
0x1e7: {  	[tilespmem:s25+$0x8200] =	vst.add.f32.msk $0xffff, v3;
	s25 =	sor.u32 $0x1C60, s21  }
0x1e8: {  	v3 =	vld [tilespmem:s25+$0xC200];
	_ =	sdelay $0x4  }
0x1e9: {  	s21 =	sor.u32 $0x1C70, s21;
	[tilespmem:s25+$0x8200] =	vst.add.f32.msk $0xffff, v3  }
0x1ea: {  	p0 =	sne.s32 s13, $0x780;
	v3 =	vld [tilespmem:s21+$0xC200]  }
.Ltmp1:
0x1eb: {  	_ = 	snop;
	(pc) =	sbr.rel @p0 .LBB2_5-.Ltmp1, $3  }
0x1ec: {  	_ =	sdelay $0x1  }
0x1ed: {  	s6 =	sadd.s32 $0x400, s6  }
0x1ee: {  	s13 =	sadd.s32 $0x80, s13;
	s0 =	sadd.s32 $0x1, s0;
	s12 =	sadd.s32 $0x400, s12;
	[tilespmem:s21+$0x8200] =	vst.add.f32.msk $0xffff, v3  }
0x1ef: {  	s0 =	rddreg [dreg:$0x4]  }
0x1f0: {  	s25 =	rddreg [dreg:$0x16];
	s5 =	sadd.s32 s0, s5;
	s0 =	simm.s32 $0x0  }
0x1f1: {  	[hbm4b:s5+s0] =	stream.linear.scatter [tilespmem:s4], [sflag:$0xB], $0x4000, $0x38;
	[tilespmem:$0x18300] =	vst v63  }
0x1f2: {  	s5 =	sadd.s32 s23, s25  }
0x1f3: {  	s6 =	rddreg [dreg:$0x0];
	s5 =	sshrl.u32 s5, $0x3  }
0x1f4: {  	s12 =	simm.s32 $0x8100;
	s6 =	sadd.s32 s6, s5  }
0x1f5: {  	[tilespmem:s12], [sflag:$0x7] =	stream.linear.gather [hbm4b:s6+s0], $0x10, $0x38;
	[tilespmem:$0x18300] =	vst v63  }
0x1f6: {  	s4 =	simm.s32 $0x8180;
	s5 =	sadd.s32 s9, s5  }
0x1f7: {  	[tilespmem:s4], [sflag:$0x8] =	stream.linear.gather [hbm4b:s5+s0], $0x10, $0x38;
	[tilespmem:$0x18300] =	vst v63  }
0x1f8: {  	_ =	swait.ge [sflag:s31], $0x4000  }
0x1f9: {  	[sflag:s31] =	ssyncset.done $0x0  }
0x1fa: {  	[sflag:s31] =	ssyncadd.s32 $0xFFFFC000  }
0x1fb: {  	_ =	swait.ge [sflag:s1], $0x4000  }
0x1fc: {  	[sflag:s1] =	ssyncset.done $0x0  }
0x1fd: {  	s12 =	simm.s32 $0x1;
	[sflag:s1] =	ssyncadd.s32 $0xFFFFC000  }
0x1fe: {  	_ =	swait.ge [sflag:s12], $0x10  }
0x1ff: {  	[sflag:s12] =	ssyncset.done $0x0  }
0x200: {  	s13 =	simm.s32 $0x2;
	[sflag:s12] =	ssyncadd.s32 $0xFFFFFFF0  }
0x201: {  	_ =	swait.ge [sflag:s13], $0x10  }
0x202: {  	[sflag:s13] =	ssyncset.done $0x0  }
0x203: {  	[sflag:s13] =	ssyncadd.s32 $0xFFFFFFF0  }
0x204: {  	v3 =	vld [tilespmem:$0x0];
	_ =	sdelay $0x4  }
0x205: {  	v4 =	vshll.u32 v3, $0x3  }
0x206: {  	v3 =	vand.u32 $0x7, v3;
	v4 =	vand.u32 $0xFFFFFFC0, v4  }
0x207: {  	v3 =	vor.u32 v3, v4  }
0x208: {  	v4 =	vperm.xlane v3, v0;
	_ =	sdelay $0x1  }
0x209: {  	v4 =	vadd.s32 v1, v4;
	_ =	sdelay $0x3  }
0x20a: {  	s21 =	simm.s32 $0x100  }
0x20b: {  	[tilespmem:s21], [sflag:$0x3] =	stream.indirect_vreg.gather [hbm4b:s2+s0], $0x80, v4, vm0, $0xb8;
	[tilespmem:$0x18300] =	vst v63  }
0x20c: {  	s25 =	simm.s32 $0x900;
	v3 =	vperm.xlane v3, v2  }
0x20d: {  	[tilespmem:s25], [sflag:$0x3] =	stream.indirect_vreg.gather [hbm4b:s16+s0], $0x80, v4, vm0, $0xb8;
	[tilespmem:$0x18300] =	vst v63  }
0x20e: {  	s4 =	simm.s32 $0x1100;
	v3 =	vadd.s32 v1, v3  }
0x20f: {  	[tilespmem:s4], [sflag:$0x3] =	stream.indirect_vreg.gather [hbm4b:s17+s0], $0x80, v4, vm0, $0xb8;
	[tilespmem:$0x18300] =	vst v63  }
0x210: {  	s6 =	simm.s32 $0x1900  }
0x211: {  	[tilespmem:s6], [sflag:$0x3] =	stream.indirect_vreg.gather [hbm4b:s18+s0], $0x80, v4, vm0, $0xb8;
	[tilespmem:$0x18300] =	vst v63  }
0x212: {  	s12 =	simm.s32 $0x2100  }
0x213: {  	[tilespmem:s12], [sflag:$0x3] =	stream.indirect_vreg.gather [hbm4b:s2+s0], $0x80, v3, vm0, $0xb8;
	[tilespmem:$0x18300] =	vst v63  }
0x214: {  	s13 =	simm.s32 $0x2900  }
0x215: {  	[tilespmem:s13], [sflag:$0x3] =	stream.indirect_vreg.gather [hbm4b:s16+s0], $0x80, v3, vm0, $0xb8;
	[tilespmem:$0x18300] =	vst v63  }
0x216: {  	s21 =	simm.s32 $0x3100  }
0x217: {  	[tilespmem:s21], [sflag:$0x3] =	stream.indirect_vreg.gather [hbm4b:s17+s0], $0x80, v3, vm0, $0xb8;
	[tilespmem:$0x18300] =	vst v63  }
0x218: {  	s25 =	simm.s32 $0x3900  }
0x219: {  	[tilespmem:s25], [sflag:$0x3] =	stream.indirect_vreg.gather [hbm4b:s18+s0], $0x80, v3, vm0, $0xb8;
	[tilespmem:$0x18300] =	vst v63  }
0x21a: {  	v3 =	vld [tilespmem:$0x80];
	_ =	sdelay $0x4  }
0x21b: {  	v63 =	vshll.u32 v3, $0x3  }
0x21c: {  	v3 =	vand.u32 $0x7, v3;
	v4 =	vand.u32 $0xFFFFFFC0, v63  }
0x21d: {  	v3 =	vor.u32 v3, v4  }
0x21e: {  	v4 =	vperm.xlane v3, v0;
	_ =	sdelay $0x1  }
0x21f: {  	v4 =	vadd.s32 v1, v4;
	_ =	sdelay $0x3  }
0x220: {  	s4 =	simm.s32 $0x4100  }
0x221: {  	[tilespmem:s4], [sflag:$0x4] =	stream.indirect_vreg.gather [hbm4b:s3+s0], $0x80, v4, vm0, $0xb8;
	[tilespmem:$0x18300] =	vst v63  }
0x222: {  	s6 =	simm.s32 $0x4900;
	v3 =	vperm.xlane v3, v2  }
0x223: {  	[tilespmem:s6], [sflag:$0x4] =	stream.indirect_vreg.gather [hbm4b:s26+s0], $0x80, v4, vm0, $0xb8;
	[tilespmem:$0x18300] =	vst v63  }
0x224: {  	s12 =	simm.s32 $0x5100;
	v3 =	vadd.s32 v1, v3  }
0x225: {  	[tilespmem:s12], [sflag:$0x4] =	stream.indirect_vreg.gather [hbm4b:s28+s0], $0x80, v4, vm0, $0xb8;
	[tilespmem:$0x18300] =	vst v63  }
0x226: {  	s13 =	simm.s32 $0x5900  }
0x227: {  	[tilespmem:s13], [sflag:$0x4] =	stream.indirect_vreg.gather [hbm4b:s29+s0], $0x80, v4, vm0, $0xb8;
	[tilespmem:$0x18300] =	vst v63  }
0x228: {  	s21 =	simm.s32 $0x6100  }
0x229: {  	[tilespmem:s21], [sflag:$0x4] =	stream.indirect_vreg.gather [hbm4b:s3+s0], $0x80, v3, vm0, $0xb8;
	[tilespmem:$0x18300] =	vst v63  }
0x22a: {  	s25 =	simm.s32 $0x6900  }
0x22b: {  	[tilespmem:s25], [sflag:$0x4] =	stream.indirect_vreg.gather [hbm4b:s26+s0], $0x80, v3, vm0, $0xb8;
	[tilespmem:$0x18300] =	vst v63  }
0x22c: {  	s4 =	simm.s32 $0x7100  }
0x22d: {  	[tilespmem:s4], [sflag:$0x4] =	stream.indirect_vreg.gather [hbm4b:s28+s0], $0x80, v3, vm0, $0xb8;
	[tilespmem:$0x18300] =	vst v63  }
0x22e: {  	s6 =	simm.s32 $0x7900  }
0x22f: {  	[tilespmem:s6], [sflag:$0x4] =	stream.indirect_vreg.gather [hbm4b:s29+s0], $0x80, v3, vm0, $0xb8;
	[tilespmem:$0x18300] =	vst v63  }
0x230: {  	_ =	swait.ge [sflag:s14], $0x4000  }
0x231: {  	s12 =	smul.u32 $0x1800, s15;
	[sflag:s14] =	ssyncset.done $0x0  }
0x232: {  	s13 =	rddreg [dreg:$0xf];
	[sflag:s14] =	ssyncadd.s32 $0xFFFFC000  }
0x233: {  	s5 =	sadd.s32 s12, s13;
	s21 =	rddreg [dreg:$0x5]  }
0x234: {  	s25 =	simm.s32 $0x14300;
	s6 =	sadd.s32 s21, s5  }
0x235: {  	[hbm4b:s6+s0] =	stream.linear.scatter [tilespmem:s25], [sflag:$0x12], $0x4000, $0x38;
	[tilespmem:$0x18300] =	vst v63  }
0x236: {  	_ =	swait.ge [sflag:s8], $0x4000  }
0x237: {  	s12 =	simm.s32 $0x0;
	[sflag:s8] =	ssyncset.done $0x0  }
0x238: {  	s13 =	simm.s32 $0x0;
	s6 =	simm.s32 $0xFFFFC000;
	[sflag:s8] =	ssyncadd.s32 $0xFFFFC000  }
.LBB2_7:
0x239: {  	s21 =	sadd.s32 $0x4000, s6  }
0x23a: {  	s25 =	sand.u32 $0x380, s13;
	s21 =	sand.u32 $0x2000, s21  }
0x23b: {  	s25 =	sor.u32 s25, s21  }
0x23c: {  	v3 =	vld [tilespmem:s25+$0x14300]  }
0x23d: {  	v4 =	vld [tilespmem:s25+$0x14320]  }
0x23e: {  	v5 =	vld [tilespmem:s25+$0x14330]  }
0x23f: {  	v6 =	vld [tilespmem:s25+$0x14340]  }
0x240: {  	v7 =	vld [tilespmem:s25+$0x14350]  }
0x241: {  	v24 =	vld [tilespmem:s25+$0x14370]  }
0x242: {  	v25 =	vld [tilespmem:s25+$0x14700]  }
0x243: {  	v26 =	vld [tilespmem:s25+$0x14710]  }
0x244: {  	v27 =	vld [tilespmem:s25+$0x14720]  }
0x245: {  	v28 =	vld [tilespmem:s25+$0x14740]  }
0x246: {  	v29 =	vld [tilespmem:s25+$0x14750]  }
0x247: {  	v30 =	vld [tilespmem:s25+$0x14760]  }
0x248: {  	v31 =	vld [tilespmem:s25+$0x14770]  }
0x249: {  	v32 =	vld [tilespmem:s25+$0x14B10]  }
0x24a: {  	v33 =	vld [tilespmem:s25+$0x14B20]  }
0x24b: {  	v34 =	vld [tilespmem:s25+$0x14B30]  }
0x24c: {  	v35 =	vld [tilespmem:s25+$0x14B40]  }
0x24d: {  	v36 =	vld [tilespmem:s25+$0x14B60]  }
0x24e: {  	v37 =	vld [tilespmem:s25+$0x14B70]  }
0x24f: {  	v38 =	vld [tilespmem:s25+$0x14F00]  }
0x250: {  	v39 =	vld [tilespmem:s25+$0x14F10]  }
0x251: {  	v40 =	vld [tilespmem:s25+$0x14F30]  }
0x252: {  	v41 =	vld [tilespmem:s25+$0x14F40]  }
0x253: {  	v42 =	vld [tilespmem:s25+$0x14F50]  }
0x254: {  	v43 =	vld [tilespmem:s25+$0x14F60]  }
0x255: {  	v44 =	vld [tilespmem:s25+$0x15300]  }
0x256: {  	v45 =	vld [tilespmem:s25+$0x15310]  }
0x257: {  	v46 =	vld [tilespmem:s25+$0x15320]  }
0x258: {  	v47 =	vld [tilespmem:s25+$0x15330]  }
0x259: {  	v48 =	vld [tilespmem:s25+$0x15350]  }
0x25a: {  	v49 =	vld [tilespmem:s25+$0x15360]  }
0x25b: {  	v50 =	vld [tilespmem:s25+$0x15370]  }
0x25c: {  	v51 =	vld [tilespmem:s25+$0x15700]  }
0x25d: {  	v52 =	vld [tilespmem:s25+$0x15720]  }
0x25e: {  	v53 =	vld [tilespmem:s25+$0x15730]  }
0x25f: {  	v54 =	vld [tilespmem:s25+$0x15740]  }
0x260: {  	v55 =	vld [tilespmem:s25+$0x15750]  }
0x261: {  	v56 =	vld [tilespmem:s25+$0x15770]  }
0x262: {  	v57 =	vld [tilespmem:s25+$0x15B00]  }
0x263: {  	v58 =	vld [tilespmem:s25+$0x15B10]  }
0x264: {  	v59 =	vld [tilespmem:s25+$0x15B20]  }
0x265: {  	v60 =	vld [tilespmem:s25+$0x15B40]  }
0x266: {  	v61 =	vld [tilespmem:s25+$0x15B50]  }
0x267: {  	v62 =	vld [tilespmem:s25+$0x15B60]  }
0x268: {  	v63 =	vld [tilespmem:s25+$0x15B70]  }
0x269: {  	[tilespmem:s25+$0x10300] =	vst.add.f32.msk $0xffff, v3  }
0x26a: {  	v3 =	vld [tilespmem:s25+$0x14310]  }
0x26b: {  	[tilespmem:s25+$0x10320] =	vst.add.f32.msk $0xffff, v4  }
0x26c: {  	[tilespmem:s25+$0x10330] =	vst.add.f32.msk $0xffff, v5  }
0x26d: {  	[tilespmem:s25+$0x10340] =	vst.add.f32.msk $0xffff, v6  }
0x26e: {  	[tilespmem:s25+$0x10350] =	vst.add.f32.msk $0xffff, v7  }
0x26f: {  	[tilespmem:s25+$0x10310] =	vst.add.f32.msk $0xffff, v3  }
0x270: {  	v3 =	vld [tilespmem:s25+$0x14360]  }
0x271: {  	[tilespmem:s25+$0x10370] =	vst.add.f32.msk $0xffff, v24  }
0x272: {  	[tilespmem:s25+$0x10700] =	vst.add.f32.msk $0xffff, v25  }
0x273: {  	[tilespmem:s25+$0x10710] =	vst.add.f32.msk $0xffff, v26  }
0x274: {  	[tilespmem:s25+$0x10720] =	vst.add.f32.msk $0xffff, v27  }
0x275: {  	[tilespmem:s25+$0x10360] =	vst.add.f32.msk $0xffff, v3  }
0x276: {  	v3 =	vld [tilespmem:s25+$0x14730]  }
0x277: {  	[tilespmem:s25+$0x10740] =	vst.add.f32.msk $0xffff, v28  }
0x278: {  	[tilespmem:s25+$0x10750] =	vst.add.f32.msk $0xffff, v29  }
0x279: {  	[tilespmem:s25+$0x10760] =	vst.add.f32.msk $0xffff, v30  }
0x27a: {  	[tilespmem:s25+$0x10770] =	vst.add.f32.msk $0xffff, v31  }
0x27b: {  	[tilespmem:s25+$0x10730] =	vst.add.f32.msk $0xffff, v3  }
0x27c: {  	v3 =	vld [tilespmem:s25+$0x14B00]  }
0x27d: {  	[tilespmem:s25+$0x10B10] =	vst.add.f32.msk $0xffff, v32  }
0x27e: {  	[tilespmem:s25+$0x10B20] =	vst.add.f32.msk $0xffff, v33  }
0x27f: {  	[tilespmem:s25+$0x10B30] =	vst.add.f32.msk $0xffff, v34  }
0x280: {  	[tilespmem:s25+$0x10B40] =	vst.add.f32.msk $0xffff, v35  }
0x281: {  	[tilespmem:s25+$0x10B00] =	vst.add.f32.msk $0xffff, v3  }
0x282: {  	v3 =	vld [tilespmem:s25+$0x14B50]  }
0x283: {  	[tilespmem:s25+$0x10B60] =	vst.add.f32.msk $0xffff, v36  }
0x284: {  	[tilespmem:s25+$0x10B70] =	vst.add.f32.msk $0xffff, v37  }
0x285: {  	[tilespmem:s25+$0x10F00] =	vst.add.f32.msk $0xffff, v38  }
0x286: {  	[tilespmem:s25+$0x10F10] =	vst.add.f32.msk $0xffff, v39  }
0x287: {  	[tilespmem:s25+$0x10B50] =	vst.add.f32.msk $0xffff, v3  }
0x288: {  	v3 =	vld [tilespmem:s25+$0x14F20]  }
0x289: {  	[tilespmem:s25+$0x10F30] =	vst.add.f32.msk $0xffff, v40  }
0x28a: {  	[tilespmem:s25+$0x10F40] =	vst.add.f32.msk $0xffff, v41  }
0x28b: {  	[tilespmem:s25+$0x10F50] =	vst.add.f32.msk $0xffff, v42  }
0x28c: {  	[tilespmem:s25+$0x10F60] =	vst.add.f32.msk $0xffff, v43  }
0x28d: {  	[tilespmem:s25+$0x10F20] =	vst.add.f32.msk $0xffff, v3  }
0x28e: {  	v3 =	vld [tilespmem:s25+$0x14F70]  }
0x28f: {  	[tilespmem:s25+$0x11300] =	vst.add.f32.msk $0xffff, v44  }
0x290: {  	[tilespmem:s25+$0x11310] =	vst.add.f32.msk $0xffff, v45  }
0x291: {  	[tilespmem:s25+$0x11320] =	vst.add.f32.msk $0xffff, v46  }
0x292: {  	[tilespmem:s25+$0x11330] =	vst.add.f32.msk $0xffff, v47  }
0x293: {  	[tilespmem:s25+$0x10F70] =	vst.add.f32.msk $0xffff, v3  }
0x294: {  	v3 =	vld [tilespmem:s25+$0x15340]  }
0x295: {  	[tilespmem:s25+$0x11350] =	vst.add.f32.msk $0xffff, v48  }
0x296: {  	[tilespmem:s25+$0x11360] =	vst.add.f32.msk $0xffff, v49  }
0x297: {  	[tilespmem:s25+$0x11370] =	vst.add.f32.msk $0xffff, v50  }
0x298: {  	[tilespmem:s25+$0x11700] =	vst.add.f32.msk $0xffff, v51  }
0x299: {  	[tilespmem:s25+$0x11340] =	vst.add.f32.msk $0xffff, v3  }
0x29a: {  	v3 =	vld [tilespmem:s25+$0x15710]  }
0x29b: {  	[tilespmem:s25+$0x11720] =	vst.add.f32.msk $0xffff, v52  }
0x29c: {  	[tilespmem:s25+$0x11730] =	vst.add.f32.msk $0xffff, v53  }
0x29d: {  	[tilespmem:s25+$0x11740] =	vst.add.f32.msk $0xffff, v54  }
0x29e: {  	[tilespmem:s25+$0x11750] =	vst.add.f32.msk $0xffff, v55  }
0x29f: {  	[tilespmem:s25+$0x11710] =	vst.add.f32.msk $0xffff, v3  }
0x2a0: {  	v3 =	vld [tilespmem:s25+$0x15760]  }
0x2a1: {  	[tilespmem:s25+$0x11770] =	vst.add.f32.msk $0xffff, v56  }
0x2a2: {  	[tilespmem:s25+$0x11B00] =	vst.add.f32.msk $0xffff, v57  }
0x2a3: {  	[tilespmem:s25+$0x11B10] =	vst.add.f32.msk $0xffff, v58  }
0x2a4: {  	[tilespmem:s25+$0x11B20] =	vst.add.f32.msk $0xffff, v59  }
0x2a5: {  	[tilespmem:s25+$0x11760] =	vst.add.f32.msk $0xffff, v3  }
0x2a6: {  	v3 =	vld [tilespmem:s25+$0x15B30]  }
0x2a7: {  	[tilespmem:s25+$0x11B40] =	vst.add.f32.msk $0xffff, v60  }
0x2a8: {  	s4 =	sand.u32 $0x7, s0;
	[tilespmem:s25+$0x11B50] =	vst.add.f32.msk $0xffff, v61  }
0x2a9: {  	s21 =	sshll.u32 s4, $0x7;
	[tilespmem:s25+$0x11B60] =	vst.add.f32.msk $0xffff, v62  }
0x2aa: {  	s21 =	sadd.s32 s21, s12;
	[tilespmem:s25+$0x11B70] =	vst.add.f32.msk $0xffff, v63  }
0x2ab: {  	s4 =	sor.u32 $0x1C00, s21;
	[tilespmem:s25+$0x11B30] =	vst.add.f32.msk $0xffff, v3  }
0x2ac: {  	v3 =	vld [tilespmem:s4+$0x14300];
	_ =	sdelay $0x4  }
0x2ad: {  	[tilespmem:s4+$0x10300] =	vst.add.f32.msk $0xffff, v3;
	s4 =	sor.u32 $0x1C10, s21  }
0x2ae: {  	v3 =	vld [tilespmem:s4+$0x14300];
	_ =	sdelay $0x4  }
0x2af: {  	[tilespmem:s4+$0x10300] =	vst.add.f32.msk $0xffff, v3;
	s4 =	sor.u32 $0x1C20, s21  }
0x2b0: {  	v3 =	vld [tilespmem:s4+$0x14300];
	_ =	sdelay $0x4  }
0x2b1: {  	[tilespmem:s4+$0x10300] =	vst.add.f32.msk $0xffff, v3;
	s4 =	sor.u32 $0x1C30, s21  }
0x2b2: {  	v3 =	vld [tilespmem:s4+$0x14300];
	_ =	sdelay $0x4  }
0x2b3: {  	[tilespmem:s4+$0x10300] =	vst.add.f32.msk $0xffff, v3;
	s4 =	sor.u32 $0x1C40, s21  }
0x2b4: {  	v3 =	vld [tilespmem:s4+$0x14300];
	_ =	sdelay $0x4  }
0x2b5: {  	[tilespmem:s4+$0x10300] =	vst.add.f32.msk $0xffff, v3;
	s4 =	sor.u32 $0x1C50, s21  }
0x2b6: {  	v3 =	vld [tilespmem:s4+$0x14300];
	_ =	sdelay $0x4  }
0x2b7: {  	[tilespmem:s4+$0x10300] =	vst.add.f32.msk $0xffff, v3;
	s4 =	sor.u32 $0x1C60, s21  }
0x2b8: {  	v3 =	vld [tilespmem:s4+$0x14300];
	_ =	sdelay $0x4  }
0x2b9: {  	s21 =	sor.u32 $0x1C70, s21;
	[tilespmem:s4+$0x10300] =	vst.add.f32.msk $0xffff, v3  }
0x2ba: {  	p0 =	sne.s32 s13, $0x780;
	v3 =	vld [tilespmem:s21+$0x14300]  }
.Ltmp2:
0x2bb: {  	_ = 	snop;
	(pc) =	sbr.rel @p0 .LBB2_7-.Ltmp2, $3  }
0x2bc: {  	_ =	sdelay $0x1  }
0x2bd: {  	s0 =	sadd.s32 $0x1, s0  }
0x2be: {  	s6 =	sadd.s32 $0x400, s6;
	s13 =	sadd.s32 $0x80, s13;
	s12 =	sadd.s32 $0x400, s12;
	[tilespmem:s21+$0x10300] =	vst.add.f32.msk $0xffff, v3  }
0x2bf: {  	s0 =	rddreg [dreg:$0x4]  }
0x2c0: {  	s4 =	simm.s32 $0x10300;
	s0 =	sadd.s32 s0, s5  }
0x2c1: {  	[hbm4b:s0+s7] =	stream.linear.scatter [tilespmem:s4], [sflag:$0x11], $0x4000, $0x38;
	[tilespmem:$0x18300] =	vst v63  }
0x2c2: {  	p0 =	seq.s32 s15, $0x9;
	s0 =	rddreg [dreg:$0x17]  }
0x2c3: {  	s0 =	sadd.s32 @!p0 s23, s0  }
0x2c4: {  	s5 =	rddreg [dreg:$0x0];
	s0 =	sshrl.u32 @!p0 s0, $0x3  }
0x2c5: {  	s6 =	simm.s32 @!p0 $0x0;
	s12 =	simm.s32 @!p0 $0x10200;
	s5 =	sadd.s32 @!p0 s5, s0  }
0x2c6: {  	[tilespmem:s12], [sflag:$0xD] =	stream.linear.gather @!p0 [hbm4b:s5+s6], $0x10, $0x38;
	[tilespmem:$0x18300] =	vst v63  }
0x2c7: {  	s0 =	sadd.s32 @!p0 s9, s0;
	s5 =	simm.s32 @!p0 $0x10280  }
0x2c8: {  	[tilespmem:s5], [sflag:$0xE] =	stream.linear.gather @!p0 [hbm4b:s0+s6], $0x10, $0x38;
	[tilespmem:$0x18300] =	vst v63  }
0x2c9: {  	_ =	swait.ge [sflag:s10], $0x4000  }
0x2ca: {  	[sflag:s10] =	ssyncset.done $0x0  }
0x2cb: {  	[sflag:s10] =	ssyncadd.s32 $0xFFFFC000  }
0x2cc: {  	_ =	swait.ge [sflag:s19], $0x4000  }
0x2cd: {  	[sflag:s19] =	ssyncset.done $0x0  }
0x2ce: {  	s23 =	simm.s32 $0x7;
	[sflag:s19] =	ssyncadd.s32 $0xFFFFC000  }
0x2cf: {  	_ =	swait.ge [sflag:s23], $0x10  }
0x2d0: {  	[sflag:s23] =	ssyncset.done $0x0  }
0x2d1: {  	[sflag:s23] =	ssyncadd.s32 $0xFFFFFFF0  }
0x2d2: {  	_ =	swait.ge [sflag:s11], $0x10  }
0x2d3: {  	[sflag:s11] =	ssyncset.done $0x0  }
0x2d4: {  	[sflag:s11] =	ssyncadd.s32 $0xFFFFFFF0  }
0x2d5: {  	v3 =	vld [tilespmem:$0x8100];
	_ =	sdelay $0x4  }
0x2d6: {  	v4 =	vshll.u32 v3, $0x3  }
0x2d7: {  	v3 =	vand.u32 $0x7, v3;
	v4 =	vand.u32 $0xFFFFFFC0, v4  }
0x2d8: {  	v3 =	vor.u32 v3, v4  }
0x2d9: {  	v4 =	vperm.xlane v3, v0;
	_ =	sdelay $0x1  }
0x2da: {  	v4 =	vadd.s32 v1, v4;
	_ =	sdelay $0x3  }
0x2db: {  	s21 =	simm.s32 $0x8200  }
0x2dc: {  	[tilespmem:s21], [sflag:$0x9] =	stream.indirect_vreg.gather [hbm4b:s2+s7], $0x80, v4, vm0, $0xb8;
	[tilespmem:$0x18300] =	vst v63  }
0x2dd: {  	s25 =	simm.s32 $0x8A00;
	v3 =	vperm.xlane v3, v2  }
0x2de: {  	[tilespmem:s25], [sflag:$0x9] =	stream.indirect_vreg.gather [hbm4b:s16+s7], $0x80, v4, vm0, $0xb8;
	[tilespmem:$0x18300] =	vst v63  }
0x2df: {  	s4 =	simm.s32 $0x9200;
	v3 =	vadd.s32 v1, v3  }
0x2e0: {  	[tilespmem:s4], [sflag:$0x9] =	stream.indirect_vreg.gather [hbm4b:s17+s7], $0x80, v4, vm0, $0xb8;
	[tilespmem:$0x18300] =	vst v63  }
0x2e1: {  	s5 =	simm.s32 $0x9A00  }
0x2e2: {  	[tilespmem:s5], [sflag:$0x9] =	stream.indirect_vreg.gather [hbm4b:s18+s7], $0x80, v4, vm0, $0xb8;
	[tilespmem:$0x18300] =	vst v63  }
0x2e3: {  	s6 =	simm.s32 $0xA200  }
0x2e4: {  	[tilespmem:s6], [sflag:$0x9] =	stream.indirect_vreg.gather [hbm4b:s2+s7], $0x80, v3, vm0, $0xb8;
	[tilespmem:$0x18300] =	vst v63  }
0x2e5: {  	s12 =	simm.s32 $0xAA00  }
0x2e6: {  	[tilespmem:s12], [sflag:$0x9] =	stream.indirect_vreg.gather [hbm4b:s16+s7], $0x80, v3, vm0, $0xb8;
	[tilespmem:$0x18300] =	vst v63  }
0x2e7: {  	s13 =	simm.s32 $0xB200  }
0x2e8: {  	[tilespmem:s13], [sflag:$0x9] =	stream.indirect_vreg.gather [hbm4b:s17+s7], $0x80, v3, vm0, $0xb8;
	[tilespmem:$0x18300] =	vst v63  }
0x2e9: {  	s23 =	simm.s32 $0xBA00  }
0x2ea: {  	[tilespmem:s23], [sflag:$0x9] =	stream.indirect_vreg.gather [hbm4b:s18+s7], $0x80, v3, vm0, $0xb8;
	[tilespmem:$0x18300] =	vst v63  }
0x2eb: {  	v3 =	vld [tilespmem:$0x8180];
	_ =	sdelay $0x4  }
0x2ec: {  	v63 =	vshll.u32 v3, $0x3  }
0x2ed: {  	v3 =	vand.u32 $0x7, v3;
	v4 =	vand.u32 $0xFFFFFFC0, v63  }
0x2ee: {  	v3 =	vor.u32 v3, v4  }
0x2ef: {  	v4 =	vperm.xlane v3, v0;
	_ =	sdelay $0x1  }
0x2f0: {  	v4 =	vadd.s32 v1, v4;
	_ =	sdelay $0x3  }
0x2f1: {  	s25 =	simm.s32 $0xC200  }
0x2f2: {  	[tilespmem:s25], [sflag:$0xA] =	stream.indirect_vreg.gather [hbm4b:s3+s7], $0x80, v4, vm0, $0xb8;
	[tilespmem:$0x18300] =	vst v63  }
0x2f3: {  	s4 =	simm.s32 $0xCA00;
	v3 =	vperm.xlane v3, v2  }
0x2f4: {  	[tilespmem:s4], [sflag:$0xA] =	stream.indirect_vreg.gather [hbm4b:s26+s7], $0x80, v4, vm0, $0xb8;
	[tilespmem:$0x18300] =	vst v63  }
0x2f5: {  	s5 =	simm.s32 $0xD200;
	v3 =	vadd.s32 v1, v3  }
0x2f6: {  	[tilespmem:s5], [sflag:$0xA] =	stream.indirect_vreg.gather [hbm4b:s28+s7], $0x80, v4, vm0, $0xb8;
	[tilespmem:$0x18300] =	vst v63  }
0x2f7: {  	s6 =	simm.s32 $0xDA00  }
0x2f8: {  	[tilespmem:s6], [sflag:$0xA] =	stream.indirect_vreg.gather [hbm4b:s29+s7], $0x80, v4, vm0, $0xb8;
	[tilespmem:$0x18300] =	vst v63  }
0x2f9: {  	s15 =	sadd.s32 $0x1, s15;
	s12 =	simm.s32 $0xE200  }
0x2fa: {  	[tilespmem:s12], [sflag:$0xA] =	stream.indirect_vreg.gather [hbm4b:s3+s7], $0x80, v3, vm0, $0xb8;
	[tilespmem:$0x18300] =	vst v63  }
0x2fb: {  	p0 =	sne.s32 s15, $0xA;
	s13 =	simm.s32 $0xEA00  }
0x2fc: {  	[tilespmem:s13], [sflag:$0xA] =	stream.indirect_vreg.gather [hbm4b:s26+s7], $0x80, v3, vm0, $0xb8;
	[tilespmem:$0x18300] =	vst v63  }
.Ltmp3:
0x2fd: {  	_ = 	snop;
	(pc) =	sbr.rel @p0 .LBB2_2-.Ltmp3, $4  }
0x2fe: {  	s23 =	simm.s32 $0xF200  }
0x2ff: {  	[tilespmem:s23], [sflag:$0xA] =	stream.indirect_vreg.gather [hbm4b:s28+s7], $0x80, v3, vm0, $0xb8;
	[tilespmem:$0x18300] =	vst v63  }
0x300: {  	s25 =	simm.s32 $0xFA00  }
0x301: {  	[tilespmem:s25], [sflag:$0xA] =	stream.indirect_vreg.gather [hbm4b:s29+s7], $0x80, v3, vm0, $0xb8;
	[tilespmem:$0x18300] =	vst v63  }
0x302: {  	_ =	swait.ge [sflag:s22], $0x4000  }
0x303: {  	s0 =	simm.s32 $0x0;
	[sflag:s22] =	ssyncset.done $0x0  }
0x304: {  	s6 =	simm.s32 $0x4100;
	s5 =	rddreg [dreg:$0x10];
	[sflag:s22] =	ssyncadd.s32 $0xFFFFC000  }
0x305: {  	[hbm4b:s5+s0] =	stream.linear.scatter [tilespmem:s6], [sflag:$0x6], $0x4000, $0x38;
	[tilespmem:$0x18300] =	vst v63  }
0x306: {  	_ =	swait.ge [sflag:s24], $0x4000  }
0x307: {  	s12 =	simm.s32 $0x0;
	[sflag:s24] =	ssyncset.done $0x0  }
0x308: {  	s5 =	simm.s32 $0xFFFFC000;
	s6 =	simm.s32 $0x0;
	[sflag:s24] =	ssyncadd.s32 $0xFFFFC000  }
.LBB2_10:
0x309: {  	s13 =	sadd.s32 $0x4000, s5  }
0x30a: {  	s15 =	sand.u32 $0x380, s12;
	s13 =	sand.u32 $0x2000, s13  }
0x30b: {  	s13 =	sor.u32 s15, s13  }
0x30c: {  	v3 =	vld [tilespmem:s13+$0x4100]  }
0x30d: {  	v4 =	vld [tilespmem:s13+$0x4120]  }
0x30e: {  	v5 =	vld [tilespmem:s13+$0x4130]  }
0x30f: {  	v6 =	vld [tilespmem:s13+$0x4140]  }
0x310: {  	v7 =	vld [tilespmem:s13+$0x4150]  }
0x311: {  	v24 =	vld [tilespmem:s13+$0x4170]  }
0x312: {  	v25 =	vld [tilespmem:s13+$0x4500]  }
0x313: {  	v26 =	vld [tilespmem:s13+$0x4510]  }
0x314: {  	v27 =	vld [tilespmem:s13+$0x4520]  }
0x315: {  	v28 =	vld [tilespmem:s13+$0x4540]  }
0x316: {  	v29 =	vld [tilespmem:s13+$0x4550]  }
0x317: {  	v30 =	vld [tilespmem:s13+$0x4560]  }
0x318: {  	v31 =	vld [tilespmem:s13+$0x4570]  }
0x319: {  	v32 =	vld [tilespmem:s13+$0x4910]  }
0x31a: {  	v33 =	vld [tilespmem:s13+$0x4920]  }
0x31b: {  	v34 =	vld [tilespmem:s13+$0x4930]  }
0x31c: {  	v35 =	vld [tilespmem:s13+$0x4940]  }
0x31d: {  	v36 =	vld [tilespmem:s13+$0x4960]  }
0x31e: {  	v37 =	vld [tilespmem:s13+$0x4970]  }
0x31f: {  	v38 =	vld [tilespmem:s13+$0x4D00]  }
0x320: {  	v39 =	vld [tilespmem:s13+$0x4D10]  }
0x321: {  	v40 =	vld [tilespmem:s13+$0x4D30]  }
0x322: {  	v41 =	vld [tilespmem:s13+$0x4D40]  }
0x323: {  	v42 =	vld [tilespmem:s13+$0x4D50]  }
0x324: {  	v43 =	vld [tilespmem:s13+$0x4D60]  }
0x325: {  	v44 =	vld [tilespmem:s13+$0x5100]  }
0x326: {  	v45 =	vld [tilespmem:s13+$0x5110]  }
0x327: {  	v46 =	vld [tilespmem:s13+$0x5120]  }
0x328: {  	v47 =	vld [tilespmem:s13+$0x5130]  }
0x329: {  	v48 =	vld [tilespmem:s13+$0x5150]  }
0x32a: {  	v49 =	vld [tilespmem:s13+$0x5160]  }
0x32b: {  	v50 =	vld [tilespmem:s13+$0x5170]  }
0x32c: {  	v51 =	vld [tilespmem:s13+$0x5500]  }
0x32d: {  	v52 =	vld [tilespmem:s13+$0x5520]  }
0x32e: {  	v53 =	vld [tilespmem:s13+$0x5530]  }
0x32f: {  	v54 =	vld [tilespmem:s13+$0x5540]  }
0x330: {  	v55 =	vld [tilespmem:s13+$0x5550]  }
0x331: {  	v56 =	vld [tilespmem:s13+$0x5570]  }
0x332: {  	v57 =	vld [tilespmem:s13+$0x5900]  }
0x333: {  	v58 =	vld [tilespmem:s13+$0x5910]  }
0x334: {  	v59 =	vld [tilespmem:s13+$0x5920]  }
0x335: {  	v60 =	vld [tilespmem:s13+$0x5940]  }
0x336: {  	v61 =	vld [tilespmem:s13+$0x5950]  }
0x337: {  	v62 =	vld [tilespmem:s13+$0x5960]  }
0x338: {  	v63 =	vld [tilespmem:s13+$0x5970]  }
0x339: {  	[tilespmem:s13+$0x100] =	vst.add.f32.msk $0xffff, v3  }
0x33a: {  	v3 =	vld [tilespmem:s13+$0x4110]  }
0x33b: {  	[tilespmem:s13+$0x120] =	vst.add.f32.msk $0xffff, v4  }
0x33c: {  	[tilespmem:s13+$0x130] =	vst.add.f32.msk $0xffff, v5  }
0x33d: {  	[tilespmem:s13+$0x140] =	vst.add.f32.msk $0xffff, v6  }
0x33e: {  	[tilespmem:s13+$0x150] =	vst.add.f32.msk $0xffff, v7  }
0x33f: {  	[tilespmem:s13+$0x110] =	vst.add.f32.msk $0xffff, v3  }
0x340: {  	v3 =	vld [tilespmem:s13+$0x4160]  }
0x341: {  	[tilespmem:s13+$0x170] =	vst.add.f32.msk $0xffff, v24  }
0x342: {  	[tilespmem:s13+$0x500] =	vst.add.f32.msk $0xffff, v25  }
0x343: {  	[tilespmem:s13+$0x510] =	vst.add.f32.msk $0xffff, v26  }
0x344: {  	[tilespmem:s13+$0x520] =	vst.add.f32.msk $0xffff, v27  }
0x345: {  	[tilespmem:s13+$0x160] =	vst.add.f32.msk $0xffff, v3  }
0x346: {  	v3 =	vld [tilespmem:s13+$0x4530]  }
0x347: {  	[tilespmem:s13+$0x540] =	vst.add.f32.msk $0xffff, v28  }
0x348: {  	[tilespmem:s13+$0x550] =	vst.add.f32.msk $0xffff, v29  }
0x349: {  	[tilespmem:s13+$0x560] =	vst.add.f32.msk $0xffff, v30  }
0x34a: {  	[tilespmem:s13+$0x570] =	vst.add.f32.msk $0xffff, v31  }
0x34b: {  	[tilespmem:s13+$0x530] =	vst.add.f32.msk $0xffff, v3  }
0x34c: {  	v3 =	vld [tilespmem:s13+$0x4900]  }
0x34d: {  	[tilespmem:s13+$0x910] =	vst.add.f32.msk $0xffff, v32  }
0x34e: {  	[tilespmem:s13+$0x920] =	vst.add.f32.msk $0xffff, v33  }
0x34f: {  	[tilespmem:s13+$0x930] =	vst.add.f32.msk $0xffff, v34  }
0x350: {  	[tilespmem:s13+$0x940] =	vst.add.f32.msk $0xffff, v35  }
0x351: {  	[tilespmem:s13+$0x900] =	vst.add.f32.msk $0xffff, v3  }
0x352: {  	v3 =	vld [tilespmem:s13+$0x4950]  }
0x353: {  	[tilespmem:s13+$0x960] =	vst.add.f32.msk $0xffff, v36  }
0x354: {  	[tilespmem:s13+$0x970] =	vst.add.f32.msk $0xffff, v37  }
0x355: {  	[tilespmem:s13+$0xD00] =	vst.add.f32.msk $0xffff, v38  }
0x356: {  	[tilespmem:s13+$0xD10] =	vst.add.f32.msk $0xffff, v39  }
0x357: {  	[tilespmem:s13+$0x950] =	vst.add.f32.msk $0xffff, v3  }
0x358: {  	v3 =	vld [tilespmem:s13+$0x4D20]  }
0x359: {  	[tilespmem:s13+$0xD30] =	vst.add.f32.msk $0xffff, v40  }
0x35a: {  	[tilespmem:s13+$0xD40] =	vst.add.f32.msk $0xffff, v41  }
0x35b: {  	[tilespmem:s13+$0xD50] =	vst.add.f32.msk $0xffff, v42  }
0x35c: {  	[tilespmem:s13+$0xD60] =	vst.add.f32.msk $0xffff, v43  }
0x35d: {  	[tilespmem:s13+$0xD20] =	vst.add.f32.msk $0xffff, v3  }
0x35e: {  	v3 =	vld [tilespmem:s13+$0x4D70]  }
0x35f: {  	[tilespmem:s13+$0x1100] =	vst.add.f32.msk $0xffff, v44  }
0x360: {  	[tilespmem:s13+$0x1110] =	vst.add.f32.msk $0xffff, v45  }
0x361: {  	[tilespmem:s13+$0x1120] =	vst.add.f32.msk $0xffff, v46  }
0x362: {  	[tilespmem:s13+$0x1130] =	vst.add.f32.msk $0xffff, v47  }
0x363: {  	[tilespmem:s13+$0xD70] =	vst.add.f32.msk $0xffff, v3  }
0x364: {  	v3 =	vld [tilespmem:s13+$0x5140]  }
0x365: {  	[tilespmem:s13+$0x1150] =	vst.add.f32.msk $0xffff, v48  }
0x366: {  	[tilespmem:s13+$0x1160] =	vst.add.f32.msk $0xffff, v49  }
0x367: {  	[tilespmem:s13+$0x1170] =	vst.add.f32.msk $0xffff, v50  }
0x368: {  	[tilespmem:s13+$0x1500] =	vst.add.f32.msk $0xffff, v51  }
0x369: {  	[tilespmem:s13+$0x1140] =	vst.add.f32.msk $0xffff, v3  }
0x36a: {  	v3 =	vld [tilespmem:s13+$0x5510]  }
0x36b: {  	[tilespmem:s13+$0x1520] =	vst.add.f32.msk $0xffff, v52  }
0x36c: {  	[tilespmem:s13+$0x1530] =	vst.add.f32.msk $0xffff, v53  }
0x36d: {  	[tilespmem:s13+$0x1540] =	vst.add.f32.msk $0xffff, v54  }
0x36e: {  	[tilespmem:s13+$0x1550] =	vst.add.f32.msk $0xffff, v55  }
0x36f: {  	[tilespmem:s13+$0x1510] =	vst.add.f32.msk $0xffff, v3  }
0x370: {  	v3 =	vld [tilespmem:s13+$0x5560]  }
0x371: {  	[tilespmem:s13+$0x1570] =	vst.add.f32.msk $0xffff, v56  }
0x372: {  	[tilespmem:s13+$0x1900] =	vst.add.f32.msk $0xffff, v57  }
0x373: {  	[tilespmem:s13+$0x1910] =	vst.add.f32.msk $0xffff, v58  }
0x374: {  	[tilespmem:s13+$0x1920] =	vst.add.f32.msk $0xffff, v59  }
0x375: {  	[tilespmem:s13+$0x1560] =	vst.add.f32.msk $0xffff, v3  }
0x376: {  	v3 =	vld [tilespmem:s13+$0x5930]  }
0x377: {  	[tilespmem:s13+$0x1940] =	vst.add.f32.msk $0xffff, v60  }
0x378: {  	s4 =	sand.u32 $0x7, s0;
	[tilespmem:s13+$0x1950] =	vst.add.f32.msk $0xffff, v61  }
0x379: {  	s15 =	sshll.u32 s4, $0x7;
	[tilespmem:s13+$0x1960] =	vst.add.f32.msk $0xffff, v62  }
0x37a: {  	s15 =	sadd.s32 s15, s6;
	[tilespmem:s13+$0x1970] =	vst.add.f32.msk $0xffff, v63  }
0x37b: {  	s23 =	sor.u32 $0x1C00, s15;
	[tilespmem:s13+$0x1930] =	vst.add.f32.msk $0xffff, v3  }
0x37c: {  	v3 =	vld [tilespmem:s23+$0x4100];
	_ =	sdelay $0x4  }
0x37d: {  	s25 =	sor.u32 $0x1C10, s15;
	[tilespmem:s23+$0x100] =	vst.add.f32.msk $0xffff, v3  }
0x37e: {  	v3 =	vld [tilespmem:s25+$0x4100];
	_ =	sdelay $0x4  }
0x37f: {  	s4 =	sor.u32 $0x1C20, s15;
	[tilespmem:s25+$0x100] =	vst.add.f32.msk $0xffff, v3  }
0x380: {  	v3 =	vld [tilespmem:s4+$0x4100];
	_ =	sdelay $0x4  }
0x381: {  	s23 =	sor.u32 $0x1C30, s15;
	[tilespmem:s4+$0x100] =	vst.add.f32.msk $0xffff, v3  }
0x382: {  	v3 =	vld [tilespmem:s23+$0x4100];
	_ =	sdelay $0x4  }
0x383: {  	s25 =	sor.u32 $0x1C40, s15;
	[tilespmem:s23+$0x100] =	vst.add.f32.msk $0xffff, v3  }
0x384: {  	v3 =	vld [tilespmem:s25+$0x4100];
	_ =	sdelay $0x4  }
0x385: {  	s4 =	sor.u32 $0x1C50, s15;
	[tilespmem:s25+$0x100] =	vst.add.f32.msk $0xffff, v3  }
0x386: {  	v3 =	vld [tilespmem:s4+$0x4100];
	_ =	sdelay $0x4  }
0x387: {  	s23 =	sor.u32 $0x1C60, s15;
	[tilespmem:s4+$0x100] =	vst.add.f32.msk $0xffff, v3  }
0x388: {  	v3 =	vld [tilespmem:s23+$0x4100];
	_ =	sdelay $0x4  }
0x389: {  	s25 =	sor.u32 $0x1C70, s15;
	[tilespmem:s23+$0x100] =	vst.add.f32.msk $0xffff, v3  }
0x38a: {  	p0 =	sne.s32 s12, $0x780;
	v3 =	vld [tilespmem:s25+$0x4100]  }
.Ltmp4:
0x38b: {  	_ = 	snop;
	(pc) =	sbr.rel @p0 .LBB2_10-.Ltmp4, $3  }
0x38c: {  	_ =	sdelay $0x1  }
0x38d: {  	s0 =	sadd.s32 $0x1, s0  }
0x38e: {  	s5 =	sadd.s32 $0x400, s5;
	s12 =	sadd.s32 $0x80, s12;
	s6 =	sadd.s32 $0x400, s6;
	[tilespmem:s25+$0x100] =	vst.add.f32.msk $0xffff, v3  }
0x38f: {  	s0 =	simm.s32 $0x0;
	s5 =	rddreg [dreg:$0x11];
	s6 =	simm.s32 $0x100  }
0x390: {  	[hbm4b:s5+s0] =	stream.linear.scatter [tilespmem:s6], [sflag:$0x5], $0x4000, $0x38;
	[tilespmem:$0x18300] =	vst v63  }
0x391: {  	_ =	swait.ge [sflag:s20], $0x4000  }
0x392: {  	[sflag:s20] =	ssyncset.done $0x0  }
0x393: {  	s4 =	simm.s32 $0xC200;
	s25 =	rddreg [dreg:$0x12];
	[sflag:s20] =	ssyncadd.s32 $0xFFFFC000  }
0x394: {  	[hbm4b:s25+s0] =	stream.linear.scatter [tilespmem:s4], [sflag:$0xC], $0x4000, $0x38;
	[tilespmem:$0x18300] =	vst v63  }
0x395: {  	_ =	swait.ge [sflag:s30], $0x4000  }
0x396: {  	s12 =	simm.s32 $0x0;
	[sflag:s30] =	ssyncset.done $0x0  }
0x397: {  	s5 =	simm.s32 $0xFFFFC000;
	s6 =	simm.s32 $0x0;
	[sflag:s30] =	ssyncadd.s32 $0xFFFFC000  }
.LBB2_12:
0x398: {  	s13 =	sadd.s32 $0x4000, s5  }
0x399: {  	s15 =	sand.u32 $0x380, s12;
	s13 =	sand.u32 $0x2000, s13  }
0x39a: {  	s13 =	sor.u32 s15, s13  }
0x39b: {  	v3 =	vld [tilespmem:s13+$0xC200]  }
0x39c: {  	v4 =	vld [tilespmem:s13+$0xC220]  }
0x39d: {  	v5 =	vld [tilespmem:s13+$0xC230]  }
0x39e: {  	v6 =	vld [tilespmem:s13+$0xC240]  }
0x39f: {  	v7 =	vld [tilespmem:s13+$0xC250]  }
0x3a0: {  	v24 =	vld [tilespmem:s13+$0xC270]  }
0x3a1: {  	v25 =	vld [tilespmem:s13+$0xC600]  }
0x3a2: {  	v26 =	vld [tilespmem:s13+$0xC610]  }
0x3a3: {  	v27 =	vld [tilespmem:s13+$0xC620]  }
0x3a4: {  	v28 =	vld [tilespmem:s13+$0xC640]  }
0x3a5: {  	v29 =	vld [tilespmem:s13+$0xC650]  }
0x3a6: {  	v30 =	vld [tilespmem:s13+$0xC660]  }
0x3a7: {  	v31 =	vld [tilespmem:s13+$0xC670]  }
0x3a8: {  	v32 =	vld [tilespmem:s13+$0xCA10]  }
0x3a9: {  	v33 =	vld [tilespmem:s13+$0xCA20]  }
0x3aa: {  	v34 =	vld [tilespmem:s13+$0xCA30]  }
0x3ab: {  	v35 =	vld [tilespmem:s13+$0xCA40]  }
0x3ac: {  	v36 =	vld [tilespmem:s13+$0xCA60]  }
0x3ad: {  	v37 =	vld [tilespmem:s13+$0xCA70]  }
0x3ae: {  	v38 =	vld [tilespmem:s13+$0xCE00]  }
0x3af: {  	v39 =	vld [tilespmem:s13+$0xCE10]  }
0x3b0: {  	v40 =	vld [tilespmem:s13+$0xCE30]  }
0x3b1: {  	v41 =	vld [tilespmem:s13+$0xCE40]  }
0x3b2: {  	v42 =	vld [tilespmem:s13+$0xCE50]  }
0x3b3: {  	v43 =	vld [tilespmem:s13+$0xCE60]  }
0x3b4: {  	v44 =	vld [tilespmem:s13+$0xD200]  }
0x3b5: {  	v45 =	vld [tilespmem:s13+$0xD210]  }
0x3b6: {  	v46 =	vld [tilespmem:s13+$0xD220]  }
0x3b7: {  	v47 =	vld [tilespmem:s13+$0xD230]  }
0x3b8: {  	v48 =	vld [tilespmem:s13+$0xD250]  }
0x3b9: {  	v49 =	vld [tilespmem:s13+$0xD260]  }
0x3ba: {  	v50 =	vld [tilespmem:s13+$0xD270]  }
0x3bb: {  	v51 =	vld [tilespmem:s13+$0xD600]  }
0x3bc: {  	v52 =	vld [tilespmem:s13+$0xD620]  }
0x3bd: {  	v53 =	vld [tilespmem:s13+$0xD630]  }
0x3be: {  	v54 =	vld [tilespmem:s13+$0xD640]  }
0x3bf: {  	v55 =	vld [tilespmem:s13+$0xD650]  }
0x3c0: {  	v56 =	vld [tilespmem:s13+$0xD670]  }
0x3c1: {  	v57 =	vld [tilespmem:s13+$0xDA00]  }
0x3c2: {  	v58 =	vld [tilespmem:s13+$0xDA10]  }
0x3c3: {  	v59 =	vld [tilespmem:s13+$0xDA20]  }
0x3c4: {  	v60 =	vld [tilespmem:s13+$0xDA40]  }
0x3c5: {  	v61 =	vld [tilespmem:s13+$0xDA50]  }
0x3c6: {  	v62 =	vld [tilespmem:s13+$0xDA60]  }
0x3c7: {  	v63 =	vld [tilespmem:s13+$0xDA70]  }
0x3c8: {  	[tilespmem:s13+$0x8200] =	vst.add.f32.msk $0xffff, v3  }
0x3c9: {  	v3 =	vld [tilespmem:s13+$0xC210]  }
0x3ca: {  	[tilespmem:s13+$0x8220] =	vst.add.f32.msk $0xffff, v4  }
0x3cb: {  	[tilespmem:s13+$0x8230] =	vst.add.f32.msk $0xffff, v5  }
0x3cc: {  	[tilespmem:s13+$0x8240] =	vst.add.f32.msk $0xffff, v6  }
0x3cd: {  	[tilespmem:s13+$0x8250] =	vst.add.f32.msk $0xffff, v7  }
0x3ce: {  	[tilespmem:s13+$0x8210] =	vst.add.f32.msk $0xffff, v3  }
0x3cf: {  	v3 =	vld [tilespmem:s13+$0xC260]  }
0x3d0: {  	[tilespmem:s13+$0x8270] =	vst.add.f32.msk $0xffff, v24  }
0x3d1: {  	[tilespmem:s13+$0x8600] =	vst.add.f32.msk $0xffff, v25  }
0x3d2: {  	[tilespmem:s13+$0x8610] =	vst.add.f32.msk $0xffff, v26  }
0x3d3: {  	[tilespmem:s13+$0x8620] =	vst.add.f32.msk $0xffff, v27  }
0x3d4: {  	[tilespmem:s13+$0x8260] =	vst.add.f32.msk $0xffff, v3  }
0x3d5: {  	v3 =	vld [tilespmem:s13+$0xC630]  }
0x3d6: {  	[tilespmem:s13+$0x8640] =	vst.add.f32.msk $0xffff, v28  }
0x3d7: {  	[tilespmem:s13+$0x8650] =	vst.add.f32.msk $0xffff, v29  }
0x3d8: {  	[tilespmem:s13+$0x8660] =	vst.add.f32.msk $0xffff, v30  }
0x3d9: {  	[tilespmem:s13+$0x8670] =	vst.add.f32.msk $0xffff, v31  }
0x3da: {  	[tilespmem:s13+$0x8630] =	vst.add.f32.msk $0xffff, v3  }
0x3db: {  	v3 =	vld [tilespmem:s13+$0xCA00]  }
0x3dc: {  	[tilespmem:s13+$0x8A10] =	vst.add.f32.msk $0xffff, v32  }
0x3dd: {  	[tilespmem:s13+$0x8A20] =	vst.add.f32.msk $0xffff, v33  }
0x3de: {  	[tilespmem:s13+$0x8A30] =	vst.add.f32.msk $0xffff, v34  }
0x3df: {  	[tilespmem:s13+$0x8A40] =	vst.add.f32.msk $0xffff, v35  }
0x3e0: {  	[tilespmem:s13+$0x8A00] =	vst.add.f32.msk $0xffff, v3  }
0x3e1: {  	v3 =	vld [tilespmem:s13+$0xCA50]  }
0x3e2: {  	[tilespmem:s13+$0x8A60] =	vst.add.f32.msk $0xffff, v36  }
0x3e3: {  	[tilespmem:s13+$0x8A70] =	vst.add.f32.msk $0xffff, v37  }
0x3e4: {  	[tilespmem:s13+$0x8E00] =	vst.add.f32.msk $0xffff, v38  }
0x3e5: {  	[tilespmem:s13+$0x8E10] =	vst.add.f32.msk $0xffff, v39  }
0x3e6: {  	[tilespmem:s13+$0x8A50] =	vst.add.f32.msk $0xffff, v3  }
0x3e7: {  	v3 =	vld [tilespmem:s13+$0xCE20]  }
0x3e8: {  	[tilespmem:s13+$0x8E30] =	vst.add.f32.msk $0xffff, v40  }
0x3e9: {  	[tilespmem:s13+$0x8E40] =	vst.add.f32.msk $0xffff, v41  }
0x3ea: {  	[tilespmem:s13+$0x8E50] =	vst.add.f32.msk $0xffff, v42  }
0x3eb: {  	[tilespmem:s13+$0x8E60] =	vst.add.f32.msk $0xffff, v43  }
0x3ec: {  	[tilespmem:s13+$0x8E20] =	vst.add.f32.msk $0xffff, v3  }
0x3ed: {  	v3 =	vld [tilespmem:s13+$0xCE70]  }
0x3ee: {  	[tilespmem:s13+$0x9200] =	vst.add.f32.msk $0xffff, v44  }
0x3ef: {  	[tilespmem:s13+$0x9210] =	vst.add.f32.msk $0xffff, v45  }
0x3f0: {  	[tilespmem:s13+$0x9220] =	vst.add.f32.msk $0xffff, v46  }
0x3f1: {  	[tilespmem:s13+$0x9230] =	vst.add.f32.msk $0xffff, v47  }
0x3f2: {  	[tilespmem:s13+$0x8E70] =	vst.add.f32.msk $0xffff, v3  }
0x3f3: {  	v3 =	vld [tilespmem:s13+$0xD240]  }
0x3f4: {  	[tilespmem:s13+$0x9250] =	vst.add.f32.msk $0xffff, v48  }
0x3f5: {  	[tilespmem:s13+$0x9260] =	vst.add.f32.msk $0xffff, v49  }
0x3f6: {  	[tilespmem:s13+$0x9270] =	vst.add.f32.msk $0xffff, v50  }
0x3f7: {  	[tilespmem:s13+$0x9600] =	vst.add.f32.msk $0xffff, v51  }
0x3f8: {  	[tilespmem:s13+$0x9240] =	vst.add.f32.msk $0xffff, v3  }
0x3f9: {  	v3 =	vld [tilespmem:s13+$0xD610]  }
0x3fa: {  	[tilespmem:s13+$0x9620] =	vst.add.f32.msk $0xffff, v52  }
0x3fb: {  	[tilespmem:s13+$0x9630] =	vst.add.f32.msk $0xffff, v53  }
0x3fc: {  	[tilespmem:s13+$0x9640] =	vst.add.f32.msk $0xffff, v54  }
0x3fd: {  	[tilespmem:s13+$0x9650] =	vst.add.f32.msk $0xffff, v55  }
0x3fe: {  	[tilespmem:s13+$0x9610] =	vst.add.f32.msk $0xffff, v3  }
0x3ff: {  	v3 =	vld [tilespmem:s13+$0xD660]  }
0x400: {  	[tilespmem:s13+$0x9670] =	vst.add.f32.msk $0xffff, v56  }
0x401: {  	[tilespmem:s13+$0x9A00] =	vst.add.f32.msk $0xffff, v57  }
0x402: {  	[tilespmem:s13+$0x9A10] =	vst.add.f32.msk $0xffff, v58  }
0x403: {  	[tilespmem:s13+$0x9A20] =	vst.add.f32.msk $0xffff, v59  }
0x404: {  	[tilespmem:s13+$0x9660] =	vst.add.f32.msk $0xffff, v3  }
0x405: {  	v3 =	vld [tilespmem:s13+$0xDA30]  }
0x406: {  	[tilespmem:s13+$0x9A40] =	vst.add.f32.msk $0xffff, v60  }
0x407: {  	s4 =	sand.u32 $0x7, s0;
	[tilespmem:s13+$0x9A50] =	vst.add.f32.msk $0xffff, v61  }
0x408: {  	s15 =	sshll.u32 s4, $0x7;
	[tilespmem:s13+$0x9A60] =	vst.add.f32.msk $0xffff, v62  }
0x409: {  	s15 =	sadd.s32 s15, s6;
	[tilespmem:s13+$0x9A70] =	vst.add.f32.msk $0xffff, v63  }
0x40a: {  	s23 =	sor.u32 $0x1C00, s15;
	[tilespmem:s13+$0x9A30] =	vst.add.f32.msk $0xffff, v3  }
0x40b: {  	v3 =	vld [tilespmem:s23+$0xC200];
	_ =	sdelay $0x4  }
0x40c: {  	s25 =	sor.u32 $0x1C10, s15;
	[tilespmem:s23+$0x8200] =	vst.add.f32.msk $0xffff, v3  }
0x40d: {  	v3 =	vld [tilespmem:s25+$0xC200];
	_ =	sdelay $0x4  }
0x40e: {  	s4 =	sor.u32 $0x1C20, s15;
	[tilespmem:s25+$0x8200] =	vst.add.f32.msk $0xffff, v3  }
0x40f: {  	v3 =	vld [tilespmem:s4+$0xC200];
	_ =	sdelay $0x4  }
0x410: {  	s23 =	sor.u32 $0x1C30, s15;
	[tilespmem:s4+$0x8200] =	vst.add.f32.msk $0xffff, v3  }
0x411: {  	v3 =	vld [tilespmem:s23+$0xC200];
	_ =	sdelay $0x4  }
0x412: {  	s25 =	sor.u32 $0x1C40, s15;
	[tilespmem:s23+$0x8200] =	vst.add.f32.msk $0xffff, v3  }
0x413: {  	v3 =	vld [tilespmem:s25+$0xC200];
	_ =	sdelay $0x4  }
0x414: {  	s4 =	sor.u32 $0x1C50, s15;
	[tilespmem:s25+$0x8200] =	vst.add.f32.msk $0xffff, v3  }
0x415: {  	v3 =	vld [tilespmem:s4+$0xC200];
	_ =	sdelay $0x4  }
0x416: {  	s23 =	sor.u32 $0x1C60, s15;
	[tilespmem:s4+$0x8200] =	vst.add.f32.msk $0xffff, v3  }
0x417: {  	v3 =	vld [tilespmem:s23+$0xC200];
	_ =	sdelay $0x4  }
0x418: {  	s25 =	sor.u32 $0x1C70, s15;
	[tilespmem:s23+$0x8200] =	vst.add.f32.msk $0xffff, v3  }
0x419: {  	p0 =	sne.s32 s12, $0x780;
	v3 =	vld [tilespmem:s25+$0xC200]  }
.Ltmp5:
0x41a: {  	_ = 	snop;
	(pc) =	sbr.rel @p0 .LBB2_12-.Ltmp5, $3  }
0x41b: {  	_ =	sdelay $0x1  }
0x41c: {  	s0 =	sadd.s32 $0x1, s0  }
0x41d: {  	s5 =	sadd.s32 $0x400, s5;
	s12 =	sadd.s32 $0x80, s12;
	s6 =	sadd.s32 $0x400, s6;
	[tilespmem:s25+$0x8200] =	vst.add.f32.msk $0xffff, v3  }
0x41e: {  	s0 =	rddreg [dreg:$0x13]  }
0x41f: {  	[hbm4b:s0+s7] =	stream.linear.scatter [tilespmem:s21], [sflag:$0xB], $0x4000, $0x38;
	[tilespmem:$0x18300] =	vst v63  }
0x420: {  	_ =	swait.ge [sflag:s31], $0x4000  }
0x421: {  	[sflag:s31] =	ssyncset.done $0x0  }
0x422: {  	[sflag:s31] =	ssyncadd.s32 $0xFFFFC000  }
0x423: {  	_ =	swait.ge [sflag:s1], $0x4000  }
0x424: {  	[sflag:s1] =	ssyncset.done $0x0  }
0x425: {  	[sflag:s1] =	ssyncadd.s32 $0xFFFFC000  }
0x426: {  	_ =	swait.ge [sflag:s10], $0x4000  }
0x427: {  	[sflag:s10] =	ssyncset.done $0x0  }
0x428: {  	[sflag:s10] =	ssyncadd.s32 $0xFFFFC000  }
0x429: {  	_ =	swait.ge [sflag:s19], $0x4000  }
0x42a: {  	[sflag:s19] =	ssyncset.done $0x0  }
0x42b: {  	s23 =	simm.s32 $0x11;
	[sflag:s19] =	ssyncadd.s32 $0xFFFFC000  }
0x42c: {  	_ =	swait.ge [sflag:s23], $0x4000  }
0x42d: {  	[sflag:s23] =	ssyncset.done $0x0  }
0x42e: {  	s4 =	simm.s32 $0x12;
	[sflag:s23] =	ssyncadd.s32 $0xFFFFC000  }
0x42f: {  	_ =	swait.ge [sflag:s4], $0x4000  }
0x430: {  	s5 =	rddreg [dreg:$0x18]  }
0x431: {  	s25 =	rddreg [dreg:$0x14];
	s5 =	sadd.s32 $0x1, s5  }
0x432: {  	p0 =	sne.s32 s5, s25  }
.Ltmp6:
0x433: {  	_ = 	snop;
	(pc) =	sbr.rel @p0 .LBB2_1-.Ltmp6, $3  }
0x434: {  	_ =	sdelay $0x1  }
0x435: {  	[sflag:s4] =	ssyncset.done $0x0  }
0x436: {  	[sflag:s4] =	ssyncadd.s32 $0xFFFFC000  }
0x437: {  	_ =	sfence.sel $0x180000  }
0x438: {  	[bflag:$0x0] =	sbarrier.arrive $0xFFFF  }
0x439: {  	_ =	strace $0x90000047  }
0x43a: {  	s0 =	stileid.u32;
	[bflag:$0x2] =	sbarrier.arrive $0xFFFF  }
0x43b: {  	p0 =	sne.s32 s0, $0x0;
	s0 =	rddreg [dreg:$0x6]  }
0x43c: {  	s0 =	sadd.s32 @!p0 $0x100000, s0  }
0x43d: {  	[sflag:s0] =	ssyncadd.tile.s32 @!p0 $0x1;
	_ =	shalt  }
.Lfunc_end2:
_tile_overlayer_lowered:
.L_overlay_start_2:
0x43e: {  	(tag) =	ssettag $0x2  }
0x43f: {  	s0 =	rddreg [dreg:$0x0];
	s2 =	stileid.u32  }
0x440: {  	s1 =	rddreg [dreg:$0x1];
	p0 =	sne.s32 s2, $0x0  }
0x441: {  	s3 =	rddreg [dreg:$0x2];
	[bflag:$0x3] =	sbarrier.arrive $0xFFFF;
	s2 =	simm.s32 @!p0 $0x1C13  }
0x442: {  	[timem:s3], [sflag:s2] =	dma.local @!p0 [hbm:s0], s1  }
0x443: {  	s0 =	simm.s32 @!p0 $0x13  }
0x444: {  	_ =	swait.ge @!p0 [sflag:s0], s1  }
0x445: {  	s1 =	ssub.s32 @!p0 $0x0, s1;
	[sflag:s0] =	ssyncset.done @!p0 $0x0  }
0x446: {  	[sflag:s0] =	ssyncadd.s32 @!p0 s1  }
0x447: {  	[bflag:$0x3] =	sbarrier.arrive $0xFFFF  }
0x448: {  	_ =	shalt  }

</sc_bundles>
